<compile_context>
chip_gen: v7x
topology: tpu7x:2x2x1
jax: 0.10.2.dev20260603
libtpu: 0.0.44.dev20260713+nightly
codegen_flags: <defaults>
</compile_context>

<pallas_src>
import functools

import jax
import jax.numpy as jnp
from jax import lax
from jax.experimental import pallas as pl
from jax.experimental.pallas import tpu as pltpu
from jax.experimental.pallas import tpu_sc as plsc

N_NODES = 10000
HID = 64
NC, NS = 2, 16
NW = NC * NS
GROUP = 128
RING = 4
SPLIT_NUM, SPLIT_DEN = 3, 4
N_PAD = 10240
ROWS_PER_TILE = N_PAD // NS


def _lane_bcast(v16, j):
    return lax.gather(
        v16, jnp.full((16, 1), j, jnp.int32),
        lax.GatherDimensionNumbers(
            offset_dims=(), collapsed_slice_dims=(0,), start_index_map=(0,)),
        slice_sizes=(1,),
        mode=lax.GatherScatterMode.PROMISE_IN_BOUNDS)


@functools.cache
def _sc_edge_kernel(ng0, ng1, with_deg):
    mesh = plsc.VectorSubcoreMesh(core_axis_name="c", subcore_axis_name="s")
    out_type = [jax.ShapeDtypeStruct((NC, N_PAD, HID), jnp.float32)]
    if with_deg:
        out_type.append(jax.ShapeDtypeStruct((NC, N_PAD), jnp.float32))
    scratch = [
        pltpu.VMEM((ng0, GROUP), jnp.int32),
        pltpu.VMEM((ng0, GROUP), jnp.int32),
        pltpu.VMEM((ng0, GROUP), jnp.float32),
        pltpu.VMEM((GROUP, HID), jnp.float32),
        pltpu.VMEM_SHARED((N_PAD, HID), jnp.float32),
        pltpu.SemaphoreType.DMA,
    ]
    scratch += [pltpu.VMEM((GROUP, HID), jnp.float32)] * RING
    scratch += [pltpu.SemaphoreType.DMA] * RING
    scratch += [pltpu.SemaphoreType.DMA] * RING
    if with_deg:
        scratch += [
            pltpu.VMEM((GROUP,), jnp.float32),
            pltpu.VMEM((ROWS_PER_TILE,), jnp.float32),
            pltpu.VMEM_SHARED((N_PAD,), jnp.float32),
        ]

    @functools.partial(
        pl.kernel,
        out_type=tuple(out_type),
        mesh=mesh,
        compiler_params=pltpu.CompilerParams(use_tc_tiling_on_sc=False),
        scratch_types=scratch,
    )
    def k(y_hbm, src_hbm, dst_hbm, w_hbm, *rest):
        if with_deg:
            agg_out, deg_out = rest[0], rest[1]
            rest = rest[2:]
        else:
            agg_out = rest[0]
            rest = rest[1:]
        (src_all, dst_all, w_all, zrow, agg_sh, semi) = rest[:6]
        rows_v = rest[6:6 + RING]
        semg = rest[6 + RING:6 + 2 * RING]
        sems = rest[6 + 2 * RING:6 + 3 * RING]
        if with_deg:
            ones_buf, zdeg, deg_sh = rest[6 + 3 * RING:]

        cid = lax.axis_index("c")
        sid = lax.axis_index("s")
        wid = cid * NS + sid
        ng = jnp.where(cid == 0, ng0, ng1)
        zeros16 = jnp.zeros((16,), jnp.float32)
        ones16 = jnp.ones((16,), jnp.float32)

        pltpu.async_copy(src_hbm.at[wid], src_all, semi)
        pltpu.async_copy(dst_hbm.at[wid], dst_all, semi)
        pltpu.async_copy(w_hbm.at[wid], w_all, semi)

        base = sid * ROWS_PER_TILE
        def zrow_body(i, carry):
            for q in range(HID // 16):
                zrow[i, pl.ds(q * 16, 16)] = zeros16
            return carry
        lax.fori_loop(0, GROUP, zrow_body, 0)
        for blk in range(ROWS_PER_TILE // GROUP):
            pltpu.sync_copy(zrow, agg_sh.at[pl.ds(base + blk * GROUP, GROUP)])
        if with_deg:
            def zdeg_body(i, carry):
                zdeg[pl.ds(i * 16, 16)] = zeros16
                return carry
            lax.fori_loop(0, ROWS_PER_TILE // 16, zdeg_body, 0)
            pltpu.sync_copy(zdeg, deg_sh.at[pl.ds(base, ROWS_PER_TILE)])
            def ones_body(i, carry):
                ones_buf[pl.ds(i * 16, 16)] = ones16
                return carry
            lax.fori_loop(0, GROUP // 16, ones_body, 0)

        pltpu.make_async_copy(src_hbm.at[0], src_all, semi).wait()
        pltpu.make_async_copy(dst_hbm.at[0], dst_all, semi).wait()
        pltpu.make_async_copy(w_hbm.at[0], w_all, semi).wait()
        plsc.subcore_barrier()

        def fire_gather(g, b):
            pltpu.async_copy(y_hbm.at[src_all.at[g]], rows_v[b], semg[b])

        def wait_gather(b):
            pltpu.make_async_copy(y_hbm.at[src_all.at[0]], rows_v[b],
                                  semg[b]).wait()

        def fire_scatter(g, b):
            pltpu.async_copy(rows_v[b], agg_sh.at[dst_all.at[g]], sems[b],
                             add=True)
            if with_deg:
                pltpu.async_copy(ones_buf, deg_sh.at[dst_all.at[g]], sems[b],
                                 add=True)

        def wait_scatter(b):
            pltpu.make_async_copy(rows_v[b], agg_sh.at[dst_all.at[0]],
                                  sems[b]).wait()
            if with_deg:
                pltpu.make_async_copy(ones_buf, deg_sh.at[dst_all.at[0]],
                                      sems[b]).wait()

        def scale(g, b):
            @plsc.parallel_loop(0, GROUP // 16, 1, unroll=1)
            def scale_body(i):
                w16 = w_all[g, pl.ds(i * 16, 16)]
                def edge_body(j, carry):
                    e = i * 16 + j
                    wb = _lane_bcast(w16, j)
                    for q in range(HID // 16):
                        rows_v[b][e, pl.ds(q * 16, 16)] = (
                            rows_v[b][e, pl.ds(q * 16, 16)] * wb)
                    return carry
                lax.fori_loop(0, 16, edge_body, 0)

        for b in range(RING):
            fire_gather(b, b)

        def loop_body(step, carry):
            g0 = step * RING
            for b in range(RING):
                g = g0 + b
                @pl.when(jnp.logical_and(g >= 1, g - 1 + RING < ng))
                def _refill():
                    bp = (b - 1) % RING
                    wait_scatter(bp)
                    fire_gather(g - 1 + RING, bp)
                wait_gather(b)
                scale(g, b)
                fire_scatter(g, b)
            return carry
        lax.fori_loop(0, ng // RING, loop_body, 0)

        for b in range(RING):
            wait_scatter(b)
        plsc.subcore_barrier()

        pltpu.sync_copy(agg_sh.at[pl.ds(base, ROWS_PER_TILE)],
                        agg_out.at[cid, pl.ds(base, ROWS_PER_TILE)])
        if with_deg:
            pltpu.sync_copy(deg_sh.at[pl.ds(base, ROWS_PER_TILE)],
                            deg_out.at[cid, pl.ds(base, ROWS_PER_TILE)])

    return k


def _tc_proj_body(x_ref, wl_ref, wr_ref, bl_ref, y_ref, z_ref):
    xv = x_ref[...]
    y_ref[...] = jnp.dot(xv, wl_ref[...], preferred_element_type=jnp.float32)
    z_ref[...] = (jnp.dot(xv, wr_ref[...], preferred_element_type=jnp.float32)
                  + bl_ref[...])


def _tc_mid_body(agg_ref, deg_ref, z0_ref, wl1_ref, wr1_ref, bl1_ref,
                 y1_ref, z1_ref):
    a = agg_ref[0, :N_NODES, :] + agg_ref[1, :N_NODES, :]
    d = deg_ref[0, :N_NODES, :] + deg_ref[1, :N_NODES, :]
    r = 1.0 / jnp.maximum(d, 1.0)
    h = jax.nn.relu(a * r + z0_ref[...])
    y1_ref[...] = jnp.dot(h, wl1_ref[...], preferred_element_type=jnp.float32)
    z1_ref[...] = (jnp.dot(h, wr1_ref[...], preferred_element_type=jnp.float32)
                   + bl1_ref[...])


def _tc_out_body(agg_ref, deg_ref, z1_ref, wlin_ref, blin_ref, out_ref):
    a = agg_ref[0, :N_NODES, :] + agg_ref[1, :N_NODES, :]
    d = deg_ref[0, :N_NODES, :] + deg_ref[1, :N_NODES, :]
    r = 1.0 / jnp.maximum(d, 1.0)
    o = jnp.tanh(a * r + z1_ref[...])
    logits = (jnp.dot(o, wlin_ref[...], preferred_element_type=jnp.float32)
              + blin_ref[...])
    m = jnp.max(logits, axis=1, keepdims=True)
    e = jnp.exp(logits - m)
    out_ref[...] = e / jnp.sum(e, axis=1, keepdims=True)


def kernel(x, edge_index, edge_weight, Wl0, bl0, Wr0, Wl1, bl1, Wr1, Wlin, blin):
    n = x.shape[0]
    n_edges = edge_index.shape[1]
    unit = SPLIT_DEN * RING
    T = unit * ((n_edges + NS * GROUP * unit - 1) // (NS * GROUP * unit))
    ng0 = SPLIT_NUM * T // SPLIT_DEN
    ng1 = T - ng0
    e_pad = NS * T * GROUP
    pad = e_pad - n_edges

    def shard(a):
        cut = NS * ng0 * GROUP
        h0 = a[:cut].reshape(NS, ng0, GROUP)
        h1 = a[cut:].reshape(NS, ng1, GROUP)
        h1 = jnp.pad(h1, ((0, 0), (0, ng0 - ng1), (0, 0)))
        return jnp.concatenate([h0, h1], axis=0)

    src = edge_index[0].astype(jnp.int32)
    dst = edge_index[1].astype(jnp.int32)
    srcp = shard(jnp.pad(src, (0, pad)))
    dstp = shard(jnp.pad(dst, (0, pad), constant_values=N_PAD - 1))
    wp = shard(jnp.pad(edge_weight.astype(jnp.float32), (0, pad)))

    sds = jax.ShapeDtypeStruct
    y0, z0 = pl.pallas_call(
        _tc_proj_body,
        out_shape=[sds((n, HID), jnp.float32), sds((n, HID), jnp.float32)],
    )(x, Wl0, Wr0, bl0.reshape(1, HID))

    agg0, deg = _sc_edge_kernel(ng0, ng1, True)(y0, srcp, dstp, wp)
    deg3 = deg.reshape(NC, N_PAD, 1)

    y1, z1 = pl.pallas_call(
        _tc_mid_body,
        out_shape=[sds((n, HID), jnp.float32), sds((n, HID), jnp.float32)],
    )(agg0, deg3, z0, Wl1, Wr1, bl1.reshape(1, HID))

    agg1, _ = _sc_edge_kernel(ng0, ng1, True)(y1, srcp, dstp, wp)

    out = pl.pallas_call(
        _tc_out_body,
        out_shape=sds((n, HID), jnp.float32),
    )(agg1, deg3, z1, Wlin, blin.reshape(1, HID))
    return out

# --- scband reference (transcript-rebuilt; emitter-appended) ---
"""Pipeline reference for scband-encoder-87917980549691 (READ-ONLY COPY).

The authoritative reference and input builder live on the scoring server;
editing this copy changes nothing except your own understanding.
"""

import jax, jax.numpy as jnp
import numpy as np

N_NODES = 10000
N_EDGES = 320000
IN_CH = 128
HIDDEN = 64
OUT_CH = 64


def setup_inputs(seed: int = 0) -> dict:
    key = jax.random.key(seed)
    ks = jax.random.split(key, 12)
    x = jax.random.normal(ks[0], (N_NODES, IN_CH), dtype=jnp.float32)
    edge_index = jax.random.randint(ks[1], (2, N_EDGES), 0, N_NODES, dtype=jnp.int64)
    edge_weight = jax.random.uniform(ks[2], (N_EDGES,), dtype=jnp.float32)
    # SAGEConv 0: in=128 -> hidden=64 (lin_l has bias, lin_r no bias, like PyG)
    Wl0 = jax.random.normal(ks[3], (IN_CH, HIDDEN), dtype=jnp.float32) * (1.0 / np.sqrt(IN_CH))
    bl0 = jnp.zeros((HIDDEN,), dtype=jnp.float32)
    Wr0 = jax.random.normal(ks[4], (IN_CH, HIDDEN), dtype=jnp.float32) * (1.0 / np.sqrt(IN_CH))
    # SAGEConv 1: hidden=64 -> hidden=64
    Wl1 = jax.random.normal(ks[5], (HIDDEN, HIDDEN), dtype=jnp.float32) * (1.0 / np.sqrt(HIDDEN))
    bl1 = jnp.zeros((HIDDEN,), dtype=jnp.float32)
    Wr1 = jax.random.normal(ks[6], (HIDDEN, HIDDEN), dtype=jnp.float32) * (1.0 / np.sqrt(HIDDEN))
    # final Linear: hidden=64 -> out=64
    Wlin = jax.random.normal(ks[7], (HIDDEN, OUT_CH), dtype=jnp.float32) * (1.0 / np.sqrt(HIDDEN))
    blin = jnp.zeros((OUT_CH,), dtype=jnp.float32)
    return {"x": x, "edge_index": edge_index, "edge_weight": edge_weight,
            "Wl0": Wl0, "bl0": bl0, "Wr0": Wr0,
            "Wl1": Wl1, "bl1": bl1, "Wr1": Wr1,
            "Wlin": Wlin, "blin": blin}


def _sage_conv(x, edge_index, edge_weight, Wl, bl, Wr):
    src = edge_index[0]
    dst = edge_index[1]
    n = x.shape[0]
    msg = jnp.take(x, src, axis=0) * edge_weight[:, None]
    agg = jax.ops.segment_sum(msg, dst, num_segments=n)
    deg = jax.ops.segment_sum(jnp.ones_like(edge_weight), dst, num_segments=n)
    agg = agg / jnp.clip(deg, 1.0, None)[:, None]
    return agg @ Wl + bl + x @ Wr


def reference(x, edge_index, edge_weight, Wl0, bl0, Wr0, Wl1, bl1, Wr1, Wlin, blin):
    # conv 0 (all but last): relu + dropout(p=0, eval -> identity)
    h = _sage_conv(x, edge_index, edge_weight, Wl0, bl0, Wr0)
    h = jax.nn.relu(h)
    # last conv: tanh + dropout(identity)
    h = _sage_conv(h, edge_index, edge_weight, Wl1, bl1, Wr1)
    h = jnp.tanh(h)
    # final linear + softmax (F.softmax default dim=1 for 2D input)
    logits = h @ Wlin + blin
    return jax.nn.softmax(logits, axis=1)

if __name__ == "__main__":
    import jax
    _d = setup_inputs()
    print(jax.jit(kernel)(*tuple(_d.values())))

</pallas_src>

<mosaic_0001>
#map = affine_map<(d0, d1) -> (0, 0)>
#map1 = affine_map<(d0, d1) -> (0, 0, 0)>
module attributes {stable_mosaic.version = 14 : i64} {
  func.func @k(%arg0: i32, %arg1: i32, %arg2: memref<10000x64xf32, #tpu.memory_space<hbm>>, %arg3: memref<32x120x128xi32, #tpu.memory_space<hbm>>, %arg4: memref<32x120x128xi32, #tpu.memory_space<hbm>>, %arg5: memref<32x120x128xf32, #tpu.memory_space<hbm>>, %arg6: memref<2x10240x64xf32, #tpu.memory_space<hbm>>, %arg7: memref<2x10240xf32, #tpu.memory_space<hbm>>, %arg8: memref<120x128xi32, #tpu.memory_space<vmem>>, %arg9: memref<120x128xi32, #tpu.memory_space<vmem>>, %arg10: memref<120x128xf32, #tpu.memory_space<vmem>>, %arg11: memref<128x64xf32, #tpu.memory_space<vmem>>, %arg12: memref<10240x64xf32, #tpu.memory_space<vmem_shared>>, %arg13: memref<!tpu.dma_semaphore, #tpu.memory_space<semaphore_mem>>, %arg14: memref<128x64xf32, #tpu.memory_space<vmem>>, %arg15: memref<128x64xf32, #tpu.memory_space<vmem>>, %arg16: memref<128x64xf32, #tpu.memory_space<vmem>>, %arg17: memref<128x64xf32, #tpu.memory_space<vmem>>, %arg18: memref<!tpu.dma_semaphore, #tpu.memory_space<semaphore_mem>>, %arg19: memref<!tpu.dma_semaphore, #tpu.memory_space<semaphore_mem>>, %arg20: memref<!tpu.dma_semaphore, #tpu.memory_space<semaphore_mem>>, %arg21: memref<!tpu.dma_semaphore, #tpu.memory_space<semaphore_mem>>, %arg22: memref<!tpu.dma_semaphore, #tpu.memory_space<semaphore_mem>>, %arg23: memref<!tpu.dma_semaphore, #tpu.memory_space<semaphore_mem>>, %arg24: memref<!tpu.dma_semaphore, #tpu.memory_space<semaphore_mem>>, %arg25: memref<!tpu.dma_semaphore, #tpu.memory_space<semaphore_mem>>, %arg26: memref<128xf32, #tpu.memory_space<vmem>>, %arg27: memref<640xf32, #tpu.memory_space<vmem>>, %arg28: memref<10240xf32, #tpu.memory_space<vmem_shared>>) attributes {dimension_semantics = [#tpu.dimension_semantics<core_parallel>, #tpu.dimension_semantics<subcore_parallel>], iteration_bounds = array<i64: 2, 16>, scalar_prefetch = 0 : i64, scratch_operands = 21 : i64, tpu.core_type = #tpu.core_type<sc_vector_subcore>, window_params = [{transform_indices = #map}, {transform_indices = #map1}, {transform_indices = #map1}, {transform_indices = #map1}, {transform_indices = #map1}, {transform_indices = #map}]} {
    %mul3A = arith.constant 16 : i32
    %mul3A_0 = arith.muli %arg0, %mul3A : i32
    %add3A = arith.addi %mul3A_0, %arg1 : i32
    %eq3A = arith.constant 0 : i32
    %eq3A_1 = arith.cmpi eq, %arg0, %eq3A : i32
    %jit3A = arith.constant 120 : i32
    %jit3A_2 = arith.constant 40 : i32
    %select_n3A = arith.select %eq3A_1, %jit3A, %jit3A_2 : i32
    %broadcast_in_dim3A = arith.constant 0.000000e+00 : f32
    %broadcast_in_dim3A_3 = vector.broadcast %broadcast_in_dim3A : f32 to vector<16xf32>
    %broadcast_in_dim3A_4 = arith.constant 1.000000e+00 : f32
    %broadcast_in_dim3A_5 = vector.broadcast %broadcast_in_dim3A_4 : f32 to vector<16xf32>
    %dma_start3A = arith.constant 0 : i32
    %dma_start3A_6 = arith.constant 0 : i32
    %dma_start3A_7 = tpu.memref_slice %arg3[%add3A, %dma_start3A, %dma_start3A_6] : memref<32x120x128xi32, #tpu.memory_space<hbm>> -> memref<1x120x128xi32, #tpu.memory_space<hbm>>
    %dma_start3A_8 = tpu.memref_squeeze %dma_start3A_7 : memref<1x120x128xi32, #tpu.memory_space<hbm>> -> memref<120x128xi32, #tpu.memory_space<hbm>>
    %dma_start3A_9 = arith.constant 0 : i32
    %dma_start3A_10 = arith.constant 0 : i32
    %dma_start3A_11 = tpu.memref_slice %arg3[%add3A, %dma_start3A_9, %dma_start3A_10] : memref<32x120x128xi32, #tpu.memory_space<hbm>> -> memref<1x120x128xi32, #tpu.memory_space<hbm>>
    %dma_start3A_12 = tpu.memref_squeeze %dma_start3A_11 : memref<1x120x128xi32, #tpu.memory_space<hbm>> -> memref<120x128xi32, #tpu.memory_space<hbm>>
    tpu.enqueue_dma source(%dma_start3A_12 : memref<120x128xi32, #tpu.memory_space<hbm>>) target(%arg8 : memref<120x128xi32, #tpu.memory_space<vmem>>) target_semaphore(%arg13 : memref<!tpu.dma_semaphore, #tpu.memory_space<semaphore_mem>>)
    %dma_start3A_13 = arith.constant 0 : i32
    %dma_start3A_14 = arith.constant 0 : i32
    %dma_start3A_15 = tpu.memref_slice %arg4[%add3A, %dma_start3A_13, %dma_start3A_14] : memref<32x120x128xi32, #tpu.memory_space<hbm>> -> memref<1x120x128xi32, #tpu.memory_space<hbm>>
    %dma_start3A_16 = tpu.memref_squeeze %dma_start3A_15 : memref<1x120x128xi32, #tpu.memory_space<hbm>> -> memref<120x128xi32, #tpu.memory_space<hbm>>
    %dma_start3A_17 = arith.constant 0 : i32
    %dma_start3A_18 = arith.constant 0 : i32
    %dma_start3A_19 = tpu.memref_slice %arg4[%add3A, %dma_start3A_17, %dma_start3A_18] : memref<32x120x128xi32, #tpu.memory_space<hbm>> -> memref<1x120x128xi32, #tpu.memory_space<hbm>>
    %dma_start3A_20 = tpu.memref_squeeze %dma_start3A_19 : memref<1x120x128xi32, #tpu.memory_space<hbm>> -> memref<120x128xi32, #tpu.memory_space<hbm>>
    tpu.enqueue_dma source(%dma_start3A_20 : memref<120x128xi32, #tpu.memory_space<hbm>>) target(%arg9 : memref<120x128xi32, #tpu.memory_space<vmem>>) target_semaphore(%arg13 : memref<!tpu.dma_semaphore, #tpu.memory_space<semaphore_mem>>)
    %dma_start3A_21 = arith.constant 0 : i32
    %dma_start3A_22 = arith.constant 0 : i32
    %dma_start3A_23 = tpu.memref_slice %arg5[%add3A, %dma_start3A_21, %dma_start3A_22] : memref<32x120x128xf32, #tpu.memory_space<hbm>> -> memref<1x120x128xf32, #tpu.memory_space<hbm>>
    %dma_start3A_24 = tpu.memref_squeeze %dma_start3A_23 : memref<1x120x128xf32, #tpu.memory_space<hbm>> -> memref<120x128xf32, #tpu.memory_space<hbm>>
    %dma_start3A_25 = arith.constant 0 : i32
    %dma_start3A_26 = arith.constant 0 : i32
    %dma_start3A_27 = tpu.memref_slice %arg5[%add3A, %dma_start3A_25, %dma_start3A_26] : memref<32x120x128xf32, #tpu.memory_space<hbm>> -> memref<1x120x128xf32, #tpu.memory_space<hbm>>
    %dma_start3A_28 = tpu.memref_squeeze %dma_start3A_27 : memref<1x120x128xf32, #tpu.memory_space<hbm>> -> memref<120x128xf32, #tpu.memory_space<hbm>>
    tpu.enqueue_dma source(%dma_start3A_28 : memref<120x128xf32, #tpu.memory_space<hbm>>) target(%arg10 : memref<120x128xf32, #tpu.memory_space<vmem>>) target_semaphore(%arg13 : memref<!tpu.dma_semaphore, #tpu.memory_space<semaphore_mem>>)
    %mul3A_29 = arith.constant 640 : i32
    %mul3A_30 = arith.muli %arg1, %mul3A_29 : i32
    %scan3A = arith.constant 0 : i32
    %scan3A_31 = arith.constant 0 : i32
    %scan3A_32 = arith.constant 128 : i32
    %scan3A_33 = arith.addi %scan3A_31, %scan3A_32 : i32
    %scan3A_34 = arith.constant 1 : i32
    scf.for %scan3A_192 = %scan3A_31 to %scan3A_33 step %scan3A_34  : i32 {
      %swap3A = arith.index_cast %scan3A_192 : i32 to index
      %swap3A_193 = arith.constant 0 : index
      %swap3A_194 = tpu.vector_load %arg11[%swap3A, %swap3A_193] {strides = array<i32>} : memref<128x64xf32, #tpu.memory_space<vmem>>, vector<1x16xf32>,
      %swap3A_195 = vector.shape_cast %swap3A_194 : vector<1x16xf32> to vector<16xf32>
      %swap3A_196 = vector.shape_cast %broadcast_in_dim3A_3 : vector<16xf32> to vector<1x16xf32>
      tpu.vector_store %arg11[%swap3A, %swap3A_193], %swap3A_196 {strides = array<i32>} : memref<128x64xf32, #tpu.memory_space<vmem>>, vector<1x16xf32>,
      %swap3A_197 = arith.index_cast %scan3A_192 : i32 to index
      %swap3A_198 = arith.constant 16 : index
      %swap3A_199 = tpu.vector_load %arg11[%swap3A_197, %swap3A_198] {strides = array<i32>} : memref<128x64xf32, #tpu.memory_space<vmem>>, vector<1x16xf32>,
      %swap3A_200 = vector.shape_cast %swap3A_199 : vector<1x16xf32> to vector<16xf32>
      %swap3A_201 = vector.shape_cast %broadcast_in_dim3A_3 : vector<16xf32> to vector<1x16xf32>
      tpu.vector_store %arg11[%swap3A_197, %swap3A_198], %swap3A_201 {strides = array<i32>} : memref<128x64xf32, #tpu.memory_space<vmem>>, vector<1x16xf32>,
      %swap3A_202 = arith.index_cast %scan3A_192 : i32 to index
      %swap3A_203 = arith.constant 32 : index
      %swap3A_204 = tpu.vector_load %arg11[%swap3A_202, %swap3A_203] {strides = array<i32>} : memref<128x64xf32, #tpu.memory_space<vmem>>, vector<1x16xf32>,
      %swap3A_205 = vector.shape_cast %swap3A_204 : vector<1x16xf32> to vector<16xf32>
      %swap3A_206 = vector.shape_cast %broadcast_in_dim3A_3 : vector<16xf32> to vector<1x16xf32>
      tpu.vector_store %arg11[%swap3A_202, %swap3A_203], %swap3A_206 {strides = array<i32>} : memref<128x64xf32, #tpu.memory_space<vmem>>, vector<1x16xf32>,
      %swap3A_207 = arith.index_cast %scan3A_192 : i32 to index
      %swap3A_208 = arith.constant 48 : index
      %swap3A_209 = tpu.vector_load %arg11[%swap3A_207, %swap3A_208] {strides = array<i32>} : memref<128x64xf32, #tpu.memory_space<vmem>>, vector<1x16xf32>,
      %swap3A_210 = vector.shape_cast %swap3A_209 : vector<1x16xf32> to vector<16xf32>
      %swap3A_211 = vector.shape_cast %broadcast_in_dim3A_3 : vector<16xf32> to vector<1x16xf32>
      tpu.vector_store %arg11[%swap3A_207, %swap3A_208], %swap3A_211 {strides = array<i32>} : memref<128x64xf32, #tpu.memory_space<vmem>>, vector<1x16xf32>,
    }
    %scan3A_35 = arith.constant 128 : i32
    %add3A_36 = arith.constant 0 : i32
    %add3A_37 = arith.addi %mul3A_30, %add3A_36 : i32
    "tpu.region"() ({
      %run_scoped3A = tpu.sem_alloc : memref<!tpu.dma_semaphore, #tpu.memory_space<semaphore_mem>>
      %dma_start3A_192 = arith.constant 0 : i32
      %dma_start3A_193 = tpu.memref_slice %arg12[%add3A_37, %dma_start3A_192] : memref<10240x64xf32, #tpu.memory_space<vmem_shared>> -> memref<128x64xf32, #tpu.memory_space<vmem_shared>>
      %dma_start3A_194 = arith.constant 0 : i32
      %dma_start3A_195 = tpu.memref_slice %arg12[%add3A_37, %dma_start3A_194] : memref<10240x64xf32, #tpu.memory_space<vmem_shared>> -> memref<128x64xf32, #tpu.memory_space<vmem_shared>>
      tpu.enqueue_dma source(%arg11 : memref<128x64xf32, #tpu.memory_space<vmem>>) target(%dma_start3A_195 : memref<128x64xf32, #tpu.memory_space<vmem_shared>>) target_semaphore(%run_scoped3A : memref<!tpu.dma_semaphore, #tpu.memory_space<semaphore_mem>>)
      %dma_wait3A_196 = arith.constant 0 : i32
      %dma_wait3A_197 = tpu.memref_slice %arg12[%add3A_37, %dma_wait3A_196] : memref<10240x64xf32, #tpu.memory_space<vmem_shared>> -> memref<128x64xf32, #tpu.memory_space<vmem_shared>>
      %dma_wait3A_198 = arith.constant 0 : i32
      %dma_wait3A_199 = tpu.memref_slice %arg12[%add3A_37, %dma_wait3A_198] : memref<10240x64xf32, #tpu.memory_space<vmem_shared>> -> memref<128x64xf32, #tpu.memory_space<vmem_shared>>
      tpu.wait_dma2 semaphore(%run_scoped3A : memref<!tpu.dma_semaphore, #tpu.memory_space<semaphore_mem>>) src(%arg11 : memref<128x64xf32, #tpu.memory_space<vmem>>) dst(%dma_wait3A_199 : memref<128x64xf32, #tpu.memory_space<vmem_shared>>)
      tpu.yield
    }) : () -> ()
    %add3A_38 = arith.constant 128 : i32
    %add3A_39 = arith.addi %mul3A_30, %add3A_38 : i32
    "tpu.region"() ({
      %run_scoped3A = tpu.sem_alloc : memref<!tpu.dma_semaphore, #tpu.memory_space<semaphore_mem>>
      %dma_start3A_192 = arith.constant 0 : i32
      %dma_start3A_193 = tpu.memref_slice %arg12[%add3A_39, %dma_start3A_192] : memref<10240x64xf32, #tpu.memory_space<vmem_shared>> -> memref<128x64xf32, #tpu.memory_space<vmem_shared>>
      %dma_start3A_194 = arith.constant 0 : i32
      %dma_start3A_195 = tpu.memref_slice %arg12[%add3A_39, %dma_start3A_194] : memref<10240x64xf32, #tpu.memory_space<vmem_shared>> -> memref<128x64xf32, #tpu.memory_space<vmem_shared>>
      tpu.enqueue_dma source(%arg11 : memref<128x64xf32, #tpu.memory_space<vmem>>) target(%dma_start3A_195 : memref<128x64xf32, #tpu.memory_space<vmem_shared>>) target_semaphore(%run_scoped3A : memref<!tpu.dma_semaphore, #tpu.memory_space<semaphore_mem>>)
      %dma_wait3A_196 = arith.constant 0 : i32
      %dma_wait3A_197 = tpu.memref_slice %arg12[%add3A_39, %dma_wait3A_196] : memref<10240x64xf32, #tpu.memory_space<vmem_shared>> -> memref<128x64xf32, #tpu.memory_space<vmem_shared>>
      %dma_wait3A_198 = arith.constant 0 : i32
      %dma_wait3A_199 = tpu.memref_slice %arg12[%add3A_39, %dma_wait3A_198] : memref<10240x64xf32, #tpu.memory_space<vmem_shared>> -> memref<128x64xf32, #tpu.memory_space<vmem_shared>>
      tpu.wait_dma2 semaphore(%run_scoped3A : memref<!tpu.dma_semaphore, #tpu.memory_space<semaphore_mem>>) src(%arg11 : memref<128x64xf32, #tpu.memory_space<vmem>>) dst(%dma_wait3A_199 : memref<128x64xf32, #tpu.memory_space<vmem_shared>>)
      tpu.yield
    }) : () -> ()
    %add3A_40 = arith.constant 256 : i32
    %add3A_41 = arith.addi %mul3A_30, %add3A_40 : i32
    "tpu.region"() ({
      %run_scoped3A = tpu.sem_alloc : memref<!tpu.dma_semaphore, #tpu.memory_space<semaphore_mem>>
      %dma_start3A_192 = arith.constant 0 : i32
      %dma_start3A_193 = tpu.memref_slice %arg12[%add3A_41, %dma_start3A_192] : memref<10240x64xf32, #tpu.memory_space<vmem_shared>> -> memref<128x64xf32, #tpu.memory_space<vmem_shared>>
      %dma_start3A_194 = arith.constant 0 : i32
      %dma_start3A_195 = tpu.memref_slice %arg12[%add3A_41, %dma_start3A_194] : memref<10240x64xf32, #tpu.memory_space<vmem_shared>> -> memref<128x64xf32, #tpu.memory_space<vmem_shared>>
      tpu.enqueue_dma source(%arg11 : memref<128x64xf32, #tpu.memory_space<vmem>>) target(%dma_start3A_195 : memref<128x64xf32, #tpu.memory_space<vmem_shared>>) target_semaphore(%run_scoped3A : memref<!tpu.dma_semaphore, #tpu.memory_space<semaphore_mem>>)
      %dma_wait3A_196 = arith.constant 0 : i32
      %dma_wait3A_197 = tpu.memref_slice %arg12[%add3A_41, %dma_wait3A_196] : memref<10240x64xf32, #tpu.memory_space<vmem_shared>> -> memref<128x64xf32, #tpu.memory_space<vmem_shared>>
      %dma_wait3A_198 = arith.constant 0 : i32
      %dma_wait3A_199 = tpu.memref_slice %arg12[%add3A_41, %dma_wait3A_198] : memref<10240x64xf32, #tpu.memory_space<vmem_shared>> -> memref<128x64xf32, #tpu.memory_space<vmem_shared>>
      tpu.wait_dma2 semaphore(%run_scoped3A : memref<!tpu.dma_semaphore, #tpu.memory_space<semaphore_mem>>) src(%arg11 : memref<128x64xf32, #tpu.memory_space<vmem>>) dst(%dma_wait3A_199 : memref<128x64xf32, #tpu.memory_space<vmem_shared>>)
      tpu.yield
    }) : () -> ()
    %add3A_42 = arith.constant 384 : i32
    %add3A_43 = arith.addi %mul3A_30, %add3A_42 : i32
    "tpu.region"() ({
      %run_scoped3A = tpu.sem_alloc : memref<!tpu.dma_semaphore, #tpu.memory_space<semaphore_mem>>
      %dma_start3A_192 = arith.constant 0 : i32
      %dma_start3A_193 = tpu.memref_slice %arg12[%add3A_43, %dma_start3A_192] : memref<10240x64xf32, #tpu.memory_space<vmem_shared>> -> memref<128x64xf32, #tpu.memory_space<vmem_shared>>
      %dma_start3A_194 = arith.constant 0 : i32
      %dma_start3A_195 = tpu.memref_slice %arg12[%add3A_43, %dma_start3A_194] : memref<10240x64xf32, #tpu.memory_space<vmem_shared>> -> memref<128x64xf32, #tpu.memory_space<vmem_shared>>
      tpu.enqueue_dma source(%arg11 : memref<128x64xf32, #tpu.memory_space<vmem>>) target(%dma_start3A_195 : memref<128x64xf32, #tpu.memory_space<vmem_shared>>) target_semaphore(%run_scoped3A : memref<!tpu.dma_semaphore, #tpu.memory_space<semaphore_mem>>)
      %dma_wait3A_196 = arith.constant 0 : i32
      %dma_wait3A_197 = tpu.memref_slice %arg12[%add3A_43, %dma_wait3A_196] : memref<10240x64xf32, #tpu.memory_space<vmem_shared>> -> memref<128x64xf32, #tpu.memory_space<vmem_shared>>
      %dma_wait3A_198 = arith.constant 0 : i32
      %dma_wait3A_199 = tpu.memref_slice %arg12[%add3A_43, %dma_wait3A_198] : memref<10240x64xf32, #tpu.memory_space<vmem_shared>> -> memref<128x64xf32, #tpu.memory_space<vmem_shared>>
      tpu.wait_dma2 semaphore(%run_scoped3A : memref<!tpu.dma_semaphore, #tpu.memory_space<semaphore_mem>>) src(%arg11 : memref<128x64xf32, #tpu.memory_space<vmem>>) dst(%dma_wait3A_199 : memref<128x64xf32, #tpu.memory_space<vmem_shared>>)
      tpu.yield
    }) : () -> ()
    %add3A_44 = arith.constant 512 : i32
    %add3A_45 = arith.addi %mul3A_30, %add3A_44 : i32
    "tpu.region"() ({
      %run_scoped3A = tpu.sem_alloc : memref<!tpu.dma_semaphore, #tpu.memory_space<semaphore_mem>>
      %dma_start3A_192 = arith.constant 0 : i32
      %dma_start3A_193 = tpu.memref_slice %arg12[%add3A_45, %dma_start3A_192] : memref<10240x64xf32, #tpu.memory_space<vmem_shared>> -> memref<128x64xf32, #tpu.memory_space<vmem_shared>>
      %dma_start3A_194 = arith.constant 0 : i32
      %dma_start3A_195 = tpu.memref_slice %arg12[%add3A_45, %dma_start3A_194] : memref<10240x64xf32, #tpu.memory_space<vmem_shared>> -> memref<128x64xf32, #tpu.memory_space<vmem_shared>>
      tpu.enqueue_dma source(%arg11 : memref<128x64xf32, #tpu.memory_space<vmem>>) target(%dma_start3A_195 : memref<128x64xf32, #tpu.memory_space<vmem_shared>>) target_semaphore(%run_scoped3A : memref<!tpu.dma_semaphore, #tpu.memory_space<semaphore_mem>>)
      %dma_wait3A_196 = arith.constant 0 : i32
      %dma_wait3A_197 = tpu.memref_slice %arg12[%add3A_45, %dma_wait3A_196] : memref<10240x64xf32, #tpu.memory_space<vmem_shared>> -> memref<128x64xf32, #tpu.memory_space<vmem_shared>>
      %dma_wait3A_198 = arith.constant 0 : i32
      %dma_wait3A_199 = tpu.memref_slice %arg12[%add3A_45, %dma_wait3A_198] : memref<10240x64xf32, #tpu.memory_space<vmem_shared>> -> memref<128x64xf32, #tpu.memory_space<vmem_shared>>
      tpu.wait_dma2 semaphore(%run_scoped3A : memref<!tpu.dma_semaphore, #tpu.memory_space<semaphore_mem>>) src(%arg11 : memref<128x64xf32, #tpu.memory_space<vmem>>) dst(%dma_wait3A_199 : memref<128x64xf32, #tpu.memory_space<vmem_shared>>)
      tpu.yield
    }) : () -> ()
    %scan3A_46 = arith.constant 0 : i32
    %scan3A_47 = arith.constant 0 : i32
    %scan3A_48 = arith.constant 40 : i32
    %scan3A_49 = arith.addi %scan3A_47, %scan3A_48 : i32
    %scan3A_50 = arith.constant 1 : i32
    scf.for %scan3A_192 = %scan3A_47 to %scan3A_49 step %scan3A_50  : i32 {
      %mul3A_193 = arith.constant 16 : i32
      %mul3A_194 = arith.muli %scan3A_192, %mul3A_193 : i32
      %swap3A = arith.index_cast %mul3A_194 : i32 to index
      %swap3A_195 = tpu.vector_load %arg27[%swap3A] {strides = array<i32>} : memref<640xf32, #tpu.memory_space<vmem>>, vector<16xf32>,
      %swap3A_196 = vector.shape_cast %swap3A_195 : vector<16xf32> to vector<16xf32>
      %swap3A_197 = vector.shape_cast %broadcast_in_dim3A_3 : vector<16xf32> to vector<16xf32>
      tpu.vector_store %arg27[%swap3A], %swap3A_197 {strides = array<i32>} : memref<640xf32, #tpu.memory_space<vmem>>, vector<16xf32>,
    }
    %scan3A_51 = arith.constant 40 : i32
    "tpu.region"() ({
      %run_scoped3A = tpu.sem_alloc : memref<!tpu.dma_semaphore, #tpu.memory_space<semaphore_mem>>
      %dma_start3A_192 = tpu.memref_slice %arg28[%mul3A_30] : memref<10240xf32, #tpu.memory_space<vmem_shared>> -> memref<640xf32, #tpu.memory_space<vmem_shared>>
      %dma_start3A_193 = tpu.memref_slice %arg28[%mul3A_30] : memref<10240xf32, #tpu.memory_space<vmem_shared>> -> memref<640xf32, #tpu.memory_space<vmem_shared>>
      tpu.enqueue_dma source(%arg27 : memref<640xf32, #tpu.memory_space<vmem>>) target(%dma_start3A_193 : memref<640xf32, #tpu.memory_space<vmem_shared>>) target_semaphore(%run_scoped3A : memref<!tpu.dma_semaphore, #tpu.memory_space<semaphore_mem>>)
      %dma_wait3A_194 = tpu.memref_slice %arg28[%mul3A_30] : memref<10240xf32, #tpu.memory_space<vmem_shared>> -> memref<640xf32, #tpu.memory_space<vmem_shared>>
      %dma_wait3A_195 = tpu.memref_slice %arg28[%mul3A_30] : memref<10240xf32, #tpu.memory_space<vmem_shared>> -> memref<640xf32, #tpu.memory_space<vmem_shared>>
      tpu.wait_dma2 semaphore(%run_scoped3A : memref<!tpu.dma_semaphore, #tpu.memory_space<semaphore_mem>>) src(%arg27 : memref<640xf32, #tpu.memory_space<vmem>>) dst(%dma_wait3A_195 : memref<640xf32, #tpu.memory_space<vmem_shared>>)
      tpu.yield
    }) : () -> ()
    %scan3A_52 = arith.constant 0 : i32
    %scan3A_53 = arith.constant 0 : i32
    %scan3A_54 = arith.constant 8 : i32
    %scan3A_55 = arith.addi %scan3A_53, %scan3A_54 : i32
    %scan3A_56 = arith.constant 1 : i32
    scf.for %scan3A_192 = %scan3A_53 to %scan3A_55 step %scan3A_56  : i32 {
      %mul3A_193 = arith.constant 16 : i32
      %mul3A_194 = arith.muli %scan3A_192, %mul3A_193 : i32
      %swap3A = arith.index_cast %mul3A_194 : i32 to index
      %swap3A_195 = tpu.vector_load %arg26[%swap3A] {strides = array<i32>} : memref<128xf32, #tpu.memory_space<vmem>>, vector<16xf32>,
      %swap3A_196 = vector.shape_cast %swap3A_195 : vector<16xf32> to vector<16xf32>
      %swap3A_197 = vector.shape_cast %broadcast_in_dim3A_5 : vector<16xf32> to vector<16xf32>
      tpu.vector_store %arg26[%swap3A], %swap3A_197 {strides = array<i32>} : memref<128xf32, #tpu.memory_space<vmem>>, vector<16xf32>,
    }
    %scan3A_57 = arith.constant 8 : i32
    %dma_wait3A = arith.constant 0 : i32
    %dma_wait3A_58 = arith.constant 0 : i32
    %dma_wait3A_59 = arith.constant 0 : i32
    %dma_wait3A_60 = tpu.memref_slice %arg3[%dma_wait3A, %dma_wait3A_58, %dma_wait3A_59] : memref<32x120x128xi32, #tpu.memory_space<hbm>> -> memref<1x120x128xi32, #tpu.memory_space<hbm>>
    %dma_wait3A_61 = tpu.memref_squeeze %dma_wait3A_60 : memref<1x120x128xi32, #tpu.memory_space<hbm>> -> memref<120x128xi32, #tpu.memory_space<hbm>>
    %dma_wait3A_62 = arith.constant 0 : i32
    %dma_wait3A_63 = arith.constant 0 : i32
    %dma_wait3A_64 = tpu.memref_slice %arg3[%dma_wait3A, %dma_wait3A_62, %dma_wait3A_63] : memref<32x120x128xi32, #tpu.memory_space<hbm>> -> memref<1x120x128xi32, #tpu.memory_space<hbm>>
    %dma_wait3A_65 = tpu.memref_squeeze %dma_wait3A_64 : memref<1x120x128xi32, #tpu.memory_space<hbm>> -> memref<120x128xi32, #tpu.memory_space<hbm>>
    tpu.wait_dma2 semaphore(%arg13 : memref<!tpu.dma_semaphore, #tpu.memory_space<semaphore_mem>>) src(%dma_wait3A_65 : memref<120x128xi32, #tpu.memory_space<hbm>>) dst(%arg8 : memref<120x128xi32, #tpu.memory_space<vmem>>)
    %dma_wait3A_66 = arith.constant 0 : i32
    %dma_wait3A_67 = arith.constant 0 : i32
    %dma_wait3A_68 = arith.constant 0 : i32
    %dma_wait3A_69 = tpu.memref_slice %arg4[%dma_wait3A_66, %dma_wait3A_67, %dma_wait3A_68] : memref<32x120x128xi32, #tpu.memory_space<hbm>> -> memref<1x120x128xi32, #tpu.memory_space<hbm>>
    %dma_wait3A_70 = tpu.memref_squeeze %dma_wait3A_69 : memref<1x120x128xi32, #tpu.memory_space<hbm>> -> memref<120x128xi32, #tpu.memory_space<hbm>>
    %dma_wait3A_71 = arith.constant 0 : i32
    %dma_wait3A_72 = arith.constant 0 : i32
    %dma_wait3A_73 = tpu.memref_slice %arg4[%dma_wait3A_66, %dma_wait3A_71, %dma_wait3A_72] : memref<32x120x128xi32, #tpu.memory_space<hbm>> -> memref<1x120x128xi32, #tpu.memory_space<hbm>>
    %dma_wait3A_74 = tpu.memref_squeeze %dma_wait3A_73 : memref<1x120x128xi32, #tpu.memory_space<hbm>> -> memref<120x128xi32, #tpu.memory_space<hbm>>
    tpu.wait_dma2 semaphore(%arg13 : memref<!tpu.dma_semaphore, #tpu.memory_space<semaphore_mem>>) src(%dma_wait3A_74 : memref<120x128xi32, #tpu.memory_space<hbm>>) dst(%arg9 : memref<120x128xi32, #tpu.memory_space<vmem>>)
    %dma_wait3A_75 = arith.constant 0 : i32
    %dma_wait3A_76 = arith.constant 0 : i32
    %dma_wait3A_77 = arith.constant 0 : i32
    %dma_wait3A_78 = tpu.memref_slice %arg5[%dma_wait3A_75, %dma_wait3A_76, %dma_wait3A_77] : memref<32x120x128xf32, #tpu.memory_space<hbm>> -> memref<1x120x128xf32, #tpu.memory_space<hbm>>
    %dma_wait3A_79 = tpu.memref_squeeze %dma_wait3A_78 : memref<1x120x128xf32, #tpu.memory_space<hbm>> -> memref<120x128xf32, #tpu.memory_space<hbm>>
    %dma_wait3A_80 = arith.constant 0 : i32
    %dma_wait3A_81 = arith.constant 0 : i32
    %dma_wait3A_82 = tpu.memref_slice %arg5[%dma_wait3A_75, %dma_wait3A_80, %dma_wait3A_81] : memref<32x120x128xf32, #tpu.memory_space<hbm>> -> memref<1x120x128xf32, #tpu.memory_space<hbm>>
    %dma_wait3A_83 = tpu.memref_squeeze %dma_wait3A_82 : memref<1x120x128xf32, #tpu.memory_space<hbm>> -> memref<120x128xf32, #tpu.memory_space<hbm>>
    tpu.wait_dma2 semaphore(%arg13 : memref<!tpu.dma_semaphore, #tpu.memory_space<semaphore_mem>>) src(%dma_wait3A_83 : memref<120x128xf32, #tpu.memory_space<hbm>>) dst(%arg10 : memref<120x128xf32, #tpu.memory_space<vmem>>)
    %barrier3A = arith.constant 0 : index
    tpu.barrier barrier_id(%barrier3A)
    %dma_start3A_84 = arith.constant 0 : i32
    %dma_start3A_85 = arith.constant 0 : i32
    %dma_start3A_86 = tpu.memref_slice %arg8[%dma_start3A_84, %dma_start3A_85] : memref<120x128xi32, #tpu.memory_space<vmem>> -> memref<1x128xi32, #tpu.memory_space<vmem>>
    %dma_start3A_87 = tpu.memref_squeeze %dma_start3A_86 : memref<1x128xi32, #tpu.memory_space<vmem>> -> memref<128xi32, #tpu.memory_space<vmem>>
    %dma_start3A_88 = arith.constant 0 : i32
    %dma_start3A_89 = arith.constant 0 : i32
    %dma_start3A_90 = tpu.memref_slice %arg2[%dma_start3A_88, %dma_start3A_89] : memref<10000x64xf32, #tpu.memory_space<hbm>> -> memref<10000x64xf32, #tpu.memory_space<hbm>>
    tpu.enqueue_indirect_dma source(%dma_start3A_90 : memref<10000x64xf32, #tpu.memory_space<hbm>>) target(%arg14 : memref<128x64xf32, #tpu.memory_space<vmem>>) offsets(%dma_start3A_87 : memref<128xi32, #tpu.memory_space<vmem>>) semaphore(%arg18 : memref<!tpu.dma_semaphore, #tpu.memory_space<semaphore_mem>>)
    %dma_start3A_91 = arith.constant 1 : i32
    %dma_start3A_92 = arith.constant 0 : i32
    %dma_start3A_93 = tpu.memref_slice %arg8[%dma_start3A_91, %dma_start3A_92] : memref<120x128xi32, #tpu.memory_space<vmem>> -> memref<1x128xi32, #tpu.memory_space<vmem>>
    %dma_start3A_94 = tpu.memref_squeeze %dma_start3A_93 : memref<1x128xi32, #tpu.memory_space<vmem>> -> memref<128xi32, #tpu.memory_space<vmem>>
    %dma_start3A_95 = arith.constant 0 : i32
    %dma_start3A_96 = arith.constant 0 : i32
    %dma_start3A_97 = tpu.memref_slice %arg2[%dma_start3A_95, %dma_start3A_96] : memref<10000x64xf32, #tpu.memory_space<hbm>> -> memref<10000x64xf32, #tpu.memory_space<hbm>>
    tpu.enqueue_indirect_dma source(%dma_start3A_97 : memref<10000x64xf32, #tpu.memory_space<hbm>>) target(%arg15 : memref<128x64xf32, #tpu.memory_space<vmem>>) offsets(%dma_start3A_94 : memref<128xi32, #tpu.memory_space<vmem>>) semaphore(%arg19 : memref<!tpu.dma_semaphore, #tpu.memory_space<semaphore_mem>>)
    %dma_start3A_98 = arith.constant 2 : i32
    %dma_start3A_99 = arith.constant 0 : i32
    %dma_start3A_100 = tpu.memref_slice %arg8[%dma_start3A_98, %dma_start3A_99] : memref<120x128xi32, #tpu.memory_space<vmem>> -> memref<1x128xi32, #tpu.memory_space<vmem>>
    %dma_start3A_101 = tpu.memref_squeeze %dma_start3A_100 : memref<1x128xi32, #tpu.memory_space<vmem>> -> memref<128xi32, #tpu.memory_space<vmem>>
    %dma_start3A_102 = arith.constant 0 : i32
    %dma_start3A_103 = arith.constant 0 : i32
    %dma_start3A_104 = tpu.memref_slice %arg2[%dma_start3A_102, %dma_start3A_103] : memref<10000x64xf32, #tpu.memory_space<hbm>> -> memref<10000x64xf32, #tpu.memory_space<hbm>>
    tpu.enqueue_indirect_dma source(%dma_start3A_104 : memref<10000x64xf32, #tpu.memory_space<hbm>>) target(%arg16 : memref<128x64xf32, #tpu.memory_space<vmem>>) offsets(%dma_start3A_101 : memref<128xi32, #tpu.memory_space<vmem>>) semaphore(%arg20 : memref<!tpu.dma_semaphore, #tpu.memory_space<semaphore_mem>>)
    %dma_start3A_105 = arith.constant 3 : i32
    %dma_start3A_106 = arith.constant 0 : i32
    %dma_start3A_107 = tpu.memref_slice %arg8[%dma_start3A_105, %dma_start3A_106] : memref<120x128xi32, #tpu.memory_space<vmem>> -> memref<1x128xi32, #tpu.memory_space<vmem>>
    %dma_start3A_108 = tpu.memref_squeeze %dma_start3A_107 : memref<1x128xi32, #tpu.memory_space<vmem>> -> memref<128xi32, #tpu.memory_space<vmem>>
    %dma_start3A_109 = arith.constant 0 : i32
    %dma_start3A_110 = arith.constant 0 : i32
    %dma_start3A_111 = tpu.memref_slice %arg2[%dma_start3A_109, %dma_start3A_110] : memref<10000x64xf32, #tpu.memory_space<hbm>> -> memref<10000x64xf32, #tpu.memory_space<hbm>>
    tpu.enqueue_indirect_dma source(%dma_start3A_111 : memref<10000x64xf32, #tpu.memory_space<hbm>>) target(%arg17 : memref<128x64xf32, #tpu.memory_space<vmem>>) offsets(%dma_start3A_108 : memref<128xi32, #tpu.memory_space<vmem>>) semaphore(%arg21 : memref<!tpu.dma_semaphore, #tpu.memory_space<semaphore_mem>>)
    %jit3A_112 = arith.constant 4 : i32
    %div3A = arith.divsi %select_n3A, %jit3A_112 : i32
    %sign3A = arith.constant 0 : i32
    %sign3A_113 = arith.cmpi sgt, %select_n3A, %sign3A : i32
    %sign3A_114 = arith.extui %sign3A_113 : i1 to i32
    %sign3A_115 = arith.constant 0 : i32
    %sign3A_116 = arith.cmpi slt, %select_n3A, %sign3A_115 : i32
    %sign3A_117 = arith.extui %sign3A_116 : i1 to i32
    %sign3A_118 = arith.subi %sign3A_114, %sign3A_117 : i32
    %sign3A_119 = arith.constant 0 : i32
    %sign3A_120 = arith.cmpi sgt, %jit3A_112, %sign3A_119 : i32
    %sign3A_121 = arith.extui %sign3A_120 : i1 to i32
    %sign3A_122 = arith.constant 0 : i32
    %sign3A_123 = arith.cmpi slt, %jit3A_112, %sign3A_122 : i32
    %sign3A_124 = arith.extui %sign3A_123 : i1 to i32
    %sign3A_125 = arith.subi %sign3A_121, %sign3A_124 : i32
    %ne3A = arith.cmpi ne, %sign3A_118, %sign3A_125 : i32
    %rem3A = arith.remsi %select_n3A, %jit3A_112 : i32
    %ne3A_126 = arith.constant 0 : i32
    %ne3A_127 = arith.cmpi ne, %rem3A, %ne3A_126 : i32
    %and3A = arith.andi %ne3A, %ne3A_127 : i1
    %sub3A = arith.constant 1 : i32
    %sub3A_128 = arith.subi %div3A, %sub3A : i32
    %select_n3A_129 = arith.select %and3A, %sub3A_128, %div3A : i32
    %while3A = arith.constant 0 : i32
    %while3A_130 = arith.constant 0 : i32
    %while3A_131 = arith.subi %select_n3A_129, %while3A_130 : i32
    %while3A_132 = arith.addi %while3A_130, %while3A_131 : i32
    %while3A_133 = arith.constant 1 : i32
    %while3A_134 = arith.divsi %while3A_131, %while3A_133 : i32
    %while3A_135 = arith.muli %while3A_134, %while3A_133 : i32
    %while3A_136 = arith.addi %while3A_130, %while3A_135 : i32
    %while3A_137 = arith.constant 1 : i32
    scf.for %while3A_192 = %while3A_130 to %while3A_136 step %while3A_137  : i32 {
      %mul3A_193 = arith.constant 4 : i32
      %mul3A_194 = arith.muli %while3A_192, %mul3A_193 : i32
      %add3A_195 = arith.constant 0 : i32
      %add3A_196 = arith.addi %mul3A_194, %add3A_195 : i32
      %ge3A = arith.constant 1 : i32
      %ge3A_197 = arith.cmpi sge, %add3A_196, %ge3A : i32
      %sub3A_198 = arith.constant 1 : i32
      %sub3A_199 = arith.subi %add3A_196, %sub3A_198 : i32
      %add3A_200 = arith.constant 4 : i32
      %add3A_201 = arith.addi %sub3A_199, %add3A_200 : i32
      %lt3A = arith.cmpi slt, %add3A_201, %select_n3A : i32
      %and3A_202 = arith.andi %ge3A_197, %lt3A : i1
      %convert_element_type3A = arith.extui %and3A_202 : i1 to i32
      %cond3A = arith.constant 0 : i32
      %cond3A_203 = arith.cmpi ne, %convert_element_type3A, %cond3A : i32
      scf.if %cond3A_203 {
        %dma_wait3A_326 = arith.constant 0 : i32
        %dma_wait3A_327 = arith.constant 0 : i32
        %dma_wait3A_328 = tpu.memref_slice %arg9[%dma_wait3A_326, %dma_wait3A_327] : memref<120x128xi32, #tpu.memory_space<vmem>> -> memref<1x128xi32, #tpu.memory_space<vmem>>
        %dma_wait3A_329 = tpu.memref_squeeze %dma_wait3A_328 : memref<1x128xi32, #tpu.memory_space<vmem>> -> memref<128xi32, #tpu.memory_space<vmem>>
        %dma_wait3A_330 = arith.constant 0 : i32
        %dma_wait3A_331 = arith.constant 0 : i32
        %dma_wait3A_332 = tpu.memref_slice %arg12[%dma_wait3A_330, %dma_wait3A_331] : memref<10240x64xf32, #tpu.memory_space<vmem_shared>> -> memref<10240x64xf32, #tpu.memory_space<vmem_shared>>
        tpu.wait_indirect_dma semaphore(%arg25 : memref<!tpu.dma_semaphore, #tpu.memory_space<semaphore_mem>>) src(%arg17 : memref<128x64xf32, #tpu.memory_space<vmem>>) dst(%dma_wait3A_332 : memref<10240x64xf32, #tpu.memory_space<vmem_shared>>)
        %dma_wait3A_333 = arith.constant 0 : i32
        %dma_wait3A_334 = arith.constant 0 : i32
        %dma_wait3A_335 = tpu.memref_slice %arg9[%dma_wait3A_333, %dma_wait3A_334] : memref<120x128xi32, #tpu.memory_space<vmem>> -> memref<1x128xi32, #tpu.memory_space<vmem>>
        %dma_wait3A_336 = tpu.memref_squeeze %dma_wait3A_335 : memref<1x128xi32, #tpu.memory_space<vmem>> -> memref<128xi32, #tpu.memory_space<vmem>>
        %dma_wait3A_337 = arith.constant 0 : i32
        %dma_wait3A_338 = tpu.memref_slice %arg28[%dma_wait3A_337] : memref<10240xf32, #tpu.memory_space<vmem_shared>> -> memref<10240xf32, #tpu.memory_space<vmem_shared>>
        tpu.wait_indirect_dma semaphore(%arg25 : memref<!tpu.dma_semaphore, #tpu.memory_space<semaphore_mem>>) src(%arg26 : memref<128xf32, #tpu.memory_space<vmem>>) dst(%dma_wait3A_338 : memref<10240xf32, #tpu.memory_space<vmem_shared>>)
        %sub3A_339 = arith.constant 1 : i32
        %sub3A_340 = arith.subi %add3A_196, %sub3A_339 : i32
        %add3A_341 = arith.constant 4 : i32
        %add3A_342 = arith.addi %sub3A_340, %add3A_341 : i32
        %dma_start3A_343 = arith.constant 0 : i32
        %dma_start3A_344 = tpu.memref_slice %arg8[%add3A_342, %dma_start3A_343] : memref<120x128xi32, #tpu.memory_space<vmem>> -> memref<1x128xi32, #tpu.memory_space<vmem>>
        %dma_start3A_345 = tpu.memref_squeeze %dma_start3A_344 : memref<1x128xi32, #tpu.memory_space<vmem>> -> memref<128xi32, #tpu.memory_space<vmem>>
        %dma_start3A_346 = arith.constant 0 : i32
        %dma_start3A_347 = arith.constant 0 : i32
        %dma_start3A_348 = tpu.memref_slice %arg2[%dma_start3A_346, %dma_start3A_347] : memref<10000x64xf32, #tpu.memory_space<hbm>> -> memref<10000x64xf32, #tpu.memory_space<hbm>>
        tpu.enqueue_indirect_dma source(%dma_start3A_348 : memref<10000x64xf32, #tpu.memory_space<hbm>>) target(%arg17 : memref<128x64xf32, #tpu.memory_space<vmem>>) offsets(%dma_start3A_345 : memref<128xi32, #tpu.memory_space<vmem>>) semaphore(%arg21 : memref<!tpu.dma_semaphore, #tpu.memory_space<semaphore_mem>>)
      } else {
      }
      %dma_wait3A_204 = arith.constant 0 : i32
      %dma_wait3A_205 = arith.constant 0 : i32
      %dma_wait3A_206 = tpu.memref_slice %arg8[%dma_wait3A_204, %dma_wait3A_205] : memref<120x128xi32, #tpu.memory_space<vmem>> -> memref<1x128xi32, #tpu.memory_space<vmem>>
      %dma_wait3A_207 = tpu.memref_squeeze %dma_wait3A_206 : memref<1x128xi32, #tpu.memory_space<vmem>> -> memref<128xi32, #tpu.memory_space<vmem>>
      %dma_wait3A_208 = arith.constant 0 : i32
      %dma_wait3A_209 = arith.constant 0 : i32
      %dma_wait3A_210 = tpu.memref_slice %arg2[%dma_wait3A_208, %dma_wait3A_209] : memref<10000x64xf32, #tpu.memory_space<hbm>> -> memref<10000x64xf32, #tpu.memory_space<hbm>>
      tpu.wait_indirect_dma semaphore(%arg18 : memref<!tpu.dma_semaphore, #tpu.memory_space<semaphore_mem>>) src(%dma_wait3A_210 : memref<10000x64xf32, #tpu.memory_space<hbm>>) dst(%arg14 : memref<128x64xf32, #tpu.memory_space<vmem>>)
      %parallel_loop3A = arith.constant 0 : i32
      %parallel_loop3A_211 = arith.constant 8 : i32
      %parallel_loop3A_212 = arith.constant 1 : i32
      scf.for %parallel_loop3A_326 = %parallel_loop3A to %parallel_loop3A_211 step %parallel_loop3A_212  : i32 {
        %parallel_loop3A_327 = arith.constant 16 : i32
        %parallel_loop3A_328 = arith.muli %parallel_loop3A_326, %parallel_loop3A_327 : i32
        %parallel_loop3A_329 = arith.index_cast %add3A_196 : i32 to index
        %parallel_loop3A_330 = arith.index_cast %parallel_loop3A_328 : i32 to index
        %parallel_loop3A_331 = tpu.vector_load %arg10[%parallel_loop3A_329, %parallel_loop3A_330] {strides = array<i32>} : memref<120x128xf32, #tpu.memory_space<vmem>>, vector<1x16xf32>,
        %parallel_loop3A_332 = vector.shape_cast %parallel_loop3A_331 : vector<1x16xf32> to vector<16xf32>
        %parallel_loop3A_333 = arith.constant 0 : i32
        %parallel_loop3A_334 = arith.constant 0 : i32
        %parallel_loop3A_335 = arith.constant 16 : i32
        %parallel_loop3A_336 = arith.addi %parallel_loop3A_334, %parallel_loop3A_335 : i32
        %parallel_loop3A_337 = arith.constant 1 : i32
        scf.for %scan3A_339 = %parallel_loop3A_334 to %parallel_loop3A_336 step %parallel_loop3A_337  : i32 {
          %parallel_loop3A_340 = arith.constant 16 : i32
          %parallel_loop3A_341 = arith.muli %parallel_loop3A_326, %parallel_loop3A_340 : i32
          %parallel_loop3A_342 = arith.addi %parallel_loop3A_341, %scan3A_339 : i32
          %parallel_loop3A_343 = vector.broadcast %scan3A_339 : i32 to vector<16x1xi32>
          %parallel_loop3A_344 = vector.shape_cast %parallel_loop3A_343 : vector<16x1xi32> to vector<16xi32>
          %parallel_loop3A_345 = tpu.dynamic_gather %parallel_loop3A_332[%parallel_loop3A_344] in [0] : vector<16xf32>, vector<16xi32> -> vector<16xf32>
          %parallel_loop3A_346 = arith.index_cast %parallel_loop3A_342 : i32 to index
          %parallel_loop3A_347 = arith.constant 0 : index
          %parallel_loop3A_348 = tpu.vector_load %arg14[%parallel_loop3A_346, %parallel_loop3A_347] {strides = array<i32>} : memref<128x64xf32, #tpu.memory_space<vmem>>, vector<1x16xf32>,
          %parallel_loop3A_349 = vector.shape_cast %parallel_loop3A_348 : vector<1x16xf32> to vector<16xf32>
          %parallel_loop3A_350 = arith.mulf %parallel_loop3A_349, %parallel_loop3A_345 : vector<16xf32>
          %parallel_loop3A_351 = arith.index_cast %parallel_loop3A_342 : i32 to index
          %parallel_loop3A_352 = arith.constant 0 : index
          %parallel_loop3A_353 = tpu.vector_load %arg14[%parallel_loop3A_351, %parallel_loop3A_352] {strides = array<i32>} : memref<128x64xf32, #tpu.memory_space<vmem>>, vector<1x16xf32>,
          %parallel_loop3A_354 = vector.shape_cast %parallel_loop3A_353 : vector<1x16xf32> to vector<16xf32>
          %parallel_loop3A_355 = vector.shape_cast %parallel_loop3A_350 : vector<16xf32> to vector<1x16xf32>
          tpu.vector_store %arg14[%parallel_loop3A_351, %parallel_loop3A_352], %parallel_loop3A_355 {strides = array<i32>} : memref<128x64xf32, #tpu.memory_space<vmem>>, vector<1x16xf32>,
          %parallel_loop3A_356 = arith.index_cast %parallel_loop3A_342 : i32 to index
          %parallel_loop3A_357 = arith.constant 16 : index
          %parallel_loop3A_358 = tpu.vector_load %arg14[%parallel_loop3A_356, %parallel_loop3A_357] {strides = array<i32>} : memref<128x64xf32, #tpu.memory_space<vmem>>, vector<1x16xf32>,
          %parallel_loop3A_359 = vector.shape_cast %parallel_loop3A_358 : vector<1x16xf32> to vector<16xf32>
          %parallel_loop3A_360 = arith.mulf %parallel_loop3A_359, %parallel_loop3A_345 : vector<16xf32>
          %parallel_loop3A_361 = arith.index_cast %parallel_loop3A_342 : i32 to index
          %parallel_loop3A_362 = arith.constant 16 : index
          %parallel_loop3A_363 = tpu.vector_load %arg14[%parallel_loop3A_361, %parallel_loop3A_362] {strides = array<i32>} : memref<128x64xf32, #tpu.memory_space<vmem>>, vector<1x16xf32>,
          %parallel_loop3A_364 = vector.shape_cast %parallel_loop3A_363 : vector<1x16xf32> to vector<16xf32>
          %parallel_loop3A_365 = vector.shape_cast %parallel_loop3A_360 : vector<16xf32> to vector<1x16xf32>
          tpu.vector_store %arg14[%parallel_loop3A_361, %parallel_loop3A_362], %parallel_loop3A_365 {strides = array<i32>} : memref<128x64xf32, #tpu.memory_space<vmem>>, vector<1x16xf32>,
          %parallel_loop3A_366 = arith.index_cast %parallel_loop3A_342 : i32 to index
          %parallel_loop3A_367 = arith.constant 32 : index
          %parallel_loop3A_368 = tpu.vector_load %arg14[%parallel_loop3A_366, %parallel_loop3A_367] {strides = array<i32>} : memref<128x64xf32, #tpu.memory_space<vmem>>, vector<1x16xf32>,
          %parallel_loop3A_369 = vector.shape_cast %parallel_loop3A_368 : vector<1x16xf32> to vector<16xf32>
          %parallel_loop3A_370 = arith.mulf %parallel_loop3A_369, %parallel_loop3A_345 : vector<16xf32>
          %parallel_loop3A_371 = arith.index_cast %parallel_loop3A_342 : i32 to index
          %parallel_loop3A_372 = arith.constant 32 : index
          %parallel_loop3A_373 = tpu.vector_load %arg14[%parallel_loop3A_371, %parallel_loop3A_372] {strides = array<i32>} : memref<128x64xf32, #tpu.memory_space<vmem>>, vector<1x16xf32>,
          %parallel_loop3A_374 = vector.shape_cast %parallel_loop3A_373 : vector<1x16xf32> to vector<16xf32>
          %parallel_loop3A_375 = vector.shape_cast %parallel_loop3A_370 : vector<16xf32> to vector<1x16xf32>
          tpu.vector_store %arg14[%parallel_loop3A_371, %parallel_loop3A_372], %parallel_loop3A_375 {strides = array<i32>} : memref<128x64xf32, #tpu.memory_space<vmem>>, vector<1x16xf32>,
          %parallel_loop3A_376 = arith.index_cast %parallel_loop3A_342 : i32 to index
          %parallel_loop3A_377 = arith.constant 48 : index
          %parallel_loop3A_378 = tpu.vector_load %arg14[%parallel_loop3A_376, %parallel_loop3A_377] {strides = array<i32>} : memref<128x64xf32, #tpu.memory_space<vmem>>, vector<1x16xf32>,
          %parallel_loop3A_379 = vector.shape_cast %parallel_loop3A_378 : vector<1x16xf32> to vector<16xf32>
          %parallel_loop3A_380 = arith.mulf %parallel_loop3A_379, %parallel_loop3A_345 : vector<16xf32>
          %parallel_loop3A_381 = arith.index_cast %parallel_loop3A_342 : i32 to index
          %parallel_loop3A_382 = arith.constant 48 : index
          %parallel_loop3A_383 = tpu.vector_load %arg14[%parallel_loop3A_381, %parallel_loop3A_382] {strides = array<i32>} : memref<128x64xf32, #tpu.memory_space<vmem>>, vector<1x16xf32>,
          %parallel_loop3A_384 = vector.shape_cast %parallel_loop3A_383 : vector<1x16xf32> to vector<16xf32>
          %parallel_loop3A_385 = vector.shape_cast %parallel_loop3A_380 : vector<16xf32> to vector<1x16xf32>
          tpu.vector_store %arg14[%parallel_loop3A_381, %parallel_loop3A_382], %parallel_loop3A_385 {strides = array<i32>} : memref<128x64xf32, #tpu.memory_space<vmem>>, vector<1x16xf32>,
        }
        %parallel_loop3A_338 = arith.constant 16 : i32
      } {sc.loop_unroll_factor = 1 : i64, sc.parallel_access}
      %dma_start3A_213 = arith.constant 0 : i32
      %dma_start3A_214 = tpu.memref_slice %arg9[%add3A_196, %dma_start3A_213] : memref<120x128xi32, #tpu.memory_space<vmem>> -> memref<1x128xi32, #tpu.memory_space<vmem>>
      %dma_start3A_215 = tpu.memref_squeeze %dma_start3A_214 : memref<1x128xi32, #tpu.memory_space<vmem>> -> memref<128xi32, #tpu.memory_space<vmem>>
      %dma_start3A_216 = arith.constant 0 : i32
      %dma_start3A_217 = arith.constant 0 : i32
      %dma_start3A_218 = tpu.memref_slice %arg12[%dma_start3A_216, %dma_start3A_217] : memref<10240x64xf32, #tpu.memory_space<vmem_shared>> -> memref<10240x64xf32, #tpu.memory_space<vmem_shared>>
      tpu.enqueue_indirect_dma source(%arg14 : memref<128x64xf32, #tpu.memory_space<vmem>>) target(%dma_start3A_218 : memref<10240x64xf32, #tpu.memory_space<vmem_shared>>) offsets(%dma_start3A_215 : memref<128xi32, #tpu.memory_space<vmem>>) semaphore(%arg22 : memref<!tpu.dma_semaphore, #tpu.memory_space<semaphore_mem>>) {add = true}
      %dma_start3A_219 = arith.constant 0 : i32
      %dma_start3A_220 = tpu.memref_slice %arg9[%add3A_196, %dma_start3A_219] : memref<120x128xi32, #tpu.memory_space<vmem>> -> memref<1x128xi32, #tpu.memory_space<vmem>>
      %dma_start3A_221 = tpu.memref_squeeze %dma_start3A_220 : memref<1x128xi32, #tpu.memory_space<vmem>> -> memref<128xi32, #tpu.memory_space<vmem>>
      %dma_start3A_222 = arith.constant 0 : i32
      %dma_start3A_223 = tpu.memref_slice %arg28[%dma_start3A_222] : memref<10240xf32, #tpu.memory_space<vmem_shared>> -> memref<10240xf32, #tpu.memory_space<vmem_shared>>
      tpu.enqueue_indirect_dma source(%arg26 : memref<128xf32, #tpu.memory_space<vmem>>) target(%dma_start3A_223 : memref<10240xf32, #tpu.memory_space<vmem_shared>>) offsets(%dma_start3A_221 : memref<128xi32, #tpu.memory_space<vmem>>) semaphore(%arg22 : memref<!tpu.dma_semaphore, #tpu.memory_space<semaphore_mem>>) {add = true}
      %add3A_224 = arith.constant 1 : i32
      %add3A_225 = arith.addi %mul3A_194, %add3A_224 : i32
      %ge3A_226 = arith.constant 1 : i32
      %ge3A_227 = arith.cmpi sge, %add3A_225, %ge3A_226 : i32
      %sub3A_228 = arith.constant 1 : i32
      %sub3A_229 = arith.subi %add3A_225, %sub3A_228 : i32
      %add3A_230 = arith.constant 4 : i32
      %add3A_231 = arith.addi %sub3A_229, %add3A_230 : i32
      %lt3A_232 = arith.cmpi slt, %add3A_231, %select_n3A : i32
      %and3A_233 = arith.andi %ge3A_227, %lt3A_232 : i1
      %convert_element_type3A_234 = arith.extui %and3A_233 : i1 to i32
      %cond3A_235 = arith.constant 0 : i32
      %cond3A_236 = arith.cmpi ne, %convert_element_type3A_234, %cond3A_235 : i32
      scf.if %cond3A_236 {
        %dma_wait3A_326 = arith.constant 0 : i32
        %dma_wait3A_327 = arith.constant 0 : i32
        %dma_wait3A_328 = tpu.memref_slice %arg9[%dma_wait3A_326, %dma_wait3A_327] : memref<120x128xi32, #tpu.memory_space<vmem>> -> memref<1x128xi32, #tpu.memory_space<vmem>>
        %dma_wait3A_329 = tpu.memref_squeeze %dma_wait3A_328 : memref<1x128xi32, #tpu.memory_space<vmem>> -> memref<128xi32, #tpu.memory_space<vmem>>
        %dma_wait3A_330 = arith.constant 0 : i32
        %dma_wait3A_331 = arith.constant 0 : i32
        %dma_wait3A_332 = tpu.memref_slice %arg12[%dma_wait3A_330, %dma_wait3A_331] : memref<10240x64xf32, #tpu.memory_space<vmem_shared>> -> memref<10240x64xf32, #tpu.memory_space<vmem_shared>>
        tpu.wait_indirect_dma semaphore(%arg22 : memref<!tpu.dma_semaphore, #tpu.memory_space<semaphore_mem>>) src(%arg14 : memref<128x64xf32, #tpu.memory_space<vmem>>) dst(%dma_wait3A_332 : memref<10240x64xf32, #tpu.memory_space<vmem_shared>>)
        %dma_wait3A_333 = arith.constant 0 : i32
        %dma_wait3A_334 = arith.constant 0 : i32
        %dma_wait3A_335 = tpu.memref_slice %arg9[%dma_wait3A_333, %dma_wait3A_334] : memref<120x128xi32, #tpu.memory_space<vmem>> -> memref<1x128xi32, #tpu.memory_space<vmem>>
        %dma_wait3A_336 = tpu.memref_squeeze %dma_wait3A_335 : memref<1x128xi32, #tpu.memory_space<vmem>> -> memref<128xi32, #tpu.memory_space<vmem>>
        %dma_wait3A_337 = arith.constant 0 : i32
        %dma_wait3A_338 = tpu.memref_slice %arg28[%dma_wait3A_337] : memref<10240xf32, #tpu.memory_space<vmem_shared>> -> memref<10240xf32, #tpu.memory_space<vmem_shared>>
        tpu.wait_indirect_dma semaphore(%arg22 : memref<!tpu.dma_semaphore, #tpu.memory_space<semaphore_mem>>) src(%arg26 : memref<128xf32, #tpu.memory_space<vmem>>) dst(%dma_wait3A_338 : memref<10240xf32, #tpu.memory_space<vmem_shared>>)
        %sub3A_339 = arith.constant 1 : i32
        %sub3A_340 = arith.subi %add3A_225, %sub3A_339 : i32
        %add3A_341 = arith.constant 4 : i32
        %add3A_342 = arith.addi %sub3A_340, %add3A_341 : i32
        %dma_start3A_343 = arith.constant 0 : i32
        %dma_start3A_344 = tpu.memref_slice %arg8[%add3A_342, %dma_start3A_343] : memref<120x128xi32, #tpu.memory_space<vmem>> -> memref<1x128xi32, #tpu.memory_space<vmem>>
        %dma_start3A_345 = tpu.memref_squeeze %dma_start3A_344 : memref<1x128xi32, #tpu.memory_space<vmem>> -> memref<128xi32, #tpu.memory_space<vmem>>
        %dma_start3A_346 = arith.constant 0 : i32
        %dma_start3A_347 = arith.constant 0 : i32
        %dma_start3A_348 = tpu.memref_slice %arg2[%dma_start3A_346, %dma_start3A_347] : memref<10000x64xf32, #tpu.memory_space<hbm>> -> memref<10000x64xf32, #tpu.memory_space<hbm>>
        tpu.enqueue_indirect_dma source(%dma_start3A_348 : memref<10000x64xf32, #tpu.memory_space<hbm>>) target(%arg14 : memref<128x64xf32, #tpu.memory_space<vmem>>) offsets(%dma_start3A_345 : memref<128xi32, #tpu.memory_space<vmem>>) semaphore(%arg18 : memref<!tpu.dma_semaphore, #tpu.memory_space<semaphore_mem>>)
      } else {
      }
      %dma_wait3A_237 = arith.constant 0 : i32
      %dma_wait3A_238 = arith.constant 0 : i32
      %dma_wait3A_239 = tpu.memref_slice %arg8[%dma_wait3A_237, %dma_wait3A_238] : memref<120x128xi32, #tpu.memory_space<vmem>> -> memref<1x128xi32, #tpu.memory_space<vmem>>
      %dma_wait3A_240 = tpu.memref_squeeze %dma_wait3A_239 : memref<1x128xi32, #tpu.memory_space<vmem>> -> memref<128xi32, #tpu.memory_space<vmem>>
      %dma_wait3A_241 = arith.constant 0 : i32
      %dma_wait3A_242 = arith.constant 0 : i32
      %dma_wait3A_243 = tpu.memref_slice %arg2[%dma_wait3A_241, %dma_wait3A_242] : memref<10000x64xf32, #tpu.memory_space<hbm>> -> memref<10000x64xf32, #tpu.memory_space<hbm>>
      tpu.wait_indirect_dma semaphore(%arg19 : memref<!tpu.dma_semaphore, #tpu.memory_space<semaphore_mem>>) src(%dma_wait3A_243 : memref<10000x64xf32, #tpu.memory_space<hbm>>) dst(%arg15 : memref<128x64xf32, #tpu.memory_space<vmem>>)
      %parallel_loop3A_244 = arith.constant 0 : i32
      %parallel_loop3A_245 = arith.constant 8 : i32
      %parallel_loop3A_246 = arith.constant 1 : i32
      scf.for %parallel_loop3A_326 = %parallel_loop3A_244 to %parallel_loop3A_245 step %parallel_loop3A_246  : i32 {
        %parallel_loop3A_327 = arith.constant 16 : i32
        %parallel_loop3A_328 = arith.muli %parallel_loop3A_326, %parallel_loop3A_327 : i32
        %parallel_loop3A_329 = arith.index_cast %add3A_225 : i32 to index
        %parallel_loop3A_330 = arith.index_cast %parallel_loop3A_328 : i32 to index
        %parallel_loop3A_331 = tpu.vector_load %arg10[%parallel_loop3A_329, %parallel_loop3A_330] {strides = array<i32>} : memref<120x128xf32, #tpu.memory_space<vmem>>, vector<1x16xf32>,
        %parallel_loop3A_332 = vector.shape_cast %parallel_loop3A_331 : vector<1x16xf32> to vector<16xf32>
        %parallel_loop3A_333 = arith.constant 0 : i32
        %parallel_loop3A_334 = arith.constant 0 : i32
        %parallel_loop3A_335 = arith.constant 16 : i32
        %parallel_loop3A_336 = arith.addi %parallel_loop3A_334, %parallel_loop3A_335 : i32
        %parallel_loop3A_337 = arith.constant 1 : i32
        scf.for %scan3A_339 = %parallel_loop3A_334 to %parallel_loop3A_336 step %parallel_loop3A_337  : i32 {
          %parallel_loop3A_340 = arith.constant 16 : i32
          %parallel_loop3A_341 = arith.muli %parallel_loop3A_326, %parallel_loop3A_340 : i32
          %parallel_loop3A_342 = arith.addi %parallel_loop3A_341, %scan3A_339 : i32
          %parallel_loop3A_343 = vector.broadcast %scan3A_339 : i32 to vector<16x1xi32>
          %parallel_loop3A_344 = vector.shape_cast %parallel_loop3A_343 : vector<16x1xi32> to vector<16xi32>
          %parallel_loop3A_345 = tpu.dynamic_gather %parallel_loop3A_332[%parallel_loop3A_344] in [0] : vector<16xf32>, vector<16xi32> -> vector<16xf32>
          %parallel_loop3A_346 = arith.index_cast %parallel_loop3A_342 : i32 to index
          %parallel_loop3A_347 = arith.constant 0 : index
          %parallel_loop3A_348 = tpu.vector_load %arg15[%parallel_loop3A_346, %parallel_loop3A_347] {strides = array<i32>} : memref<128x64xf32, #tpu.memory_space<vmem>>, vector<1x16xf32>,
          %parallel_loop3A_349 = vector.shape_cast %parallel_loop3A_348 : vector<1x16xf32> to vector<16xf32>
          %parallel_loop3A_350 = arith.mulf %parallel_loop3A_349, %parallel_loop3A_345 : vector<16xf32>
          %parallel_loop3A_351 = arith.index_cast %parallel_loop3A_342 : i32 to index
          %parallel_loop3A_352 = arith.constant 0 : index
          %parallel_loop3A_353 = tpu.vector_load %arg15[%parallel_loop3A_351, %parallel_loop3A_352] {strides = array<i32>} : memref<128x64xf32, #tpu.memory_space<vmem>>, vector<1x16xf32>,
          %parallel_loop3A_354 = vector.shape_cast %parallel_loop3A_353 : vector<1x16xf32> to vector<16xf32>
          %parallel_loop3A_355 = vector.shape_cast %parallel_loop3A_350 : vector<16xf32> to vector<1x16xf32>
          tpu.vector_store %arg15[%parallel_loop3A_351, %parallel_loop3A_352], %parallel_loop3A_355 {strides = array<i32>} : memref<128x64xf32, #tpu.memory_space<vmem>>, vector<1x16xf32>,
          %parallel_loop3A_356 = arith.index_cast %parallel_loop3A_342 : i32 to index
          %parallel_loop3A_357 = arith.constant 16 : index
          %parallel_loop3A_358 = tpu.vector_load %arg15[%parallel_loop3A_356, %parallel_loop3A_357] {strides = array<i32>} : memref<128x64xf32, #tpu.memory_space<vmem>>, vector<1x16xf32>,
          %parallel_loop3A_359 = vector.shape_cast %parallel_loop3A_358 : vector<1x16xf32> to vector<16xf32>
          %parallel_loop3A_360 = arith.mulf %parallel_loop3A_359, %parallel_loop3A_345 : vector<16xf32>
          %parallel_loop3A_361 = arith.index_cast %parallel_loop3A_342 : i32 to index
          %parallel_loop3A_362 = arith.constant 16 : index
          %parallel_loop3A_363 = tpu.vector_load %arg15[%parallel_loop3A_361, %parallel_loop3A_362] {strides = array<i32>} : memref<128x64xf32, #tpu.memory_space<vmem>>, vector<1x16xf32>,
          %parallel_loop3A_364 = vector.shape_cast %parallel_loop3A_363 : vector<1x16xf32> to vector<16xf32>
          %parallel_loop3A_365 = vector.shape_cast %parallel_loop3A_360 : vector<16xf32> to vector<1x16xf32>
          tpu.vector_store %arg15[%parallel_loop3A_361, %parallel_loop3A_362], %parallel_loop3A_365 {strides = array<i32>} : memref<128x64xf32, #tpu.memory_space<vmem>>, vector<1x16xf32>,
          %parallel_loop3A_366 = arith.index_cast %parallel_loop3A_342 : i32 to index
          %parallel_loop3A_367 = arith.constant 32 : index
          %parallel_loop3A_368 = tpu.vector_load %arg15[%parallel_loop3A_366, %parallel_loop3A_367] {strides = array<i32>} : memref<128x64xf32, #tpu.memory_space<vmem>>, vector<1x16xf32>,
          %parallel_loop3A_369 = vector.shape_cast %parallel_loop3A_368 : vector<1x16xf32> to vector<16xf32>
          %parallel_loop3A_370 = arith.mulf %parallel_loop3A_369, %parallel_loop3A_345 : vector<16xf32>
          %parallel_loop3A_371 = arith.index_cast %parallel_loop3A_342 : i32 to index
          %parallel_loop3A_372 = arith.constant 32 : index
          %parallel_loop3A_373 = tpu.vector_load %arg15[%parallel_loop3A_371, %parallel_loop3A_372] {strides = array<i32>} : memref<128x64xf32, #tpu.memory_space<vmem>>, vector<1x16xf32>,
          %parallel_loop3A_374 = vector.shape_cast %parallel_loop3A_373 : vector<1x16xf32> to vector<16xf32>
          %parallel_loop3A_375 = vector.shape_cast %parallel_loop3A_370 : vector<16xf32> to vector<1x16xf32>
          tpu.vector_store %arg15[%parallel_loop3A_371, %parallel_loop3A_372], %parallel_loop3A_375 {strides = array<i32>} : memref<128x64xf32, #tpu.memory_space<vmem>>, vector<1x16xf32>,
          %parallel_loop3A_376 = arith.index_cast %parallel_loop3A_342 : i32 to index
          %parallel_loop3A_377 = arith.constant 48 : index
          %parallel_loop3A_378 = tpu.vector_load %arg15[%parallel_loop3A_376, %parallel_loop3A_377] {strides = array<i32>} : memref<128x64xf32, #tpu.memory_space<vmem>>, vector<1x16xf32>,
          %parallel_loop3A_379 = vector.shape_cast %parallel_loop3A_378 : vector<1x16xf32> to vector<16xf32>
          %parallel_loop3A_380 = arith.mulf %parallel_loop3A_379, %parallel_loop3A_345 : vector<16xf32>
          %parallel_loop3A_381 = arith.index_cast %parallel_loop3A_342 : i32 to index
          %parallel_loop3A_382 = arith.constant 48 : index
          %parallel_loop3A_383 = tpu.vector_load %arg15[%parallel_loop3A_381, %parallel_loop3A_382] {strides = array<i32>} : memref<128x64xf32, #tpu.memory_space<vmem>>, vector<1x16xf32>,
          %parallel_loop3A_384 = vector.shape_cast %parallel_loop3A_383 : vector<1x16xf32> to vector<16xf32>
          %parallel_loop3A_385 = vector.shape_cast %parallel_loop3A_380 : vector<16xf32> to vector<1x16xf32>
          tpu.vector_store %arg15[%parallel_loop3A_381, %parallel_loop3A_382], %parallel_loop3A_385 {strides = array<i32>} : memref<128x64xf32, #tpu.memory_space<vmem>>, vector<1x16xf32>,
        }
        %parallel_loop3A_338 = arith.constant 16 : i32
      } {sc.loop_unroll_factor = 1 : i64, sc.parallel_access}
      %dma_start3A_247 = arith.constant 0 : i32
      %dma_start3A_248 = tpu.memref_slice %arg9[%add3A_225, %dma_start3A_247] : memref<120x128xi32, #tpu.memory_space<vmem>> -> memref<1x128xi32, #tpu.memory_space<vmem>>
      %dma_start3A_249 = tpu.memref_squeeze %dma_start3A_248 : memref<1x128xi32, #tpu.memory_space<vmem>> -> memref<128xi32, #tpu.memory_space<vmem>>
      %dma_start3A_250 = arith.constant 0 : i32
      %dma_start3A_251 = arith.constant 0 : i32
      %dma_start3A_252 = tpu.memref_slice %arg12[%dma_start3A_250, %dma_start3A_251] : memref<10240x64xf32, #tpu.memory_space<vmem_shared>> -> memref<10240x64xf32, #tpu.memory_space<vmem_shared>>
      tpu.enqueue_indirect_dma source(%arg15 : memref<128x64xf32, #tpu.memory_space<vmem>>) target(%dma_start3A_252 : memref<10240x64xf32, #tpu.memory_space<vmem_shared>>) offsets(%dma_start3A_249 : memref<128xi32, #tpu.memory_space<vmem>>) semaphore(%arg23 : memref<!tpu.dma_semaphore, #tpu.memory_space<semaphore_mem>>) {add = true}
      %dma_start3A_253 = arith.constant 0 : i32
      %dma_start3A_254 = tpu.memref_slice %arg9[%add3A_225, %dma_start3A_253] : memref<120x128xi32, #tpu.memory_space<vmem>> -> memref<1x128xi32, #tpu.memory_space<vmem>>
      %dma_start3A_255 = tpu.memref_squeeze %dma_start3A_254 : memref<1x128xi32, #tpu.memory_space<vmem>> -> memref<128xi32, #tpu.memory_space<vmem>>
      %dma_start3A_256 = arith.constant 0 : i32
      %dma_start3A_257 = tpu.memref_slice %arg28[%dma_start3A_256] : memref<10240xf32, #tpu.memory_space<vmem_shared>> -> memref<10240xf32, #tpu.memory_space<vmem_shared>>
      tpu.enqueue_indirect_dma source(%arg26 : memref<128xf32, #tpu.memory_space<vmem>>) target(%dma_start3A_257 : memref<10240xf32, #tpu.memory_space<vmem_shared>>) offsets(%dma_start3A_255 : memref<128xi32, #tpu.memory_space<vmem>>) semaphore(%arg23 : memref<!tpu.dma_semaphore, #tpu.memory_space<semaphore_mem>>) {add = true}
      %add3A_258 = arith.constant 2 : i32
      %add3A_259 = arith.addi %mul3A_194, %add3A_258 : i32
      %ge3A_260 = arith.constant 1 : i32
      %ge3A_261 = arith.cmpi sge, %add3A_259, %ge3A_260 : i32
      %sub3A_262 = arith.constant 1 : i32
      %sub3A_263 = arith.subi %add3A_259, %sub3A_262 : i32
      %add3A_264 = arith.constant 4 : i32
      %add3A_265 = arith.addi %sub3A_263, %add3A_264 : i32
      %lt3A_266 = arith.cmpi slt, %add3A_265, %select_n3A : i32
      %and3A_267 = arith.andi %ge3A_261, %lt3A_266 : i1
      %convert_element_type3A_268 = arith.extui %and3A_267 : i1 to i32
      %cond3A_269 = arith.constant 0 : i32
      %cond3A_270 = arith.cmpi ne, %convert_element_type3A_268, %cond3A_269 : i32
      scf.if %cond3A_270 {
        %dma_wait3A_326 = arith.constant 0 : i32
        %dma_wait3A_327 = arith.constant 0 : i32
        %dma_wait3A_328 = tpu.memref_slice %arg9[%dma_wait3A_326, %dma_wait3A_327] : memref<120x128xi32, #tpu.memory_space<vmem>> -> memref<1x128xi32, #tpu.memory_space<vmem>>
        %dma_wait3A_329 = tpu.memref_squeeze %dma_wait3A_328 : memref<1x128xi32, #tpu.memory_space<vmem>> -> memref<128xi32, #tpu.memory_space<vmem>>
        %dma_wait3A_330 = arith.constant 0 : i32
        %dma_wait3A_331 = arith.constant 0 : i32
        %dma_wait3A_332 = tpu.memref_slice %arg12[%dma_wait3A_330, %dma_wait3A_331] : memref<10240x64xf32, #tpu.memory_space<vmem_shared>> -> memref<10240x64xf32, #tpu.memory_space<vmem_shared>>
        tpu.wait_indirect_dma semaphore(%arg23 : memref<!tpu.dma_semaphore, #tpu.memory_space<semaphore_mem>>) src(%arg15 : memref<128x64xf32, #tpu.memory_space<vmem>>) dst(%dma_wait3A_332 : memref<10240x64xf32, #tpu.memory_space<vmem_shared>>)
        %dma_wait3A_333 = arith.constant 0 : i32
        %dma_wait3A_334 = arith.constant 0 : i32
        %dma_wait3A_335 = tpu.memref_slice %arg9[%dma_wait3A_333, %dma_wait3A_334] : memref<120x128xi32, #tpu.memory_space<vmem>> -> memref<1x128xi32, #tpu.memory_space<vmem>>
        %dma_wait3A_336 = tpu.memref_squeeze %dma_wait3A_335 : memref<1x128xi32, #tpu.memory_space<vmem>> -> memref<128xi32, #tpu.memory_space<vmem>>
        %dma_wait3A_337 = arith.constant 0 : i32
        %dma_wait3A_338 = tpu.memref_slice %arg28[%dma_wait3A_337] : memref<10240xf32, #tpu.memory_space<vmem_shared>> -> memref<10240xf32, #tpu.memory_space<vmem_shared>>
        tpu.wait_indirect_dma semaphore(%arg23 : memref<!tpu.dma_semaphore, #tpu.memory_space<semaphore_mem>>) src(%arg26 : memref<128xf32, #tpu.memory_space<vmem>>) dst(%dma_wait3A_338 : memref<10240xf32, #tpu.memory_space<vmem_shared>>)
        %sub3A_339 = arith.constant 1 : i32
        %sub3A_340 = arith.subi %add3A_259, %sub3A_339 : i32
        %add3A_341 = arith.constant 4 : i32
        %add3A_342 = arith.addi %sub3A_340, %add3A_341 : i32
        %dma_start3A_343 = arith.constant 0 : i32
        %dma_start3A_344 = tpu.memref_slice %arg8[%add3A_342, %dma_start3A_343] : memref<120x128xi32, #tpu.memory_space<vmem>> -> memref<1x128xi32, #tpu.memory_space<vmem>>
        %dma_start3A_345 = tpu.memref_squeeze %dma_start3A_344 : memref<1x128xi32, #tpu.memory_space<vmem>> -> memref<128xi32, #tpu.memory_space<vmem>>
        %dma_start3A_346 = arith.constant 0 : i32
        %dma_start3A_347 = arith.constant 0 : i32
        %dma_start3A_348 = tpu.memref_slice %arg2[%dma_start3A_346, %dma_start3A_347] : memref<10000x64xf32, #tpu.memory_space<hbm>> -> memref<10000x64xf32, #tpu.memory_space<hbm>>
        tpu.enqueue_indirect_dma source(%dma_start3A_348 : memref<10000x64xf32, #tpu.memory_space<hbm>>) target(%arg15 : memref<128x64xf32, #tpu.memory_space<vmem>>) offsets(%dma_start3A_345 : memref<128xi32, #tpu.memory_space<vmem>>) semaphore(%arg19 : memref<!tpu.dma_semaphore, #tpu.memory_space<semaphore_mem>>)
      } else {
      }
      %dma_wait3A_271 = arith.constant 0 : i32
      %dma_wait3A_272 = arith.constant 0 : i32
      %dma_wait3A_273 = tpu.memref_slice %arg8[%dma_wait3A_271, %dma_wait3A_272] : memref<120x128xi32, #tpu.memory_space<vmem>> -> memref<1x128xi32, #tpu.memory_space<vmem>>
      %dma_wait3A_274 = tpu.memref_squeeze %dma_wait3A_273 : memref<1x128xi32, #tpu.memory_space<vmem>> -> memref<128xi32, #tpu.memory_space<vmem>>
      %dma_wait3A_275 = arith.constant 0 : i32
      %dma_wait3A_276 = arith.constant 0 : i32
      %dma_wait3A_277 = tpu.memref_slice %arg2[%dma_wait3A_275, %dma_wait3A_276] : memref<10000x64xf32, #tpu.memory_space<hbm>> -> memref<10000x64xf32, #tpu.memory_space<hbm>>
      tpu.wait_indirect_dma semaphore(%arg20 : memref<!tpu.dma_semaphore, #tpu.memory_space<semaphore_mem>>) src(%dma_wait3A_277 : memref<10000x64xf32, #tpu.memory_space<hbm>>) dst(%arg16 : memref<128x64xf32, #tpu.memory_space<vmem>>)
      %parallel_loop3A_278 = arith.constant 0 : i32
      %parallel_loop3A_279 = arith.constant 8 : i32
      %parallel_loop3A_280 = arith.constant 1 : i32
      scf.for %parallel_loop3A_326 = %parallel_loop3A_278 to %parallel_loop3A_279 step %parallel_loop3A_280  : i32 {
        %parallel_loop3A_327 = arith.constant 16 : i32
        %parallel_loop3A_328 = arith.muli %parallel_loop3A_326, %parallel_loop3A_327 : i32
        %parallel_loop3A_329 = arith.index_cast %add3A_259 : i32 to index
        %parallel_loop3A_330 = arith.index_cast %parallel_loop3A_328 : i32 to index
        %parallel_loop3A_331 = tpu.vector_load %arg10[%parallel_loop3A_329, %parallel_loop3A_330] {strides = array<i32>} : memref<120x128xf32, #tpu.memory_space<vmem>>, vector<1x16xf32>,
        %parallel_loop3A_332 = vector.shape_cast %parallel_loop3A_331 : vector<1x16xf32> to vector<16xf32>
        %parallel_loop3A_333 = arith.constant 0 : i32
        %parallel_loop3A_334 = arith.constant 0 : i32
        %parallel_loop3A_335 = arith.constant 16 : i32
        %parallel_loop3A_336 = arith.addi %parallel_loop3A_334, %parallel_loop3A_335 : i32
        %parallel_loop3A_337 = arith.constant 1 : i32
        scf.for %scan3A_339 = %parallel_loop3A_334 to %parallel_loop3A_336 step %parallel_loop3A_337  : i32 {
          %parallel_loop3A_340 = arith.constant 16 : i32
          %parallel_loop3A_341 = arith.muli %parallel_loop3A_326, %parallel_loop3A_340 : i32
          %parallel_loop3A_342 = arith.addi %parallel_loop3A_341, %scan3A_339 : i32
          %parallel_loop3A_343 = vector.broadcast %scan3A_339 : i32 to vector<16x1xi32>
          %parallel_loop3A_344 = vector.shape_cast %parallel_loop3A_343 : vector<16x1xi32> to vector<16xi32>
          %parallel_loop3A_345 = tpu.dynamic_gather %parallel_loop3A_332[%parallel_loop3A_344] in [0] : vector<16xf32>, vector<16xi32> -> vector<16xf32>
          %parallel_loop3A_346 = arith.index_cast %parallel_loop3A_342 : i32 to index
          %parallel_loop3A_347 = arith.constant 0 : index
          %parallel_loop3A_348 = tpu.vector_load %arg16[%parallel_loop3A_346, %parallel_loop3A_347] {strides = array<i32>} : memref<128x64xf32, #tpu.memory_space<vmem>>, vector<1x16xf32>,
          %parallel_loop3A_349 = vector.shape_cast %parallel_loop3A_348 : vector<1x16xf32> to vector<16xf32>
          %parallel_loop3A_350 = arith.mulf %parallel_loop3A_349, %parallel_loop3A_345 : vector<16xf32>
          %parallel_loop3A_351 = arith.index_cast %parallel_loop3A_342 : i32 to index
          %parallel_loop3A_352 = arith.constant 0 : index
          %parallel_loop3A_353 = tpu.vector_load %arg16[%parallel_loop3A_351, %parallel_loop3A_352] {strides = array<i32>} : memref<128x64xf32, #tpu.memory_space<vmem>>, vector<1x16xf32>,
          %parallel_loop3A_354 = vector.shape_cast %parallel_loop3A_353 : vector<1x16xf32> to vector<16xf32>
          %parallel_loop3A_355 = vector.shape_cast %parallel_loop3A_350 : vector<16xf32> to vector<1x16xf32>
          tpu.vector_store %arg16[%parallel_loop3A_351, %parallel_loop3A_352], %parallel_loop3A_355 {strides = array<i32>} : memref<128x64xf32, #tpu.memory_space<vmem>>, vector<1x16xf32>,
          %parallel_loop3A_356 = arith.index_cast %parallel_loop3A_342 : i32 to index
          %parallel_loop3A_357 = arith.constant 16 : index
          %parallel_loop3A_358 = tpu.vector_load %arg16[%parallel_loop3A_356, %parallel_loop3A_357] {strides = array<i32>} : memref<128x64xf32, #tpu.memory_space<vmem>>, vector<1x16xf32>,
          %parallel_loop3A_359 = vector.shape_cast %parallel_loop3A_358 : vector<1x16xf32> to vector<16xf32>
          %parallel_loop3A_360 = arith.mulf %parallel_loop3A_359, %parallel_loop3A_345 : vector<16xf32>
          %parallel_loop3A_361 = arith.index_cast %parallel_loop3A_342 : i32 to index
          %parallel_loop3A_362 = arith.constant 16 : index
          %parallel_loop3A_363 = tpu.vector_load %arg16[%parallel_loop3A_361, %parallel_loop3A_362] {strides = array<i32>} : memref<128x64xf32, #tpu.memory_space<vmem>>, vector<1x16xf32>,
          %parallel_loop3A_364 = vector.shape_cast %parallel_loop3A_363 : vector<1x16xf32> to vector<16xf32>
          %parallel_loop3A_365 = vector.shape_cast %parallel_loop3A_360 : vector<16xf32> to vector<1x16xf32>
          tpu.vector_store %arg16[%parallel_loop3A_361, %parallel_loop3A_362], %parallel_loop3A_365 {strides = array<i32>} : memref<128x64xf32, #tpu.memory_space<vmem>>, vector<1x16xf32>,
          %parallel_loop3A_366 = arith.index_cast %parallel_loop3A_342 : i32 to index
          %parallel_loop3A_367 = arith.constant 32 : index
          %parallel_loop3A_368 = tpu.vector_load %arg16[%parallel_loop3A_366, %parallel_loop3A_367] {strides = array<i32>} : memref<128x64xf32, #tpu.memory_space<vmem>>, vector<1x16xf32>,
          %parallel_loop3A_369 = vector.shape_cast %parallel_loop3A_368 : vector<1x16xf32> to vector<16xf32>
          %parallel_loop3A_370 = arith.mulf %parallel_loop3A_369, %parallel_loop3A_345 : vector<16xf32>
          %parallel_loop3A_371 = arith.index_cast %parallel_loop3A_342 : i32 to index
          %parallel_loop3A_372 = arith.constant 32 : index
          %parallel_loop3A_373 = tpu.vector_load %arg16[%parallel_loop3A_371, %parallel_loop3A_372] {strides = array<i32>} : memref<128x64xf32, #tpu.memory_space<vmem>>, vector<1x16xf32>,
          %parallel_loop3A_374 = vector.shape_cast %parallel_loop3A_373 : vector<1x16xf32> to vector<16xf32>
          %parallel_loop3A_375 = vector.shape_cast %parallel_loop3A_370 : vector<16xf32> to vector<1x16xf32>
          tpu.vector_store %arg16[%parallel_loop3A_371, %parallel_loop3A_372], %parallel_loop3A_375 {strides = array<i32>} : memref<128x64xf32, #tpu.memory_space<vmem>>, vector<1x16xf32>,
          %parallel_loop3A_376 = arith.index_cast %parallel_loop3A_342 : i32 to index
          %parallel_loop3A_377 = arith.constant 48 : index
          %parallel_loop3A_378 = tpu.vector_load %arg16[%parallel_loop3A_376, %parallel_loop3A_377] {strides = array<i32>} : memref<128x64xf32, #tpu.memory_space<vmem>>, vector<1x16xf32>,
          %parallel_loop3A_379 = vector.shape_cast %parallel_loop3A_378 : vector<1x16xf32> to vector<16xf32>
          %parallel_loop3A_380 = arith.mulf %parallel_loop3A_379, %parallel_loop3A_345 : vector<16xf32>
          %parallel_loop3A_381 = arith.index_cast %parallel_loop3A_342 : i32 to index
          %parallel_loop3A_382 = arith.constant 48 : index
          %parallel_loop3A_383 = tpu.vector_load %arg16[%parallel_loop3A_381, %parallel_loop3A_382] {strides = array<i32>} : memref<128x64xf32, #tpu.memory_space<vmem>>, vector<1x16xf32>,
          %parallel_loop3A_384 = vector.shape_cast %parallel_loop3A_383 : vector<1x16xf32> to vector<16xf32>
          %parallel_loop3A_385 = vector.shape_cast %parallel_loop3A_380 : vector<16xf32> to vector<1x16xf32>
          tpu.vector_store %arg16[%parallel_loop3A_381, %parallel_loop3A_382], %parallel_loop3A_385 {strides = array<i32>} : memref<128x64xf32, #tpu.memory_space<vmem>>, vector<1x16xf32>,
        }
        %parallel_loop3A_338 = arith.constant 16 : i32
      } {sc.loop_unroll_factor = 1 : i64, sc.parallel_access}
      %dma_start3A_281 = arith.constant 0 : i32
      %dma_start3A_282 = tpu.memref_slice %arg9[%add3A_259, %dma_start3A_281] : memref<120x128xi32, #tpu.memory_space<vmem>> -> memref<1x128xi32, #tpu.memory_space<vmem>>
      %dma_start3A_283 = tpu.memref_squeeze %dma_start3A_282 : memref<1x128xi32, #tpu.memory_space<vmem>> -> memref<128xi32, #tpu.memory_space<vmem>>
      %dma_start3A_284 = arith.constant 0 : i32
      %dma_start3A_285 = arith.constant 0 : i32
      %dma_start3A_286 = tpu.memref_slice %arg12[%dma_start3A_284, %dma_start3A_285] : memref<10240x64xf32, #tpu.memory_space<vmem_shared>> -> memref<10240x64xf32, #tpu.memory_space<vmem_shared>>
      tpu.enqueue_indirect_dma source(%arg16 : memref<128x64xf32, #tpu.memory_space<vmem>>) target(%dma_start3A_286 : memref<10240x64xf32, #tpu.memory_space<vmem_shared>>) offsets(%dma_start3A_283 : memref<128xi32, #tpu.memory_space<vmem>>) semaphore(%arg24 : memref<!tpu.dma_semaphore, #tpu.memory_space<semaphore_mem>>) {add = true}
      %dma_start3A_287 = arith.constant 0 : i32
      %dma_start3A_288 = tpu.memref_slice %arg9[%add3A_259, %dma_start3A_287] : memref<120x128xi32, #tpu.memory_space<vmem>> -> memref<1x128xi32, #tpu.memory_space<vmem>>
      %dma_start3A_289 = tpu.memref_squeeze %dma_start3A_288 : memref<1x128xi32, #tpu.memory_space<vmem>> -> memref<128xi32, #tpu.memory_space<vmem>>
      %dma_start3A_290 = arith.constant 0 : i32
      %dma_start3A_291 = tpu.memref_slice %arg28[%dma_start3A_290] : memref<10240xf32, #tpu.memory_space<vmem_shared>> -> memref<10240xf32, #tpu.memory_space<vmem_shared>>
      tpu.enqueue_indirect_dma source(%arg26 : memref<128xf32, #tpu.memory_space<vmem>>) target(%dma_start3A_291 : memref<10240xf32, #tpu.memory_space<vmem_shared>>) offsets(%dma_start3A_289 : memref<128xi32, #tpu.memory_space<vmem>>) semaphore(%arg24 : memref<!tpu.dma_semaphore, #tpu.memory_space<semaphore_mem>>) {add = true}
      %add3A_292 = arith.constant 3 : i32
      %add3A_293 = arith.addi %mul3A_194, %add3A_292 : i32
      %ge3A_294 = arith.constant 1 : i32
      %ge3A_295 = arith.cmpi sge, %add3A_293, %ge3A_294 : i32
      %sub3A_296 = arith.constant 1 : i32
      %sub3A_297 = arith.subi %add3A_293, %sub3A_296 : i32
      %add3A_298 = arith.constant 4 : i32
      %add3A_299 = arith.addi %sub3A_297, %add3A_298 : i32
      %lt3A_300 = arith.cmpi slt, %add3A_299, %select_n3A : i32
      %and3A_301 = arith.andi %ge3A_295, %lt3A_300 : i1
      %convert_element_type3A_302 = arith.extui %and3A_301 : i1 to i32
      %cond3A_303 = arith.constant 0 : i32
      %cond3A_304 = arith.cmpi ne, %convert_element_type3A_302, %cond3A_303 : i32
      scf.if %cond3A_304 {
        %dma_wait3A_326 = arith.constant 0 : i32
        %dma_wait3A_327 = arith.constant 0 : i32
        %dma_wait3A_328 = tpu.memref_slice %arg9[%dma_wait3A_326, %dma_wait3A_327] : memref<120x128xi32, #tpu.memory_space<vmem>> -> memref<1x128xi32, #tpu.memory_space<vmem>>
        %dma_wait3A_329 = tpu.memref_squeeze %dma_wait3A_328 : memref<1x128xi32, #tpu.memory_space<vmem>> -> memref<128xi32, #tpu.memory_space<vmem>>
        %dma_wait3A_330 = arith.constant 0 : i32
        %dma_wait3A_331 = arith.constant 0 : i32
        %dma_wait3A_332 = tpu.memref_slice %arg12[%dma_wait3A_330, %dma_wait3A_331] : memref<10240x64xf32, #tpu.memory_space<vmem_shared>> -> memref<10240x64xf32, #tpu.memory_space<vmem_shared>>
        tpu.wait_indirect_dma semaphore(%arg24 : memref<!tpu.dma_semaphore, #tpu.memory_space<semaphore_mem>>) src(%arg16 : memref<128x64xf32, #tpu.memory_space<vmem>>) dst(%dma_wait3A_332 : memref<10240x64xf32, #tpu.memory_space<vmem_shared>>)
        %dma_wait3A_333 = arith.constant 0 : i32
        %dma_wait3A_334 = arith.constant 0 : i32
        %dma_wait3A_335 = tpu.memref_slice %arg9[%dma_wait3A_333, %dma_wait3A_334] : memref<120x128xi32, #tpu.memory_space<vmem>> -> memref<1x128xi32, #tpu.memory_space<vmem>>
        %dma_wait3A_336 = tpu.memref_squeeze %dma_wait3A_335 : memref<1x128xi32, #tpu.memory_space<vmem>> -> memref<128xi32, #tpu.memory_space<vmem>>
        %dma_wait3A_337 = arith.constant 0 : i32
        %dma_wait3A_338 = tpu.memref_slice %arg28[%dma_wait3A_337] : memref<10240xf32, #tpu.memory_space<vmem_shared>> -> memref<10240xf32, #tpu.memory_space<vmem_shared>>
        tpu.wait_indirect_dma semaphore(%arg24 : memref<!tpu.dma_semaphore, #tpu.memory_space<semaphore_mem>>) src(%arg26 : memref<128xf32, #tpu.memory_space<vmem>>) dst(%dma_wait3A_338 : memref<10240xf32, #tpu.memory_space<vmem_shared>>)
        %sub3A_339 = arith.constant 1 : i32
        %sub3A_340 = arith.subi %add3A_293, %sub3A_339 : i32
        %add3A_341 = arith.constant 4 : i32
        %add3A_342 = arith.addi %sub3A_340, %add3A_341 : i32
        %dma_start3A_343 = arith.constant 0 : i32
        %dma_start3A_344 = tpu.memref_slice %arg8[%add3A_342, %dma_start3A_343] : memref<120x128xi32, #tpu.memory_space<vmem>> -> memref<1x128xi32, #tpu.memory_space<vmem>>
        %dma_start3A_345 = tpu.memref_squeeze %dma_start3A_344 : memref<1x128xi32, #tpu.memory_space<vmem>> -> memref<128xi32, #tpu.memory_space<vmem>>
        %dma_start3A_346 = arith.constant 0 : i32
        %dma_start3A_347 = arith.constant 0 : i32
        %dma_start3A_348 = tpu.memref_slice %arg2[%dma_start3A_346, %dma_start3A_347] : memref<10000x64xf32, #tpu.memory_space<hbm>> -> memref<10000x64xf32, #tpu.memory_space<hbm>>
        tpu.enqueue_indirect_dma source(%dma_start3A_348 : memref<10000x64xf32, #tpu.memory_space<hbm>>) target(%arg16 : memref<128x64xf32, #tpu.memory_space<vmem>>) offsets(%dma_start3A_345 : memref<128xi32, #tpu.memory_space<vmem>>) semaphore(%arg20 : memref<!tpu.dma_semaphore, #tpu.memory_space<semaphore_mem>>)
      } else {
      }
      %dma_wait3A_305 = arith.constant 0 : i32
      %dma_wait3A_306 = arith.constant 0 : i32
      %dma_wait3A_307 = tpu.memref_slice %arg8[%dma_wait3A_305, %dma_wait3A_306] : memref<120x128xi32, #tpu.memory_space<vmem>> -> memref<1x128xi32, #tpu.memory_space<vmem>>
      %dma_wait3A_308 = tpu.memref_squeeze %dma_wait3A_307 : memref<1x128xi32, #tpu.memory_space<vmem>> -> memref<128xi32, #tpu.memory_space<vmem>>
      %dma_wait3A_309 = arith.constant 0 : i32
      %dma_wait3A_310 = arith.constant 0 : i32
      %dma_wait3A_311 = tpu.memref_slice %arg2[%dma_wait3A_309, %dma_wait3A_310] : memref<10000x64xf32, #tpu.memory_space<hbm>> -> memref<10000x64xf32, #tpu.memory_space<hbm>>
      tpu.wait_indirect_dma semaphore(%arg21 : memref<!tpu.dma_semaphore, #tpu.memory_space<semaphore_mem>>) src(%dma_wait3A_311 : memref<10000x64xf32, #tpu.memory_space<hbm>>) dst(%arg17 : memref<128x64xf32, #tpu.memory_space<vmem>>)
      %parallel_loop3A_312 = arith.constant 0 : i32
      %parallel_loop3A_313 = arith.constant 8 : i32
      %parallel_loop3A_314 = arith.constant 1 : i32
      scf.for %parallel_loop3A_326 = %parallel_loop3A_312 to %parallel_loop3A_313 step %parallel_loop3A_314  : i32 {
        %parallel_loop3A_327 = arith.constant 16 : i32
        %parallel_loop3A_328 = arith.muli %parallel_loop3A_326, %parallel_loop3A_327 : i32
        %parallel_loop3A_329 = arith.index_cast %add3A_293 : i32 to index
        %parallel_loop3A_330 = arith.index_cast %parallel_loop3A_328 : i32 to index
        %parallel_loop3A_331 = tpu.vector_load %arg10[%parallel_loop3A_329, %parallel_loop3A_330] {strides = array<i32>} : memref<120x128xf32, #tpu.memory_space<vmem>>, vector<1x16xf32>,
        %parallel_loop3A_332 = vector.shape_cast %parallel_loop3A_331 : vector<1x16xf32> to vector<16xf32>
        %parallel_loop3A_333 = arith.constant 0 : i32
        %parallel_loop3A_334 = arith.constant 0 : i32
        %parallel_loop3A_335 = arith.constant 16 : i32
        %parallel_loop3A_336 = arith.addi %parallel_loop3A_334, %parallel_loop3A_335 : i32
        %parallel_loop3A_337 = arith.constant 1 : i32
        scf.for %scan3A_339 = %parallel_loop3A_334 to %parallel_loop3A_336 step %parallel_loop3A_337  : i32 {
          %parallel_loop3A_340 = arith.constant 16 : i32
          %parallel_loop3A_341 = arith.muli %parallel_loop3A_326, %parallel_loop3A_340 : i32
          %parallel_loop3A_342 = arith.addi %parallel_loop3A_341, %scan3A_339 : i32
          %parallel_loop3A_343 = vector.broadcast %scan3A_339 : i32 to vector<16x1xi32>
          %parallel_loop3A_344 = vector.shape_cast %parallel_loop3A_343 : vector<16x1xi32> to vector<16xi32>
          %parallel_loop3A_345 = tpu.dynamic_gather %parallel_loop3A_332[%parallel_loop3A_344] in [0] : vector<16xf32>, vector<16xi32> -> vector<16xf32>
          %parallel_loop3A_346 = arith.index_cast %parallel_loop3A_342 : i32 to index
          %parallel_loop3A_347 = arith.constant 0 : index
          %parallel_loop3A_348 = tpu.vector_load %arg17[%parallel_loop3A_346, %parallel_loop3A_347] {strides = array<i32>} : memref<128x64xf32, #tpu.memory_space<vmem>>, vector<1x16xf32>,
          %parallel_loop3A_349 = vector.shape_cast %parallel_loop3A_348 : vector<1x16xf32> to vector<16xf32>
          %parallel_loop3A_350 = arith.mulf %parallel_loop3A_349, %parallel_loop3A_345 : vector<16xf32>
          %parallel_loop3A_351 = arith.index_cast %parallel_loop3A_342 : i32 to index
          %parallel_loop3A_352 = arith.constant 0 : index
          %parallel_loop3A_353 = tpu.vector_load %arg17[%parallel_loop3A_351, %parallel_loop3A_352] {strides = array<i32>} : memref<128x64xf32, #tpu.memory_space<vmem>>, vector<1x16xf32>,
          %parallel_loop3A_354 = vector.shape_cast %parallel_loop3A_353 : vector<1x16xf32> to vector<16xf32>
          %parallel_loop3A_355 = vector.shape_cast %parallel_loop3A_350 : vector<16xf32> to vector<1x16xf32>
          tpu.vector_store %arg17[%parallel_loop3A_351, %parallel_loop3A_352], %parallel_loop3A_355 {strides = array<i32>} : memref<128x64xf32, #tpu.memory_space<vmem>>, vector<1x16xf32>,
          %parallel_loop3A_356 = arith.index_cast %parallel_loop3A_342 : i32 to index
          %parallel_loop3A_357 = arith.constant 16 : index
          %parallel_loop3A_358 = tpu.vector_load %arg17[%parallel_loop3A_356, %parallel_loop3A_357] {strides = array<i32>} : memref<128x64xf32, #tpu.memory_space<vmem>>, vector<1x16xf32>,
          %parallel_loop3A_359 = vector.shape_cast %parallel_loop3A_358 : vector<1x16xf32> to vector<16xf32>
          %parallel_loop3A_360 = arith.mulf %parallel_loop3A_359, %parallel_loop3A_345 : vector<16xf32>
          %parallel_loop3A_361 = arith.index_cast %parallel_loop3A_342 : i32 to index
          %parallel_loop3A_362 = arith.constant 16 : index
          %parallel_loop3A_363 = tpu.vector_load %arg17[%parallel_loop3A_361, %parallel_loop3A_362] {strides = array<i32>} : memref<128x64xf32, #tpu.memory_space<vmem>>, vector<1x16xf32>,
          %parallel_loop3A_364 = vector.shape_cast %parallel_loop3A_363 : vector<1x16xf32> to vector<16xf32>
          %parallel_loop3A_365 = vector.shape_cast %parallel_loop3A_360 : vector<16xf32> to vector<1x16xf32>
          tpu.vector_store %arg17[%parallel_loop3A_361, %parallel_loop3A_362], %parallel_loop3A_365 {strides = array<i32>} : memref<128x64xf32, #tpu.memory_space<vmem>>, vector<1x16xf32>,
          %parallel_loop3A_366 = arith.index_cast %parallel_loop3A_342 : i32 to index
          %parallel_loop3A_367 = arith.constant 32 : index
          %parallel_loop3A_368 = tpu.vector_load %arg17[%parallel_loop3A_366, %parallel_loop3A_367] {strides = array<i32>} : memref<128x64xf32, #tpu.memory_space<vmem>>, vector<1x16xf32>,
          %parallel_loop3A_369 = vector.shape_cast %parallel_loop3A_368 : vector<1x16xf32> to vector<16xf32>
          %parallel_loop3A_370 = arith.mulf %parallel_loop3A_369, %parallel_loop3A_345 : vector<16xf32>
          %parallel_loop3A_371 = arith.index_cast %parallel_loop3A_342 : i32 to index
          %parallel_loop3A_372 = arith.constant 32 : index
          %parallel_loop3A_373 = tpu.vector_load %arg17[%parallel_loop3A_371, %parallel_loop3A_372] {strides = array<i32>} : memref<128x64xf32, #tpu.memory_space<vmem>>, vector<1x16xf32>,
          %parallel_loop3A_374 = vector.shape_cast %parallel_loop3A_373 : vector<1x16xf32> to vector<16xf32>
          %parallel_loop3A_375 = vector.shape_cast %parallel_loop3A_370 : vector<16xf32> to vector<1x16xf32>
          tpu.vector_store %arg17[%parallel_loop3A_371, %parallel_loop3A_372], %parallel_loop3A_375 {strides = array<i32>} : memref<128x64xf32, #tpu.memory_space<vmem>>, vector<1x16xf32>,
          %parallel_loop3A_376 = arith.index_cast %parallel_loop3A_342 : i32 to index
          %parallel_loop3A_377 = arith.constant 48 : index
          %parallel_loop3A_378 = tpu.vector_load %arg17[%parallel_loop3A_376, %parallel_loop3A_377] {strides = array<i32>} : memref<128x64xf32, #tpu.memory_space<vmem>>, vector<1x16xf32>,
          %parallel_loop3A_379 = vector.shape_cast %parallel_loop3A_378 : vector<1x16xf32> to vector<16xf32>
          %parallel_loop3A_380 = arith.mulf %parallel_loop3A_379, %parallel_loop3A_345 : vector<16xf32>
          %parallel_loop3A_381 = arith.index_cast %parallel_loop3A_342 : i32 to index
          %parallel_loop3A_382 = arith.constant 48 : index
          %parallel_loop3A_383 = tpu.vector_load %arg17[%parallel_loop3A_381, %parallel_loop3A_382] {strides = array<i32>} : memref<128x64xf32, #tpu.memory_space<vmem>>, vector<1x16xf32>,
          %parallel_loop3A_384 = vector.shape_cast %parallel_loop3A_383 : vector<1x16xf32> to vector<16xf32>
          %parallel_loop3A_385 = vector.shape_cast %parallel_loop3A_380 : vector<16xf32> to vector<1x16xf32>
          tpu.vector_store %arg17[%parallel_loop3A_381, %parallel_loop3A_382], %parallel_loop3A_385 {strides = array<i32>} : memref<128x64xf32, #tpu.memory_space<vmem>>, vector<1x16xf32>,
        }
        %parallel_loop3A_338 = arith.constant 16 : i32
      } {sc.loop_unroll_factor = 1 : i64, sc.parallel_access}
      %dma_start3A_315 = arith.constant 0 : i32
      %dma_start3A_316 = tpu.memref_slice %arg9[%add3A_293, %dma_start3A_315] : memref<120x128xi32, #tpu.memory_space<vmem>> -> memref<1x128xi32, #tpu.memory_space<vmem>>
      %dma_start3A_317 = tpu.memref_squeeze %dma_start3A_316 : memref<1x128xi32, #tpu.memory_space<vmem>> -> memref<128xi32, #tpu.memory_space<vmem>>
      %dma_start3A_318 = arith.constant 0 : i32
      %dma_start3A_319 = arith.constant 0 : i32
      %dma_start3A_320 = tpu.memref_slice %arg12[%dma_start3A_318, %dma_start3A_319] : memref<10240x64xf32, #tpu.memory_space<vmem_shared>> -> memref<10240x64xf32, #tpu.memory_space<vmem_shared>>
      tpu.enqueue_indirect_dma source(%arg17 : memref<128x64xf32, #tpu.memory_space<vmem>>) target(%dma_start3A_320 : memref<10240x64xf32, #tpu.memory_space<vmem_shared>>) offsets(%dma_start3A_317 : memref<128xi32, #tpu.memory_space<vmem>>) semaphore(%arg25 : memref<!tpu.dma_semaphore, #tpu.memory_space<semaphore_mem>>) {add = true}
      %dma_start3A_321 = arith.constant 0 : i32
      %dma_start3A_322 = tpu.memref_slice %arg9[%add3A_293, %dma_start3A_321] : memref<120x128xi32, #tpu.memory_space<vmem>> -> memref<1x128xi32, #tpu.memory_space<vmem>>
      %dma_start3A_323 = tpu.memref_squeeze %dma_start3A_322 : memref<1x128xi32, #tpu.memory_space<vmem>> -> memref<128xi32, #tpu.memory_space<vmem>>
      %dma_start3A_324 = arith.constant 0 : i32
      %dma_start3A_325 = tpu.memref_slice %arg28[%dma_start3A_324] : memref<10240xf32, #tpu.memory_space<vmem_shared>> -> memref<10240xf32, #tpu.memory_space<vmem_shared>>
      tpu.enqueue_indirect_dma source(%arg26 : memref<128xf32, #tpu.memory_space<vmem>>) target(%dma_start3A_325 : memref<10240xf32, #tpu.memory_space<vmem_shared>>) offsets(%dma_start3A_323 : memref<128xi32, #tpu.memory_space<vmem>>) semaphore(%arg25 : memref<!tpu.dma_semaphore, #tpu.memory_space<semaphore_mem>>) {add = true}
    }
    %while3A_138 = arith.constant 1 : i32
    scf.for %while3A_192 = %while3A_136 to %while3A_132 step %while3A_138  : i32 {
      %mul3A_193 = arith.constant 4 : i32
      %mul3A_194 = arith.muli %while3A_192, %mul3A_193 : i32
      %add3A_195 = arith.constant 0 : i32
      %add3A_196 = arith.addi %mul3A_194, %add3A_195 : i32
      %ge3A = arith.constant 1 : i32
      %ge3A_197 = arith.cmpi sge, %add3A_196, %ge3A : i32
      %sub3A_198 = arith.constant 1 : i32
      %sub3A_199 = arith.subi %add3A_196, %sub3A_198 : i32
      %add3A_200 = arith.constant 4 : i32
      %add3A_201 = arith.addi %sub3A_199, %add3A_200 : i32
      %lt3A = arith.cmpi slt, %add3A_201, %select_n3A : i32
      %and3A_202 = arith.andi %ge3A_197, %lt3A : i1
      %convert_element_type3A = arith.extui %and3A_202 : i1 to i32
      %cond3A = arith.constant 0 : i32
      %cond3A_203 = arith.cmpi ne, %convert_element_type3A, %cond3A : i32
      scf.if %cond3A_203 {
        %dma_wait3A_326 = arith.constant 0 : i32
        %dma_wait3A_327 = arith.constant 0 : i32
        %dma_wait3A_328 = tpu.memref_slice %arg9[%dma_wait3A_326, %dma_wait3A_327] : memref<120x128xi32, #tpu.memory_space<vmem>> -> memref<1x128xi32, #tpu.memory_space<vmem>>
        %dma_wait3A_329 = tpu.memref_squeeze %dma_wait3A_328 : memref<1x128xi32, #tpu.memory_space<vmem>> -> memref<128xi32, #tpu.memory_space<vmem>>
        %dma_wait3A_330 = arith.constant 0 : i32
        %dma_wait3A_331 = arith.constant 0 : i32
        %dma_wait3A_332 = tpu.memref_slice %arg12[%dma_wait3A_330, %dma_wait3A_331] : memref<10240x64xf32, #tpu.memory_space<vmem_shared>> -> memref<10240x64xf32, #tpu.memory_space<vmem_shared>>
        tpu.wait_indirect_dma semaphore(%arg25 : memref<!tpu.dma_semaphore, #tpu.memory_space<semaphore_mem>>) src(%arg17 : memref<128x64xf32, #tpu.memory_space<vmem>>) dst(%dma_wait3A_332 : memref<10240x64xf32, #tpu.memory_space<vmem_shared>>)
        %dma_wait3A_333 = arith.constant 0 : i32
        %dma_wait3A_334 = arith.constant 0 : i32
        %dma_wait3A_335 = tpu.memref_slice %arg9[%dma_wait3A_333, %dma_wait3A_334] : memref<120x128xi32, #tpu.memory_space<vmem>> -> memref<1x128xi32, #tpu.memory_space<vmem>>
        %dma_wait3A_336 = tpu.memref_squeeze %dma_wait3A_335 : memref<1x128xi32, #tpu.memory_space<vmem>> -> memref<128xi32, #tpu.memory_space<vmem>>
        %dma_wait3A_337 = arith.constant 0 : i32
        %dma_wait3A_338 = tpu.memref_slice %arg28[%dma_wait3A_337] : memref<10240xf32, #tpu.memory_space<vmem_shared>> -> memref<10240xf32, #tpu.memory_space<vmem_shared>>
        tpu.wait_indirect_dma semaphore(%arg25 : memref<!tpu.dma_semaphore, #tpu.memory_space<semaphore_mem>>) src(%arg26 : memref<128xf32, #tpu.memory_space<vmem>>) dst(%dma_wait3A_338 : memref<10240xf32, #tpu.memory_space<vmem_shared>>)
        %sub3A_339 = arith.constant 1 : i32
        %sub3A_340 = arith.subi %add3A_196, %sub3A_339 : i32
        %add3A_341 = arith.constant 4 : i32
        %add3A_342 = arith.addi %sub3A_340, %add3A_341 : i32
        %dma_start3A_343 = arith.constant 0 : i32
        %dma_start3A_344 = tpu.memref_slice %arg8[%add3A_342, %dma_start3A_343] : memref<120x128xi32, #tpu.memory_space<vmem>> -> memref<1x128xi32, #tpu.memory_space<vmem>>
        %dma_start3A_345 = tpu.memref_squeeze %dma_start3A_344 : memref<1x128xi32, #tpu.memory_space<vmem>> -> memref<128xi32, #tpu.memory_space<vmem>>
        %dma_start3A_346 = arith.constant 0 : i32
        %dma_start3A_347 = arith.constant 0 : i32
        %dma_start3A_348 = tpu.memref_slice %arg2[%dma_start3A_346, %dma_start3A_347] : memref<10000x64xf32, #tpu.memory_space<hbm>> -> memref<10000x64xf32, #tpu.memory_space<hbm>>
        tpu.enqueue_indirect_dma source(%dma_start3A_348 : memref<10000x64xf32, #tpu.memory_space<hbm>>) target(%arg17 : memref<128x64xf32, #tpu.memory_space<vmem>>) offsets(%dma_start3A_345 : memref<128xi32, #tpu.memory_space<vmem>>) semaphore(%arg21 : memref<!tpu.dma_semaphore, #tpu.memory_space<semaphore_mem>>)
      } else {
      }
      %dma_wait3A_204 = arith.constant 0 : i32
      %dma_wait3A_205 = arith.constant 0 : i32
      %dma_wait3A_206 = tpu.memref_slice %arg8[%dma_wait3A_204, %dma_wait3A_205] : memref<120x128xi32, #tpu.memory_space<vmem>> -> memref<1x128xi32, #tpu.memory_space<vmem>>
      %dma_wait3A_207 = tpu.memref_squeeze %dma_wait3A_206 : memref<1x128xi32, #tpu.memory_space<vmem>> -> memref<128xi32, #tpu.memory_space<vmem>>
      %dma_wait3A_208 = arith.constant 0 : i32
      %dma_wait3A_209 = arith.constant 0 : i32
      %dma_wait3A_210 = tpu.memref_slice %arg2[%dma_wait3A_208, %dma_wait3A_209] : memref<10000x64xf32, #tpu.memory_space<hbm>> -> memref<10000x64xf32, #tpu.memory_space<hbm>>
      tpu.wait_indirect_dma semaphore(%arg18 : memref<!tpu.dma_semaphore, #tpu.memory_space<semaphore_mem>>) src(%dma_wait3A_210 : memref<10000x64xf32, #tpu.memory_space<hbm>>) dst(%arg14 : memref<128x64xf32, #tpu.memory_space<vmem>>)
      %parallel_loop3A = arith.constant 0 : i32
      %parallel_loop3A_211 = arith.constant 8 : i32
      %parallel_loop3A_212 = arith.constant 1 : i32
      scf.for %parallel_loop3A_326 = %parallel_loop3A to %parallel_loop3A_211 step %parallel_loop3A_212  : i32 {
        %parallel_loop3A_327 = arith.constant 16 : i32
        %parallel_loop3A_328 = arith.muli %parallel_loop3A_326, %parallel_loop3A_327 : i32
        %parallel_loop3A_329 = arith.index_cast %add3A_196 : i32 to index
        %parallel_loop3A_330 = arith.index_cast %parallel_loop3A_328 : i32 to index
        %parallel_loop3A_331 = tpu.vector_load %arg10[%parallel_loop3A_329, %parallel_loop3A_330] {strides = array<i32>} : memref<120x128xf32, #tpu.memory_space<vmem>>, vector<1x16xf32>,
        %parallel_loop3A_332 = vector.shape_cast %parallel_loop3A_331 : vector<1x16xf32> to vector<16xf32>
        %parallel_loop3A_333 = arith.constant 0 : i32
        %parallel_loop3A_334 = arith.constant 0 : i32
        %parallel_loop3A_335 = arith.constant 16 : i32
        %parallel_loop3A_336 = arith.addi %parallel_loop3A_334, %parallel_loop3A_335 : i32
        %parallel_loop3A_337 = arith.constant 1 : i32
        scf.for %scan3A_339 = %parallel_loop3A_334 to %parallel_loop3A_336 step %parallel_loop3A_337  : i32 {
          %parallel_loop3A_340 = arith.constant 16 : i32
          %parallel_loop3A_341 = arith.muli %parallel_loop3A_326, %parallel_loop3A_340 : i32
          %parallel_loop3A_342 = arith.addi %parallel_loop3A_341, %scan3A_339 : i32
          %parallel_loop3A_343 = vector.broadcast %scan3A_339 : i32 to vector<16x1xi32>
          %parallel_loop3A_344 = vector.shape_cast %parallel_loop3A_343 : vector<16x1xi32> to vector<16xi32>
          %parallel_loop3A_345 = tpu.dynamic_gather %parallel_loop3A_332[%parallel_loop3A_344] in [0] : vector<16xf32>, vector<16xi32> -> vector<16xf32>
          %parallel_loop3A_346 = arith.index_cast %parallel_loop3A_342 : i32 to index
          %parallel_loop3A_347 = arith.constant 0 : index
          %parallel_loop3A_348 = tpu.vector_load %arg14[%parallel_loop3A_346, %parallel_loop3A_347] {strides = array<i32>} : memref<128x64xf32, #tpu.memory_space<vmem>>, vector<1x16xf32>,
          %parallel_loop3A_349 = vector.shape_cast %parallel_loop3A_348 : vector<1x16xf32> to vector<16xf32>
          %parallel_loop3A_350 = arith.mulf %parallel_loop3A_349, %parallel_loop3A_345 : vector<16xf32>
          %parallel_loop3A_351 = arith.index_cast %parallel_loop3A_342 : i32 to index
          %parallel_loop3A_352 = arith.constant 0 : index
          %parallel_loop3A_353 = tpu.vector_load %arg14[%parallel_loop3A_351, %parallel_loop3A_352] {strides = array<i32>} : memref<128x64xf32, #tpu.memory_space<vmem>>, vector<1x16xf32>,
          %parallel_loop3A_354 = vector.shape_cast %parallel_loop3A_353 : vector<1x16xf32> to vector<16xf32>
          %parallel_loop3A_355 = vector.shape_cast %parallel_loop3A_350 : vector<16xf32> to vector<1x16xf32>
          tpu.vector_store %arg14[%parallel_loop3A_351, %parallel_loop3A_352], %parallel_loop3A_355 {strides = array<i32>} : memref<128x64xf32, #tpu.memory_space<vmem>>, vector<1x16xf32>,
          %parallel_loop3A_356 = arith.index_cast %parallel_loop3A_342 : i32 to index
          %parallel_loop3A_357 = arith.constant 16 : index
          %parallel_loop3A_358 = tpu.vector_load %arg14[%parallel_loop3A_356, %parallel_loop3A_357] {strides = array<i32>} : memref<128x64xf32, #tpu.memory_space<vmem>>, vector<1x16xf32>,
          %parallel_loop3A_359 = vector.shape_cast %parallel_loop3A_358 : vector<1x16xf32> to vector<16xf32>
          %parallel_loop3A_360 = arith.mulf %parallel_loop3A_359, %parallel_loop3A_345 : vector<16xf32>
          %parallel_loop3A_361 = arith.index_cast %parallel_loop3A_342 : i32 to index
          %parallel_loop3A_362 = arith.constant 16 : index
          %parallel_loop3A_363 = tpu.vector_load %arg14[%parallel_loop3A_361, %parallel_loop3A_362] {strides = array<i32>} : memref<128x64xf32, #tpu.memory_space<vmem>>, vector<1x16xf32>,
          %parallel_loop3A_364 = vector.shape_cast %parallel_loop3A_363 : vector<1x16xf32> to vector<16xf32>
          %parallel_loop3A_365 = vector.shape_cast %parallel_loop3A_360 : vector<16xf32> to vector<1x16xf32>
          tpu.vector_store %arg14[%parallel_loop3A_361, %parallel_loop3A_362], %parallel_loop3A_365 {strides = array<i32>} : memref<128x64xf32, #tpu.memory_space<vmem>>, vector<1x16xf32>,
          %parallel_loop3A_366 = arith.index_cast %parallel_loop3A_342 : i32 to index
          %parallel_loop3A_367 = arith.constant 32 : index
          %parallel_loop3A_368 = tpu.vector_load %arg14[%parallel_loop3A_366, %parallel_loop3A_367] {strides = array<i32>} : memref<128x64xf32, #tpu.memory_space<vmem>>, vector<1x16xf32>,
          %parallel_loop3A_369 = vector.shape_cast %parallel_loop3A_368 : vector<1x16xf32> to vector<16xf32>
          %parallel_loop3A_370 = arith.mulf %parallel_loop3A_369, %parallel_loop3A_345 : vector<16xf32>
          %parallel_loop3A_371 = arith.index_cast %parallel_loop3A_342 : i32 to index
          %parallel_loop3A_372 = arith.constant 32 : index
          %parallel_loop3A_373 = tpu.vector_load %arg14[%parallel_loop3A_371, %parallel_loop3A_372] {strides = array<i32>} : memref<128x64xf32, #tpu.memory_space<vmem>>, vector<1x16xf32>,
          %parallel_loop3A_374 = vector.shape_cast %parallel_loop3A_373 : vector<1x16xf32> to vector<16xf32>
          %parallel_loop3A_375 = vector.shape_cast %parallel_loop3A_370 : vector<16xf32> to vector<1x16xf32>
          tpu.vector_store %arg14[%parallel_loop3A_371, %parallel_loop3A_372], %parallel_loop3A_375 {strides = array<i32>} : memref<128x64xf32, #tpu.memory_space<vmem>>, vector<1x16xf32>,
          %parallel_loop3A_376 = arith.index_cast %parallel_loop3A_342 : i32 to index
          %parallel_loop3A_377 = arith.constant 48 : index
          %parallel_loop3A_378 = tpu.vector_load %arg14[%parallel_loop3A_376, %parallel_loop3A_377] {strides = array<i32>} : memref<128x64xf32, #tpu.memory_space<vmem>>, vector<1x16xf32>,
          %parallel_loop3A_379 = vector.shape_cast %parallel_loop3A_378 : vector<1x16xf32> to vector<16xf32>
          %parallel_loop3A_380 = arith.mulf %parallel_loop3A_379, %parallel_loop3A_345 : vector<16xf32>
          %parallel_loop3A_381 = arith.index_cast %parallel_loop3A_342 : i32 to index
          %parallel_loop3A_382 = arith.constant 48 : index
          %parallel_loop3A_383 = tpu.vector_load %arg14[%parallel_loop3A_381, %parallel_loop3A_382] {strides = array<i32>} : memref<128x64xf32, #tpu.memory_space<vmem>>, vector<1x16xf32>,
          %parallel_loop3A_384 = vector.shape_cast %parallel_loop3A_383 : vector<1x16xf32> to vector<16xf32>
          %parallel_loop3A_385 = vector.shape_cast %parallel_loop3A_380 : vector<16xf32> to vector<1x16xf32>
          tpu.vector_store %arg14[%parallel_loop3A_381, %parallel_loop3A_382], %parallel_loop3A_385 {strides = array<i32>} : memref<128x64xf32, #tpu.memory_space<vmem>>, vector<1x16xf32>,
        }
        %parallel_loop3A_338 = arith.constant 16 : i32
      } {sc.loop_unroll_factor = 1 : i64, sc.parallel_access}
      %dma_start3A_213 = arith.constant 0 : i32
      %dma_start3A_214 = tpu.memref_slice %arg9[%add3A_196, %dma_start3A_213] : memref<120x128xi32, #tpu.memory_space<vmem>> -> memref<1x128xi32, #tpu.memory_space<vmem>>
      %dma_start3A_215 = tpu.memref_squeeze %dma_start3A_214 : memref<1x128xi32, #tpu.memory_space<vmem>> -> memref<128xi32, #tpu.memory_space<vmem>>
      %dma_start3A_216 = arith.constant 0 : i32
      %dma_start3A_217 = arith.constant 0 : i32
      %dma_start3A_218 = tpu.memref_slice %arg12[%dma_start3A_216, %dma_start3A_217] : memref<10240x64xf32, #tpu.memory_space<vmem_shared>> -> memref<10240x64xf32, #tpu.memory_space<vmem_shared>>
      tpu.enqueue_indirect_dma source(%arg14 : memref<128x64xf32, #tpu.memory_space<vmem>>) target(%dma_start3A_218 : memref<10240x64xf32, #tpu.memory_space<vmem_shared>>) offsets(%dma_start3A_215 : memref<128xi32, #tpu.memory_space<vmem>>) semaphore(%arg22 : memref<!tpu.dma_semaphore, #tpu.memory_space<semaphore_mem>>) {add = true}
      %dma_start3A_219 = arith.constant 0 : i32
      %dma_start3A_220 = tpu.memref_slice %arg9[%add3A_196, %dma_start3A_219] : memref<120x128xi32, #tpu.memory_space<vmem>> -> memref<1x128xi32, #tpu.memory_space<vmem>>
      %dma_start3A_221 = tpu.memref_squeeze %dma_start3A_220 : memref<1x128xi32, #tpu.memory_space<vmem>> -> memref<128xi32, #tpu.memory_space<vmem>>
      %dma_start3A_222 = arith.constant 0 : i32
      %dma_start3A_223 = tpu.memref_slice %arg28[%dma_start3A_222] : memref<10240xf32, #tpu.memory_space<vmem_shared>> -> memref<10240xf32, #tpu.memory_space<vmem_shared>>
      tpu.enqueue_indirect_dma source(%arg26 : memref<128xf32, #tpu.memory_space<vmem>>) target(%dma_start3A_223 : memref<10240xf32, #tpu.memory_space<vmem_shared>>) offsets(%dma_start3A_221 : memref<128xi32, #tpu.memory_space<vmem>>) semaphore(%arg22 : memref<!tpu.dma_semaphore, #tpu.memory_space<semaphore_mem>>) {add = true}
      %add3A_224 = arith.constant 1 : i32
      %add3A_225 = arith.addi %mul3A_194, %add3A_224 : i32
      %ge3A_226 = arith.constant 1 : i32
      %ge3A_227 = arith.cmpi sge, %add3A_225, %ge3A_226 : i32
      %sub3A_228 = arith.constant 1 : i32
      %sub3A_229 = arith.subi %add3A_225, %sub3A_228 : i32
      %add3A_230 = arith.constant 4 : i32
      %add3A_231 = arith.addi %sub3A_229, %add3A_230 : i32
      %lt3A_232 = arith.cmpi slt, %add3A_231, %select_n3A : i32
      %and3A_233 = arith.andi %ge3A_227, %lt3A_232 : i1
      %convert_element_type3A_234 = arith.extui %and3A_233 : i1 to i32
      %cond3A_235 = arith.constant 0 : i32
      %cond3A_236 = arith.cmpi ne, %convert_element_type3A_234, %cond3A_235 : i32
      scf.if %cond3A_236 {
        %dma_wait3A_326 = arith.constant 0 : i32
        %dma_wait3A_327 = arith.constant 0 : i32
        %dma_wait3A_328 = tpu.memref_slice %arg9[%dma_wait3A_326, %dma_wait3A_327] : memref<120x128xi32, #tpu.memory_space<vmem>> -> memref<1x128xi32, #tpu.memory_space<vmem>>
        %dma_wait3A_329 = tpu.memref_squeeze %dma_wait3A_328 : memref<1x128xi32, #tpu.memory_space<vmem>> -> memref<128xi32, #tpu.memory_space<vmem>>
        %dma_wait3A_330 = arith.constant 0 : i32
        %dma_wait3A_331 = arith.constant 0 : i32
        %dma_wait3A_332 = tpu.memref_slice %arg12[%dma_wait3A_330, %dma_wait3A_331] : memref<10240x64xf32, #tpu.memory_space<vmem_shared>> -> memref<10240x64xf32, #tpu.memory_space<vmem_shared>>
        tpu.wait_indirect_dma semaphore(%arg22 : memref<!tpu.dma_semaphore, #tpu.memory_space<semaphore_mem>>) src(%arg14 : memref<128x64xf32, #tpu.memory_space<vmem>>) dst(%dma_wait3A_332 : memref<10240x64xf32, #tpu.memory_space<vmem_shared>>)
        %dma_wait3A_333 = arith.constant 0 : i32
        %dma_wait3A_334 = arith.constant 0 : i32
        %dma_wait3A_335 = tpu.memref_slice %arg9[%dma_wait3A_333, %dma_wait3A_334] : memref<120x128xi32, #tpu.memory_space<vmem>> -> memref<1x128xi32, #tpu.memory_space<vmem>>
        %dma_wait3A_336 = tpu.memref_squeeze %dma_wait3A_335 : memref<1x128xi32, #tpu.memory_space<vmem>> -> memref<128xi32, #tpu.memory_space<vmem>>
        %dma_wait3A_337 = arith.constant 0 : i32
        %dma_wait3A_338 = tpu.memref_slice %arg28[%dma_wait3A_337] : memref<10240xf32, #tpu.memory_space<vmem_shared>> -> memref<10240xf32, #tpu.memory_space<vmem_shared>>
        tpu.wait_indirect_dma semaphore(%arg22 : memref<!tpu.dma_semaphore, #tpu.memory_space<semaphore_mem>>) src(%arg26 : memref<128xf32, #tpu.memory_space<vmem>>) dst(%dma_wait3A_338 : memref<10240xf32, #tpu.memory_space<vmem_shared>>)
        %sub3A_339 = arith.constant 1 : i32
        %sub3A_340 = arith.subi %add3A_225, %sub3A_339 : i32
        %add3A_341 = arith.constant 4 : i32
        %add3A_342 = arith.addi %sub3A_340, %add3A_341 : i32
        %dma_start3A_343 = arith.constant 0 : i32
        %dma_start3A_344 = tpu.memref_slice %arg8[%add3A_342, %dma_start3A_343] : memref<120x128xi32, #tpu.memory_space<vmem>> -> memref<1x128xi32, #tpu.memory_space<vmem>>
        %dma_start3A_345 = tpu.memref_squeeze %dma_start3A_344 : memref<1x128xi32, #tpu.memory_space<vmem>> -> memref<128xi32, #tpu.memory_space<vmem>>
        %dma_start3A_346 = arith.constant 0 : i32
        %dma_start3A_347 = arith.constant 0 : i32
        %dma_start3A_348 = tpu.memref_slice %arg2[%dma_start3A_346, %dma_start3A_347] : memref<10000x64xf32, #tpu.memory_space<hbm>> -> memref<10000x64xf32, #tpu.memory_space<hbm>>
        tpu.enqueue_indirect_dma source(%dma_start3A_348 : memref<10000x64xf32, #tpu.memory_space<hbm>>) target(%arg14 : memref<128x64xf32, #tpu.memory_space<vmem>>) offsets(%dma_start3A_345 : memref<128xi32, #tpu.memory_space<vmem>>) semaphore(%arg18 : memref<!tpu.dma_semaphore, #tpu.memory_space<semaphore_mem>>)
      } else {
      }
      %dma_wait3A_237 = arith.constant 0 : i32
      %dma_wait3A_238 = arith.constant 0 : i32
      %dma_wait3A_239 = tpu.memref_slice %arg8[%dma_wait3A_237, %dma_wait3A_238] : memref<120x128xi32, #tpu.memory_space<vmem>> -> memref<1x128xi32, #tpu.memory_space<vmem>>
      %dma_wait3A_240 = tpu.memref_squeeze %dma_wait3A_239 : memref<1x128xi32, #tpu.memory_space<vmem>> -> memref<128xi32, #tpu.memory_space<vmem>>
      %dma_wait3A_241 = arith.constant 0 : i32
      %dma_wait3A_242 = arith.constant 0 : i32
      %dma_wait3A_243 = tpu.memref_slice %arg2[%dma_wait3A_241, %dma_wait3A_242] : memref<10000x64xf32, #tpu.memory_space<hbm>> -> memref<10000x64xf32, #tpu.memory_space<hbm>>
      tpu.wait_indirect_dma semaphore(%arg19 : memref<!tpu.dma_semaphore, #tpu.memory_space<semaphore_mem>>) src(%dma_wait3A_243 : memref<10000x64xf32, #tpu.memory_space<hbm>>) dst(%arg15 : memref<128x64xf32, #tpu.memory_space<vmem>>)
      %parallel_loop3A_244 = arith.constant 0 : i32
      %parallel_loop3A_245 = arith.constant 8 : i32
      %parallel_loop3A_246 = arith.constant 1 : i32
      scf.for %parallel_loop3A_326 = %parallel_loop3A_244 to %parallel_loop3A_245 step %parallel_loop3A_246  : i32 {
        %parallel_loop3A_327 = arith.constant 16 : i32
        %parallel_loop3A_328 = arith.muli %parallel_loop3A_326, %parallel_loop3A_327 : i32
        %parallel_loop3A_329 = arith.index_cast %add3A_225 : i32 to index
        %parallel_loop3A_330 = arith.index_cast %parallel_loop3A_328 : i32 to index
        %parallel_loop3A_331 = tpu.vector_load %arg10[%parallel_loop3A_329, %parallel_loop3A_330] {strides = array<i32>} : memref<120x128xf32, #tpu.memory_space<vmem>>, vector<1x16xf32>,
        %parallel_loop3A_332 = vector.shape_cast %parallel_loop3A_331 : vector<1x16xf32> to vector<16xf32>
        %parallel_loop3A_333 = arith.constant 0 : i32
        %parallel_loop3A_334 = arith.constant 0 : i32
        %parallel_loop3A_335 = arith.constant 16 : i32
        %parallel_loop3A_336 = arith.addi %parallel_loop3A_334, %parallel_loop3A_335 : i32
        %parallel_loop3A_337 = arith.constant 1 : i32
        scf.for %scan3A_339 = %parallel_loop3A_334 to %parallel_loop3A_336 step %parallel_loop3A_337  : i32 {
          %parallel_loop3A_340 = arith.constant 16 : i32
          %parallel_loop3A_341 = arith.muli %parallel_loop3A_326, %parallel_loop3A_340 : i32
          %parallel_loop3A_342 = arith.addi %parallel_loop3A_341, %scan3A_339 : i32
          %parallel_loop3A_343 = vector.broadcast %scan3A_339 : i32 to vector<16x1xi32>
          %parallel_loop3A_344 = vector.shape_cast %parallel_loop3A_343 : vector<16x1xi32> to vector<16xi32>
          %parallel_loop3A_345 = tpu.dynamic_gather %parallel_loop3A_332[%parallel_loop3A_344] in [0] : vector<16xf32>, vector<16xi32> -> vector<16xf32>
          %parallel_loop3A_346 = arith.index_cast %parallel_loop3A_342 : i32 to index
          %parallel_loop3A_347 = arith.constant 0 : index
          %parallel_loop3A_348 = tpu.vector_load %arg15[%parallel_loop3A_346, %parallel_loop3A_347] {strides = array<i32>} : memref<128x64xf32, #tpu.memory_space<vmem>>, vector<1x16xf32>,
          %parallel_loop3A_349 = vector.shape_cast %parallel_loop3A_348 : vector<1x16xf32> to vector<16xf32>
          %parallel_loop3A_350 = arith.mulf %parallel_loop3A_349, %parallel_loop3A_345 : vector<16xf32>
          %parallel_loop3A_351 = arith.index_cast %parallel_loop3A_342 : i32 to index
          %parallel_loop3A_352 = arith.constant 0 : index
          %parallel_loop3A_353 = tpu.vector_load %arg15[%parallel_loop3A_351, %parallel_loop3A_352] {strides = array<i32>} : memref<128x64xf32, #tpu.memory_space<vmem>>, vector<1x16xf32>,
          %parallel_loop3A_354 = vector.shape_cast %parallel_loop3A_353 : vector<1x16xf32> to vector<16xf32>
          %parallel_loop3A_355 = vector.shape_cast %parallel_loop3A_350 : vector<16xf32> to vector<1x16xf32>
          tpu.vector_store %arg15[%parallel_loop3A_351, %parallel_loop3A_352], %parallel_loop3A_355 {strides = array<i32>} : memref<128x64xf32, #tpu.memory_space<vmem>>, vector<1x16xf32>,
          %parallel_loop3A_356 = arith.index_cast %parallel_loop3A_342 : i32 to index
          %parallel_loop3A_357 = arith.constant 16 : index
          %parallel_loop3A_358 = tpu.vector_load %arg15[%parallel_loop3A_356, %parallel_loop3A_357] {strides = array<i32>} : memref<128x64xf32, #tpu.memory_space<vmem>>, vector<1x16xf32>,
          %parallel_loop3A_359 = vector.shape_cast %parallel_loop3A_358 : vector<1x16xf32> to vector<16xf32>
          %parallel_loop3A_360 = arith.mulf %parallel_loop3A_359, %parallel_loop3A_345 : vector<16xf32>
          %parallel_loop3A_361 = arith.index_cast %parallel_loop3A_342 : i32 to index
          %parallel_loop3A_362 = arith.constant 16 : index
          %parallel_loop3A_363 = tpu.vector_load %arg15[%parallel_loop3A_361, %parallel_loop3A_362] {strides = array<i32>} : memref<128x64xf32, #tpu.memory_space<vmem>>, vector<1x16xf32>,
          %parallel_loop3A_364 = vector.shape_cast %parallel_loop3A_363 : vector<1x16xf32> to vector<16xf32>
          %parallel_loop3A_365 = vector.shape_cast %parallel_loop3A_360 : vector<16xf32> to vector<1x16xf32>
          tpu.vector_store %arg15[%parallel_loop3A_361, %parallel_loop3A_362], %parallel_loop3A_365 {strides = array<i32>} : memref<128x64xf32, #tpu.memory_space<vmem>>, vector<1x16xf32>,
          %parallel_loop3A_366 = arith.index_cast %parallel_loop3A_342 : i32 to index
          %parallel_loop3A_367 = arith.constant 32 : index
          %parallel_loop3A_368 = tpu.vector_load %arg15[%parallel_loop3A_366, %parallel_loop3A_367] {strides = array<i32>} : memref<128x64xf32, #tpu.memory_space<vmem>>, vector<1x16xf32>,
          %parallel_loop3A_369 = vector.shape_cast %parallel_loop3A_368 : vector<1x16xf32> to vector<16xf32>
          %parallel_loop3A_370 = arith.mulf %parallel_loop3A_369, %parallel_loop3A_345 : vector<16xf32>
          %parallel_loop3A_371 = arith.index_cast %parallel_loop3A_342 : i32 to index
          %parallel_loop3A_372 = arith.constant 32 : index
          %parallel_loop3A_373 = tpu.vector_load %arg15[%parallel_loop3A_371, %parallel_loop3A_372] {strides = array<i32>} : memref<128x64xf32, #tpu.memory_space<vmem>>, vector<1x16xf32>,
          %parallel_loop3A_374 = vector.shape_cast %parallel_loop3A_373 : vector<1x16xf32> to vector<16xf32>
          %parallel_loop3A_375 = vector.shape_cast %parallel_loop3A_370 : vector<16xf32> to vector<1x16xf32>
          tpu.vector_store %arg15[%parallel_loop3A_371, %parallel_loop3A_372], %parallel_loop3A_375 {strides = array<i32>} : memref<128x64xf32, #tpu.memory_space<vmem>>, vector<1x16xf32>,
          %parallel_loop3A_376 = arith.index_cast %parallel_loop3A_342 : i32 to index
          %parallel_loop3A_377 = arith.constant 48 : index
          %parallel_loop3A_378 = tpu.vector_load %arg15[%parallel_loop3A_376, %parallel_loop3A_377] {strides = array<i32>} : memref<128x64xf32, #tpu.memory_space<vmem>>, vector<1x16xf32>,
          %parallel_loop3A_379 = vector.shape_cast %parallel_loop3A_378 : vector<1x16xf32> to vector<16xf32>
          %parallel_loop3A_380 = arith.mulf %parallel_loop3A_379, %parallel_loop3A_345 : vector<16xf32>
          %parallel_loop3A_381 = arith.index_cast %parallel_loop3A_342 : i32 to index
          %parallel_loop3A_382 = arith.constant 48 : index
          %parallel_loop3A_383 = tpu.vector_load %arg15[%parallel_loop3A_381, %parallel_loop3A_382] {strides = array<i32>} : memref<128x64xf32, #tpu.memory_space<vmem>>, vector<1x16xf32>,
          %parallel_loop3A_384 = vector.shape_cast %parallel_loop3A_383 : vector<1x16xf32> to vector<16xf32>
          %parallel_loop3A_385 = vector.shape_cast %parallel_loop3A_380 : vector<16xf32> to vector<1x16xf32>
          tpu.vector_store %arg15[%parallel_loop3A_381, %parallel_loop3A_382], %parallel_loop3A_385 {strides = array<i32>} : memref<128x64xf32, #tpu.memory_space<vmem>>, vector<1x16xf32>,
        }
        %parallel_loop3A_338 = arith.constant 16 : i32
      } {sc.loop_unroll_factor = 1 : i64, sc.parallel_access}
      %dma_start3A_247 = arith.constant 0 : i32
      %dma_start3A_248 = tpu.memref_slice %arg9[%add3A_225, %dma_start3A_247] : memref<120x128xi32, #tpu.memory_space<vmem>> -> memref<1x128xi32, #tpu.memory_space<vmem>>
      %dma_start3A_249 = tpu.memref_squeeze %dma_start3A_248 : memref<1x128xi32, #tpu.memory_space<vmem>> -> memref<128xi32, #tpu.memory_space<vmem>>
      %dma_start3A_250 = arith.constant 0 : i32
      %dma_start3A_251 = arith.constant 0 : i32
      %dma_start3A_252 = tpu.memref_slice %arg12[%dma_start3A_250, %dma_start3A_251] : memref<10240x64xf32, #tpu.memory_space<vmem_shared>> -> memref<10240x64xf32, #tpu.memory_space<vmem_shared>>
      tpu.enqueue_indirect_dma source(%arg15 : memref<128x64xf32, #tpu.memory_space<vmem>>) target(%dma_start3A_252 : memref<10240x64xf32, #tpu.memory_space<vmem_shared>>) offsets(%dma_start3A_249 : memref<128xi32, #tpu.memory_space<vmem>>) semaphore(%arg23 : memref<!tpu.dma_semaphore, #tpu.memory_space<semaphore_mem>>) {add = true}
      %dma_start3A_253 = arith.constant 0 : i32
      %dma_start3A_254 = tpu.memref_slice %arg9[%add3A_225, %dma_start3A_253] : memref<120x128xi32, #tpu.memory_space<vmem>> -> memref<1x128xi32, #tpu.memory_space<vmem>>
      %dma_start3A_255 = tpu.memref_squeeze %dma_start3A_254 : memref<1x128xi32, #tpu.memory_space<vmem>> -> memref<128xi32, #tpu.memory_space<vmem>>
      %dma_start3A_256 = arith.constant 0 : i32
      %dma_start3A_257 = tpu.memref_slice %arg28[%dma_start3A_256] : memref<10240xf32, #tpu.memory_space<vmem_shared>> -> memref<10240xf32, #tpu.memory_space<vmem_shared>>
      tpu.enqueue_indirect_dma source(%arg26 : memref<128xf32, #tpu.memory_space<vmem>>) target(%dma_start3A_257 : memref<10240xf32, #tpu.memory_space<vmem_shared>>) offsets(%dma_start3A_255 : memref<128xi32, #tpu.memory_space<vmem>>) semaphore(%arg23 : memref<!tpu.dma_semaphore, #tpu.memory_space<semaphore_mem>>) {add = true}
      %add3A_258 = arith.constant 2 : i32
      %add3A_259 = arith.addi %mul3A_194, %add3A_258 : i32
      %ge3A_260 = arith.constant 1 : i32
      %ge3A_261 = arith.cmpi sge, %add3A_259, %ge3A_260 : i32
      %sub3A_262 = arith.constant 1 : i32
      %sub3A_263 = arith.subi %add3A_259, %sub3A_262 : i32
      %add3A_264 = arith.constant 4 : i32
      %add3A_265 = arith.addi %sub3A_263, %add3A_264 : i32
      %lt3A_266 = arith.cmpi slt, %add3A_265, %select_n3A : i32
      %and3A_267 = arith.andi %ge3A_261, %lt3A_266 : i1
      %convert_element_type3A_268 = arith.extui %and3A_267 : i1 to i32
      %cond3A_269 = arith.constant 0 : i32
      %cond3A_270 = arith.cmpi ne, %convert_element_type3A_268, %cond3A_269 : i32
      scf.if %cond3A_270 {
        %dma_wait3A_326 = arith.constant 0 : i32
        %dma_wait3A_327 = arith.constant 0 : i32
        %dma_wait3A_328 = tpu.memref_slice %arg9[%dma_wait3A_326, %dma_wait3A_327] : memref<120x128xi32, #tpu.memory_space<vmem>> -> memref<1x128xi32, #tpu.memory_space<vmem>>
        %dma_wait3A_329 = tpu.memref_squeeze %dma_wait3A_328 : memref<1x128xi32, #tpu.memory_space<vmem>> -> memref<128xi32, #tpu.memory_space<vmem>>
        %dma_wait3A_330 = arith.constant 0 : i32
        %dma_wait3A_331 = arith.constant 0 : i32
        %dma_wait3A_332 = tpu.memref_slice %arg12[%dma_wait3A_330, %dma_wait3A_331] : memref<10240x64xf32, #tpu.memory_space<vmem_shared>> -> memref<10240x64xf32, #tpu.memory_space<vmem_shared>>
        tpu.wait_indirect_dma semaphore(%arg23 : memref<!tpu.dma_semaphore, #tpu.memory_space<semaphore_mem>>) src(%arg15 : memref<128x64xf32, #tpu.memory_space<vmem>>) dst(%dma_wait3A_332 : memref<10240x64xf32, #tpu.memory_space<vmem_shared>>)
        %dma_wait3A_333 = arith.constant 0 : i32
        %dma_wait3A_334 = arith.constant 0 : i32
        %dma_wait3A_335 = tpu.memref_slice %arg9[%dma_wait3A_333, %dma_wait3A_334] : memref<120x128xi32, #tpu.memory_space<vmem>> -> memref<1x128xi32, #tpu.memory_space<vmem>>
        %dma_wait3A_336 = tpu.memref_squeeze %dma_wait3A_335 : memref<1x128xi32, #tpu.memory_space<vmem>> -> memref<128xi32, #tpu.memory_space<vmem>>
        %dma_wait3A_337 = arith.constant 0 : i32
        %dma_wait3A_338 = tpu.memref_slice %arg28[%dma_wait3A_337] : memref<10240xf32, #tpu.memory_space<vmem_shared>> -> memref<10240xf32, #tpu.memory_space<vmem_shared>>
        tpu.wait_indirect_dma semaphore(%arg23 : memref<!tpu.dma_semaphore, #tpu.memory_space<semaphore_mem>>) src(%arg26 : memref<128xf32, #tpu.memory_space<vmem>>) dst(%dma_wait3A_338 : memref<10240xf32, #tpu.memory_space<vmem_shared>>)
        %sub3A_339 = arith.constant 1 : i32
        %sub3A_340 = arith.subi %add3A_259, %sub3A_339 : i32
        %add3A_341 = arith.constant 4 : i32
        %add3A_342 = arith.addi %sub3A_340, %add3A_341 : i32
        %dma_start3A_343 = arith.constant 0 : i32
        %dma_start3A_344 = tpu.memref_slice %arg8[%add3A_342, %dma_start3A_343] : memref<120x128xi32, #tpu.memory_space<vmem>> -> memref<1x128xi32, #tpu.memory_space<vmem>>
        %dma_start3A_345 = tpu.memref_squeeze %dma_start3A_344 : memref<1x128xi32, #tpu.memory_space<vmem>> -> memref<128xi32, #tpu.memory_space<vmem>>
        %dma_start3A_346 = arith.constant 0 : i32
        %dma_start3A_347 = arith.constant 0 : i32
        %dma_start3A_348 = tpu.memref_slice %arg2[%dma_start3A_346, %dma_start3A_347] : memref<10000x64xf32, #tpu.memory_space<hbm>> -> memref<10000x64xf32, #tpu.memory_space<hbm>>
        tpu.enqueue_indirect_dma source(%dma_start3A_348 : memref<10000x64xf32, #tpu.memory_space<hbm>>) target(%arg15 : memref<128x64xf32, #tpu.memory_space<vmem>>) offsets(%dma_start3A_345 : memref<128xi32, #tpu.memory_space<vmem>>) semaphore(%arg19 : memref<!tpu.dma_semaphore, #tpu.memory_space<semaphore_mem>>)
      } else {
      }
      %dma_wait3A_271 = arith.constant 0 : i32
      %dma_wait3A_272 = arith.constant 0 : i32
      %dma_wait3A_273 = tpu.memref_slice %arg8[%dma_wait3A_271, %dma_wait3A_272] : memref<120x128xi32, #tpu.memory_space<vmem>> -> memref<1x128xi32, #tpu.memory_space<vmem>>
      %dma_wait3A_274 = tpu.memref_squeeze %dma_wait3A_273 : memref<1x128xi32, #tpu.memory_space<vmem>> -> memref<128xi32, #tpu.memory_space<vmem>>
      %dma_wait3A_275 = arith.constant 0 : i32
      %dma_wait3A_276 = arith.constant 0 : i32
      %dma_wait3A_277 = tpu.memref_slice %arg2[%dma_wait3A_275, %dma_wait3A_276] : memref<10000x64xf32, #tpu.memory_space<hbm>> -> memref<10000x64xf32, #tpu.memory_space<hbm>>
      tpu.wait_indirect_dma semaphore(%arg20 : memref<!tpu.dma_semaphore, #tpu.memory_space<semaphore_mem>>) src(%dma_wait3A_277 : memref<10000x64xf32, #tpu.memory_space<hbm>>) dst(%arg16 : memref<128x64xf32, #tpu.memory_space<vmem>>)
      %parallel_loop3A_278 = arith.constant 0 : i32
      %parallel_loop3A_279 = arith.constant 8 : i32
      %parallel_loop3A_280 = arith.constant 1 : i32
      scf.for %parallel_loop3A_326 = %parallel_loop3A_278 to %parallel_loop3A_279 step %parallel_loop3A_280  : i32 {
        %parallel_loop3A_327 = arith.constant 16 : i32
        %parallel_loop3A_328 = arith.muli %parallel_loop3A_326, %parallel_loop3A_327 : i32
        %parallel_loop3A_329 = arith.index_cast %add3A_259 : i32 to index
        %parallel_loop3A_330 = arith.index_cast %parallel_loop3A_328 : i32 to index
        %parallel_loop3A_331 = tpu.vector_load %arg10[%parallel_loop3A_329, %parallel_loop3A_330] {strides = array<i32>} : memref<120x128xf32, #tpu.memory_space<vmem>>, vector<1x16xf32>,
        %parallel_loop3A_332 = vector.shape_cast %parallel_loop3A_331 : vector<1x16xf32> to vector<16xf32>
        %parallel_loop3A_333 = arith.constant 0 : i32
        %parallel_loop3A_334 = arith.constant 0 : i32
        %parallel_loop3A_335 = arith.constant 16 : i32
        %parallel_loop3A_336 = arith.addi %parallel_loop3A_334, %parallel_loop3A_335 : i32
        %parallel_loop3A_337 = arith.constant 1 : i32
        scf.for %scan3A_339 = %parallel_loop3A_334 to %parallel_loop3A_336 step %parallel_loop3A_337  : i32 {
          %parallel_loop3A_340 = arith.constant 16 : i32
          %parallel_loop3A_341 = arith.muli %parallel_loop3A_326, %parallel_loop3A_340 : i32
          %parallel_loop3A_342 = arith.addi %parallel_loop3A_341, %scan3A_339 : i32
          %parallel_loop3A_343 = vector.broadcast %scan3A_339 : i32 to vector<16x1xi32>
          %parallel_loop3A_344 = vector.shape_cast %parallel_loop3A_343 : vector<16x1xi32> to vector<16xi32>
          %parallel_loop3A_345 = tpu.dynamic_gather %parallel_loop3A_332[%parallel_loop3A_344] in [0] : vector<16xf32>, vector<16xi32> -> vector<16xf32>
          %parallel_loop3A_346 = arith.index_cast %parallel_loop3A_342 : i32 to index
          %parallel_loop3A_347 = arith.constant 0 : index
          %parallel_loop3A_348 = tpu.vector_load %arg16[%parallel_loop3A_346, %parallel_loop3A_347] {strides = array<i32>} : memref<128x64xf32, #tpu.memory_space<vmem>>, vector<1x16xf32>,
          %parallel_loop3A_349 = vector.shape_cast %parallel_loop3A_348 : vector<1x16xf32> to vector<16xf32>
          %parallel_loop3A_350 = arith.mulf %parallel_loop3A_349, %parallel_loop3A_345 : vector<16xf32>
          %parallel_loop3A_351 = arith.index_cast %parallel_loop3A_342 : i32 to index
          %parallel_loop3A_352 = arith.constant 0 : index
          %parallel_loop3A_353 = tpu.vector_load %arg16[%parallel_loop3A_351, %parallel_loop3A_352] {strides = array<i32>} : memref<128x64xf32, #tpu.memory_space<vmem>>, vector<1x16xf32>,
          %parallel_loop3A_354 = vector.shape_cast %parallel_loop3A_353 : vector<1x16xf32> to vector<16xf32>
          %parallel_loop3A_355 = vector.shape_cast %parallel_loop3A_350 : vector<16xf32> to vector<1x16xf32>
          tpu.vector_store %arg16[%parallel_loop3A_351, %parallel_loop3A_352], %parallel_loop3A_355 {strides = array<i32>} : memref<128x64xf32, #tpu.memory_space<vmem>>, vector<1x16xf32>,
          %parallel_loop3A_356 = arith.index_cast %parallel_loop3A_342 : i32 to index
          %parallel_loop3A_357 = arith.constant 16 : index
          %parallel_loop3A_358 = tpu.vector_load %arg16[%parallel_loop3A_356, %parallel_loop3A_357] {strides = array<i32>} : memref<128x64xf32, #tpu.memory_space<vmem>>, vector<1x16xf32>,
          %parallel_loop3A_359 = vector.shape_cast %parallel_loop3A_358 : vector<1x16xf32> to vector<16xf32>
          %parallel_loop3A_360 = arith.mulf %parallel_loop3A_359, %parallel_loop3A_345 : vector<16xf32>
          %parallel_loop3A_361 = arith.index_cast %parallel_loop3A_342 : i32 to index
          %parallel_loop3A_362 = arith.constant 16 : index
          %parallel_loop3A_363 = tpu.vector_load %arg16[%parallel_loop3A_361, %parallel_loop3A_362] {strides = array<i32>} : memref<128x64xf32, #tpu.memory_space<vmem>>, vector<1x16xf32>,
          %parallel_loop3A_364 = vector.shape_cast %parallel_loop3A_363 : vector<1x16xf32> to vector<16xf32>
          %parallel_loop3A_365 = vector.shape_cast %parallel_loop3A_360 : vector<16xf32> to vector<1x16xf32>
          tpu.vector_store %arg16[%parallel_loop3A_361, %parallel_loop3A_362], %parallel_loop3A_365 {strides = array<i32>} : memref<128x64xf32, #tpu.memory_space<vmem>>, vector<1x16xf32>,
          %parallel_loop3A_366 = arith.index_cast %parallel_loop3A_342 : i32 to index
          %parallel_loop3A_367 = arith.constant 32 : index
          %parallel_loop3A_368 = tpu.vector_load %arg16[%parallel_loop3A_366, %parallel_loop3A_367] {strides = array<i32>} : memref<128x64xf32, #tpu.memory_space<vmem>>, vector<1x16xf32>,
          %parallel_loop3A_369 = vector.shape_cast %parallel_loop3A_368 : vector<1x16xf32> to vector<16xf32>
          %parallel_loop3A_370 = arith.mulf %parallel_loop3A_369, %parallel_loop3A_345 : vector<16xf32>
          %parallel_loop3A_371 = arith.index_cast %parallel_loop3A_342 : i32 to index
          %parallel_loop3A_372 = arith.constant 32 : index
          %parallel_loop3A_373 = tpu.vector_load %arg16[%parallel_loop3A_371, %parallel_loop3A_372] {strides = array<i32>} : memref<128x64xf32, #tpu.memory_space<vmem>>, vector<1x16xf32>,
          %parallel_loop3A_374 = vector.shape_cast %parallel_loop3A_373 : vector<1x16xf32> to vector<16xf32>
          %parallel_loop3A_375 = vector.shape_cast %parallel_loop3A_370 : vector<16xf32> to vector<1x16xf32>
          tpu.vector_store %arg16[%parallel_loop3A_371, %parallel_loop3A_372], %parallel_loop3A_375 {strides = array<i32>} : memref<128x64xf32, #tpu.memory_space<vmem>>, vector<1x16xf32>,
          %parallel_loop3A_376 = arith.index_cast %parallel_loop3A_342 : i32 to index
          %parallel_loop3A_377 = arith.constant 48 : index
          %parallel_loop3A_378 = tpu.vector_load %arg16[%parallel_loop3A_376, %parallel_loop3A_377] {strides = array<i32>} : memref<128x64xf32, #tpu.memory_space<vmem>>, vector<1x16xf32>,
          %parallel_loop3A_379 = vector.shape_cast %parallel_loop3A_378 : vector<1x16xf32> to vector<16xf32>
          %parallel_loop3A_380 = arith.mulf %parallel_loop3A_379, %parallel_loop3A_345 : vector<16xf32>
          %parallel_loop3A_381 = arith.index_cast %parallel_loop3A_342 : i32 to index
          %parallel_loop3A_382 = arith.constant 48 : index
          %parallel_loop3A_383 = tpu.vector_load %arg16[%parallel_loop3A_381, %parallel_loop3A_382] {strides = array<i32>} : memref<128x64xf32, #tpu.memory_space<vmem>>, vector<1x16xf32>,
          %parallel_loop3A_384 = vector.shape_cast %parallel_loop3A_383 : vector<1x16xf32> to vector<16xf32>
          %parallel_loop3A_385 = vector.shape_cast %parallel_loop3A_380 : vector<16xf32> to vector<1x16xf32>
          tpu.vector_store %arg16[%parallel_loop3A_381, %parallel_loop3A_382], %parallel_loop3A_385 {strides = array<i32>} : memref<128x64xf32, #tpu.memory_space<vmem>>, vector<1x16xf32>,
        }
        %parallel_loop3A_338 = arith.constant 16 : i32
      } {sc.loop_unroll_factor = 1 : i64, sc.parallel_access}
      %dma_start3A_281 = arith.constant 0 : i32
      %dma_start3A_282 = tpu.memref_slice %arg9[%add3A_259, %dma_start3A_281] : memref<120x128xi32, #tpu.memory_space<vmem>> -> memref<1x128xi32, #tpu.memory_space<vmem>>
      %dma_start3A_283 = tpu.memref_squeeze %dma_start3A_282 : memref<1x128xi32, #tpu.memory_space<vmem>> -> memref<128xi32, #tpu.memory_space<vmem>>
      %dma_start3A_284 = arith.constant 0 : i32
      %dma_start3A_285 = arith.constant 0 : i32
      %dma_start3A_286 = tpu.memref_slice %arg12[%dma_start3A_284, %dma_start3A_285] : memref<10240x64xf32, #tpu.memory_space<vmem_shared>> -> memref<10240x64xf32, #tpu.memory_space<vmem_shared>>
      tpu.enqueue_indirect_dma source(%arg16 : memref<128x64xf32, #tpu.memory_space<vmem>>) target(%dma_start3A_286 : memref<10240x64xf32, #tpu.memory_space<vmem_shared>>) offsets(%dma_start3A_283 : memref<128xi32, #tpu.memory_space<vmem>>) semaphore(%arg24 : memref<!tpu.dma_semaphore, #tpu.memory_space<semaphore_mem>>) {add = true}
      %dma_start3A_287 = arith.constant 0 : i32
      %dma_start3A_288 = tpu.memref_slice %arg9[%add3A_259, %dma_start3A_287] : memref<120x128xi32, #tpu.memory_space<vmem>> -> memref<1x128xi32, #tpu.memory_space<vmem>>
      %dma_start3A_289 = tpu.memref_squeeze %dma_start3A_288 : memref<1x128xi32, #tpu.memory_space<vmem>> -> memref<128xi32, #tpu.memory_space<vmem>>
      %dma_start3A_290 = arith.constant 0 : i32
      %dma_start3A_291 = tpu.memref_slice %arg28[%dma_start3A_290] : memref<10240xf32, #tpu.memory_space<vmem_shared>> -> memref<10240xf32, #tpu.memory_space<vmem_shared>>
      tpu.enqueue_indirect_dma source(%arg26 : memref<128xf32, #tpu.memory_space<vmem>>) target(%dma_start3A_291 : memref<10240xf32, #tpu.memory_space<vmem_shared>>) offsets(%dma_start3A_289 : memref<128xi32, #tpu.memory_space<vmem>>) semaphore(%arg24 : memref<!tpu.dma_semaphore, #tpu.memory_space<semaphore_mem>>) {add = true}
      %add3A_292 = arith.constant 3 : i32
      %add3A_293 = arith.addi %mul3A_194, %add3A_292 : i32
      %ge3A_294 = arith.constant 1 : i32
      %ge3A_295 = arith.cmpi sge, %add3A_293, %ge3A_294 : i32
      %sub3A_296 = arith.constant 1 : i32
      %sub3A_297 = arith.subi %add3A_293, %sub3A_296 : i32
      %add3A_298 = arith.constant 4 : i32
      %add3A_299 = arith.addi %sub3A_297, %add3A_298 : i32
      %lt3A_300 = arith.cmpi slt, %add3A_299, %select_n3A : i32
      %and3A_301 = arith.andi %ge3A_295, %lt3A_300 : i1
      %convert_element_type3A_302 = arith.extui %and3A_301 : i1 to i32
      %cond3A_303 = arith.constant 0 : i32
      %cond3A_304 = arith.cmpi ne, %convert_element_type3A_302, %cond3A_303 : i32
      scf.if %cond3A_304 {
        %dma_wait3A_326 = arith.constant 0 : i32
        %dma_wait3A_327 = arith.constant 0 : i32
        %dma_wait3A_328 = tpu.memref_slice %arg9[%dma_wait3A_326, %dma_wait3A_327] : memref<120x128xi32, #tpu.memory_space<vmem>> -> memref<1x128xi32, #tpu.memory_space<vmem>>
        %dma_wait3A_329 = tpu.memref_squeeze %dma_wait3A_328 : memref<1x128xi32, #tpu.memory_space<vmem>> -> memref<128xi32, #tpu.memory_space<vmem>>
        %dma_wait3A_330 = arith.constant 0 : i32
        %dma_wait3A_331 = arith.constant 0 : i32
        %dma_wait3A_332 = tpu.memref_slice %arg12[%dma_wait3A_330, %dma_wait3A_331] : memref<10240x64xf32, #tpu.memory_space<vmem_shared>> -> memref<10240x64xf32, #tpu.memory_space<vmem_shared>>
        tpu.wait_indirect_dma semaphore(%arg24 : memref<!tpu.dma_semaphore, #tpu.memory_space<semaphore_mem>>) src(%arg16 : memref<128x64xf32, #tpu.memory_space<vmem>>) dst(%dma_wait3A_332 : memref<10240x64xf32, #tpu.memory_space<vmem_shared>>)
        %dma_wait3A_333 = arith.constant 0 : i32
        %dma_wait3A_334 = arith.constant 0 : i32
        %dma_wait3A_335 = tpu.memref_slice %arg9[%dma_wait3A_333, %dma_wait3A_334] : memref<120x128xi32, #tpu.memory_space<vmem>> -> memref<1x128xi32, #tpu.memory_space<vmem>>
        %dma_wait3A_336 = tpu.memref_squeeze %dma_wait3A_335 : memref<1x128xi32, #tpu.memory_space<vmem>> -> memref<128xi32, #tpu.memory_space<vmem>>
        %dma_wait3A_337 = arith.constant 0 : i32
        %dma_wait3A_338 = tpu.memref_slice %arg28[%dma_wait3A_337] : memref<10240xf32, #tpu.memory_space<vmem_shared>> -> memref<10240xf32, #tpu.memory_space<vmem_shared>>
        tpu.wait_indirect_dma semaphore(%arg24 : memref<!tpu.dma_semaphore, #tpu.memory_space<semaphore_mem>>) src(%arg26 : memref<128xf32, #tpu.memory_space<vmem>>) dst(%dma_wait3A_338 : memref<10240xf32, #tpu.memory_space<vmem_shared>>)
        %sub3A_339 = arith.constant 1 : i32
        %sub3A_340 = arith.subi %add3A_293, %sub3A_339 : i32
        %add3A_341 = arith.constant 4 : i32
        %add3A_342 = arith.addi %sub3A_340, %add3A_341 : i32
        %dma_start3A_343 = arith.constant 0 : i32
        %dma_start3A_344 = tpu.memref_slice %arg8[%add3A_342, %dma_start3A_343] : memref<120x128xi32, #tpu.memory_space<vmem>> -> memref<1x128xi32, #tpu.memory_space<vmem>>
        %dma_start3A_345 = tpu.memref_squeeze %dma_start3A_344 : memref<1x128xi32, #tpu.memory_space<vmem>> -> memref<128xi32, #tpu.memory_space<vmem>>
        %dma_start3A_346 = arith.constant 0 : i32
        %dma_start3A_347 = arith.constant 0 : i32
        %dma_start3A_348 = tpu.memref_slice %arg2[%dma_start3A_346, %dma_start3A_347] : memref<10000x64xf32, #tpu.memory_space<hbm>> -> memref<10000x64xf32, #tpu.memory_space<hbm>>
        tpu.enqueue_indirect_dma source(%dma_start3A_348 : memref<10000x64xf32, #tpu.memory_space<hbm>>) target(%arg16 : memref<128x64xf32, #tpu.memory_space<vmem>>) offsets(%dma_start3A_345 : memref<128xi32, #tpu.memory_space<vmem>>) semaphore(%arg20 : memref<!tpu.dma_semaphore, #tpu.memory_space<semaphore_mem>>)
      } else {
      }
      %dma_wait3A_305 = arith.constant 0 : i32
      %dma_wait3A_306 = arith.constant 0 : i32
      %dma_wait3A_307 = tpu.memref_slice %arg8[%dma_wait3A_305, %dma_wait3A_306] : memref<120x128xi32, #tpu.memory_space<vmem>> -> memref<1x128xi32, #tpu.memory_space<vmem>>
      %dma_wait3A_308 = tpu.memref_squeeze %dma_wait3A_307 : memref<1x128xi32, #tpu.memory_space<vmem>> -> memref<128xi32, #tpu.memory_space<vmem>>
      %dma_wait3A_309 = arith.constant 0 : i32
      %dma_wait3A_310 = arith.constant 0 : i32
      %dma_wait3A_311 = tpu.memref_slice %arg2[%dma_wait3A_309, %dma_wait3A_310] : memref<10000x64xf32, #tpu.memory_space<hbm>> -> memref<10000x64xf32, #tpu.memory_space<hbm>>
      tpu.wait_indirect_dma semaphore(%arg21 : memref<!tpu.dma_semaphore, #tpu.memory_space<semaphore_mem>>) src(%dma_wait3A_311 : memref<10000x64xf32, #tpu.memory_space<hbm>>) dst(%arg17 : memref<128x64xf32, #tpu.memory_space<vmem>>)
      %parallel_loop3A_312 = arith.constant 0 : i32
      %parallel_loop3A_313 = arith.constant 8 : i32
      %parallel_loop3A_314 = arith.constant 1 : i32
      scf.for %parallel_loop3A_326 = %parallel_loop3A_312 to %parallel_loop3A_313 step %parallel_loop3A_314  : i32 {
        %parallel_loop3A_327 = arith.constant 16 : i32
        %parallel_loop3A_328 = arith.muli %parallel_loop3A_326, %parallel_loop3A_327 : i32
        %parallel_loop3A_329 = arith.index_cast %add3A_293 : i32 to index
        %parallel_loop3A_330 = arith.index_cast %parallel_loop3A_328 : i32 to index
        %parallel_loop3A_331 = tpu.vector_load %arg10[%parallel_loop3A_329, %parallel_loop3A_330] {strides = array<i32>} : memref<120x128xf32, #tpu.memory_space<vmem>>, vector<1x16xf32>,
        %parallel_loop3A_332 = vector.shape_cast %parallel_loop3A_331 : vector<1x16xf32> to vector<16xf32>
        %parallel_loop3A_333 = arith.constant 0 : i32
        %parallel_loop3A_334 = arith.constant 0 : i32
        %parallel_loop3A_335 = arith.constant 16 : i32
        %parallel_loop3A_336 = arith.addi %parallel_loop3A_334, %parallel_loop3A_335 : i32
        %parallel_loop3A_337 = arith.constant 1 : i32
        scf.for %scan3A_339 = %parallel_loop3A_334 to %parallel_loop3A_336 step %parallel_loop3A_337  : i32 {
          %parallel_loop3A_340 = arith.constant 16 : i32
          %parallel_loop3A_341 = arith.muli %parallel_loop3A_326, %parallel_loop3A_340 : i32
          %parallel_loop3A_342 = arith.addi %parallel_loop3A_341, %scan3A_339 : i32
          %parallel_loop3A_343 = vector.broadcast %scan3A_339 : i32 to vector<16x1xi32>
          %parallel_loop3A_344 = vector.shape_cast %parallel_loop3A_343 : vector<16x1xi32> to vector<16xi32>
          %parallel_loop3A_345 = tpu.dynamic_gather %parallel_loop3A_332[%parallel_loop3A_344] in [0] : vector<16xf32>, vector<16xi32> -> vector<16xf32>
          %parallel_loop3A_346 = arith.index_cast %parallel_loop3A_342 : i32 to index
          %parallel_loop3A_347 = arith.constant 0 : index
          %parallel_loop3A_348 = tpu.vector_load %arg17[%parallel_loop3A_346, %parallel_loop3A_347] {strides = array<i32>} : memref<128x64xf32, #tpu.memory_space<vmem>>, vector<1x16xf32>,
          %parallel_loop3A_349 = vector.shape_cast %parallel_loop3A_348 : vector<1x16xf32> to vector<16xf32>
          %parallel_loop3A_350 = arith.mulf %parallel_loop3A_349, %parallel_loop3A_345 : vector<16xf32>
          %parallel_loop3A_351 = arith.index_cast %parallel_loop3A_342 : i32 to index
          %parallel_loop3A_352 = arith.constant 0 : index
          %parallel_loop3A_353 = tpu.vector_load %arg17[%parallel_loop3A_351, %parallel_loop3A_352] {strides = array<i32>} : memref<128x64xf32, #tpu.memory_space<vmem>>, vector<1x16xf32>,
          %parallel_loop3A_354 = vector.shape_cast %parallel_loop3A_353 : vector<1x16xf32> to vector<16xf32>
          %parallel_loop3A_355 = vector.shape_cast %parallel_loop3A_350 : vector<16xf32> to vector<1x16xf32>
          tpu.vector_store %arg17[%parallel_loop3A_351, %parallel_loop3A_352], %parallel_loop3A_355 {strides = array<i32>} : memref<128x64xf32, #tpu.memory_space<vmem>>, vector<1x16xf32>,
          %parallel_loop3A_356 = arith.index_cast %parallel_loop3A_342 : i32 to index
          %parallel_loop3A_357 = arith.constant 16 : index
          %parallel_loop3A_358 = tpu.vector_load %arg17[%parallel_loop3A_356, %parallel_loop3A_357] {strides = array<i32>} : memref<128x64xf32, #tpu.memory_space<vmem>>, vector<1x16xf32>,
          %parallel_loop3A_359 = vector.shape_cast %parallel_loop3A_358 : vector<1x16xf32> to vector<16xf32>
          %parallel_loop3A_360 = arith.mulf %parallel_loop3A_359, %parallel_loop3A_345 : vector<16xf32>
          %parallel_loop3A_361 = arith.index_cast %parallel_loop3A_342 : i32 to index
          %parallel_loop3A_362 = arith.constant 16 : index
          %parallel_loop3A_363 = tpu.vector_load %arg17[%parallel_loop3A_361, %parallel_loop3A_362] {strides = array<i32>} : memref<128x64xf32, #tpu.memory_space<vmem>>, vector<1x16xf32>,
          %parallel_loop3A_364 = vector.shape_cast %parallel_loop3A_363 : vector<1x16xf32> to vector<16xf32>
          %parallel_loop3A_365 = vector.shape_cast %parallel_loop3A_360 : vector<16xf32> to vector<1x16xf32>
          tpu.vector_store %arg17[%parallel_loop3A_361, %parallel_loop3A_362], %parallel_loop3A_365 {strides = array<i32>} : memref<128x64xf32, #tpu.memory_space<vmem>>, vector<1x16xf32>,
          %parallel_loop3A_366 = arith.index_cast %parallel_loop3A_342 : i32 to index
          %parallel_loop3A_367 = arith.constant 32 : index
          %parallel_loop3A_368 = tpu.vector_load %arg17[%parallel_loop3A_366, %parallel_loop3A_367] {strides = array<i32>} : memref<128x64xf32, #tpu.memory_space<vmem>>, vector<1x16xf32>,
          %parallel_loop3A_369 = vector.shape_cast %parallel_loop3A_368 : vector<1x16xf32> to vector<16xf32>
          %parallel_loop3A_370 = arith.mulf %parallel_loop3A_369, %parallel_loop3A_345 : vector<16xf32>
          %parallel_loop3A_371 = arith.index_cast %parallel_loop3A_342 : i32 to index
          %parallel_loop3A_372 = arith.constant 32 : index
          %parallel_loop3A_373 = tpu.vector_load %arg17[%parallel_loop3A_371, %parallel_loop3A_372] {strides = array<i32>} : memref<128x64xf32, #tpu.memory_space<vmem>>, vector<1x16xf32>,
          %parallel_loop3A_374 = vector.shape_cast %parallel_loop3A_373 : vector<1x16xf32> to vector<16xf32>
          %parallel_loop3A_375 = vector.shape_cast %parallel_loop3A_370 : vector<16xf32> to vector<1x16xf32>
          tpu.vector_store %arg17[%parallel_loop3A_371, %parallel_loop3A_372], %parallel_loop3A_375 {strides = array<i32>} : memref<128x64xf32, #tpu.memory_space<vmem>>, vector<1x16xf32>,
          %parallel_loop3A_376 = arith.index_cast %parallel_loop3A_342 : i32 to index
          %parallel_loop3A_377 = arith.constant 48 : index
          %parallel_loop3A_378 = tpu.vector_load %arg17[%parallel_loop3A_376, %parallel_loop3A_377] {strides = array<i32>} : memref<128x64xf32, #tpu.memory_space<vmem>>, vector<1x16xf32>,
          %parallel_loop3A_379 = vector.shape_cast %parallel_loop3A_378 : vector<1x16xf32> to vector<16xf32>
          %parallel_loop3A_380 = arith.mulf %parallel_loop3A_379, %parallel_loop3A_345 : vector<16xf32>
          %parallel_loop3A_381 = arith.index_cast %parallel_loop3A_342 : i32 to index
          %parallel_loop3A_382 = arith.constant 48 : index
          %parallel_loop3A_383 = tpu.vector_load %arg17[%parallel_loop3A_381, %parallel_loop3A_382] {strides = array<i32>} : memref<128x64xf32, #tpu.memory_space<vmem>>, vector<1x16xf32>,
          %parallel_loop3A_384 = vector.shape_cast %parallel_loop3A_383 : vector<1x16xf32> to vector<16xf32>
          %parallel_loop3A_385 = vector.shape_cast %parallel_loop3A_380 : vector<16xf32> to vector<1x16xf32>
          tpu.vector_store %arg17[%parallel_loop3A_381, %parallel_loop3A_382], %parallel_loop3A_385 {strides = array<i32>} : memref<128x64xf32, #tpu.memory_space<vmem>>, vector<1x16xf32>,
        }
        %parallel_loop3A_338 = arith.constant 16 : i32
      } {sc.loop_unroll_factor = 1 : i64, sc.parallel_access}
      %dma_start3A_315 = arith.constant 0 : i32
      %dma_start3A_316 = tpu.memref_slice %arg9[%add3A_293, %dma_start3A_315] : memref<120x128xi32, #tpu.memory_space<vmem>> -> memref<1x128xi32, #tpu.memory_space<vmem>>
      %dma_start3A_317 = tpu.memref_squeeze %dma_start3A_316 : memref<1x128xi32, #tpu.memory_space<vmem>> -> memref<128xi32, #tpu.memory_space<vmem>>
      %dma_start3A_318 = arith.constant 0 : i32
      %dma_start3A_319 = arith.constant 0 : i32
      %dma_start3A_320 = tpu.memref_slice %arg12[%dma_start3A_318, %dma_start3A_319] : memref<10240x64xf32, #tpu.memory_space<vmem_shared>> -> memref<10240x64xf32, #tpu.memory_space<vmem_shared>>
      tpu.enqueue_indirect_dma source(%arg17 : memref<128x64xf32, #tpu.memory_space<vmem>>) target(%dma_start3A_320 : memref<10240x64xf32, #tpu.memory_space<vmem_shared>>) offsets(%dma_start3A_317 : memref<128xi32, #tpu.memory_space<vmem>>) semaphore(%arg25 : memref<!tpu.dma_semaphore, #tpu.memory_space<semaphore_mem>>) {add = true}
      %dma_start3A_321 = arith.constant 0 : i32
      %dma_start3A_322 = tpu.memref_slice %arg9[%add3A_293, %dma_start3A_321] : memref<120x128xi32, #tpu.memory_space<vmem>> -> memref<1x128xi32, #tpu.memory_space<vmem>>
      %dma_start3A_323 = tpu.memref_squeeze %dma_start3A_322 : memref<1x128xi32, #tpu.memory_space<vmem>> -> memref<128xi32, #tpu.memory_space<vmem>>
      %dma_start3A_324 = arith.constant 0 : i32
      %dma_start3A_325 = tpu.memref_slice %arg28[%dma_start3A_324] : memref<10240xf32, #tpu.memory_space<vmem_shared>> -> memref<10240xf32, #tpu.memory_space<vmem_shared>>
      tpu.enqueue_indirect_dma source(%arg26 : memref<128xf32, #tpu.memory_space<vmem>>) target(%dma_start3A_325 : memref<10240xf32, #tpu.memory_space<vmem_shared>>) offsets(%dma_start3A_323 : memref<128xi32, #tpu.memory_space<vmem>>) semaphore(%arg25 : memref<!tpu.dma_semaphore, #tpu.memory_space<semaphore_mem>>) {add = true}
    }
    %dma_wait3A_139 = arith.constant 0 : i32
    %dma_wait3A_140 = arith.constant 0 : i32
    %dma_wait3A_141 = tpu.memref_slice %arg9[%dma_wait3A_139, %dma_wait3A_140] : memref<120x128xi32, #tpu.memory_space<vmem>> -> memref<1x128xi32, #tpu.memory_space<vmem>>
    %dma_wait3A_142 = tpu.memref_squeeze %dma_wait3A_141 : memref<1x128xi32, #tpu.memory_space<vmem>> -> memref<128xi32, #tpu.memory_space<vmem>>
    %dma_wait3A_143 = arith.constant 0 : i32
    %dma_wait3A_144 = arith.constant 0 : i32
    %dma_wait3A_145 = tpu.memref_slice %arg12[%dma_wait3A_143, %dma_wait3A_144] : memref<10240x64xf32, #tpu.memory_space<vmem_shared>> -> memref<10240x64xf32, #tpu.memory_space<vmem_shared>>
    tpu.wait_indirect_dma semaphore(%arg22 : memref<!tpu.dma_semaphore, #tpu.memory_space<semaphore_mem>>) src(%arg14 : memref<128x64xf32, #tpu.memory_space<vmem>>) dst(%dma_wait3A_145 : memref<10240x64xf32, #tpu.memory_space<vmem_shared>>)
    %dma_wait3A_146 = arith.constant 0 : i32
    %dma_wait3A_147 = arith.constant 0 : i32
    %dma_wait3A_148 = tpu.memref_slice %arg9[%dma_wait3A_146, %dma_wait3A_147] : memref<120x128xi32, #tpu.memory_space<vmem>> -> memref<1x128xi32, #tpu.memory_space<vmem>>
    %dma_wait3A_149 = tpu.memref_squeeze %dma_wait3A_148 : memref<1x128xi32, #tpu.memory_space<vmem>> -> memref<128xi32, #tpu.memory_space<vmem>>
    %dma_wait3A_150 = arith.constant 0 : i32
    %dma_wait3A_151 = tpu.memref_slice %arg28[%dma_wait3A_150] : memref<10240xf32, #tpu.memory_space<vmem_shared>> -> memref<10240xf32, #tpu.memory_space<vmem_shared>>
    tpu.wait_indirect_dma semaphore(%arg22 : memref<!tpu.dma_semaphore, #tpu.memory_space<semaphore_mem>>) src(%arg26 : memref<128xf32, #tpu.memory_space<vmem>>) dst(%dma_wait3A_151 : memref<10240xf32, #tpu.memory_space<vmem_shared>>)
    %dma_wait3A_152 = arith.constant 0 : i32
    %dma_wait3A_153 = arith.constant 0 : i32
    %dma_wait3A_154 = tpu.memref_slice %arg9[%dma_wait3A_152, %dma_wait3A_153] : memref<120x128xi32, #tpu.memory_space<vmem>> -> memref<1x128xi32, #tpu.memory_space<vmem>>
    %dma_wait3A_155 = tpu.memref_squeeze %dma_wait3A_154 : memref<1x128xi32, #tpu.memory_space<vmem>> -> memref<128xi32, #tpu.memory_space<vmem>>
    %dma_wait3A_156 = arith.constant 0 : i32
    %dma_wait3A_157 = arith.constant 0 : i32
    %dma_wait3A_158 = tpu.memref_slice %arg12[%dma_wait3A_156, %dma_wait3A_157] : memref<10240x64xf32, #tpu.memory_space<vmem_shared>> -> memref<10240x64xf32, #tpu.memory_space<vmem_shared>>
    tpu.wait_indirect_dma semaphore(%arg23 : memref<!tpu.dma_semaphore, #tpu.memory_space<semaphore_mem>>) src(%arg15 : memref<128x64xf32, #tpu.memory_space<vmem>>) dst(%dma_wait3A_158 : memref<10240x64xf32, #tpu.memory_space<vmem_shared>>)
    %dma_wait3A_159 = arith.constant 0 : i32
    %dma_wait3A_160 = arith.constant 0 : i32
    %dma_wait3A_161 = tpu.memref_slice %arg9[%dma_wait3A_159, %dma_wait3A_160] : memref<120x128xi32, #tpu.memory_space<vmem>> -> memref<1x128xi32, #tpu.memory_space<vmem>>
    %dma_wait3A_162 = tpu.memref_squeeze %dma_wait3A_161 : memref<1x128xi32, #tpu.memory_space<vmem>> -> memref<128xi32, #tpu.memory_space<vmem>>
    %dma_wait3A_163 = arith.constant 0 : i32
    %dma_wait3A_164 = tpu.memref_slice %arg28[%dma_wait3A_163] : memref<10240xf32, #tpu.memory_space<vmem_shared>> -> memref<10240xf32, #tpu.memory_space<vmem_shared>>
    tpu.wait_indirect_dma semaphore(%arg23 : memref<!tpu.dma_semaphore, #tpu.memory_space<semaphore_mem>>) src(%arg26 : memref<128xf32, #tpu.memory_space<vmem>>) dst(%dma_wait3A_164 : memref<10240xf32, #tpu.memory_space<vmem_shared>>)
    %dma_wait3A_165 = arith.constant 0 : i32
    %dma_wait3A_166 = arith.constant 0 : i32
    %dma_wait3A_167 = tpu.memref_slice %arg9[%dma_wait3A_165, %dma_wait3A_166] : memref<120x128xi32, #tpu.memory_space<vmem>> -> memref<1x128xi32, #tpu.memory_space<vmem>>
    %dma_wait3A_168 = tpu.memref_squeeze %dma_wait3A_167 : memref<1x128xi32, #tpu.memory_space<vmem>> -> memref<128xi32, #tpu.memory_space<vmem>>
    %dma_wait3A_169 = arith.constant 0 : i32
    %dma_wait3A_170 = arith.constant 0 : i32
    %dma_wait3A_171 = tpu.memref_slice %arg12[%dma_wait3A_169, %dma_wait3A_170] : memref<10240x64xf32, #tpu.memory_space<vmem_shared>> -> memref<10240x64xf32, #tpu.memory_space<vmem_shared>>
    tpu.wait_indirect_dma semaphore(%arg24 : memref<!tpu.dma_semaphore, #tpu.memory_space<semaphore_mem>>) src(%arg16 : memref<128x64xf32, #tpu.memory_space<vmem>>) dst(%dma_wait3A_171 : memref<10240x64xf32, #tpu.memory_space<vmem_shared>>)
    %dma_wait3A_172 = arith.constant 0 : i32
    %dma_wait3A_173 = arith.constant 0 : i32
    %dma_wait3A_174 = tpu.memref_slice %arg9[%dma_wait3A_172, %dma_wait3A_173] : memref<120x128xi32, #tpu.memory_space<vmem>> -> memref<1x128xi32, #tpu.memory_space<vmem>>
    %dma_wait3A_175 = tpu.memref_squeeze %dma_wait3A_174 : memref<1x128xi32, #tpu.memory_space<vmem>> -> memref<128xi32, #tpu.memory_space<vmem>>
    %dma_wait3A_176 = arith.constant 0 : i32
    %dma_wait3A_177 = tpu.memref_slice %arg28[%dma_wait3A_176] : memref<10240xf32, #tpu.memory_space<vmem_shared>> -> memref<10240xf32, #tpu.memory_space<vmem_shared>>
    tpu.wait_indirect_dma semaphore(%arg24 : memref<!tpu.dma_semaphore, #tpu.memory_space<semaphore_mem>>) src(%arg26 : memref<128xf32, #tpu.memory_space<vmem>>) dst(%dma_wait3A_177 : memref<10240xf32, #tpu.memory_space<vmem_shared>>)
    %dma_wait3A_178 = arith.constant 0 : i32
    %dma_wait3A_179 = arith.constant 0 : i32
    %dma_wait3A_180 = tpu.memref_slice %arg9[%dma_wait3A_178, %dma_wait3A_179] : memref<120x128xi32, #tpu.memory_space<vmem>> -> memref<1x128xi32, #tpu.memory_space<vmem>>
    %dma_wait3A_181 = tpu.memref_squeeze %dma_wait3A_180 : memref<1x128xi32, #tpu.memory_space<vmem>> -> memref<128xi32, #tpu.memory_space<vmem>>
    %dma_wait3A_182 = arith.constant 0 : i32
    %dma_wait3A_183 = arith.constant 0 : i32
    %dma_wait3A_184 = tpu.memref_slice %arg12[%dma_wait3A_182, %dma_wait3A_183] : memref<10240x64xf32, #tpu.memory_space<vmem_shared>> -> memref<10240x64xf32, #tpu.memory_space<vmem_shared>>
    tpu.wait_indirect_dma semaphore(%arg25 : memref<!tpu.dma_semaphore, #tpu.memory_space<semaphore_mem>>) src(%arg17 : memref<128x64xf32, #tpu.memory_space<vmem>>) dst(%dma_wait3A_184 : memref<10240x64xf32, #tpu.memory_space<vmem_shared>>)
    %dma_wait3A_185 = arith.constant 0 : i32
    %dma_wait3A_186 = arith.constant 0 : i32
    %dma_wait3A_187 = tpu.memref_slice %arg9[%dma_wait3A_185, %dma_wait3A_186] : memref<120x128xi32, #tpu.memory_space<vmem>> -> memref<1x128xi32, #tpu.memory_space<vmem>>
    %dma_wait3A_188 = tpu.memref_squeeze %dma_wait3A_187 : memref<1x128xi32, #tpu.memory_space<vmem>> -> memref<128xi32, #tpu.memory_space<vmem>>
    %dma_wait3A_189 = arith.constant 0 : i32
    %dma_wait3A_190 = tpu.memref_slice %arg28[%dma_wait3A_189] : memref<10240xf32, #tpu.memory_space<vmem_shared>> -> memref<10240xf32, #tpu.memory_space<vmem_shared>>
    tpu.wait_indirect_dma semaphore(%arg25 : memref<!tpu.dma_semaphore, #tpu.memory_space<semaphore_mem>>) src(%arg26 : memref<128xf32, #tpu.memory_space<vmem>>) dst(%dma_wait3A_190 : memref<10240xf32, #tpu.memory_space<vmem_shared>>)
    %barrier3A_191 = arith.constant 0 : index
    tpu.barrier barrier_id(%barrier3A_191)
    "tpu.region"() ({
      %run_scoped3A = tpu.sem_alloc : memref<!tpu.dma_semaphore, #tpu.memory_space<semaphore_mem>>
      %dma_start3A_192 = arith.constant 0 : i32
      %dma_start3A_193 = tpu.memref_slice %arg6[%arg0, %mul3A_30, %dma_start3A_192] : memref<2x10240x64xf32, #tpu.memory_space<hbm>> -> memref<1x640x64xf32, #tpu.memory_space<hbm>>
      %dma_start3A_194 = tpu.memref_squeeze %dma_start3A_193 : memref<1x640x64xf32, #tpu.memory_space<hbm>> -> memref<640x64xf32, #tpu.memory_space<hbm>>
      %dma_start3A_195 = arith.constant 0 : i32
      %dma_start3A_196 = tpu.memref_slice %arg12[%mul3A_30, %dma_start3A_195] : memref<10240x64xf32, #tpu.memory_space<vmem_shared>> -> memref<640x64xf32, #tpu.memory_space<vmem_shared>>
      tpu.enqueue_dma source(%dma_start3A_196 : memref<640x64xf32, #tpu.memory_space<vmem_shared>>) target(%dma_start3A_194 : memref<640x64xf32, #tpu.memory_space<hbm>>) target_semaphore(%run_scoped3A : memref<!tpu.dma_semaphore, #tpu.memory_space<semaphore_mem>>)
      %dma_wait3A_197 = arith.constant 0 : i32
      %dma_wait3A_198 = tpu.memref_slice %arg6[%arg0, %mul3A_30, %dma_wait3A_197] : memref<2x10240x64xf32, #tpu.memory_space<hbm>> -> memref<1x640x64xf32, #tpu.memory_space<hbm>>
      %dma_wait3A_199 = tpu.memref_squeeze %dma_wait3A_198 : memref<1x640x64xf32, #tpu.memory_space<hbm>> -> memref<640x64xf32, #tpu.memory_space<hbm>>
      %dma_wait3A_200 = arith.constant 0 : i32
      %dma_wait3A_201 = tpu.memref_slice %arg12[%mul3A_30, %dma_wait3A_200] : memref<10240x64xf32, #tpu.memory_space<vmem_shared>> -> memref<640x64xf32, #tpu.memory_space<vmem_shared>>
      tpu.wait_dma2 semaphore(%run_scoped3A : memref<!tpu.dma_semaphore, #tpu.memory_space<semaphore_mem>>) src(%dma_wait3A_201 : memref<640x64xf32, #tpu.memory_space<vmem_shared>>) dst(%dma_wait3A_199 : memref<640x64xf32, #tpu.memory_space<hbm>>)
      tpu.yield
    }) : () -> ()
    "tpu.region"() ({
      %run_scoped3A = tpu.sem_alloc : memref<!tpu.dma_semaphore, #tpu.memory_space<semaphore_mem>>
      %dma_start3A_192 = tpu.memref_slice %arg7[%arg0, %mul3A_30] : memref<2x10240xf32, #tpu.memory_space<hbm>> -> memref<1x640xf32, #tpu.memory_space<hbm>>
      %dma_start3A_193 = tpu.memref_squeeze %dma_start3A_192 : memref<1x640xf32, #tpu.memory_space<hbm>> -> memref<640xf32, #tpu.memory_space<hbm>>
      %dma_start3A_194 = tpu.memref_slice %arg28[%mul3A_30] : memref<10240xf32, #tpu.memory_space<vmem_shared>> -> memref<640xf32, #tpu.memory_space<vmem_shared>>
      tpu.enqueue_dma source(%dma_start3A_194 : memref<640xf32, #tpu.memory_space<vmem_shared>>) target(%dma_start3A_193 : memref<640xf32, #tpu.memory_space<hbm>>) target_semaphore(%run_scoped3A : memref<!tpu.dma_semaphore, #tpu.memory_space<semaphore_mem>>)
      %dma_wait3A_195 = tpu.memref_slice %arg7[%arg0, %mul3A_30] : memref<2x10240xf32, #tpu.memory_space<hbm>> -> memref<1x640xf32, #tpu.memory_space<hbm>>
      %dma_wait3A_196 = tpu.memref_squeeze %dma_wait3A_195 : memref<1x640xf32, #tpu.memory_space<hbm>> -> memref<640xf32, #tpu.memory_space<hbm>>
      %dma_wait3A_197 = tpu.memref_slice %arg28[%mul3A_30] : memref<10240xf32, #tpu.memory_space<vmem_shared>> -> memref<640xf32, #tpu.memory_space<vmem_shared>>
      tpu.wait_dma2 semaphore(%run_scoped3A : memref<!tpu.dma_semaphore, #tpu.memory_space<semaphore_mem>>) src(%dma_wait3A_197 : memref<640xf32, #tpu.memory_space<vmem_shared>>) dst(%dma_wait3A_196 : memref<640xf32, #tpu.memory_space<hbm>>)
      tpu.yield
    }) : () -> ()
    return
  }
}

#map = affine_map<(d0, d1) -> (0, 0)>
#map1 = affine_map<(d0, d1) -> (0, 0, 0)>
module attributes {stable_mosaic.version = 14 : i64} {
  func.func @k(%arg0: i32, %arg1: i32, %arg2: memref<10000x64xf32, #tpu.memory_space<hbm>>, %arg3: memref<32x120x128xi32, #tpu.memory_space<hbm>>, %arg4: memref<32x120x128xi32, #tpu.memory_space<hbm>>, %arg5: memref<32x120x128xf32, #tpu.memory_space<hbm>>, %arg6: memref<2x10240x64xf32, #tpu.memory_space<hbm>>, %arg7: memref<2x10240xf32, #tpu.memory_space<hbm>>, %arg8: memref<120x128xi32, #tpu.memory_space<vmem>>, %arg9: memref<120x128xi32, #tpu.memory_space<vmem>>, %arg10: memref<120x128xf32, #tpu.memory_space<vmem>>, %arg11: memref<128x64xf32, #tpu.memory_space<vmem>>, %arg12: memref<10240x64xf32, #tpu.memory_space<vmem_shared>>, %arg13: memref<!tpu.dma_semaphore, #tpu.memory_space<semaphore_mem>>, %arg14: memref<128x64xf32, #tpu.memory_space<vmem>>, %arg15: memref<128x64xf32, #tpu.memory_space<vmem>>, %arg16: memref<128x64xf32, #tpu.memory_space<vmem>>, %arg17: memref<128x64xf32, #tpu.memory_space<vmem>>, %arg18: memref<!tpu.dma_semaphore, #tpu.memory_space<semaphore_mem>>, %arg19: memref<!tpu.dma_semaphore, #tpu.memory_space<semaphore_mem>>, %arg20: memref<!tpu.dma_semaphore, #tpu.memory_space<semaphore_mem>>, %arg21: memref<!tpu.dma_semaphore, #tpu.memory_space<semaphore_mem>>, %arg22: memref<!tpu.dma_semaphore, #tpu.memory_space<semaphore_mem>>, %arg23: memref<!tpu.dma_semaphore, #tpu.memory_space<semaphore_mem>>, %arg24: memref<!tpu.dma_semaphore, #tpu.memory_space<semaphore_mem>>, %arg25: memref<!tpu.dma_semaphore, #tpu.memory_space<semaphore_mem>>, %arg26: memref<128xf32, #tpu.memory_space<vmem>>, %arg27: memref<640xf32, #tpu.memory_space<vmem>>, %arg28: memref<10240xf32, #tpu.memory_space<vmem_shared>>) attributes {dimension_semantics = [#tpu.dimension_semantics<core_parallel>, #tpu.dimension_semantics<subcore_parallel>], iteration_bounds = array<i64: 2, 16>, scalar_prefetch = 0 : i64, scratch_operands = 21 : i64, tpu.core_type = #tpu.core_type<sc_vector_subcore>, window_params = [{transform_indices = #map}, {transform_indices = #map1}, {transform_indices = #map1}, {transform_indices = #map1}, {transform_indices = #map1}, {transform_indices = #map}]} {
    %mul3A = arith.constant 16 : i32
    %mul3A_0 = arith.muli %arg0, %mul3A : i32
    %add3A = arith.addi %mul3A_0, %arg1 : i32
    %eq3A = arith.constant 0 : i32
    %eq3A_1 = arith.cmpi eq, %arg0, %eq3A : i32
    %jit3A = arith.constant 120 : i32
    %jit3A_2 = arith.constant 40 : i32
    %select_n3A = arith.select %eq3A_1, %jit3A, %jit3A_2 : i32
    %broadcast_in_dim3A = arith.constant 0.000000e+00 : f32
    %broadcast_in_dim3A_3 = vector.broadcast %broadcast_in_dim3A : f32 to vector<16xf32>
    %broadcast_in_dim3A_4 = arith.constant 1.000000e+00 : f32
    %broadcast_in_dim3A_5 = vector.broadcast %broadcast_in_dim3A_4 : f32 to vector<16xf32>
    %dma_start3A = arith.constant 0 : i32
    %dma_start3A_6 = arith.constant 0 : i32
    %dma_start3A_7 = tpu.memref_slice %arg3[%add3A, %dma_start3A, %dma_start3A_6] : memref<32x120x128xi32, #tpu.memory_space<hbm>> -> memref<1x120x128xi32, #tpu.memory_space<hbm>>
    %dma_start3A_8 = tpu.memref_squeeze %dma_start3A_7 : memref<1x120x128xi32, #tpu.memory_space<hbm>> -> memref<120x128xi32, #tpu.memory_space<hbm>>
    %dma_start3A_9 = arith.constant 0 : i32
    %dma_start3A_10 = arith.constant 0 : i32
    %dma_start3A_11 = tpu.memref_slice %arg3[%add3A, %dma_start3A_9, %dma_start3A_10] : memref<32x120x128xi32, #tpu.memory_space<hbm>> -> memref<1x120x128xi32, #tpu.memory_space<hbm>>
    %dma_start3A_12 = tpu.memref_squeeze %dma_start3A_11 : memref<1x120x128xi32, #tpu.memory_space<hbm>> -> memref<120x128xi32, #tpu.memory_space<hbm>>
    tpu.enqueue_dma source(%dma_start3A_12 : memref<120x128xi32, #tpu.memory_space<hbm>>) target(%arg8 : memref<120x128xi32, #tpu.memory_space<vmem>>) target_semaphore(%arg13 : memref<!tpu.dma_semaphore, #tpu.memory_space<semaphore_mem>>)
    %dma_start3A_13 = arith.constant 0 : i32
    %dma_start3A_14 = arith.constant 0 : i32
    %dma_start3A_15 = tpu.memref_slice %arg4[%add3A, %dma_start3A_13, %dma_start3A_14] : memref<32x120x128xi32, #tpu.memory_space<hbm>> -> memref<1x120x128xi32, #tpu.memory_space<hbm>>
    %dma_start3A_16 = tpu.memref_squeeze %dma_start3A_15 : memref<1x120x128xi32, #tpu.memory_space<hbm>> -> memref<120x128xi32, #tpu.memory_space<hbm>>
    %dma_start3A_17 = arith.constant 0 : i32
    %dma_start3A_18 = arith.constant 0 : i32
    %dma_start3A_19 = tpu.memref_slice %arg4[%add3A, %dma_start3A_17, %dma_start3A_18] : memref<32x120x128xi32, #tpu.memory_space<hbm>> -> memref<1x120x128xi32, #tpu.memory_space<hbm>>
    %dma_start3A_20 = tpu.memref_squeeze %dma_start3A_19 : memref<1x120x128xi32, #tpu.memory_space<hbm>> -> memref<120x128xi32, #tpu.memory_space<hbm>>
    tpu.enqueue_dma source(%dma_start3A_20 : memref<120x128xi32, #tpu.memory_space<hbm>>) target(%arg9 : memref<120x128xi32, #tpu.memory_space<vmem>>) target_semaphore(%arg13 : memref<!tpu.dma_semaphore, #tpu.memory_space<semaphore_mem>>)
    %dma_start3A_21 = arith.constant 0 : i32
    %dma_start3A_22 = arith.constant 0 : i32
    %dma_start3A_23 = tpu.memref_slice %arg5[%add3A, %dma_start3A_21, %dma_start3A_22] : memref<32x120x128xf32, #tpu.memory_space<hbm>> -> memref<1x120x128xf32, #tpu.memory_space<hbm>>
    %dma_start3A_24 = tpu.memref_squeeze %dma_start3A_23 : memref<1x120x128xf32, #tpu.memory_space<hbm>> -> memref<120x128xf32, #tpu.memory_space<hbm>>
    %dma_start3A_25 = arith.constant 0 : i32
    %dma_start3A_26 = arith.constant 0 : i32
    %dma_start3A_27 = tpu.memref_slice %arg5[%add3A, %dma_start3A_25, %dma_start3A_26] : memref<32x120x128xf32, #tpu.memory_space<hbm>> -> memref<1x120x128xf32, #tpu.memory_space<hbm>>
    %dma_start3A_28 = tpu.memref_squeeze %dma_start3A_27 : memref<1x120x128xf32, #tpu.memory_space<hbm>> -> memref<120x128xf32, #tpu.memory_space<hbm>>
    tpu.enqueue_dma source(%dma_start3A_28 : memref<120x128xf32, #tpu.memory_space<hbm>>) target(%arg10 : memref<120x128xf32, #tpu.memory_space<vmem>>) target_semaphore(%arg13 : memref<!tpu.dma_semaphore, #tpu.memory_space<semaphore_mem>>)
    %mul3A_29 = arith.constant 640 : i32
    %mul3A_30 = arith.muli %arg1, %mul3A_29 : i32
    %scan3A = arith.constant 0 : i32
    %scan3A_31 = arith.constant 0 : i32
    %scan3A_32 = arith.constant 128 : i32
    %scan3A_33 = arith.addi %scan3A_31, %scan3A_32 : i32
    %scan3A_34 = arith.constant 1 : i32
    scf.for %scan3A_192 = %scan3A_31 to %scan3A_33 step %scan3A_34  : i32 {
      %swap3A = arith.index_cast %scan3A_192 : i32 to index
      %swap3A_193 = arith.constant 0 : index
      %swap3A_194 = tpu.vector_load %arg11[%swap3A, %swap3A_193] {strides = array<i32>} : memref<128x64xf32, #tpu.memory_space<vmem>>, vector<1x16xf32>,
      %swap3A_195 = vector.shape_cast %swap3A_194 : vector<1x16xf32> to vector<16xf32>
      %swap3A_196 = vector.shape_cast %broadcast_in_dim3A_3 : vector<16xf32> to vector<1x16xf32>
      tpu.vector_store %arg11[%swap3A, %swap3A_193], %swap3A_196 {strides = array<i32>} : memref<128x64xf32, #tpu.memory_space<vmem>>, vector<1x16xf32>,
      %swap3A_197 = arith.index_cast %scan3A_192 : i32 to index
      %swap3A_198 = arith.constant 16 : index
      %swap3A_199 = tpu.vector_load %arg11[%swap3A_197, %swap3A_198] {strides = array<i32>} : memref<128x64xf32, #tpu.memory_space<vmem>>, vector<1x16xf32>,
      %swap3A_200 = vector.shape_cast %swap3A_199 : vector<1x16xf32> to vector<16xf32>
      %swap3A_201 = vector.shape_cast %broadcast_in_dim3A_3 : vector<16xf32> to vector<1x16xf32>
      tpu.vector_store %arg11[%swap3A_197, %swap3A_198], %swap3A_201 {strides = array<i32>} : memref<128x64xf32, #tpu.memory_space<vmem>>, vector<1x16xf32>,
      %swap3A_202 = arith.index_cast %scan3A_192 : i32 to index
      %swap3A_203 = arith.constant 32 : index
      %swap3A_204 = tpu.vector_load %arg11[%swap3A_202, %swap3A_203] {strides = array<i32>} : memref<128x64xf32, #tpu.memory_space<vmem>>, vector<1x16xf32>,
      %swap3A_205 = vector.shape_cast %swap3A_204 : vector<1x16xf32> to vector<16xf32>
      %swap3A_206 = vector.shape_cast %broadcast_in_dim3A_3 : vector<16xf32> to vector<1x16xf32>
      tpu.vector_store %arg11[%swap3A_202, %swap3A_203], %swap3A_206 {strides = array<i32>} : memref<128x64xf32, #tpu.memory_space<vmem>>, vector<1x16xf32>,
      %swap3A_207 = arith.index_cast %scan3A_192 : i32 to index
      %swap3A_208 = arith.constant 48 : index
      %swap3A_209 = tpu.vector_load %arg11[%swap3A_207, %swap3A_208] {strides = array<i32>} : memref<128x64xf32, #tpu.memory_space<vmem>>, vector<1x16xf32>,
      %swap3A_210 = vector.shape_cast %swap3A_209 : vector<1x16xf32> to vector<16xf32>
      %swap3A_211 = vector.shape_cast %broadcast_in_dim3A_3 : vector<16xf32> to vector<1x16xf32>
      tpu.vector_store %arg11[%swap3A_207, %swap3A_208], %swap3A_211 {strides = array<i32>} : memref<128x64xf32, #tpu.memory_space<vmem>>, vector<1x16xf32>,
    }
    %scan3A_35 = arith.constant 128 : i32
    %add3A_36 = arith.constant 0 : i32
    %add3A_37 = arith.addi %mul3A_30, %add3A_36 : i32
    "tpu.region"() ({
      %run_scoped3A = tpu.sem_alloc : memref<!tpu.dma_semaphore, #tpu.memory_space<semaphore_mem>>
      %dma_start3A_192 = arith.constant 0 : i32
      %dma_start3A_193 = tpu.memref_slice %arg12[%add3A_37, %dma_start3A_192] : memref<10240x64xf32, #tpu.memory_space<vmem_shared>> -> memref<128x64xf32, #tpu.memory_space<vmem_shared>>
      %dma_start3A_194 = arith.constant 0 : i32
      %dma_start3A_195 = tpu.memref_slice %arg12[%add3A_37, %dma_start3A_194] : memref<10240x64xf32, #tpu.memory_space<vmem_shared>> -> memref<128x64xf32, #tpu.memory_space<vmem_shared>>
      tpu.enqueue_dma source(%arg11 : memref<128x64xf32, #tpu.memory_space<vmem>>) target(%dma_start3A_195 : memref<128x64xf32, #tpu.memory_space<vmem_shared>>) target_semaphore(%run_scoped3A : memref<!tpu.dma_semaphore, #tpu.memory_space<semaphore_mem>>)
      %dma_wait3A_196 = arith.constant 0 : i32
      %dma_wait3A_197 = tpu.memref_slice %arg12[%add3A_37, %dma_wait3A_196] : memref<10240x64xf32, #tpu.memory_space<vmem_shared>> -> memref<128x64xf32, #tpu.memory_space<vmem_shared>>
      %dma_wait3A_198 = arith.constant 0 : i32
      %dma_wait3A_199 = tpu.memref_slice %arg12[%add3A_37, %dma_wait3A_198] : memref<10240x64xf32, #tpu.memory_space<vmem_shared>> -> memref<128x64xf32, #tpu.memory_space<vmem_shared>>
      tpu.wait_dma2 semaphore(%run_scoped3A : memref<!tpu.dma_semaphore, #tpu.memory_space<semaphore_mem>>) src(%arg11 : memref<128x64xf32, #tpu.memory_space<vmem>>) dst(%dma_wait3A_199 : memref<128x64xf32, #tpu.memory_space<vmem_shared>>)
      tpu.yield
    }) : () -> ()
    %add3A_38 = arith.constant 128 : i32
    %add3A_39 = arith.addi %mul3A_30, %add3A_38 : i32
    "tpu.region"() ({
      %run_scoped3A = tpu.sem_alloc : memref<!tpu.dma_semaphore, #tpu.memory_space<semaphore_mem>>
      %dma_start3A_192 = arith.constant 0 : i32
      %dma_start3A_193 = tpu.memref_slice %arg12[%add3A_39, %dma_start3A_192] : memref<10240x64xf32, #tpu.memory_space<vmem_shared>> -> memref<128x64xf32, #tpu.memory_space<vmem_shared>>
      %dma_start3A_194 = arith.constant 0 : i32
      %dma_start3A_195 = tpu.memref_slice %arg12[%add3A_39, %dma_start3A_194] : memref<10240x64xf32, #tpu.memory_space<vmem_shared>> -> memref<128x64xf32, #tpu.memory_space<vmem_shared>>
      tpu.enqueue_dma source(%arg11 : memref<128x64xf32, #tpu.memory_space<vmem>>) target(%dma_start3A_195 : memref<128x64xf32, #tpu.memory_space<vmem_shared>>) target_semaphore(%run_scoped3A : memref<!tpu.dma_semaphore, #tpu.memory_space<semaphore_mem>>)
      %dma_wait3A_196 = arith.constant 0 : i32
      %dma_wait3A_197 = tpu.memref_slice %arg12[%add3A_39, %dma_wait3A_196] : memref<10240x64xf32, #tpu.memory_space<vmem_shared>> -> memref<128x64xf32, #tpu.memory_space<vmem_shared>>
      %dma_wait3A_198 = arith.constant 0 : i32
      %dma_wait3A_199 = tpu.memref_slice %arg12[%add3A_39, %dma_wait3A_198] : memref<10240x64xf32, #tpu.memory_space<vmem_shared>> -> memref<128x64xf32, #tpu.memory_space<vmem_shared>>
      tpu.wait_dma2 semaphore(%run_scoped3A : memref<!tpu.dma_semaphore, #tpu.memory_space<semaphore_mem>>) src(%arg11 : memref<128x64xf32, #tpu.memory_space<vmem>>) dst(%dma_wait3A_199 : memref<128x64xf32, #tpu.memory_space<vmem_shared>>)
      tpu.yield
    }) : () -> ()
    %add3A_40 = arith.constant 256 : i32
    %add3A_41 = arith.addi %mul3A_30, %add3A_40 : i32
    "tpu.region"() ({
      %run_scoped3A = tpu.sem_alloc : memref<!tpu.dma_semaphore, #tpu.memory_space<semaphore_mem>>
      %dma_start3A_192 = arith.constant 0 : i32
      %dma_start3A_193 = tpu.memref_slice %arg12[%add3A_41, %dma_start3A_192] : memref<10240x64xf32, #tpu.memory_space<vmem_shared>> -> memref<128x64xf32, #tpu.memory_space<vmem_shared>>
      %dma_start3A_194 = arith.constant 0 : i32
      %dma_start3A_195 = tpu.memref_slice %arg12[%add3A_41, %dma_start3A_194] : memref<10240x64xf32, #tpu.memory_space<vmem_shared>> -> memref<128x64xf32, #tpu.memory_space<vmem_shared>>
      tpu.enqueue_dma source(%arg11 : memref<128x64xf32, #tpu.memory_space<vmem>>) target(%dma_start3A_195 : memref<128x64xf32, #tpu.memory_space<vmem_shared>>) target_semaphore(%run_scoped3A : memref<!tpu.dma_semaphore, #tpu.memory_space<semaphore_mem>>)
      %dma_wait3A_196 = arith.constant 0 : i32
      %dma_wait3A_197 = tpu.memref_slice %arg12[%add3A_41, %dma_wait3A_196] : memref<10240x64xf32, #tpu.memory_space<vmem_shared>> -> memref<128x64xf32, #tpu.memory_space<vmem_shared>>
      %dma_wait3A_198 = arith.constant 0 : i32
      %dma_wait3A_199 = tpu.memref_slice %arg12[%add3A_41, %dma_wait3A_198] : memref<10240x64xf32, #tpu.memory_space<vmem_shared>> -> memref<128x64xf32, #tpu.memory_space<vmem_shared>>
      tpu.wait_dma2 semaphore(%run_scoped3A : memref<!tpu.dma_semaphore, #tpu.memory_space<semaphore_mem>>) src(%arg11 : memref<128x64xf32, #tpu.memory_space<vmem>>) dst(%dma_wait3A_199 : memref<128x64xf32, #tpu.memory_space<vmem_shared>>)
      tpu.yield
    }) : () -> ()
    %add3A_42 = arith.constant 384 : i32
    %add3A_43 = arith.addi %mul3A_30, %add3A_42 : i32
    "tpu.region"() ({
      %run_scoped3A = tpu.sem_alloc : memref<!tpu.dma_semaphore, #tpu.memory_space<semaphore_mem>>
      %dma_start3A_192 = arith.constant 0 : i32
      %dma_start3A_193 = tpu.memref_slice %arg12[%add3A_43, %dma_start3A_192] : memref<10240x64xf32, #tpu.memory_space<vmem_shared>> -> memref<128x64xf32, #tpu.memory_space<vmem_shared>>
      %dma_start3A_194 = arith.constant 0 : i32
      %dma_start3A_195 = tpu.memref_slice %arg12[%add3A_43, %dma_start3A_194] : memref<10240x64xf32, #tpu.memory_space<vmem_shared>> -> memref<128x64xf32, #tpu.memory_space<vmem_shared>>
      tpu.enqueue_dma source(%arg11 : memref<128x64xf32, #tpu.memory_space<vmem>>) target(%dma_start3A_195 : memref<128x64xf32, #tpu.memory_space<vmem_shared>>) target_semaphore(%run_scoped3A : memref<!tpu.dma_semaphore, #tpu.memory_space<semaphore_mem>>)
      %dma_wait3A_196 = arith.constant 0 : i32
      %dma_wait3A_197 = tpu.memref_slice %arg12[%add3A_43, %dma_wait3A_196] : memref<10240x64xf32, #tpu.memory_space<vmem_shared>> -> memref<128x64xf32, #tpu.memory_space<vmem_shared>>
      %dma_wait3A_198 = arith.constant 0 : i32
      %dma_wait3A_199 = tpu.memref_slice %arg12[%add3A_43, %dma_wait3A_198] : memref<10240x64xf32, #tpu.memory_space<vmem_shared>> -> memref<128x64xf32, #tpu.memory_space<vmem_shared>>
      tpu.wait_dma2 semaphore(%run_scoped3A : memref<!tpu.dma_semaphore, #tpu.memory_space<semaphore_mem>>) src(%arg11 : memref<128x64xf32, #tpu.memory_space<vmem>>) dst(%dma_wait3A_199 : memref<128x64xf32, #tpu.memory_space<vmem_shared>>)
      tpu.yield
    }) : () -> ()
    %add3A_44 = arith.constant 512 : i32
    %add3A_45 = arith.addi %mul3A_30, %add3A_44 : i32
    "tpu.region"() ({
      %run_scoped3A = tpu.sem_alloc : memref<!tpu.dma_semaphore, #tpu.memory_space<semaphore_mem>>
      %dma_start3A_192 = arith.constant 0 : i32
      %dma_start3A_193 = tpu.memref_slice %arg12[%add3A_45, %dma_start3A_192] : memref<10240x64xf32, #tpu.memory_space<vmem_shared>> -> memref<128x64xf32, #tpu.memory_space<vmem_shared>>
      %dma_start3A_194 = arith.constant 0 : i32
      %dma_start3A_195 = tpu.memref_slice %arg12[%add3A_45, %dma_start3A_194] : memref<10240x64xf32, #tpu.memory_space<vmem_shared>> -> memref<128x64xf32, #tpu.memory_space<vmem_shared>>
      tpu.enqueue_dma source(%arg11 : memref<128x64xf32, #tpu.memory_space<vmem>>) target(%dma_start3A_195 : memref<128x64xf32, #tpu.memory_space<vmem_shared>>) target_semaphore(%run_scoped3A : memref<!tpu.dma_semaphore, #tpu.memory_space<semaphore_mem>>)
      %dma_wait3A_196 = arith.constant 0 : i32
      %dma_wait3A_197 = tpu.memref_slice %arg12[%add3A_45, %dma_wait3A_196] : memref<10240x64xf32, #tpu.memory_space<vmem_shared>> -> memref<128x64xf32, #tpu.memory_space<vmem_shared>>
      %dma_wait3A_198 = arith.constant 0 : i32
      %dma_wait3A_199 = tpu.memref_slice %arg12[%add3A_45, %dma_wait3A_198] : memref<10240x64xf32, #tpu.memory_space<vmem_shared>> -> memref<128x64xf32, #tpu.memory_space<vmem_shared>>
      tpu.wait_dma2 semaphore(%run_scoped3A : memref<!tpu.dma_semaphore, #tpu.memory_space<semaphore_mem>>) src(%arg11 : memref<128x64xf32, #tpu.memory_space<vmem>>) dst(%dma_wait3A_199 : memref<128x64xf32, #tpu.memory_space<vmem_shared>>)
      tpu.yield
    }) : () -> ()
    %scan3A_46 = arith.constant 0 : i32
    %scan3A_47 = arith.constant 0 : i32
    %scan3A_48 = arith.constant 40 : i32
    %scan3A_49 = arith.addi %scan3A_47, %scan3A_48 : i32
    %scan3A_50 = arith.constant 1 : i32
    scf.for %scan3A_192 = %scan3A_47 to %scan3A_49 step %scan3A_50  : i32 {
      %mul3A_193 = arith.constant 16 : i32
      %mul3A_194 = arith.muli %scan3A_192, %mul3A_193 : i32
      %swap3A = arith.index_cast %mul3A_194 : i32 to index
      %swap3A_195 = tpu.vector_load %arg27[%swap3A] {strides = array<i32>} : memref<640xf32, #tpu.memory_space<vmem>>, vector<16xf32>,
      %swap3A_196 = vector.shape_cast %swap3A_195 : vector<16xf32> to vector<16xf32>
      %swap3A_197 = vector.shape_cast %broadcast_in_dim3A_3 : vector<16xf32> to vector<16xf32>
      tpu.vector_store %arg27[%swap3A], %swap3A_197 {strides = array<i32>} : memref<640xf32, #tpu.memory_space<vmem>>, vector<16xf32>,
    }
    %scan3A_51 = arith.constant 40 : i32
    "tpu.region"() ({
      %run_scoped3A = tpu.sem_alloc : memref<!tpu.dma_semaphore, #tpu.memory_space<semaphore_mem>>
      %dma_start3A_192 = tpu.memref_slice %arg28[%mul3A_30] : memref<10240xf32, #tpu.memory_space<vmem_shared>> -> memref<640xf32, #tpu.memory_space<vmem_shared>>
      %dma_start3A_193 = tpu.memref_slice %arg28[%mul3A_30] : memref<10240xf32, #tpu.memory_space<vmem_shared>> -> memref<640xf32, #tpu.memory_space<vmem_shared>>
      tpu.enqueue_dma source(%arg27 : memref<640xf32, #tpu.memory_space<vmem>>) target(%dma_start3A_193 : memref<640xf32, #tpu.memory_space<vmem_shared>>) target_semaphore(%run_scoped3A : memref<!tpu.dma_semaphore, #tpu.memory_space<semaphore_mem>>)
      %dma_wait3A_194 = tpu.memref_slice %arg28[%mul3A_30] : memref<10240xf32, #tpu.memory_space<vmem_shared>> -> memref<640xf32, #tpu.memory_space<vmem_shared>>
      %dma_wait3A_195 = tpu.memref_slice %arg28[%mul3A_30] : memref<10240xf32, #tpu.memory_space<vmem_shared>> -> memref<640xf32, #tpu.memory_space<vmem_shared>>
      tpu.wait_dma2 semaphore(%run_scoped3A : memref<!tpu.dma_semaphore, #tpu.memory_space<semaphore_mem>>) src(%arg27 : memref<640xf32, #tpu.memory_space<vmem>>) dst(%dma_wait3A_195 : memref<640xf32, #tpu.memory_space<vmem_shared>>)
      tpu.yield
    }) : () -> ()
    %scan3A_52 = arith.constant 0 : i32
    %scan3A_53 = arith.constant 0 : i32
    %scan3A_54 = arith.constant 8 : i32
    %scan3A_55 = arith.addi %scan3A_53, %scan3A_54 : i32
    %scan3A_56 = arith.constant 1 : i32
    scf.for %scan3A_192 = %scan3A_53 to %scan3A_55 step %scan3A_56  : i32 {
      %mul3A_193 = arith.constant 16 : i32
      %mul3A_194 = arith.muli %scan3A_192, %mul3A_193 : i32
      %swap3A = arith.index_cast %mul3A_194 : i32 to index
      %swap3A_195 = tpu.vector_load %arg26[%swap3A] {strides = array<i32>} : memref<128xf32, #tpu.memory_space<vmem>>, vector<16xf32>,
      %swap3A_196 = vector.shape_cast %swap3A_195 : vector<16xf32> to vector<16xf32>
      %swap3A_197 = vector.shape_cast %broadcast_in_dim3A_5 : vector<16xf32> to vector<16xf32>
      tpu.vector_store %arg26[%swap3A], %swap3A_197 {strides = array<i32>} : memref<128xf32, #tpu.memory_space<vmem>>, vector<16xf32>,
    }
    %scan3A_57 = arith.constant 8 : i32
    %dma_wait3A = arith.constant 0 : i32
    %dma_wait3A_58 = arith.constant 0 : i32
    %dma_wait3A_59 = arith.constant 0 : i32
    %dma_wait3A_60 = tpu.memref_slice %arg3[%dma_wait3A, %dma_wait3A_58, %dma_wait3A_59] : memref<32x120x128xi32, #tpu.memory_space<hbm>> -> memref<1x120x128xi32, #tpu.memory_space<hbm>>
    %dma_wait3A_61 = tpu.memref_squeeze %dma_wait3A_60 : memref<1x120x128xi32, #tpu.memory_space<hbm>> -> memref<120x128xi32, #tpu.memory_space<hbm>>
    %dma_wait3A_62 = arith.constant 0 : i32
    %dma_wait3A_63 = arith.constant 0 : i32
    %dma_wait3A_64 = tpu.memref_slice %arg3[%dma_wait3A, %dma_wait3A_62, %dma_wait3A_63] : memref<32x120x128xi32, #tpu.memory_space<hbm>> -> memref<1x120x128xi32, #tpu.memory_space<hbm>>
    %dma_wait3A_65 = tpu.memref_squeeze %dma_wait3A_64 : memref<1x120x128xi32, #tpu.memory_space<hbm>> -> memref<120x128xi32, #tpu.memory_space<hbm>>
    tpu.wait_dma2 semaphore(%arg13 : memref<!tpu.dma_semaphore, #tpu.memory_space<semaphore_mem>>) src(%dma_wait3A_65 : memref<120x128xi32, #tpu.memory_space<hbm>>) dst(%arg8 : memref<120x128xi32, #tpu.memory_space<vmem>>)
    %dma_wait3A_66 = arith.constant 0 : i32
    %dma_wait3A_67 = arith.constant 0 : i32
    %dma_wait3A_68 = arith.constant 0 : i32
    %dma_wait3A_69 = tpu.memref_slice %arg4[%dma_wait3A_66, %dma_wait3A_67, %dma_wait3A_68] : memref<32x120x128xi32, #tpu.memory_space<hbm>> -> memref<1x120x128xi32, #tpu.memory_space<hbm>>
    %dma_wait3A_70 = tpu.memref_squeeze %dma_wait3A_69 : memref<1x120x128xi32, #tpu.memory_space<hbm>> -> memref<120x128xi32, #tpu.memory_space<hbm>>
    %dma_wait3A_71 = arith.constant 0 : i32
    %dma_wait3A_72 = arith.constant 0 : i32
    %dma_wait3A_73 = tpu.memref_slice %arg4[%dma_wait3A_66, %dma_wait3A_71, %dma_wait3A_72] : memref<32x120x128xi32, #tpu.memory_space<hbm>> -> memref<1x120x128xi32, #tpu.memory_space<hbm>>
    %dma_wait3A_74 = tpu.memref_squeeze %dma_wait3A_73 : memref<1x120x128xi32, #tpu.memory_space<hbm>> -> memref<120x128xi32, #tpu.memory_space<hbm>>
    tpu.wait_dma2 semaphore(%arg13 : memref<!tpu.dma_semaphore, #tpu.memory_space<semaphore_mem>>) src(%dma_wait3A_74 : memref<120x128xi32, #tpu.memory_space<hbm>>) dst(%arg9 : memref<120x128xi32, #tpu.memory_space<vmem>>)
    %dma_wait3A_75 = arith.constant 0 : i32
    %dma_wait3A_76 = arith.constant 0 : i32
    %dma_wait3A_77 = arith.constant 0 : i32
    %dma_wait3A_78 = tpu.memref_slice %arg5[%dma_wait3A_75, %dma_wait3A_76, %dma_wait3A_77] : memref<32x120x128xf32, #tpu.memory_space<hbm>> -> memref<1x120x128xf32, #tpu.memory_space<hbm>>
    %dma_wait3A_79 = tpu.memref_squeeze %dma_wait3A_78 : memref<1x120x128xf32, #tpu.memory_space<hbm>> -> memref<120x128xf32, #tpu.memory_space<hbm>>
    %dma_wait3A_80 = arith.constant 0 : i32
    %dma_wait3A_81 = arith.constant 0 : i32
    %dma_wait3A_82 = tpu.memref_slice %arg5[%dma_wait3A_75, %dma_wait3A_80, %dma_wait3A_81] : memref<32x120x128xf32, #tpu.memory_space<hbm>> -> memref<1x120x128xf32, #tpu.memory_space<hbm>>
    %dma_wait3A_83 = tpu.memref_squeeze %dma_wait3A_82 : memref<1x120x128xf32, #tpu.memory_space<hbm>> -> memref<120x128xf32, #tpu.memory_space<hbm>>
    tpu.wait_dma2 semaphore(%arg13 : memref<!tpu.dma_semaphore, #tpu.memory_space<semaphore_mem>>) src(%dma_wait3A_83 : memref<120x128xf32, #tpu.memory_space<hbm>>) dst(%arg10 : memref<120x128xf32, #tpu.memory_space<vmem>>)
    %barrier3A = arith.constant 0 : index
    tpu.barrier barrier_id(%barrier3A)
    %dma_start3A_84 = arith.constant 0 : i32
    %dma_start3A_85 = arith.constant 0 : i32
    %dma_start3A_86 = tpu.memref_slice %arg8[%dma_start3A_84, %dma_start3A_85] : memref<120x128xi32, #tpu.memory_space<vmem>> -> memref<1x128xi32, #tpu.memory_space<vmem>>
    %dma_start3A_87 = tpu.memref_squeeze %dma_start3A_86 : memref<1x128xi32, #tpu.memory_space<vmem>> -> memref<128xi32, #tpu.memory_space<vmem>>
    %dma_start3A_88 = arith.constant 0 : i32
    %dma_start3A_89 = arith.constant 0 : i32
    %dma_start3A_90 = tpu.memref_slice %arg2[%dma_start3A_88, %dma_start3A_89] : memref<10000x64xf32, #tpu.memory_space<hbm>> -> memref<10000x64xf32, #tpu.memory_space<hbm>>
    tpu.enqueue_indirect_dma source(%dma_start3A_90 : memref<10000x64xf32, #tpu.memory_space<hbm>>) target(%arg14 : memref<128x64xf32, #tpu.memory_space<vmem>>) offsets(%dma_start3A_87 : memref<128xi32, #tpu.memory_space<vmem>>) semaphore(%arg18 : memref<!tpu.dma_semaphore, #tpu.memory_space<semaphore_mem>>)
    %dma_start3A_91 = arith.constant 1 : i32
    %dma_start3A_92 = arith.constant 0 : i32
    %dma_start3A_93 = tpu.memref_slice %arg8[%dma_start3A_91, %dma_start3A_92] : memref<120x128xi32, #tpu.memory_space<vmem>> -> memref<1x128xi32, #tpu.memory_space<vmem>>
    %dma_start3A_94 = tpu.memref_squeeze %dma_start3A_93 : memref<1x128xi32, #tpu.memory_space<vmem>> -> memref<128xi32, #tpu.memory_space<vmem>>
    %dma_start3A_95 = arith.constant 0 : i32
    %dma_start3A_96 = arith.constant 0 : i32
    %dma_start3A_97 = tpu.memref_slice %arg2[%dma_start3A_95, %dma_start3A_96] : memref<10000x64xf32, #tpu.memory_space<hbm>> -> memref<10000x64xf32, #tpu.memory_space<hbm>>
    tpu.enqueue_indirect_dma source(%dma_start3A_97 : memref<10000x64xf32, #tpu.memory_space<hbm>>) target(%arg15 : memref<128x64xf32, #tpu.memory_space<vmem>>) offsets(%dma_start3A_94 : memref<128xi32, #tpu.memory_space<vmem>>) semaphore(%arg19 : memref<!tpu.dma_semaphore, #tpu.memory_space<semaphore_mem>>)
    %dma_start3A_98 = arith.constant 2 : i32
    %dma_start3A_99 = arith.constant 0 : i32
    %dma_start3A_100 = tpu.memref_slice %arg8[%dma_start3A_98, %dma_start3A_99] : memref<120x128xi32, #tpu.memory_space<vmem>> -> memref<1x128xi32, #tpu.memory_space<vmem>>
    %dma_start3A_101 = tpu.memref_squeeze %dma_start3A_100 : memref<1x128xi32, #tpu.memory_space<vmem>> -> memref<128xi32, #tpu.memory_space<vmem>>
    %dma_start3A_102 = arith.constant 0 : i32
    %dma_start3A_103 = arith.constant 0 : i32
    %dma_start3A_104 = tpu.memref_slice %arg2[%dma_start3A_102, %dma_start3A_103] : memref<10000x64xf32, #tpu.memory_space<hbm>> -> memref<10000x64xf32, #tpu.memory_space<hbm>>
    tpu.enqueue_indirect_dma source(%dma_start3A_104 : memref<10000x64xf32, #tpu.memory_space<hbm>>) target(%arg16 : memref<128x64xf32, #tpu.memory_space<vmem>>) offsets(%dma_start3A_101 : memref<128xi32, #tpu.memory_space<vmem>>) semaphore(%arg20 : memref<!tpu.dma_semaphore, #tpu.memory_space<semaphore_mem>>)
    %dma_start3A_105 = arith.constant 3 : i32
    %dma_start3A_106 = arith.constant 0 : i32
    %dma_start3A_107 = tpu.memref_slice %arg8[%dma_start3A_105, %dma_start3A_106] : memref<120x128xi32, #tpu.memory_space<vmem>> -> memref<1x128xi32, #tpu.memory_space<vmem>>
    %dma_start3A_108 = tpu.memref_squeeze %dma_start3A_107 : memref<1x128xi32, #tpu.memory_space<vmem>> -> memref<128xi32, #tpu.memory_space<vmem>>
    %dma_start3A_109 = arith.constant 0 : i32
    %dma_start3A_110 = arith.constant 0 : i32
    %dma_start3A_111 = tpu.memref_slice %arg2[%dma_start3A_109, %dma_start3A_110] : memref<10000x64xf32, #tpu.memory_space<hbm>> -> memref<10000x64xf32, #tpu.memory_space<hbm>>
    tpu.enqueue_indirect_dma source(%dma_start3A_111 : memref<10000x64xf32, #tpu.memory_space<hbm>>) target(%arg17 : memref<128x64xf32, #tpu.memory_space<vmem>>) offsets(%dma_start3A_108 : memref<128xi32, #tpu.memory_space<vmem>>) semaphore(%arg21 : memref<!tpu.dma_semaphore, #tpu.memory_space<semaphore_mem>>)
    %jit3A_112 = arith.constant 4 : i32
    %div3A = arith.divsi %select_n3A, %jit3A_112 : i32
    %sign3A = arith.constant 0 : i32
    %sign3A_113 = arith.cmpi sgt, %select_n3A, %sign3A : i32
    %sign3A_114 = arith.extui %sign3A_113 : i1 to i32
    %sign3A_115 = arith.constant 0 : i32
    %sign3A_116 = arith.cmpi slt, %select_n3A, %sign3A_115 : i32
    %sign3A_117 = arith.extui %sign3A_116 : i1 to i32
    %sign3A_118 = arith.subi %sign3A_114, %sign3A_117 : i32
    %sign3A_119 = arith.constant 0 : i32
    %sign3A_120 = arith.cmpi sgt, %jit3A_112, %sign3A_119 : i32
    %sign3A_121 = arith.extui %sign3A_120 : i1 to i32
    %sign3A_122 = arith.constant 0 : i32
    %sign3A_123 = arith.cmpi slt, %jit3A_112, %sign3A_122 : i32
    %sign3A_124 = arith.extui %sign3A_123 : i1 to i32
    %sign3A_125 = arith.subi %sign3A_121, %sign3A_124 : i32
    %ne3A = arith.cmpi ne, %sign3A_118, %sign3A_125 : i32
    %rem3A = arith.remsi %select_n3A, %jit3A_112 : i32
    %ne3A_126 = arith.constant 0 : i32
    %ne3A_127 = arith.cmpi ne, %rem3A, %ne3A_126 : i32
    %and3A = arith.andi %ne3A, %ne3A_127 : i1
    %sub3A = arith.constant 1 : i32
    %sub3A_128 = arith.subi %div3A, %sub3A : i32
    %select_n3A_129 = arith.select %and3A, %sub3A_128, %div3A : i32
    %while3A = arith.constant 0 : i32
    %while3A_130 = arith.constant 0 : i32
    %while3A_131 = arith.subi %select_n3A_129, %while3A_130 : i32
    %while3A_132 = arith.addi %while3A_130, %while3A_131 : i32
    %while3A_133 = arith.constant 1 : i32
    %while3A_134 = arith.divsi %while3A_131, %while3A_133 : i32
    %while3A_135 = arith.muli %while3A_134, %while3A_133 : i32
    %while3A_136 = arith.addi %while3A_130, %while3A_135 : i32
    %while3A_137 = arith.constant 1 : i32
    scf.for %while3A_192 = %while3A_130 to %while3A_136 step %while3A_137  : i32 {
      %mul3A_193 = arith.constant 4 : i32
      %mul3A_194 = arith.muli %while3A_192, %mul3A_193 : i32
      %add3A_195 = arith.constant 0 : i32
      %add3A_196 = arith.addi %mul3A_194, %add3A_195 : i32
      %ge3A = arith.constant 1 : i32
      %ge3A_197 = arith.cmpi sge, %add3A_196, %ge3A : i32
      %sub3A_198 = arith.constant 1 : i32
      %sub3A_199 = arith.subi %add3A_196, %sub3A_198 : i32
      %add3A_200 = arith.constant 4 : i32
      %add3A_201 = arith.addi %sub3A_199, %add3A_200 : i32
      %lt3A = arith.cmpi slt, %add3A_201, %select_n3A : i32
      %and3A_202 = arith.andi %ge3A_197, %lt3A : i1
      %convert_element_type3A = arith.extui %and3A_202 : i1 to i32
      %cond3A = arith.constant 0 : i32
      %cond3A_203 = arith.cmpi ne, %convert_element_type3A, %cond3A : i32
      scf.if %cond3A_203 {
        %dma_wait3A_326 = arith.constant 0 : i32
        %dma_wait3A_327 = arith.constant 0 : i32
        %dma_wait3A_328 = tpu.memref_slice %arg9[%dma_wait3A_326, %dma_wait3A_327] : memref<120x128xi32, #tpu.memory_space<vmem>> -> memref<1x128xi32, #tpu.memory_space<vmem>>
        %dma_wait3A_329 = tpu.memref_squeeze %dma_wait3A_328 : memref<1x128xi32, #tpu.memory_space<vmem>> -> memref<128xi32, #tpu.memory_space<vmem>>
        %dma_wait3A_330 = arith.constant 0 : i32
        %dma_wait3A_331 = arith.constant 0 : i32
        %dma_wait3A_332 = tpu.memref_slice %arg12[%dma_wait3A_330, %dma_wait3A_331] : memref<10240x64xf32, #tpu.memory_space<vmem_shared>> -> memref<10240x64xf32, #tpu.memory_space<vmem_shared>>
        tpu.wait_indirect_dma semaphore(%arg25 : memref<!tpu.dma_semaphore, #tpu.memory_space<semaphore_mem>>) src(%arg17 : memref<128x64xf32, #tpu.memory_space<vmem>>) dst(%dma_wait3A_332 : memref<10240x64xf32, #tpu.memory_space<vmem_shared>>)
        %dma_wait3A_333 = arith.constant 0 : i32
        %dma_wait3A_334 = arith.constant 0 : i32
        %dma_wait3A_335 = tpu.memref_slice %arg9[%dma_wait3A_333, %dma_wait3A_334] : memref<120x128xi32, #tpu.memory_space<vmem>> -> memref<1x128xi32, #tpu.memory_space<vmem>>
        %dma_wait3A_336 = tpu.memref_squeeze %dma_wait3A_335 : memref<1x128xi32, #tpu.memory_space<vmem>> -> memref<128xi32, #tpu.memory_space<vmem>>
        %dma_wait3A_337 = arith.constant 0 : i32
        %dma_wait3A_338 = tpu.memref_slice %arg28[%dma_wait3A_337] : memref<10240xf32, #tpu.memory_space<vmem_shared>> -> memref<10240xf32, #tpu.memory_space<vmem_shared>>
        tpu.wait_indirect_dma semaphore(%arg25 : memref<!tpu.dma_semaphore, #tpu.memory_space<semaphore_mem>>) src(%arg26 : memref<128xf32, #tpu.memory_space<vmem>>) dst(%dma_wait3A_338 : memref<10240xf32, #tpu.memory_space<vmem_shared>>)
        %sub3A_339 = arith.constant 1 : i32
        %sub3A_340 = arith.subi %add3A_196, %sub3A_339 : i32
        %add3A_341 = arith.constant 4 : i32
        %add3A_342 = arith.addi %sub3A_340, %add3A_341 : i32
        %dma_start3A_343 = arith.constant 0 : i32
        %dma_start3A_344 = tpu.memref_slice %arg8[%add3A_342, %dma_start3A_343] : memref<120x128xi32, #tpu.memory_space<vmem>> -> memref<1x128xi32, #tpu.memory_space<vmem>>
        %dma_start3A_345 = tpu.memref_squeeze %dma_start3A_344 : memref<1x128xi32, #tpu.memory_space<vmem>> -> memref<128xi32, #tpu.memory_space<vmem>>
        %dma_start3A_346 = arith.constant 0 : i32
        %dma_start3A_347 = arith.constant 0 : i32
        %dma_start3A_348 = tpu.memref_slice %arg2[%dma_start3A_346, %dma_start3A_347] : memref<10000x64xf32, #tpu.memory_space<hbm>> -> memref<10000x64xf32, #tpu.memory_space<hbm>>
        tpu.enqueue_indirect_dma source(%dma_start3A_348 : memref<10000x64xf32, #tpu.memory_space<hbm>>) target(%arg17 : memref<128x64xf32, #tpu.memory_space<vmem>>) offsets(%dma_start3A_345 : memref<128xi32, #tpu.memory_space<vmem>>) semaphore(%arg21 : memref<!tpu.dma_semaphore, #tpu.memory_space<semaphore_mem>>)
      } else {
      }
      %dma_wait3A_204 = arith.constant 0 : i32
      %dma_wait3A_205 = arith.constant 0 : i32
      %dma_wait3A_206 = tpu.memref_slice %arg8[%dma_wait3A_204, %dma_wait3A_205] : memref<120x128xi32, #tpu.memory_space<vmem>> -> memref<1x128xi32, #tpu.memory_space<vmem>>
      %dma_wait3A_207 = tpu.memref_squeeze %dma_wait3A_206 : memref<1x128xi32, #tpu.memory_space<vmem>> -> memref<128xi32, #tpu.memory_space<vmem>>
      %dma_wait3A_208 = arith.constant 0 : i32
      %dma_wait3A_209 = arith.constant 0 : i32
      %dma_wait3A_210 = tpu.memref_slice %arg2[%dma_wait3A_208, %dma_wait3A_209] : memref<10000x64xf32, #tpu.memory_space<hbm>> -> memref<10000x64xf32, #tpu.memory_space<hbm>>
      tpu.wait_indirect_dma semaphore(%arg18 : memref<!tpu.dma_semaphore, #tpu.memory_space<semaphore_mem>>) src(%dma_wait3A_210 : memref<10000x64xf32, #tpu.memory_space<hbm>>) dst(%arg14 : memref<128x64xf32, #tpu.memory_space<vmem>>)
      %parallel_loop3A = arith.constant 0 : i32
      %parallel_loop3A_211 = arith.constant 8 : i32
      %parallel_loop3A_212 = arith.constant 1 : i32
      scf.for %parallel_loop3A_326 = %parallel_loop3A to %parallel_loop3A_211 step %parallel_loop3A_212  : i32 {
        %parallel_loop3A_327 = arith.constant 16 : i32
        %parallel_loop3A_328 = arith.muli %parallel_loop3A_326, %parallel_loop3A_327 : i32
        %parallel_loop3A_329 = arith.index_cast %add3A_196 : i32 to index
        %parallel_loop3A_330 = arith.index_cast %parallel_loop3A_328 : i32 to index
        %parallel_loop3A_331 = tpu.vector_load %arg10[%parallel_loop3A_329, %parallel_loop3A_330] {strides = array<i32>} : memref<120x128xf32, #tpu.memory_space<vmem>>, vector<1x16xf32>,
        %parallel_loop3A_332 = vector.shape_cast %parallel_loop3A_331 : vector<1x16xf32> to vector<16xf32>
        %parallel_loop3A_333 = arith.constant 0 : i32
        %parallel_loop3A_334 = arith.constant 0 : i32
        %parallel_loop3A_335 = arith.constant 16 : i32
        %parallel_loop3A_336 = arith.addi %parallel_loop3A_334, %parallel_loop3A_335 : i32
        %parallel_loop3A_337 = arith.constant 1 : i32
        scf.for %scan3A_339 = %parallel_loop3A_334 to %parallel_loop3A_336 step %parallel_loop3A_337  : i32 {
          %parallel_loop3A_340 = arith.constant 16 : i32
          %parallel_loop3A_341 = arith.muli %parallel_loop3A_326, %parallel_loop3A_340 : i32
          %parallel_loop3A_342 = arith.addi %parallel_loop3A_341, %scan3A_339 : i32
          %parallel_loop3A_343 = vector.broadcast %scan3A_339 : i32 to vector<16x1xi32>
          %parallel_loop3A_344 = vector.shape_cast %parallel_loop3A_343 : vector<16x1xi32> to vector<16xi32>
          %parallel_loop3A_345 = tpu.dynamic_gather %parallel_loop3A_332[%parallel_loop3A_344] in [0] : vector<16xf32>, vector<16xi32> -> vector<16xf32>
          %parallel_loop3A_346 = arith.index_cast %parallel_loop3A_342 : i32 to index
          %parallel_loop3A_347 = arith.constant 0 : index
          %parallel_loop3A_348 = tpu.vector_load %arg14[%parallel_loop3A_346, %parallel_loop3A_347] {strides = array<i32>} : memref<128x64xf32, #tpu.memory_space<vmem>>, vector<1x16xf32>,
          %parallel_loop3A_349 = vector.shape_cast %parallel_loop3A_348 : vector<1x16xf32> to vector<16xf32>
          %parallel_loop3A_350 = arith.mulf %parallel_loop3A_349, %parallel_loop3A_345 : vector<16xf32>
          %parallel_loop3A_351 = arith.index_cast %parallel_loop3A_342 : i32 to index
          %parallel_loop3A_352 = arith.constant 0 : index
          %parallel_loop3A_353 = tpu.vector_load %arg14[%parallel_loop3A_351, %parallel_loop3A_352] {strides = array<i32>} : memref<128x64xf32, #tpu.memory_space<vmem>>, vector<1x16xf32>,
          %parallel_loop3A_354 = vector.shape_cast %parallel_loop3A_353 : vector<1x16xf32> to vector<16xf32>
          %parallel_loop3A_355 = vector.shape_cast %parallel_loop3A_350 : vector<16xf32> to vector<1x16xf32>
          tpu.vector_store %arg14[%parallel_loop3A_351, %parallel_loop3A_352], %parallel_loop3A_355 {strides = array<i32>} : memref<128x64xf32, #tpu.memory_space<vmem>>, vector<1x16xf32>,
          %parallel_loop3A_356 = arith.index_cast %parallel_loop3A_342 : i32 to index
          %parallel_loop3A_357 = arith.constant 16 : index
          %parallel_loop3A_358 = tpu.vector_load %arg14[%parallel_loop3A_356, %parallel_loop3A_357] {strides = array<i32>} : memref<128x64xf32, #tpu.memory_space<vmem>>, vector<1x16xf32>,
          %parallel_loop3A_359 = vector.shape_cast %parallel_loop3A_358 : vector<1x16xf32> to vector<16xf32>
          %parallel_loop3A_360 = arith.mulf %parallel_loop3A_359, %parallel_loop3A_345 : vector<16xf32>
          %parallel_loop3A_361 = arith.index_cast %parallel_loop3A_342 : i32 to index
          %parallel_loop3A_362 = arith.constant 16 : index
          %parallel_loop3A_363 = tpu.vector_load %arg14[%parallel_loop3A_361, %parallel_loop3A_362] {strides = array<i32>} : memref<128x64xf32, #tpu.memory_space<vmem>>, vector<1x16xf32>,
          %parallel_loop3A_364 = vector.shape_cast %parallel_loop3A_363 : vector<1x16xf32> to vector<16xf32>
          %parallel_loop3A_365 = vector.shape_cast %parallel_loop3A_360 : vector<16xf32> to vector<1x16xf32>
          tpu.vector_store %arg14[%parallel_loop3A_361, %parallel_loop3A_362], %parallel_loop3A_365 {strides = array<i32>} : memref<128x64xf32, #tpu.memory_space<vmem>>, vector<1x16xf32>,
          %parallel_loop3A_366 = arith.index_cast %parallel_loop3A_342 : i32 to index
          %parallel_loop3A_367 = arith.constant 32 : index
          %parallel_loop3A_368 = tpu.vector_load %arg14[%parallel_loop3A_366, %parallel_loop3A_367] {strides = array<i32>} : memref<128x64xf32, #tpu.memory_space<vmem>>, vector<1x16xf32>,
          %parallel_loop3A_369 = vector.shape_cast %parallel_loop3A_368 : vector<1x16xf32> to vector<16xf32>
          %parallel_loop3A_370 = arith.mulf %parallel_loop3A_369, %parallel_loop3A_345 : vector<16xf32>
          %parallel_loop3A_371 = arith.index_cast %parallel_loop3A_342 : i32 to index
          %parallel_loop3A_372 = arith.constant 32 : index
          %parallel_loop3A_373 = tpu.vector_load %arg14[%parallel_loop3A_371, %parallel_loop3A_372] {strides = array<i32>} : memref<128x64xf32, #tpu.memory_space<vmem>>, vector<1x16xf32>,
          %parallel_loop3A_374 = vector.shape_cast %parallel_loop3A_373 : vector<1x16xf32> to vector<16xf32>
          %parallel_loop3A_375 = vector.shape_cast %parallel_loop3A_370 : vector<16xf32> to vector<1x16xf32>
          tpu.vector_store %arg14[%parallel_loop3A_371, %parallel_loop3A_372], %parallel_loop3A_375 {strides = array<i32>} : memref<128x64xf32, #tpu.memory_space<vmem>>, vector<1x16xf32>,
          %parallel_loop3A_376 = arith.index_cast %parallel_loop3A_342 : i32 to index
          %parallel_loop3A_377 = arith.constant 48 : index
          %parallel_loop3A_378 = tpu.vector_load %arg14[%parallel_loop3A_376, %parallel_loop3A_377] {strides = array<i32>} : memref<128x64xf32, #tpu.memory_space<vmem>>, vector<1x16xf32>,
          %parallel_loop3A_379 = vector.shape_cast %parallel_loop3A_378 : vector<1x16xf32> to vector<16xf32>
          %parallel_loop3A_380 = arith.mulf %parallel_loop3A_379, %parallel_loop3A_345 : vector<16xf32>
          %parallel_loop3A_381 = arith.index_cast %parallel_loop3A_342 : i32 to index
          %parallel_loop3A_382 = arith.constant 48 : index
          %parallel_loop3A_383 = tpu.vector_load %arg14[%parallel_loop3A_381, %parallel_loop3A_382] {strides = array<i32>} : memref<128x64xf32, #tpu.memory_space<vmem>>, vector<1x16xf32>,
          %parallel_loop3A_384 = vector.shape_cast %parallel_loop3A_383 : vector<1x16xf32> to vector<16xf32>
          %parallel_loop3A_385 = vector.shape_cast %parallel_loop3A_380 : vector<16xf32> to vector<1x16xf32>
          tpu.vector_store %arg14[%parallel_loop3A_381, %parallel_loop3A_382], %parallel_loop3A_385 {strides = array<i32>} : memref<128x64xf32, #tpu.memory_space<vmem>>, vector<1x16xf32>,
        }
        %parallel_loop3A_338 = arith.constant 16 : i32
      } {sc.loop_unroll_factor = 1 : i64, sc.parallel_access}
      %dma_start3A_213 = arith.constant 0 : i32
      %dma_start3A_214 = tpu.memref_slice %arg9[%add3A_196, %dma_start3A_213] : memref<120x128xi32, #tpu.memory_space<vmem>> -> memref<1x128xi32, #tpu.memory_space<vmem>>
      %dma_start3A_215 = tpu.memref_squeeze %dma_start3A_214 : memref<1x128xi32, #tpu.memory_space<vmem>> -> memref<128xi32, #tpu.memory_space<vmem>>
      %dma_start3A_216 = arith.constant 0 : i32
      %dma_start3A_217 = arith.constant 0 : i32
      %dma_start3A_218 = tpu.memref_slice %arg12[%dma_start3A_216, %dma_start3A_217] : memref<10240x64xf32, #tpu.memory_space<vmem_shared>> -> memref<10240x64xf32, #tpu.memory_space<vmem_shared>>
      tpu.enqueue_indirect_dma source(%arg14 : memref<128x64xf32, #tpu.memory_space<vmem>>) target(%dma_start3A_218 : memref<10240x64xf32, #tpu.memory_space<vmem_shared>>) offsets(%dma_start3A_215 : memref<128xi32, #tpu.memory_space<vmem>>) semaphore(%arg22 : memref<!tpu.dma_semaphore, #tpu.memory_space<semaphore_mem>>) {add = true}
      %dma_start3A_219 = arith.constant 0 : i32
      %dma_start3A_220 = tpu.memref_slice %arg9[%add3A_196, %dma_start3A_219] : memref<120x128xi32, #tpu.memory_space<vmem>> -> memref<1x128xi32, #tpu.memory_space<vmem>>
      %dma_start3A_221 = tpu.memref_squeeze %dma_start3A_220 : memref<1x128xi32, #tpu.memory_space<vmem>> -> memref<128xi32, #tpu.memory_space<vmem>>
      %dma_start3A_222 = arith.constant 0 : i32
      %dma_start3A_223 = tpu.memref_slice %arg28[%dma_start3A_222] : memref<10240xf32, #tpu.memory_space<vmem_shared>> -> memref<10240xf32, #tpu.memory_space<vmem_shared>>
      tpu.enqueue_indirect_dma source(%arg26 : memref<128xf32, #tpu.memory_space<vmem>>) target(%dma_start3A_223 : memref<10240xf32, #tpu.memory_space<vmem_shared>>) offsets(%dma_start3A_221 : memref<128xi32, #tpu.memory_space<vmem>>) semaphore(%arg22 : memref<!tpu.dma_semaphore, #tpu.memory_space<semaphore_mem>>) {add = true}
      %add3A_224 = arith.constant 1 : i32
      %add3A_225 = arith.addi %mul3A_194, %add3A_224 : i32
      %ge3A_226 = arith.constant 1 : i32
      %ge3A_227 = arith.cmpi sge, %add3A_225, %ge3A_226 : i32
      %sub3A_228 = arith.constant 1 : i32
      %sub3A_229 = arith.subi %add3A_225, %sub3A_228 : i32
      %add3A_230 = arith.constant 4 : i32
      %add3A_231 = arith.addi %sub3A_229, %add3A_230 : i32
      %lt3A_232 = arith.cmpi slt, %add3A_231, %select_n3A : i32
      %and3A_233 = arith.andi %ge3A_227, %lt3A_232 : i1
      %convert_element_type3A_234 = arith.extui %and3A_233 : i1 to i32
      %cond3A_235 = arith.constant 0 : i32
      %cond3A_236 = arith.cmpi ne, %convert_element_type3A_234, %cond3A_235 : i32
      scf.if %cond3A_236 {
        %dma_wait3A_326 = arith.constant 0 : i32
        %dma_wait3A_327 = arith.constant 0 : i32
        %dma_wait3A_328 = tpu.memref_slice %arg9[%dma_wait3A_326, %dma_wait3A_327] : memref<120x128xi32, #tpu.memory_space<vmem>> -> memref<1x128xi32, #tpu.memory_space<vmem>>
        %dma_wait3A_329 = tpu.memref_squeeze %dma_wait3A_328 : memref<1x128xi32, #tpu.memory_space<vmem>> -> memref<128xi32, #tpu.memory_space<vmem>>
        %dma_wait3A_330 = arith.constant 0 : i32
        %dma_wait3A_331 = arith.constant 0 : i32
        %dma_wait3A_332 = tpu.memref_slice %arg12[%dma_wait3A_330, %dma_wait3A_331] : memref<10240x64xf32, #tpu.memory_space<vmem_shared>> -> memref<10240x64xf32, #tpu.memory_space<vmem_shared>>
        tpu.wait_indirect_dma semaphore(%arg22 : memref<!tpu.dma_semaphore, #tpu.memory_space<semaphore_mem>>) src(%arg14 : memref<128x64xf32, #tpu.memory_space<vmem>>) dst(%dma_wait3A_332 : memref<10240x64xf32, #tpu.memory_space<vmem_shared>>)
        %dma_wait3A_333 = arith.constant 0 : i32
        %dma_wait3A_334 = arith.constant 0 : i32
        %dma_wait3A_335 = tpu.memref_slice %arg9[%dma_wait3A_333, %dma_wait3A_334] : memref<120x128xi32, #tpu.memory_space<vmem>> -> memref<1x128xi32, #tpu.memory_space<vmem>>
        %dma_wait3A_336 = tpu.memref_squeeze %dma_wait3A_335 : memref<1x128xi32, #tpu.memory_space<vmem>> -> memref<128xi32, #tpu.memory_space<vmem>>
        %dma_wait3A_337 = arith.constant 0 : i32
        %dma_wait3A_338 = tpu.memref_slice %arg28[%dma_wait3A_337] : memref<10240xf32, #tpu.memory_space<vmem_shared>> -> memref<10240xf32, #tpu.memory_space<vmem_shared>>
        tpu.wait_indirect_dma semaphore(%arg22 : memref<!tpu.dma_semaphore, #tpu.memory_space<semaphore_mem>>) src(%arg26 : memref<128xf32, #tpu.memory_space<vmem>>) dst(%dma_wait3A_338 : memref<10240xf32, #tpu.memory_space<vmem_shared>>)
        %sub3A_339 = arith.constant 1 : i32
        %sub3A_340 = arith.subi %add3A_225, %sub3A_339 : i32
        %add3A_341 = arith.constant 4 : i32
        %add3A_342 = arith.addi %sub3A_340, %add3A_341 : i32
        %dma_start3A_343 = arith.constant 0 : i32
        %dma_start3A_344 = tpu.memref_slice %arg8[%add3A_342, %dma_start3A_343] : memref<120x128xi32, #tpu.memory_space<vmem>> -> memref<1x128xi32, #tpu.memory_space<vmem>>
        %dma_start3A_345 = tpu.memref_squeeze %dma_start3A_344 : memref<1x128xi32, #tpu.memory_space<vmem>> -> memref<128xi32, #tpu.memory_space<vmem>>
        %dma_start3A_346 = arith.constant 0 : i32
        %dma_start3A_347 = arith.constant 0 : i32
        %dma_start3A_348 = tpu.memref_slice %arg2[%dma_start3A_346, %dma_start3A_347] : memref<10000x64xf32, #tpu.memory_space<hbm>> -> memref<10000x64xf32, #tpu.memory_space<hbm>>
        tpu.enqueue_indirect_dma source(%dma_start3A_348 : memref<10000x64xf32, #tpu.memory_space<hbm>>) target(%arg14 : memref<128x64xf32, #tpu.memory_space<vmem>>) offsets(%dma_start3A_345 : memref<128xi32, #tpu.memory_space<vmem>>) semaphore(%arg18 : memref<!tpu.dma_semaphore, #tpu.memory_space<semaphore_mem>>)
      } else {
      }
      %dma_wait3A_237 = arith.constant 0 : i32
      %dma_wait3A_238 = arith.constant 0 : i32
      %dma_wait3A_239 = tpu.memref_slice %arg8[%dma_wait3A_237, %dma_wait3A_238] : memref<120x128xi32, #tpu.memory_space<vmem>> -> memref<1x128xi32, #tpu.memory_space<vmem>>
      %dma_wait3A_240 = tpu.memref_squeeze %dma_wait3A_239 : memref<1x128xi32, #tpu.memory_space<vmem>> -> memref<128xi32, #tpu.memory_space<vmem>>
      %dma_wait3A_241 = arith.constant 0 : i32
      %dma_wait3A_242 = arith.constant 0 : i32
      %dma_wait3A_243 = tpu.memref_slice %arg2[%dma_wait3A_241, %dma_wait3A_242] : memref<10000x64xf32, #tpu.memory_space<hbm>> -> memref<10000x64xf32, #tpu.memory_space<hbm>>
      tpu.wait_indirect_dma semaphore(%arg19 : memref<!tpu.dma_semaphore, #tpu.memory_space<semaphore_mem>>) src(%dma_wait3A_243 : memref<10000x64xf32, #tpu.memory_space<hbm>>) dst(%arg15 : memref<128x64xf32, #tpu.memory_space<vmem>>)
      %parallel_loop3A_244 = arith.constant 0 : i32
      %parallel_loop3A_245 = arith.constant 8 : i32
      %parallel_loop3A_246 = arith.constant 1 : i32
      scf.for %parallel_loop3A_326 = %parallel_loop3A_244 to %parallel_loop3A_245 step %parallel_loop3A_246  : i32 {
        %parallel_loop3A_327 = arith.constant 16 : i32
        %parallel_loop3A_328 = arith.muli %parallel_loop3A_326, %parallel_loop3A_327 : i32
        %parallel_loop3A_329 = arith.index_cast %add3A_225 : i32 to index
        %parallel_loop3A_330 = arith.index_cast %parallel_loop3A_328 : i32 to index
        %parallel_loop3A_331 = tpu.vector_load %arg10[%parallel_loop3A_329, %parallel_loop3A_330] {strides = array<i32>} : memref<120x128xf32, #tpu.memory_space<vmem>>, vector<1x16xf32>,
        %parallel_loop3A_332 = vector.shape_cast %parallel_loop3A_331 : vector<1x16xf32> to vector<16xf32>
        %parallel_loop3A_333 = arith.constant 0 : i32
        %parallel_loop3A_334 = arith.constant 0 : i32
        %parallel_loop3A_335 = arith.constant 16 : i32
        %parallel_loop3A_336 = arith.addi %parallel_loop3A_334, %parallel_loop3A_335 : i32
        %parallel_loop3A_337 = arith.constant 1 : i32
        scf.for %scan3A_339 = %parallel_loop3A_334 to %parallel_loop3A_336 step %parallel_loop3A_337  : i32 {
          %parallel_loop3A_340 = arith.constant 16 : i32
          %parallel_loop3A_341 = arith.muli %parallel_loop3A_326, %parallel_loop3A_340 : i32
          %parallel_loop3A_342 = arith.addi %parallel_loop3A_341, %scan3A_339 : i32
          %parallel_loop3A_343 = vector.broadcast %scan3A_339 : i32 to vector<16x1xi32>
          %parallel_loop3A_344 = vector.shape_cast %parallel_loop3A_343 : vector<16x1xi32> to vector<16xi32>
          %parallel_loop3A_345 = tpu.dynamic_gather %parallel_loop3A_332[%parallel_loop3A_344] in [0] : vector<16xf32>, vector<16xi32> -> vector<16xf32>
          %parallel_loop3A_346 = arith.index_cast %parallel_loop3A_342 : i32 to index
          %parallel_loop3A_347 = arith.constant 0 : index
          %parallel_loop3A_348 = tpu.vector_load %arg15[%parallel_loop3A_346, %parallel_loop3A_347] {strides = array<i32>} : memref<128x64xf32, #tpu.memory_space<vmem>>, vector<1x16xf32>,
          %parallel_loop3A_349 = vector.shape_cast %parallel_loop3A_348 : vector<1x16xf32> to vector<16xf32>
          %parallel_loop3A_350 = arith.mulf %parallel_loop3A_349, %parallel_loop3A_345 : vector<16xf32>
          %parallel_loop3A_351 = arith.index_cast %parallel_loop3A_342 : i32 to index
          %parallel_loop3A_352 = arith.constant 0 : index
          %parallel_loop3A_353 = tpu.vector_load %arg15[%parallel_loop3A_351, %parallel_loop3A_352] {strides = array<i32>} : memref<128x64xf32, #tpu.memory_space<vmem>>, vector<1x16xf32>,
          %parallel_loop3A_354 = vector.shape_cast %parallel_loop3A_353 : vector<1x16xf32> to vector<16xf32>
          %parallel_loop3A_355 = vector.shape_cast %parallel_loop3A_350 : vector<16xf32> to vector<1x16xf32>
          tpu.vector_store %arg15[%parallel_loop3A_351, %parallel_loop3A_352], %parallel_loop3A_355 {strides = array<i32>} : memref<128x64xf32, #tpu.memory_space<vmem>>, vector<1x16xf32>,
          %parallel_loop3A_356 = arith.index_cast %parallel_loop3A_342 : i32 to index
          %parallel_loop3A_357 = arith.constant 16 : index
          %parallel_loop3A_358 = tpu.vector_load %arg15[%parallel_loop3A_356, %parallel_loop3A_357] {strides = array<i32>} : memref<128x64xf32, #tpu.memory_space<vmem>>, vector<1x16xf32>,
          %parallel_loop3A_359 = vector.shape_cast %parallel_loop3A_358 : vector<1x16xf32> to vector<16xf32>
          %parallel_loop3A_360 = arith.mulf %parallel_loop3A_359, %parallel_loop3A_345 : vector<16xf32>
          %parallel_loop3A_361 = arith.index_cast %parallel_loop3A_342 : i32 to index
          %parallel_loop3A_362 = arith.constant 16 : index
          %parallel_loop3A_363 = tpu.vector_load %arg15[%parallel_loop3A_361, %parallel_loop3A_362] {strides = array<i32>} : memref<128x64xf32, #tpu.memory_space<vmem>>, vector<1x16xf32>,
          %parallel_loop3A_364 = vector.shape_cast %parallel_loop3A_363 : vector<1x16xf32> to vector<16xf32>
          %parallel_loop3A_365 = vector.shape_cast %parallel_loop3A_360 : vector<16xf32> to vector<1x16xf32>
          tpu.vector_store %arg15[%parallel_loop3A_361, %parallel_loop3A_362], %parallel_loop3A_365 {strides = array<i32>} : memref<128x64xf32, #tpu.memory_space<vmem>>, vector<1x16xf32>,
          %parallel_loop3A_366 = arith.index_cast %parallel_loop3A_342 : i32 to index
          %parallel_loop3A_367 = arith.constant 32 : index
          %parallel_loop3A_368 = tpu.vector_load %arg15[%parallel_loop3A_366, %parallel_loop3A_367] {strides = array<i32>} : memref<128x64xf32, #tpu.memory_space<vmem>>, vector<1x16xf32>,
          %parallel_loop3A_369 = vector.shape_cast %parallel_loop3A_368 : vector<1x16xf32> to vector<16xf32>
          %parallel_loop3A_370 = arith.mulf %parallel_loop3A_369, %parallel_loop3A_345 : vector<16xf32>
          %parallel_loop3A_371 = arith.index_cast %parallel_loop3A_342 : i32 to index
          %parallel_loop3A_372 = arith.constant 32 : index
          %parallel_loop3A_373 = tpu.vector_load %arg15[%parallel_loop3A_371, %parallel_loop3A_372] {strides = array<i32>} : memref<128x64xf32, #tpu.memory_space<vmem>>, vector<1x16xf32>,
          %parallel_loop3A_374 = vector.shape_cast %parallel_loop3A_373 : vector<1x16xf32> to vector<16xf32>
          %parallel_loop3A_375 = vector.shape_cast %parallel_loop3A_370 : vector<16xf32> to vector<1x16xf32>
          tpu.vector_store %arg15[%parallel_loop3A_371, %parallel_loop3A_372], %parallel_loop3A_375 {strides = array<i32>} : memref<128x64xf32, #tpu.memory_space<vmem>>, vector<1x16xf32>,
          %parallel_loop3A_376 = arith.index_cast %parallel_loop3A_342 : i32 to index
          %parallel_loop3A_377 = arith.constant 48 : index
          %parallel_loop3A_378 = tpu.vector_load %arg15[%parallel_loop3A_376, %parallel_loop3A_377] {strides = array<i32>} : memref<128x64xf32, #tpu.memory_space<vmem>>, vector<1x16xf32>,
          %parallel_loop3A_379 = vector.shape_cast %parallel_loop3A_378 : vector<1x16xf32> to vector<16xf32>
          %parallel_loop3A_380 = arith.mulf %parallel_loop3A_379, %parallel_loop3A_345 : vector<16xf32>
          %parallel_loop3A_381 = arith.index_cast %parallel_loop3A_342 : i32 to index
          %parallel_loop3A_382 = arith.constant 48 : index
          %parallel_loop3A_383 = tpu.vector_load %arg15[%parallel_loop3A_381, %parallel_loop3A_382] {strides = array<i32>} : memref<128x64xf32, #tpu.memory_space<vmem>>, vector<1x16xf32>,
          %parallel_loop3A_384 = vector.shape_cast %parallel_loop3A_383 : vector<1x16xf32> to vector<16xf32>
          %parallel_loop3A_385 = vector.shape_cast %parallel_loop3A_380 : vector<16xf32> to vector<1x16xf32>
          tpu.vector_store %arg15[%parallel_loop3A_381, %parallel_loop3A_382], %parallel_loop3A_385 {strides = array<i32>} : memref<128x64xf32, #tpu.memory_space<vmem>>, vector<1x16xf32>,
        }
        %parallel_loop3A_338 = arith.constant 16 : i32
      } {sc.loop_unroll_factor = 1 : i64, sc.parallel_access}
      %dma_start3A_247 = arith.constant 0 : i32
      %dma_start3A_248 = tpu.memref_slice %arg9[%add3A_225, %dma_start3A_247] : memref<120x128xi32, #tpu.memory_space<vmem>> -> memref<1x128xi32, #tpu.memory_space<vmem>>
      %dma_start3A_249 = tpu.memref_squeeze %dma_start3A_248 : memref<1x128xi32, #tpu.memory_space<vmem>> -> memref<128xi32, #tpu.memory_space<vmem>>
      %dma_start3A_250 = arith.constant 0 : i32
      %dma_start3A_251 = arith.constant 0 : i32
      %dma_start3A_252 = tpu.memref_slice %arg12[%dma_start3A_250, %dma_start3A_251] : memref<10240x64xf32, #tpu.memory_space<vmem_shared>> -> memref<10240x64xf32, #tpu.memory_space<vmem_shared>>
      tpu.enqueue_indirect_dma source(%arg15 : memref<128x64xf32, #tpu.memory_space<vmem>>) target(%dma_start3A_252 : memref<10240x64xf32, #tpu.memory_space<vmem_shared>>) offsets(%dma_start3A_249 : memref<128xi32, #tpu.memory_space<vmem>>) semaphore(%arg23 : memref<!tpu.dma_semaphore, #tpu.memory_space<semaphore_mem>>) {add = true}
      %dma_start3A_253 = arith.constant 0 : i32
      %dma_start3A_254 = tpu.memref_slice %arg9[%add3A_225, %dma_start3A_253] : memref<120x128xi32, #tpu.memory_space<vmem>> -> memref<1x128xi32, #tpu.memory_space<vmem>>
      %dma_start3A_255 = tpu.memref_squeeze %dma_start3A_254 : memref<1x128xi32, #tpu.memory_space<vmem>> -> memref<128xi32, #tpu.memory_space<vmem>>
      %dma_start3A_256 = arith.constant 0 : i32
      %dma_start3A_257 = tpu.memref_slice %arg28[%dma_start3A_256] : memref<10240xf32, #tpu.memory_space<vmem_shared>> -> memref<10240xf32, #tpu.memory_space<vmem_shared>>
      tpu.enqueue_indirect_dma source(%arg26 : memref<128xf32, #tpu.memory_space<vmem>>) target(%dma_start3A_257 : memref<10240xf32, #tpu.memory_space<vmem_shared>>) offsets(%dma_start3A_255 : memref<128xi32, #tpu.memory_space<vmem>>) semaphore(%arg23 : memref<!tpu.dma_semaphore, #tpu.memory_space<semaphore_mem>>) {add = true}
      %add3A_258 = arith.constant 2 : i32
      %add3A_259 = arith.addi %mul3A_194, %add3A_258 : i32
      %ge3A_260 = arith.constant 1 : i32
      %ge3A_261 = arith.cmpi sge, %add3A_259, %ge3A_260 : i32
      %sub3A_262 = arith.constant 1 : i32
      %sub3A_263 = arith.subi %add3A_259, %sub3A_262 : i32
      %add3A_264 = arith.constant 4 : i32
      %add3A_265 = arith.addi %sub3A_263, %add3A_264 : i32
      %lt3A_266 = arith.cmpi slt, %add3A_265, %select_n3A : i32
      %and3A_267 = arith.andi %ge3A_261, %lt3A_266 : i1
      %convert_element_type3A_268 = arith.extui %and3A_267 : i1 to i32
      %cond3A_269 = arith.constant 0 : i32
      %cond3A_270 = arith.cmpi ne, %convert_element_type3A_268, %cond3A_269 : i32
      scf.if %cond3A_270 {
        %dma_wait3A_326 = arith.constant 0 : i32
        %dma_wait3A_327 = arith.constant 0 : i32
        %dma_wait3A_328 = tpu.memref_slice %arg9[%dma_wait3A_326, %dma_wait3A_327] : memref<120x128xi32, #tpu.memory_space<vmem>> -> memref<1x128xi32, #tpu.memory_space<vmem>>
        %dma_wait3A_329 = tpu.memref_squeeze %dma_wait3A_328 : memref<1x128xi32, #tpu.memory_space<vmem>> -> memref<128xi32, #tpu.memory_space<vmem>>
        %dma_wait3A_330 = arith.constant 0 : i32
        %dma_wait3A_331 = arith.constant 0 : i32
        %dma_wait3A_332 = tpu.memref_slice %arg12[%dma_wait3A_330, %dma_wait3A_331] : memref<10240x64xf32, #tpu.memory_space<vmem_shared>> -> memref<10240x64xf32, #tpu.memory_space<vmem_shared>>
        tpu.wait_indirect_dma semaphore(%arg23 : memref<!tpu.dma_semaphore, #tpu.memory_space<semaphore_mem>>) src(%arg15 : memref<128x64xf32, #tpu.memory_space<vmem>>) dst(%dma_wait3A_332 : memref<10240x64xf32, #tpu.memory_space<vmem_shared>>)
        %dma_wait3A_333 = arith.constant 0 : i32
        %dma_wait3A_334 = arith.constant 0 : i32
        %dma_wait3A_335 = tpu.memref_slice %arg9[%dma_wait3A_333, %dma_wait3A_334] : memref<120x128xi32, #tpu.memory_space<vmem>> -> memref<1x128xi32, #tpu.memory_space<vmem>>
        %dma_wait3A_336 = tpu.memref_squeeze %dma_wait3A_335 : memref<1x128xi32, #tpu.memory_space<vmem>> -> memref<128xi32, #tpu.memory_space<vmem>>
        %dma_wait3A_337 = arith.constant 0 : i32
        %dma_wait3A_338 = tpu.memref_slice %arg28[%dma_wait3A_337] : memref<10240xf32, #tpu.memory_space<vmem_shared>> -> memref<10240xf32, #tpu.memory_space<vmem_shared>>
        tpu.wait_indirect_dma semaphore(%arg23 : memref<!tpu.dma_semaphore, #tpu.memory_space<semaphore_mem>>) src(%arg26 : memref<128xf32, #tpu.memory_space<vmem>>) dst(%dma_wait3A_338 : memref<10240xf32, #tpu.memory_space<vmem_shared>>)
        %sub3A_339 = arith.constant 1 : i32
        %sub3A_340 = arith.subi %add3A_259, %sub3A_339 : i32
        %add3A_341 = arith.constant 4 : i32
        %add3A_342 = arith.addi %sub3A_340, %add3A_341 : i32
        %dma_start3A_343 = arith.constant 0 : i32
        %dma_start3A_344 = tpu.memref_slice %arg8[%add3A_342, %dma_start3A_343] : memref<120x128xi32, #tpu.memory_space<vmem>> -> memref<1x128xi32, #tpu.memory_space<vmem>>
        %dma_start3A_345 = tpu.memref_squeeze %dma_start3A_344 : memref<1x128xi32, #tpu.memory_space<vmem>> -> memref<128xi32, #tpu.memory_space<vmem>>
        %dma_start3A_346 = arith.constant 0 : i32
        %dma_start3A_347 = arith.constant 0 : i32
        %dma_start3A_348 = tpu.memref_slice %arg2[%dma_start3A_346, %dma_start3A_347] : memref<10000x64xf32, #tpu.memory_space<hbm>> -> memref<10000x64xf32, #tpu.memory_space<hbm>>
        tpu.enqueue_indirect_dma source(%dma_start3A_348 : memref<10000x64xf32, #tpu.memory_space<hbm>>) target(%arg15 : memref<128x64xf32, #tpu.memory_space<vmem>>) offsets(%dma_start3A_345 : memref<128xi32, #tpu.memory_space<vmem>>) semaphore(%arg19 : memref<!tpu.dma_semaphore, #tpu.memory_space<semaphore_mem>>)
      } else {
      }
      %dma_wait3A_271 = arith.constant 0 : i32
      %dma_wait3A_272 = arith.constant 0 : i32
      %dma_wait3A_273 = tpu.memref_slice %arg8[%dma_wait3A_271, %dma_wait3A_272] : memref<120x128xi32, #tpu.memory_space<vmem>> -> memref<1x128xi32, #tpu.memory_space<vmem>>
      %dma_wait3A_274 = tpu.memref_squeeze %dma_wait3A_273 : memref<1x128xi32, #tpu.memory_space<vmem>> -> memref<128xi32, #tpu.memory_space<vmem>>
      %dma_wait3A_275 = arith.constant 0 : i32
      %dma_wait3A_276 = arith.constant 0 : i32
      %dma_wait3A_277 = tpu.memref_slice %arg2[%dma_wait3A_275, %dma_wait3A_276] : memref<10000x64xf32, #tpu.memory_space<hbm>> -> memref<10000x64xf32, #tpu.memory_space<hbm>>
      tpu.wait_indirect_dma semaphore(%arg20 : memref<!tpu.dma_semaphore, #tpu.memory_space<semaphore_mem>>) src(%dma_wait3A_277 : memref<10000x64xf32, #tpu.memory_space<hbm>>) dst(%arg16 : memref<128x64xf32, #tpu.memory_space<vmem>>)
      %parallel_loop3A_278 = arith.constant 0 : i32
      %parallel_loop3A_279 = arith.constant 8 : i32
      %parallel_loop3A_280 = arith.constant 1 : i32
      scf.for %parallel_loop3A_326 = %parallel_loop3A_278 to %parallel_loop3A_279 step %parallel_loop3A_280  : i32 {
        %parallel_loop3A_327 = arith.constant 16 : i32
        %parallel_loop3A_328 = arith.muli %parallel_loop3A_326, %parallel_loop3A_327 : i32
        %parallel_loop3A_329 = arith.index_cast %add3A_259 : i32 to index
        %parallel_loop3A_330 = arith.index_cast %parallel_loop3A_328 : i32 to index
        %parallel_loop3A_331 = tpu.vector_load %arg10[%parallel_loop3A_329, %parallel_loop3A_330] {strides = array<i32>} : memref<120x128xf32, #tpu.memory_space<vmem>>, vector<1x16xf32>,
        %parallel_loop3A_332 = vector.shape_cast %parallel_loop3A_331 : vector<1x16xf32> to vector<16xf32>
        %parallel_loop3A_333 = arith.constant 0 : i32
        %parallel_loop3A_334 = arith.constant 0 : i32
        %parallel_loop3A_335 = arith.constant 16 : i32
        %parallel_loop3A_336 = arith.addi %parallel_loop3A_334, %parallel_loop3A_335 : i32
        %parallel_loop3A_337 = arith.constant 1 : i32
        scf.for %scan3A_339 = %parallel_loop3A_334 to %parallel_loop3A_336 step %parallel_loop3A_337  : i32 {
          %parallel_loop3A_340 = arith.constant 16 : i32
          %parallel_loop3A_341 = arith.muli %parallel_loop3A_326, %parallel_loop3A_340 : i32
          %parallel_loop3A_342 = arith.addi %parallel_loop3A_341, %scan3A_339 : i32
          %parallel_loop3A_343 = vector.broadcast %scan3A_339 : i32 to vector<16x1xi32>
          %parallel_loop3A_344 = vector.shape_cast %parallel_loop3A_343 : vector<16x1xi32> to vector<16xi32>
          %parallel_loop3A_345 = tpu.dynamic_gather %parallel_loop3A_332[%parallel_loop3A_344] in [0] : vector<16xf32>, vector<16xi32> -> vector<16xf32>
          %parallel_loop3A_346 = arith.index_cast %parallel_loop3A_342 : i32 to index
          %parallel_loop3A_347 = arith.constant 0 : index
          %parallel_loop3A_348 = tpu.vector_load %arg16[%parallel_loop3A_346, %parallel_loop3A_347] {strides = array<i32>} : memref<128x64xf32, #tpu.memory_space<vmem>>, vector<1x16xf32>,
          %parallel_loop3A_349 = vector.shape_cast %parallel_loop3A_348 : vector<1x16xf32> to vector<16xf32>
          %parallel_loop3A_350 = arith.mulf %parallel_loop3A_349, %parallel_loop3A_345 : vector<16xf32>
          %parallel_loop3A_351 = arith.index_cast %parallel_loop3A_342 : i32 to index
          %parallel_loop3A_352 = arith.constant 0 : index
          %parallel_loop3A_353 = tpu.vector_load %arg16[%parallel_loop3A_351, %parallel_loop3A_352] {strides = array<i32>} : memref<128x64xf32, #tpu.memory_space<vmem>>, vector<1x16xf32>,
          %parallel_loop3A_354 = vector.shape_cast %parallel_loop3A_353 : vector<1x16xf32> to vector<16xf32>
          %parallel_loop3A_355 = vector.shape_cast %parallel_loop3A_350 : vector<16xf32> to vector<1x16xf32>
          tpu.vector_store %arg16[%parallel_loop3A_351, %parallel_loop3A_352], %parallel_loop3A_355 {strides = array<i32>} : memref<128x64xf32, #tpu.memory_space<vmem>>, vector<1x16xf32>,
          %parallel_loop3A_356 = arith.index_cast %parallel_loop3A_342 : i32 to index
          %parallel_loop3A_357 = arith.constant 16 : index
          %parallel_loop3A_358 = tpu.vector_load %arg16[%parallel_loop3A_356, %parallel_loop3A_357] {strides = array<i32>} : memref<128x64xf32, #tpu.memory_space<vmem>>, vector<1x16xf32>,
          %parallel_loop3A_359 = vector.shape_cast %parallel_loop3A_358 : vector<1x16xf32> to vector<16xf32>
          %parallel_loop3A_360 = arith.mulf %parallel_loop3A_359, %parallel_loop3A_345 : vector<16xf32>
          %parallel_loop3A_361 = arith.index_cast %parallel_loop3A_342 : i32 to index
          %parallel_loop3A_362 = arith.constant 16 : index
          %parallel_loop3A_363 = tpu.vector_load %arg16[%parallel_loop3A_361, %parallel_loop3A_362] {strides = array<i32>} : memref<128x64xf32, #tpu.memory_space<vmem>>, vector<1x16xf32>,
          %parallel_loop3A_364 = vector.shape_cast %parallel_loop3A_363 : vector<1x16xf32> to vector<16xf32>
          %parallel_loop3A_365 = vector.shape_cast %parallel_loop3A_360 : vector<16xf32> to vector<1x16xf32>
          tpu.vector_store %arg16[%parallel_loop3A_361, %parallel_loop3A_362], %parallel_loop3A_365 {strides = array<i32>} : memref<128x64xf32, #tpu.memory_space<vmem>>, vector<1x16xf32>,
          %parallel_loop3A_366 = arith.index_cast %parallel_loop3A_342 : i32 to index
          %parallel_loop3A_367 = arith.constant 32 : index
          %parallel_loop3A_368 = tpu.vector_load %arg16[%parallel_loop3A_366, %parallel_loop3A_367] {strides = array<i32>} : memref<128x64xf32, #tpu.memory_space<vmem>>, vector<1x16xf32>,
          %parallel_loop3A_369 = vector.shape_cast %parallel_loop3A_368 : vector<1x16xf32> to vector<16xf32>
          %parallel_loop3A_370 = arith.mulf %parallel_loop3A_369, %parallel_loop3A_345 : vector<16xf32>
          %parallel_loop3A_371 = arith.index_cast %parallel_loop3A_342 : i32 to index
          %parallel_loop3A_372 = arith.constant 32 : index
          %parallel_loop3A_373 = tpu.vector_load %arg16[%parallel_loop3A_371, %parallel_loop3A_372] {strides = array<i32>} : memref<128x64xf32, #tpu.memory_space<vmem>>, vector<1x16xf32>,
          %parallel_loop3A_374 = vector.shape_cast %parallel_loop3A_373 : vector<1x16xf32> to vector<16xf32>
          %parallel_loop3A_375 = vector.shape_cast %parallel_loop3A_370 : vector<16xf32> to vector<1x16xf32>
          tpu.vector_store %arg16[%parallel_loop3A_371, %parallel_loop3A_372], %parallel_loop3A_375 {strides = array<i32>} : memref<128x64xf32, #tpu.memory_space<vmem>>, vector<1x16xf32>,
          %parallel_loop3A_376 = arith.index_cast %parallel_loop3A_342 : i32 to index
          %parallel_loop3A_377 = arith.constant 48 : index
          %parallel_loop3A_378 = tpu.vector_load %arg16[%parallel_loop3A_376, %parallel_loop3A_377] {strides = array<i32>} : memref<128x64xf32, #tpu.memory_space<vmem>>, vector<1x16xf32>,
          %parallel_loop3A_379 = vector.shape_cast %parallel_loop3A_378 : vector<1x16xf32> to vector<16xf32>
          %parallel_loop3A_380 = arith.mulf %parallel_loop3A_379, %parallel_loop3A_345 : vector<16xf32>
          %parallel_loop3A_381 = arith.index_cast %parallel_loop3A_342 : i32 to index
          %parallel_loop3A_382 = arith.constant 48 : index
          %parallel_loop3A_383 = tpu.vector_load %arg16[%parallel_loop3A_381, %parallel_loop3A_382] {strides = array<i32>} : memref<128x64xf32, #tpu.memory_space<vmem>>, vector<1x16xf32>,
          %parallel_loop3A_384 = vector.shape_cast %parallel_loop3A_383 : vector<1x16xf32> to vector<16xf32>
          %parallel_loop3A_385 = vector.shape_cast %parallel_loop3A_380 : vector<16xf32> to vector<1x16xf32>
          tpu.vector_store %arg16[%parallel_loop3A_381, %parallel_loop3A_382], %parallel_loop3A_385 {strides = array<i32>} : memref<128x64xf32, #tpu.memory_space<vmem>>, vector<1x16xf32>,
        }
        %parallel_loop3A_338 = arith.constant 16 : i32
      } {sc.loop_unroll_factor = 1 : i64, sc.parallel_access}
      %dma_start3A_281 = arith.constant 0 : i32
      %dma_start3A_282 = tpu.memref_slice %arg9[%add3A_259, %dma_start3A_281] : memref<120x128xi32, #tpu.memory_space<vmem>> -> memref<1x128xi32, #tpu.memory_space<vmem>>
      %dma_start3A_283 = tpu.memref_squeeze %dma_start3A_282 : memref<1x128xi32, #tpu.memory_space<vmem>> -> memref<128xi32, #tpu.memory_space<vmem>>
      %dma_start3A_284 = arith.constant 0 : i32
      %dma_start3A_285 = arith.constant 0 : i32
      %dma_start3A_286 = tpu.memref_slice %arg12[%dma_start3A_284, %dma_start3A_285] : memref<10240x64xf32, #tpu.memory_space<vmem_shared>> -> memref<10240x64xf32, #tpu.memory_space<vmem_shared>>
      tpu.enqueue_indirect_dma source(%arg16 : memref<128x64xf32, #tpu.memory_space<vmem>>) target(%dma_start3A_286 : memref<10240x64xf32, #tpu.memory_space<vmem_shared>>) offsets(%dma_start3A_283 : memref<128xi32, #tpu.memory_space<vmem>>) semaphore(%arg24 : memref<!tpu.dma_semaphore, #tpu.memory_space<semaphore_mem>>) {add = true}
      %dma_start3A_287 = arith.constant 0 : i32
      %dma_start3A_288 = tpu.memref_slice %arg9[%add3A_259, %dma_start3A_287] : memref<120x128xi32, #tpu.memory_space<vmem>> -> memref<1x128xi32, #tpu.memory_space<vmem>>
      %dma_start3A_289 = tpu.memref_squeeze %dma_start3A_288 : memref<1x128xi32, #tpu.memory_space<vmem>> -> memref<128xi32, #tpu.memory_space<vmem>>
      %dma_start3A_290 = arith.constant 0 : i32
      %dma_start3A_291 = tpu.memref_slice %arg28[%dma_start3A_290] : memref<10240xf32, #tpu.memory_space<vmem_shared>> -> memref<10240xf32, #tpu.memory_space<vmem_shared>>
      tpu.enqueue_indirect_dma source(%arg26 : memref<128xf32, #tpu.memory_space<vmem>>) target(%dma_start3A_291 : memref<10240xf32, #tpu.memory_space<vmem_shared>>) offsets(%dma_start3A_289 : memref<128xi32, #tpu.memory_space<vmem>>) semaphore(%arg24 : memref<!tpu.dma_semaphore, #tpu.memory_space<semaphore_mem>>) {add = true}
      %add3A_292 = arith.constant 3 : i32
      %add3A_293 = arith.addi %mul3A_194, %add3A_292 : i32
      %ge3A_294 = arith.constant 1 : i32
      %ge3A_295 = arith.cmpi sge, %add3A_293, %ge3A_294 : i32
      %sub3A_296 = arith.constant 1 : i32
      %sub3A_297 = arith.subi %add3A_293, %sub3A_296 : i32
      %add3A_298 = arith.constant 4 : i32
      %add3A_299 = arith.addi %sub3A_297, %add3A_298 : i32
      %lt3A_300 = arith.cmpi slt, %add3A_299, %select_n3A : i32
      %and3A_301 = arith.andi %ge3A_295, %lt3A_300 : i1
      %convert_element_type3A_302 = arith.extui %and3A_301 : i1 to i32
      %cond3A_303 = arith.constant 0 : i32
      %cond3A_304 = arith.cmpi ne, %convert_element_type3A_302, %cond3A_303 : i32
      scf.if %cond3A_304 {
        %dma_wait3A_326 = arith.constant 0 : i32
        %dma_wait3A_327 = arith.constant 0 : i32
        %dma_wait3A_328 = tpu.memref_slice %arg9[%dma_wait3A_326, %dma_wait3A_327] : memref<120x128xi32, #tpu.memory_space<vmem>> -> memref<1x128xi32, #tpu.memory_space<vmem>>
        %dma_wait3A_329 = tpu.memref_squeeze %dma_wait3A_328 : memref<1x128xi32, #tpu.memory_space<vmem>> -> memref<128xi32, #tpu.memory_space<vmem>>
        %dma_wait3A_330 = arith.constant 0 : i32
        %dma_wait3A_331 = arith.constant 0 : i32
        %dma_wait3A_332 = tpu.memref_slice %arg12[%dma_wait3A_330, %dma_wait3A_331] : memref<10240x64xf32, #tpu.memory_space<vmem_shared>> -> memref<10240x64xf32, #tpu.memory_space<vmem_shared>>
        tpu.wait_indirect_dma semaphore(%arg24 : memref<!tpu.dma_semaphore, #tpu.memory_space<semaphore_mem>>) src(%arg16 : memref<128x64xf32, #tpu.memory_space<vmem>>) dst(%dma_wait3A_332 : memref<10240x64xf32, #tpu.memory_space<vmem_shared>>)
        %dma_wait3A_333 = arith.constant 0 : i32
        %dma_wait3A_334 = arith.constant 0 : i32
        %dma_wait3A_335 = tpu.memref_slice %arg9[%dma_wait3A_333, %dma_wait3A_334] : memref<120x128xi32, #tpu.memory_space<vmem>> -> memref<1x128xi32, #tpu.memory_space<vmem>>
        %dma_wait3A_336 = tpu.memref_squeeze %dma_wait3A_335 : memref<1x128xi32, #tpu.memory_space<vmem>> -> memref<128xi32, #tpu.memory_space<vmem>>
        %dma_wait3A_337 = arith.constant 0 : i32
        %dma_wait3A_338 = tpu.memref_slice %arg28[%dma_wait3A_337] : memref<10240xf32, #tpu.memory_space<vmem_shared>> -> memref<10240xf32, #tpu.memory_space<vmem_shared>>
        tpu.wait_indirect_dma semaphore(%arg24 : memref<!tpu.dma_semaphore, #tpu.memory_space<semaphore_mem>>) src(%arg26 : memref<128xf32, #tpu.memory_space<vmem>>) dst(%dma_wait3A_338 : memref<10240xf32, #tpu.memory_space<vmem_shared>>)
        %sub3A_339 = arith.constant 1 : i32
        %sub3A_340 = arith.subi %add3A_293, %sub3A_339 : i32
        %add3A_341 = arith.constant 4 : i32
        %add3A_342 = arith.addi %sub3A_340, %add3A_341 : i32
        %dma_start3A_343 = arith.constant 0 : i32
        %dma_start3A_344 = tpu.memref_slice %arg8[%add3A_342, %dma_start3A_343] : memref<120x128xi32, #tpu.memory_space<vmem>> -> memref<1x128xi32, #tpu.memory_space<vmem>>
        %dma_start3A_345 = tpu.memref_squeeze %dma_start3A_344 : memref<1x128xi32, #tpu.memory_space<vmem>> -> memref<128xi32, #tpu.memory_space<vmem>>
        %dma_start3A_346 = arith.constant 0 : i32
        %dma_start3A_347 = arith.constant 0 : i32
        %dma_start3A_348 = tpu.memref_slice %arg2[%dma_start3A_346, %dma_start3A_347] : memref<10000x64xf32, #tpu.memory_space<hbm>> -> memref<10000x64xf32, #tpu.memory_space<hbm>>
        tpu.enqueue_indirect_dma source(%dma_start3A_348 : memref<10000x64xf32, #tpu.memory_space<hbm>>) target(%arg16 : memref<128x64xf32, #tpu.memory_space<vmem>>) offsets(%dma_start3A_345 : memref<128xi32, #tpu.memory_space<vmem>>) semaphore(%arg20 : memref<!tpu.dma_semaphore, #tpu.memory_space<semaphore_mem>>)
      } else {
      }
      %dma_wait3A_305 = arith.constant 0 : i32
      %dma_wait3A_306 = arith.constant 0 : i32
      %dma_wait3A_307 = tpu.memref_slice %arg8[%dma_wait3A_305, %dma_wait3A_306] : memref<120x128xi32, #tpu.memory_space<vmem>> -> memref<1x128xi32, #tpu.memory_space<vmem>>
      %dma_wait3A_308 = tpu.memref_squeeze %dma_wait3A_307 : memref<1x128xi32, #tpu.memory_space<vmem>> -> memref<128xi32, #tpu.memory_space<vmem>>
      %dma_wait3A_309 = arith.constant 0 : i32
      %dma_wait3A_310 = arith.constant 0 : i32
      %dma_wait3A_311 = tpu.memref_slice %arg2[%dma_wait3A_309, %dma_wait3A_310] : memref<10000x64xf32, #tpu.memory_space<hbm>> -> memref<10000x64xf32, #tpu.memory_space<hbm>>
      tpu.wait_indirect_dma semaphore(%arg21 : memref<!tpu.dma_semaphore, #tpu.memory_space<semaphore_mem>>) src(%dma_wait3A_311 : memref<10000x64xf32, #tpu.memory_space<hbm>>) dst(%arg17 : memref<128x64xf32, #tpu.memory_space<vmem>>)
      %parallel_loop3A_312 = arith.constant 0 : i32
      %parallel_loop3A_313 = arith.constant 8 : i32
      %parallel_loop3A_314 = arith.constant 1 : i32
      scf.for %parallel_loop3A_326 = %parallel_loop3A_312 to %parallel_loop3A_313 step %parallel_loop3A_314  : i32 {
        %parallel_loop3A_327 = arith.constant 16 : i32
        %parallel_loop3A_328 = arith.muli %parallel_loop3A_326, %parallel_loop3A_327 : i32
        %parallel_loop3A_329 = arith.index_cast %add3A_293 : i32 to index
        %parallel_loop3A_330 = arith.index_cast %parallel_loop3A_328 : i32 to index
        %parallel_loop3A_331 = tpu.vector_load %arg10[%parallel_loop3A_329, %parallel_loop3A_330] {strides = array<i32>} : memref<120x128xf32, #tpu.memory_space<vmem>>, vector<1x16xf32>,
        %parallel_loop3A_332 = vector.shape_cast %parallel_loop3A_331 : vector<1x16xf32> to vector<16xf32>
        %parallel_loop3A_333 = arith.constant 0 : i32
        %parallel_loop3A_334 = arith.constant 0 : i32
        %parallel_loop3A_335 = arith.constant 16 : i32
        %parallel_loop3A_336 = arith.addi %parallel_loop3A_334, %parallel_loop3A_335 : i32
        %parallel_loop3A_337 = arith.constant 1 : i32
        scf.for %scan3A_339 = %parallel_loop3A_334 to %parallel_loop3A_336 step %parallel_loop3A_337  : i32 {
          %parallel_loop3A_340 = arith.constant 16 : i32
          %parallel_loop3A_341 = arith.muli %parallel_loop3A_326, %parallel_loop3A_340 : i32
          %parallel_loop3A_342 = arith.addi %parallel_loop3A_341, %scan3A_339 : i32
          %parallel_loop3A_343 = vector.broadcast %scan3A_339 : i32 to vector<16x1xi32>
          %parallel_loop3A_344 = vector.shape_cast %parallel_loop3A_343 : vector<16x1xi32> to vector<16xi32>
          %parallel_loop3A_345 = tpu.dynamic_gather %parallel_loop3A_332[%parallel_loop3A_344] in [0] : vector<16xf32>, vector<16xi32> -> vector<16xf32>
          %parallel_loop3A_346 = arith.index_cast %parallel_loop3A_342 : i32 to index
          %parallel_loop3A_347 = arith.constant 0 : index
          %parallel_loop3A_348 = tpu.vector_load %arg17[%parallel_loop3A_346, %parallel_loop3A_347] {strides = array<i32>} : memref<128x64xf32, #tpu.memory_space<vmem>>, vector<1x16xf32>,
          %parallel_loop3A_349 = vector.shape_cast %parallel_loop3A_348 : vector<1x16xf32> to vector<16xf32>
          %parallel_loop3A_350 = arith.mulf %parallel_loop3A_349, %parallel_loop3A_345 : vector<16xf32>
          %parallel_loop3A_351 = arith.index_cast %parallel_loop3A_342 : i32 to index
          %parallel_loop3A_352 = arith.constant 0 : index
          %parallel_loop3A_353 = tpu.vector_load %arg17[%parallel_loop3A_351, %parallel_loop3A_352] {strides = array<i32>} : memref<128x64xf32, #tpu.memory_space<vmem>>, vector<1x16xf32>,
          %parallel_loop3A_354 = vector.shape_cast %parallel_loop3A_353 : vector<1x16xf32> to vector<16xf32>
          %parallel_loop3A_355 = vector.shape_cast %parallel_loop3A_350 : vector<16xf32> to vector<1x16xf32>
          tpu.vector_store %arg17[%parallel_loop3A_351, %parallel_loop3A_352], %parallel_loop3A_355 {strides = array<i32>} : memref<128x64xf32, #tpu.memory_space<vmem>>, vector<1x16xf32>,
          %parallel_loop3A_356 = arith.index_cast %parallel_loop3A_342 : i32 to index
          %parallel_loop3A_357 = arith.constant 16 : index
          %parallel_loop3A_358 = tpu.vector_load %arg17[%parallel_loop3A_356, %parallel_loop3A_357] {strides = array<i32>} : memref<128x64xf32, #tpu.memory_space<vmem>>, vector<1x16xf32>,
          %parallel_loop3A_359 = vector.shape_cast %parallel_loop3A_358 : vector<1x16xf32> to vector<16xf32>
          %parallel_loop3A_360 = arith.mulf %parallel_loop3A_359, %parallel_loop3A_345 : vector<16xf32>
          %parallel_loop3A_361 = arith.index_cast %parallel_loop3A_342 : i32 to index
          %parallel_loop3A_362 = arith.constant 16 : index
          %parallel_loop3A_363 = tpu.vector_load %arg17[%parallel_loop3A_361, %parallel_loop3A_362] {strides = array<i32>} : memref<128x64xf32, #tpu.memory_space<vmem>>, vector<1x16xf32>,
          %parallel_loop3A_364 = vector.shape_cast %parallel_loop3A_363 : vector<1x16xf32> to vector<16xf32>
          %parallel_loop3A_365 = vector.shape_cast %parallel_loop3A_360 : vector<16xf32> to vector<1x16xf32>
          tpu.vector_store %arg17[%parallel_loop3A_361, %parallel_loop3A_362], %parallel_loop3A_365 {strides = array<i32>} : memref<128x64xf32, #tpu.memory_space<vmem>>, vector<1x16xf32>,
          %parallel_loop3A_366 = arith.index_cast %parallel_loop3A_342 : i32 to index
          %parallel_loop3A_367 = arith.constant 32 : index
          %parallel_loop3A_368 = tpu.vector_load %arg17[%parallel_loop3A_366, %parallel_loop3A_367] {strides = array<i32>} : memref<128x64xf32, #tpu.memory_space<vmem>>, vector<1x16xf32>,
          %parallel_loop3A_369 = vector.shape_cast %parallel_loop3A_368 : vector<1x16xf32> to vector<16xf32>
          %parallel_loop3A_370 = arith.mulf %parallel_loop3A_369, %parallel_loop3A_345 : vector<16xf32>
          %parallel_loop3A_371 = arith.index_cast %parallel_loop3A_342 : i32 to index
          %parallel_loop3A_372 = arith.constant 32 : index
          %parallel_loop3A_373 = tpu.vector_load %arg17[%parallel_loop3A_371, %parallel_loop3A_372] {strides = array<i32>} : memref<128x64xf32, #tpu.memory_space<vmem>>, vector<1x16xf32>,
          %parallel_loop3A_374 = vector.shape_cast %parallel_loop3A_373 : vector<1x16xf32> to vector<16xf32>
          %parallel_loop3A_375 = vector.shape_cast %parallel_loop3A_370 : vector<16xf32> to vector<1x16xf32>
          tpu.vector_store %arg17[%parallel_loop3A_371, %parallel_loop3A_372], %parallel_loop3A_375 {strides = array<i32>} : memref<128x64xf32, #tpu.memory_space<vmem>>, vector<1x16xf32>,
          %parallel_loop3A_376 = arith.index_cast %parallel_loop3A_342 : i32 to index
          %parallel_loop3A_377 = arith.constant 48 : index
          %parallel_loop3A_378 = tpu.vector_load %arg17[%parallel_loop3A_376, %parallel_loop3A_377] {strides = array<i32>} : memref<128x64xf32, #tpu.memory_space<vmem>>, vector<1x16xf32>,
          %parallel_loop3A_379 = vector.shape_cast %parallel_loop3A_378 : vector<1x16xf32> to vector<16xf32>
          %parallel_loop3A_380 = arith.mulf %parallel_loop3A_379, %parallel_loop3A_345 : vector<16xf32>
          %parallel_loop3A_381 = arith.index_cast %parallel_loop3A_342 : i32 to index
          %parallel_loop3A_382 = arith.constant 48 : index
          %parallel_loop3A_383 = tpu.vector_load %arg17[%parallel_loop3A_381, %parallel_loop3A_382] {strides = array<i32>} : memref<128x64xf32, #tpu.memory_space<vmem>>, vector<1x16xf32>,
          %parallel_loop3A_384 = vector.shape_cast %parallel_loop3A_383 : vector<1x16xf32> to vector<16xf32>
          %parallel_loop3A_385 = vector.shape_cast %parallel_loop3A_380 : vector<16xf32> to vector<1x16xf32>
          tpu.vector_store %arg17[%parallel_loop3A_381, %parallel_loop3A_382], %parallel_loop3A_385 {strides = array<i32>} : memref<128x64xf32, #tpu.memory_space<vmem>>, vector<1x16xf32>,
        }
        %parallel_loop3A_338 = arith.constant 16 : i32
      } {sc.loop_unroll_factor = 1 : i64, sc.parallel_access}
      %dma_start3A_315 = arith.constant 0 : i32
      %dma_start3A_316 = tpu.memref_slice %arg9[%add3A_293, %dma_start3A_315] : memref<120x128xi32, #tpu.memory_space<vmem>> -> memref<1x128xi32, #tpu.memory_space<vmem>>
      %dma_start3A_317 = tpu.memref_squeeze %dma_start3A_316 : memref<1x128xi32, #tpu.memory_space<vmem>> -> memref<128xi32, #tpu.memory_space<vmem>>
      %dma_start3A_318 = arith.constant 0 : i32
      %dma_start3A_319 = arith.constant 0 : i32
      %dma_start3A_320 = tpu.memref_slice %arg12[%dma_start3A_318, %dma_start3A_319] : memref<10240x64xf32, #tpu.memory_space<vmem_shared>> -> memref<10240x64xf32, #tpu.memory_space<vmem_shared>>
      tpu.enqueue_indirect_dma source(%arg17 : memref<128x64xf32, #tpu.memory_space<vmem>>) target(%dma_start3A_320 : memref<10240x64xf32, #tpu.memory_space<vmem_shared>>) offsets(%dma_start3A_317 : memref<128xi32, #tpu.memory_space<vmem>>) semaphore(%arg25 : memref<!tpu.dma_semaphore, #tpu.memory_space<semaphore_mem>>) {add = true}
      %dma_start3A_321 = arith.constant 0 : i32
      %dma_start3A_322 = tpu.memref_slice %arg9[%add3A_293, %dma_start3A_321] : memref<120x128xi32, #tpu.memory_space<vmem>> -> memref<1x128xi32, #tpu.memory_space<vmem>>
      %dma_start3A_323 = tpu.memref_squeeze %dma_start3A_322 : memref<1x128xi32, #tpu.memory_space<vmem>> -> memref<128xi32, #tpu.memory_space<vmem>>
      %dma_start3A_324 = arith.constant 0 : i32
      %dma_start3A_325 = tpu.memref_slice %arg28[%dma_start3A_324] : memref<10240xf32, #tpu.memory_space<vmem_shared>> -> memref<10240xf32, #tpu.memory_space<vmem_shared>>
      tpu.enqueue_indirect_dma source(%arg26 : memref<128xf32, #tpu.memory_space<vmem>>) target(%dma_start3A_325 : memref<10240xf32, #tpu.memory_space<vmem_shared>>) offsets(%dma_start3A_323 : memref<128xi32, #tpu.memory_space<vmem>>) semaphore(%arg25 : memref<!tpu.dma_semaphore, #tpu.memory_space<semaphore_mem>>) {add = true}
    }
    %while3A_138 = arith.constant 1 : i32
    scf.for %while3A_192 = %while3A_136 to %while3A_132 step %while3A_138  : i32 {
      %mul3A_193 = arith.constant 4 : i32
      %mul3A_194 = arith.muli %while3A_192, %mul3A_193 : i32
      %add3A_195 = arith.constant 0 : i32
      %add3A_196 = arith.addi %mul3A_194, %add3A_195 : i32
      %ge3A = arith.constant 1 : i32
      %ge3A_197 = arith.cmpi sge, %add3A_196, %ge3A : i32
      %sub3A_198 = arith.constant 1 : i32
      %sub3A_199 = arith.subi %add3A_196, %sub3A_198 : i32
      %add3A_200 = arith.constant 4 : i32
      %add3A_201 = arith.addi %sub3A_199, %add3A_200 : i32
      %lt3A = arith.cmpi slt, %add3A_201, %select_n3A : i32
      %and3A_202 = arith.andi %ge3A_197, %lt3A : i1
      %convert_element_type3A = arith.extui %and3A_202 : i1 to i32
      %cond3A = arith.constant 0 : i32
      %cond3A_203 = arith.cmpi ne, %convert_element_type3A, %cond3A : i32
      scf.if %cond3A_203 {
        %dma_wait3A_326 = arith.constant 0 : i32
        %dma_wait3A_327 = arith.constant 0 : i32
        %dma_wait3A_328 = tpu.memref_slice %arg9[%dma_wait3A_326, %dma_wait3A_327] : memref<120x128xi32, #tpu.memory_space<vmem>> -> memref<1x128xi32, #tpu.memory_space<vmem>>
        %dma_wait3A_329 = tpu.memref_squeeze %dma_wait3A_328 : memref<1x128xi32, #tpu.memory_space<vmem>> -> memref<128xi32, #tpu.memory_space<vmem>>
        %dma_wait3A_330 = arith.constant 0 : i32
        %dma_wait3A_331 = arith.constant 0 : i32
        %dma_wait3A_332 = tpu.memref_slice %arg12[%dma_wait3A_330, %dma_wait3A_331] : memref<10240x64xf32, #tpu.memory_space<vmem_shared>> -> memref<10240x64xf32, #tpu.memory_space<vmem_shared>>
        tpu.wait_indirect_dma semaphore(%arg25 : memref<!tpu.dma_semaphore, #tpu.memory_space<semaphore_mem>>) src(%arg17 : memref<128x64xf32, #tpu.memory_space<vmem>>) dst(%dma_wait3A_332 : memref<10240x64xf32, #tpu.memory_space<vmem_shared>>)
        %dma_wait3A_333 = arith.constant 0 : i32
        %dma_wait3A_334 = arith.constant 0 : i32
        %dma_wait3A_335 = tpu.memref_slice %arg9[%dma_wait3A_333, %dma_wait3A_334] : memref<120x128xi32, #tpu.memory_space<vmem>> -> memref<1x128xi32, #tpu.memory_space<vmem>>
        %dma_wait3A_336 = tpu.memref_squeeze %dma_wait3A_335 : memref<1x128xi32, #tpu.memory_space<vmem>> -> memref<128xi32, #tpu.memory_space<vmem>>
        %dma_wait3A_337 = arith.constant 0 : i32
        %dma_wait3A_338 = tpu.memref_slice %arg28[%dma_wait3A_337] : memref<10240xf32, #tpu.memory_space<vmem_shared>> -> memref<10240xf32, #tpu.memory_space<vmem_shared>>
        tpu.wait_indirect_dma semaphore(%arg25 : memref<!tpu.dma_semaphore, #tpu.memory_space<semaphore_mem>>) src(%arg26 : memref<128xf32, #tpu.memory_space<vmem>>) dst(%dma_wait3A_338 : memref<10240xf32, #tpu.memory_space<vmem_shared>>)
        %sub3A_339 = arith.constant 1 : i32
        %sub3A_340 = arith.subi %add3A_196, %sub3A_339 : i32
        %add3A_341 = arith.constant 4 : i32
        %add3A_342 = arith.addi %sub3A_340, %add3A_341 : i32
        %dma_start3A_343 = arith.constant 0 : i32
        %dma_start3A_344 = tpu.memref_slice %arg8[%add3A_342, %dma_start3A_343] : memref<120x128xi32, #tpu.memory_space<vmem>> -> memref<1x128xi32, #tpu.memory_space<vmem>>
        %dma_start3A_345 = tpu.memref_squeeze %dma_start3A_344 : memref<1x128xi32, #tpu.memory_space<vmem>> -> memref<128xi32, #tpu.memory_space<vmem>>
        %dma_start3A_346 = arith.constant 0 : i32
        %dma_start3A_347 = arith.constant 0 : i32
        %dma_start3A_348 = tpu.memref_slice %arg2[%dma_start3A_346, %dma_start3A_347] : memref<10000x64xf32, #tpu.memory_space<hbm>> -> memref<10000x64xf32, #tpu.memory_space<hbm>>
        tpu.enqueue_indirect_dma source(%dma_start3A_348 : memref<10000x64xf32, #tpu.memory_space<hbm>>) target(%arg17 : memref<128x64xf32, #tpu.memory_space<vmem>>) offsets(%dma_start3A_345 : memref<128xi32, #tpu.memory_space<vmem>>) semaphore(%arg21 : memref<!tpu.dma_semaphore, #tpu.memory_space<semaphore_mem>>)
      } else {
      }
      %dma_wait3A_204 = arith.constant 0 : i32
      %dma_wait3A_205 = arith.constant 0 : i32
      %dma_wait3A_206 = tpu.memref_slice %arg8[%dma_wait3A_204, %dma_wait3A_205] : memref<120x128xi32, #tpu.memory_space<vmem>> -> memref<1x128xi32, #tpu.memory_space<vmem>>
      %dma_wait3A_207 = tpu.memref_squeeze %dma_wait3A_206 : memref<1x128xi32, #tpu.memory_space<vmem>> -> memref<128xi32, #tpu.memory_space<vmem>>
      %dma_wait3A_208 = arith.constant 0 : i32
      %dma_wait3A_209 = arith.constant 0 : i32
      %dma_wait3A_210 = tpu.memref_slice %arg2[%dma_wait3A_208, %dma_wait3A_209] : memref<10000x64xf32, #tpu.memory_space<hbm>> -> memref<10000x64xf32, #tpu.memory_space<hbm>>
      tpu.wait_indirect_dma semaphore(%arg18 : memref<!tpu.dma_semaphore, #tpu.memory_space<semaphore_mem>>) src(%dma_wait3A_210 : memref<10000x64xf32, #tpu.memory_space<hbm>>) dst(%arg14 : memref<128x64xf32, #tpu.memory_space<vmem>>)
      %parallel_loop3A = arith.constant 0 : i32
      %parallel_loop3A_211 = arith.constant 8 : i32
      %parallel_loop3A_212 = arith.constant 1 : i32
      scf.for %parallel_loop3A_326 = %parallel_loop3A to %parallel_loop3A_211 step %parallel_loop3A_212  : i32 {
        %parallel_loop3A_327 = arith.constant 16 : i32
        %parallel_loop3A_328 = arith.muli %parallel_loop3A_326, %parallel_loop3A_327 : i32
        %parallel_loop3A_329 = arith.index_cast %add3A_196 : i32 to index
        %parallel_loop3A_330 = arith.index_cast %parallel_loop3A_328 : i32 to index
        %parallel_loop3A_331 = tpu.vector_load %arg10[%parallel_loop3A_329, %parallel_loop3A_330] {strides = array<i32>} : memref<120x128xf32, #tpu.memory_space<vmem>>, vector<1x16xf32>,
        %parallel_loop3A_332 = vector.shape_cast %parallel_loop3A_331 : vector<1x16xf32> to vector<16xf32>
        %parallel_loop3A_333 = arith.constant 0 : i32
        %parallel_loop3A_334 = arith.constant 0 : i32
        %parallel_loop3A_335 = arith.constant 16 : i32
        %parallel_loop3A_336 = arith.addi %parallel_loop3A_334, %parallel_loop3A_335 : i32
        %parallel_loop3A_337 = arith.constant 1 : i32
        scf.for %scan3A_339 = %parallel_loop3A_334 to %parallel_loop3A_336 step %parallel_loop3A_337  : i32 {
          %parallel_loop3A_340 = arith.constant 16 : i32
          %parallel_loop3A_341 = arith.muli %parallel_loop3A_326, %parallel_loop3A_340 : i32
          %parallel_loop3A_342 = arith.addi %parallel_loop3A_341, %scan3A_339 : i32
          %parallel_loop3A_343 = vector.broadcast %scan3A_339 : i32 to vector<16x1xi32>
          %parallel_loop3A_344 = vector.shape_cast %parallel_loop3A_343 : vector<16x1xi32> to vector<16xi32>
          %parallel_loop3A_345 = tpu.dynamic_gather %parallel_loop3A_332[%parallel_loop3A_344] in [0] : vector<16xf32>, vector<16xi32> -> vector<16xf32>
          %parallel_loop3A_346 = arith.index_cast %parallel_loop3A_342 : i32 to index
          %parallel_loop3A_347 = arith.constant 0 : index
          %parallel_loop3A_348 = tpu.vector_load %arg14[%parallel_loop3A_346, %parallel_loop3A_347] {strides = array<i32>} : memref<128x64xf32, #tpu.memory_space<vmem>>, vector<1x16xf32>,
          %parallel_loop3A_349 = vector.shape_cast %parallel_loop3A_348 : vector<1x16xf32> to vector<16xf32>
          %parallel_loop3A_350 = arith.mulf %parallel_loop3A_349, %parallel_loop3A_345 : vector<16xf32>
          %parallel_loop3A_351 = arith.index_cast %parallel_loop3A_342 : i32 to index
          %parallel_loop3A_352 = arith.constant 0 : index
          %parallel_loop3A_353 = tpu.vector_load %arg14[%parallel_loop3A_351, %parallel_loop3A_352] {strides = array<i32>} : memref<128x64xf32, #tpu.memory_space<vmem>>, vector<1x16xf32>,
          %parallel_loop3A_354 = vector.shape_cast %parallel_loop3A_353 : vector<1x16xf32> to vector<16xf32>
          %parallel_loop3A_355 = vector.shape_cast %parallel_loop3A_350 : vector<16xf32> to vector<1x16xf32>
          tpu.vector_store %arg14[%parallel_loop3A_351, %parallel_loop3A_352], %parallel_loop3A_355 {strides = array<i32>} : memref<128x64xf32, #tpu.memory_space<vmem>>, vector<1x16xf32>,
          %parallel_loop3A_356 = arith.index_cast %parallel_loop3A_342 : i32 to index
          %parallel_loop3A_357 = arith.constant 16 : index
          %parallel_loop3A_358 = tpu.vector_load %arg14[%parallel_loop3A_356, %parallel_loop3A_357] {strides = array<i32>} : memref<128x64xf32, #tpu.memory_space<vmem>>, vector<1x16xf32>,
          %parallel_loop3A_359 = vector.shape_cast %parallel_loop3A_358 : vector<1x16xf32> to vector<16xf32>
          %parallel_loop3A_360 = arith.mulf %parallel_loop3A_359, %parallel_loop3A_345 : vector<16xf32>
          %parallel_loop3A_361 = arith.index_cast %parallel_loop3A_342 : i32 to index
          %parallel_loop3A_362 = arith.constant 16 : index
          %parallel_loop3A_363 = tpu.vector_load %arg14[%parallel_loop3A_361, %parallel_loop3A_362] {strides = array<i32>} : memref<128x64xf32, #tpu.memory_space<vmem>>, vector<1x16xf32>,
          %parallel_loop3A_364 = vector.shape_cast %parallel_loop3A_363 : vector<1x16xf32> to vector<16xf32>
          %parallel_loop3A_365 = vector.shape_cast %parallel_loop3A_360 : vector<16xf32> to vector<1x16xf32>
          tpu.vector_store %arg14[%parallel_loop3A_361, %parallel_loop3A_362], %parallel_loop3A_365 {strides = array<i32>} : memref<128x64xf32, #tpu.memory_space<vmem>>, vector<1x16xf32>,
          %parallel_loop3A_366 = arith.index_cast %parallel_loop3A_342 : i32 to index
          %parallel_loop3A_367 = arith.constant 32 : index
          %parallel_loop3A_368 = tpu.vector_load %arg14[%parallel_loop3A_366, %parallel_loop3A_367] {strides = array<i32>} : memref<128x64xf32, #tpu.memory_space<vmem>>, vector<1x16xf32>,
          %parallel_loop3A_369 = vector.shape_cast %parallel_loop3A_368 : vector<1x16xf32> to vector<16xf32>
          %parallel_loop3A_370 = arith.mulf %parallel_loop3A_369, %parallel_loop3A_345 : vector<16xf32>
          %parallel_loop3A_371 = arith.index_cast %parallel_loop3A_342 : i32 to index
          %parallel_loop3A_372 = arith.constant 32 : index
          %parallel_loop3A_373 = tpu.vector_load %arg14[%parallel_loop3A_371, %parallel_loop3A_372] {strides = array<i32>} : memref<128x64xf32, #tpu.memory_space<vmem>>, vector<1x16xf32>,
          %parallel_loop3A_374 = vector.shape_cast %parallel_loop3A_373 : vector<1x16xf32> to vector<16xf32>
          %parallel_loop3A_375 = vector.shape_cast %parallel_loop3A_370 : vector<16xf32> to vector<1x16xf32>
          tpu.vector_store %arg14[%parallel_loop3A_371, %parallel_loop3A_372], %parallel_loop3A_375 {strides = array<i32>} : memref<128x64xf32, #tpu.memory_space<vmem>>, vector<1x16xf32>,
          %parallel_loop3A_376 = arith.index_cast %parallel_loop3A_342 : i32 to index
          %parallel_loop3A_377 = arith.constant 48 : index
          %parallel_loop3A_378 = tpu.vector_load %arg14[%parallel_loop3A_376, %parallel_loop3A_377] {strides = array<i32>} : memref<128x64xf32, #tpu.memory_space<vmem>>, vector<1x16xf32>,
          %parallel_loop3A_379 = vector.shape_cast %parallel_loop3A_378 : vector<1x16xf32> to vector<16xf32>
          %parallel_loop3A_380 = arith.mulf %parallel_loop3A_379, %parallel_loop3A_345 : vector<16xf32>
          %parallel_loop3A_381 = arith.index_cast %parallel_loop3A_342 : i32 to index
          %parallel_loop3A_382 = arith.constant 48 : index
          %parallel_loop3A_383 = tpu.vector_load %arg14[%parallel_loop3A_381, %parallel_loop3A_382] {strides = array<i32>} : memref<128x64xf32, #tpu.memory_space<vmem>>, vector<1x16xf32>,
          %parallel_loop3A_384 = vector.shape_cast %parallel_loop3A_383 : vector<1x16xf32> to vector<16xf32>
          %parallel_loop3A_385 = vector.shape_cast %parallel_loop3A_380 : vector<16xf32> to vector<1x16xf32>
          tpu.vector_store %arg14[%parallel_loop3A_381, %parallel_loop3A_382], %parallel_loop3A_385 {strides = array<i32>} : memref<128x64xf32, #tpu.memory_space<vmem>>, vector<1x16xf32>,
        }
        %parallel_loop3A_338 = arith.constant 16 : i32
      } {sc.loop_unroll_factor = 1 : i64, sc.parallel_access}
      %dma_start3A_213 = arith.constant 0 : i32
      %dma_start3A_214 = tpu.memref_slice %arg9[%add3A_196, %dma_start3A_213] : memref<120x128xi32, #tpu.memory_space<vmem>> -> memref<1x128xi32, #tpu.memory_space<vmem>>
      %dma_start3A_215 = tpu.memref_squeeze %dma_start3A_214 : memref<1x128xi32, #tpu.memory_space<vmem>> -> memref<128xi32, #tpu.memory_space<vmem>>
      %dma_start3A_216 = arith.constant 0 : i32
      %dma_start3A_217 = arith.constant 0 : i32
      %dma_start3A_218 = tpu.memref_slice %arg12[%dma_start3A_216, %dma_start3A_217] : memref<10240x64xf32, #tpu.memory_space<vmem_shared>> -> memref<10240x64xf32, #tpu.memory_space<vmem_shared>>
      tpu.enqueue_indirect_dma source(%arg14 : memref<128x64xf32, #tpu.memory_space<vmem>>) target(%dma_start3A_218 : memref<10240x64xf32, #tpu.memory_space<vmem_shared>>) offsets(%dma_start3A_215 : memref<128xi32, #tpu.memory_space<vmem>>) semaphore(%arg22 : memref<!tpu.dma_semaphore, #tpu.memory_space<semaphore_mem>>) {add = true}
      %dma_start3A_219 = arith.constant 0 : i32
      %dma_start3A_220 = tpu.memref_slice %arg9[%add3A_196, %dma_start3A_219] : memref<120x128xi32, #tpu.memory_space<vmem>> -> memref<1x128xi32, #tpu.memory_space<vmem>>
      %dma_start3A_221 = tpu.memref_squeeze %dma_start3A_220 : memref<1x128xi32, #tpu.memory_space<vmem>> -> memref<128xi32, #tpu.memory_space<vmem>>
      %dma_start3A_222 = arith.constant 0 : i32
      %dma_start3A_223 = tpu.memref_slice %arg28[%dma_start3A_222] : memref<10240xf32, #tpu.memory_space<vmem_shared>> -> memref<10240xf32, #tpu.memory_space<vmem_shared>>
      tpu.enqueue_indirect_dma source(%arg26 : memref<128xf32, #tpu.memory_space<vmem>>) target(%dma_start3A_223 : memref<10240xf32, #tpu.memory_space<vmem_shared>>) offsets(%dma_start3A_221 : memref<128xi32, #tpu.memory_space<vmem>>) semaphore(%arg22 : memref<!tpu.dma_semaphore, #tpu.memory_space<semaphore_mem>>) {add = true}
      %add3A_224 = arith.constant 1 : i32
      %add3A_225 = arith.addi %mul3A_194, %add3A_224 : i32
      %ge3A_226 = arith.constant 1 : i32
      %ge3A_227 = arith.cmpi sge, %add3A_225, %ge3A_226 : i32
      %sub3A_228 = arith.constant 1 : i32
      %sub3A_229 = arith.subi %add3A_225, %sub3A_228 : i32
      %add3A_230 = arith.constant 4 : i32
      %add3A_231 = arith.addi %sub3A_229, %add3A_230 : i32
      %lt3A_232 = arith.cmpi slt, %add3A_231, %select_n3A : i32
      %and3A_233 = arith.andi %ge3A_227, %lt3A_232 : i1
      %convert_element_type3A_234 = arith.extui %and3A_233 : i1 to i32
      %cond3A_235 = arith.constant 0 : i32
      %cond3A_236 = arith.cmpi ne, %convert_element_type3A_234, %cond3A_235 : i32
      scf.if %cond3A_236 {
        %dma_wait3A_326 = arith.constant 0 : i32
        %dma_wait3A_327 = arith.constant 0 : i32
        %dma_wait3A_328 = tpu.memref_slice %arg9[%dma_wait3A_326, %dma_wait3A_327] : memref<120x128xi32, #tpu.memory_space<vmem>> -> memref<1x128xi32, #tpu.memory_space<vmem>>
        %dma_wait3A_329 = tpu.memref_squeeze %dma_wait3A_328 : memref<1x128xi32, #tpu.memory_space<vmem>> -> memref<128xi32, #tpu.memory_space<vmem>>
        %dma_wait3A_330 = arith.constant 0 : i32
        %dma_wait3A_331 = arith.constant 0 : i32
        %dma_wait3A_332 = tpu.memref_slice %arg12[%dma_wait3A_330, %dma_wait3A_331] : memref<10240x64xf32, #tpu.memory_space<vmem_shared>> -> memref<10240x64xf32, #tpu.memory_space<vmem_shared>>
        tpu.wait_indirect_dma semaphore(%arg22 : memref<!tpu.dma_semaphore, #tpu.memory_space<semaphore_mem>>) src(%arg14 : memref<128x64xf32, #tpu.memory_space<vmem>>) dst(%dma_wait3A_332 : memref<10240x64xf32, #tpu.memory_space<vmem_shared>>)
        %dma_wait3A_333 = arith.constant 0 : i32
        %dma_wait3A_334 = arith.constant 0 : i32
        %dma_wait3A_335 = tpu.memref_slice %arg9[%dma_wait3A_333, %dma_wait3A_334] : memref<120x128xi32, #tpu.memory_space<vmem>> -> memref<1x128xi32, #tpu.memory_space<vmem>>
        %dma_wait3A_336 = tpu.memref_squeeze %dma_wait3A_335 : memref<1x128xi32, #tpu.memory_space<vmem>> -> memref<128xi32, #tpu.memory_space<vmem>>
        %dma_wait3A_337 = arith.constant 0 : i32
        %dma_wait3A_338 = tpu.memref_slice %arg28[%dma_wait3A_337] : memref<10240xf32, #tpu.memory_space<vmem_shared>> -> memref<10240xf32, #tpu.memory_space<vmem_shared>>
        tpu.wait_indirect_dma semaphore(%arg22 : memref<!tpu.dma_semaphore, #tpu.memory_space<semaphore_mem>>) src(%arg26 : memref<128xf32, #tpu.memory_space<vmem>>) dst(%dma_wait3A_338 : memref<10240xf32, #tpu.memory_space<vmem_shared>>)
        %sub3A_339 = arith.constant 1 : i32
        %sub3A_340 = arith.subi %add3A_225, %sub3A_339 : i32
        %add3A_341 = arith.constant 4 : i32
        %add3A_342 = arith.addi %sub3A_340, %add3A_341 : i32
        %dma_start3A_343 = arith.constant 0 : i32
        %dma_start3A_344 = tpu.memref_slice %arg8[%add3A_342, %dma_start3A_343] : memref<120x128xi32, #tpu.memory_space<vmem>> -> memref<1x128xi32, #tpu.memory_space<vmem>>
        %dma_start3A_345 = tpu.memref_squeeze %dma_start3A_344 : memref<1x128xi32, #tpu.memory_space<vmem>> -> memref<128xi32, #tpu.memory_space<vmem>>
        %dma_start3A_346 = arith.constant 0 : i32
        %dma_start3A_347 = arith.constant 0 : i32
        %dma_start3A_348 = tpu.memref_slice %arg2[%dma_start3A_346, %dma_start3A_347] : memref<10000x64xf32, #tpu.memory_space<hbm>> -> memref<10000x64xf32, #tpu.memory_space<hbm>>
        tpu.enqueue_indirect_dma source(%dma_start3A_348 : memref<10000x64xf32, #tpu.memory_space<hbm>>) target(%arg14 : memref<128x64xf32, #tpu.memory_space<vmem>>) offsets(%dma_start3A_345 : memref<128xi32, #tpu.memory_space<vmem>>) semaphore(%arg18 : memref<!tpu.dma_semaphore, #tpu.memory_space<semaphore_mem>>)
      } else {
      }
      %dma_wait3A_237 = arith.constant 0 : i32
      %dma_wait3A_238 = arith.constant 0 : i32
      %dma_wait3A_239 = tpu.memref_slice %arg8[%dma_wait3A_237, %dma_wait3A_238] : memref<120x128xi32, #tpu.memory_space<vmem>> -> memref<1x128xi32, #tpu.memory_space<vmem>>
      %dma_wait3A_240 = tpu.memref_squeeze %dma_wait3A_239 : memref<1x128xi32, #tpu.memory_space<vmem>> -> memref<128xi32, #tpu.memory_space<vmem>>
      %dma_wait3A_241 = arith.constant 0 : i32
      %dma_wait3A_242 = arith.constant 0 : i32
      %dma_wait3A_243 = tpu.memref_slice %arg2[%dma_wait3A_241, %dma_wait3A_242] : memref<10000x64xf32, #tpu.memory_space<hbm>> -> memref<10000x64xf32, #tpu.memory_space<hbm>>
      tpu.wait_indirect_dma semaphore(%arg19 : memref<!tpu.dma_semaphore, #tpu.memory_space<semaphore_mem>>) src(%dma_wait3A_243 : memref<10000x64xf32, #tpu.memory_space<hbm>>) dst(%arg15 : memref<128x64xf32, #tpu.memory_space<vmem>>)
      %parallel_loop3A_244 = arith.constant 0 : i32
      %parallel_loop3A_245 = arith.constant 8 : i32
      %parallel_loop3A_246 = arith.constant 1 : i32
      scf.for %parallel_loop3A_326 = %parallel_loop3A_244 to %parallel_loop3A_245 step %parallel_loop3A_246  : i32 {
        %parallel_loop3A_327 = arith.constant 16 : i32
        %parallel_loop3A_328 = arith.muli %parallel_loop3A_326, %parallel_loop3A_327 : i32
        %parallel_loop3A_329 = arith.index_cast %add3A_225 : i32 to index
        %parallel_loop3A_330 = arith.index_cast %parallel_loop3A_328 : i32 to index
        %parallel_loop3A_331 = tpu.vector_load %arg10[%parallel_loop3A_329, %parallel_loop3A_330] {strides = array<i32>} : memref<120x128xf32, #tpu.memory_space<vmem>>, vector<1x16xf32>,
        %parallel_loop3A_332 = vector.shape_cast %parallel_loop3A_331 : vector<1x16xf32> to vector<16xf32>
        %parallel_loop3A_333 = arith.constant 0 : i32
        %parallel_loop3A_334 = arith.constant 0 : i32
        %parallel_loop3A_335 = arith.constant 16 : i32
        %parallel_loop3A_336 = arith.addi %parallel_loop3A_334, %parallel_loop3A_335 : i32
        %parallel_loop3A_337 = arith.constant 1 : i32
        scf.for %scan3A_339 = %parallel_loop3A_334 to %parallel_loop3A_336 step %parallel_loop3A_337  : i32 {
          %parallel_loop3A_340 = arith.constant 16 : i32
          %parallel_loop3A_341 = arith.muli %parallel_loop3A_326, %parallel_loop3A_340 : i32
          %parallel_loop3A_342 = arith.addi %parallel_loop3A_341, %scan3A_339 : i32
          %parallel_loop3A_343 = vector.broadcast %scan3A_339 : i32 to vector<16x1xi32>
          %parallel_loop3A_344 = vector.shape_cast %parallel_loop3A_343 : vector<16x1xi32> to vector<16xi32>
          %parallel_loop3A_345 = tpu.dynamic_gather %parallel_loop3A_332[%parallel_loop3A_344] in [0] : vector<16xf32>, vector<16xi32> -> vector<16xf32>
          %parallel_loop3A_346 = arith.index_cast %parallel_loop3A_342 : i32 to index
          %parallel_loop3A_347 = arith.constant 0 : index
          %parallel_loop3A_348 = tpu.vector_load %arg15[%parallel_loop3A_346, %parallel_loop3A_347] {strides = array<i32>} : memref<128x64xf32, #tpu.memory_space<vmem>>, vector<1x16xf32>,
          %parallel_loop3A_349 = vector.shape_cast %parallel_loop3A_348 : vector<1x16xf32> to vector<16xf32>
          %parallel_loop3A_350 = arith.mulf %parallel_loop3A_349, %parallel_loop3A_345 : vector<16xf32>
          %parallel_loop3A_351 = arith.index_cast %parallel_loop3A_342 : i32 to index
          %parallel_loop3A_352 = arith.constant 0 : index
          %parallel_loop3A_353 = tpu.vector_load %arg15[%parallel_loop3A_351, %parallel_loop3A_352] {strides = array<i32>} : memref<128x64xf32, #tpu.memory_space<vmem>>, vector<1x16xf32>,
          %parallel_loop3A_354 = vector.shape_cast %parallel_loop3A_353 : vector<1x16xf32> to vector<16xf32>
          %parallel_loop3A_355 = vector.shape_cast %parallel_loop3A_350 : vector<16xf32> to vector<1x16xf32>
          tpu.vector_store %arg15[%parallel_loop3A_351, %parallel_loop3A_352], %parallel_loop3A_355 {strides = array<i32>} : memref<128x64xf32, #tpu.memory_space<vmem>>, vector<1x16xf32>,
          %parallel_loop3A_356 = arith.index_cast %parallel_loop3A_342 : i32 to index
          %parallel_loop3A_357 = arith.constant 16 : index
          %parallel_loop3A_358 = tpu.vector_load %arg15[%parallel_loop3A_356, %parallel_loop3A_357] {strides = array<i32>} : memref<128x64xf32, #tpu.memory_space<vmem>>, vector<1x16xf32>,
          %parallel_loop3A_359 = vector.shape_cast %parallel_loop3A_358 : vector<1x16xf32> to vector<16xf32>
          %parallel_loop3A_360 = arith.mulf %parallel_loop3A_359, %parallel_loop3A_345 : vector<16xf32>
          %parallel_loop3A_361 = arith.index_cast %parallel_loop3A_342 : i32 to index
          %parallel_loop3A_362 = arith.constant 16 : index
          %parallel_loop3A_363 = tpu.vector_load %arg15[%parallel_loop3A_361, %parallel_loop3A_362] {strides = array<i32>} : memref<128x64xf32, #tpu.memory_space<vmem>>, vector<1x16xf32>,
          %parallel_loop3A_364 = vector.shape_cast %parallel_loop3A_363 : vector<1x16xf32> to vector<16xf32>
          %parallel_loop3A_365 = vector.shape_cast %parallel_loop3A_360 : vector<16xf32> to vector<1x16xf32>
          tpu.vector_store %arg15[%parallel_loop3A_361, %parallel_loop3A_362], %parallel_loop3A_365 {strides = array<i32>} : memref<128x64xf32, #tpu.memory_space<vmem>>, vector<1x16xf32>,
          %parallel_loop3A_366 = arith.index_cast %parallel_loop3A_342 : i32 to index
          %parallel_loop3A_367 = arith.constant 32 : index
          %parallel_loop3A_368 = tpu.vector_load %arg15[%parallel_loop3A_366, %parallel_loop3A_367] {strides = array<i32>} : memref<128x64xf32, #tpu.memory_space<vmem>>, vector<1x16xf32>,
          %parallel_loop3A_369 = vector.shape_cast %parallel_loop3A_368 : vector<1x16xf32> to vector<16xf32>
          %parallel_loop3A_370 = arith.mulf %parallel_loop3A_369, %parallel_loop3A_345 : vector<16xf32>
          %parallel_loop3A_371 = arith.index_cast %parallel_loop3A_342 : i32 to index
          %parallel_loop3A_372 = arith.constant 32 : index
          %parallel_loop3A_373 = tpu.vector_load %arg15[%parallel_loop3A_371, %parallel_loop3A_372] {strides = array<i32>} : memref<128x64xf32, #tpu.memory_space<vmem>>, vector<1x16xf32>,
          %parallel_loop3A_374 = vector.shape_cast %parallel_loop3A_373 : vector<1x16xf32> to vector<16xf32>
          %parallel_loop3A_375 = vector.shape_cast %parallel_loop3A_370 : vector<16xf32> to vector<1x16xf32>
          tpu.vector_store %arg15[%parallel_loop3A_371, %parallel_loop3A_372], %parallel_loop3A_375 {strides = array<i32>} : memref<128x64xf32, #tpu.memory_space<vmem>>, vector<1x16xf32>,
          %parallel_loop3A_376 = arith.index_cast %parallel_loop3A_342 : i32 to index
          %parallel_loop3A_377 = arith.constant 48 : index
          %parallel_loop3A_378 = tpu.vector_load %arg15[%parallel_loop3A_376, %parallel_loop3A_377] {strides = array<i32>} : memref<128x64xf32, #tpu.memory_space<vmem>>, vector<1x16xf32>,
          %parallel_loop3A_379 = vector.shape_cast %parallel_loop3A_378 : vector<1x16xf32> to vector<16xf32>
          %parallel_loop3A_380 = arith.mulf %parallel_loop3A_379, %parallel_loop3A_345 : vector<16xf32>
          %parallel_loop3A_381 = arith.index_cast %parallel_loop3A_342 : i32 to index
          %parallel_loop3A_382 = arith.constant 48 : index
          %parallel_loop3A_383 = tpu.vector_load %arg15[%parallel_loop3A_381, %parallel_loop3A_382] {strides = array<i32>} : memref<128x64xf32, #tpu.memory_space<vmem>>, vector<1x16xf32>,
          %parallel_loop3A_384 = vector.shape_cast %parallel_loop3A_383 : vector<1x16xf32> to vector<16xf32>
          %parallel_loop3A_385 = vector.shape_cast %parallel_loop3A_380 : vector<16xf32> to vector<1x16xf32>
          tpu.vector_store %arg15[%parallel_loop3A_381, %parallel_loop3A_382], %parallel_loop3A_385 {strides = array<i32>} : memref<128x64xf32, #tpu.memory_space<vmem>>, vector<1x16xf32>,
        }
        %parallel_loop3A_338 = arith.constant 16 : i32
      } {sc.loop_unroll_factor = 1 : i64, sc.parallel_access}
      %dma_start3A_247 = arith.constant 0 : i32
      %dma_start3A_248 = tpu.memref_slice %arg9[%add3A_225, %dma_start3A_247] : memref<120x128xi32, #tpu.memory_space<vmem>> -> memref<1x128xi32, #tpu.memory_space<vmem>>
      %dma_start3A_249 = tpu.memref_squeeze %dma_start3A_248 : memref<1x128xi32, #tpu.memory_space<vmem>> -> memref<128xi32, #tpu.memory_space<vmem>>
      %dma_start3A_250 = arith.constant 0 : i32
      %dma_start3A_251 = arith.constant 0 : i32
      %dma_start3A_252 = tpu.memref_slice %arg12[%dma_start3A_250, %dma_start3A_251] : memref<10240x64xf32, #tpu.memory_space<vmem_shared>> -> memref<10240x64xf32, #tpu.memory_space<vmem_shared>>
      tpu.enqueue_indirect_dma source(%arg15 : memref<128x64xf32, #tpu.memory_space<vmem>>) target(%dma_start3A_252 : memref<10240x64xf32, #tpu.memory_space<vmem_shared>>) offsets(%dma_start3A_249 : memref<128xi32, #tpu.memory_space<vmem>>) semaphore(%arg23 : memref<!tpu.dma_semaphore, #tpu.memory_space<semaphore_mem>>) {add = true}
      %dma_start3A_253 = arith.constant 0 : i32
      %dma_start3A_254 = tpu.memref_slice %arg9[%add3A_225, %dma_start3A_253] : memref<120x128xi32, #tpu.memory_space<vmem>> -> memref<1x128xi32, #tpu.memory_space<vmem>>
      %dma_start3A_255 = tpu.memref_squeeze %dma_start3A_254 : memref<1x128xi32, #tpu.memory_space<vmem>> -> memref<128xi32, #tpu.memory_space<vmem>>
      %dma_start3A_256 = arith.constant 0 : i32
      %dma_start3A_257 = tpu.memref_slice %arg28[%dma_start3A_256] : memref<10240xf32, #tpu.memory_space<vmem_shared>> -> memref<10240xf32, #tpu.memory_space<vmem_shared>>
      tpu.enqueue_indirect_dma source(%arg26 : memref<128xf32, #tpu.memory_space<vmem>>) target(%dma_start3A_257 : memref<10240xf32, #tpu.memory_space<vmem_shared>>) offsets(%dma_start3A_255 : memref<128xi32, #tpu.memory_space<vmem>>) semaphore(%arg23 : memref<!tpu.dma_semaphore, #tpu.memory_space<semaphore_mem>>) {add = true}
      %add3A_258 = arith.constant 2 : i32
      %add3A_259 = arith.addi %mul3A_194, %add3A_258 : i32
      %ge3A_260 = arith.constant 1 : i32
      %ge3A_261 = arith.cmpi sge, %add3A_259, %ge3A_260 : i32
      %sub3A_262 = arith.constant 1 : i32
      %sub3A_263 = arith.subi %add3A_259, %sub3A_262 : i32
      %add3A_264 = arith.constant 4 : i32
      %add3A_265 = arith.addi %sub3A_263, %add3A_264 : i32
      %lt3A_266 = arith.cmpi slt, %add3A_265, %select_n3A : i32
      %and3A_267 = arith.andi %ge3A_261, %lt3A_266 : i1
      %convert_element_type3A_268 = arith.extui %and3A_267 : i1 to i32
      %cond3A_269 = arith.constant 0 : i32
      %cond3A_270 = arith.cmpi ne, %convert_element_type3A_268, %cond3A_269 : i32
      scf.if %cond3A_270 {
        %dma_wait3A_326 = arith.constant 0 : i32
        %dma_wait3A_327 = arith.constant 0 : i32
        %dma_wait3A_328 = tpu.memref_slice %arg9[%dma_wait3A_326, %dma_wait3A_327] : memref<120x128xi32, #tpu.memory_space<vmem>> -> memref<1x128xi32, #tpu.memory_space<vmem>>
        %dma_wait3A_329 = tpu.memref_squeeze %dma_wait3A_328 : memref<1x128xi32, #tpu.memory_space<vmem>> -> memref<128xi32, #tpu.memory_space<vmem>>
        %dma_wait3A_330 = arith.constant 0 : i32
        %dma_wait3A_331 = arith.constant 0 : i32
        %dma_wait3A_332 = tpu.memref_slice %arg12[%dma_wait3A_330, %dma_wait3A_331] : memref<10240x64xf32, #tpu.memory_space<vmem_shared>> -> memref<10240x64xf32, #tpu.memory_space<vmem_shared>>
        tpu.wait_indirect_dma semaphore(%arg23 : memref<!tpu.dma_semaphore, #tpu.memory_space<semaphore_mem>>) src(%arg15 : memref<128x64xf32, #tpu.memory_space<vmem>>) dst(%dma_wait3A_332 : memref<10240x64xf32, #tpu.memory_space<vmem_shared>>)
        %dma_wait3A_333 = arith.constant 0 : i32
        %dma_wait3A_334 = arith.constant 0 : i32
        %dma_wait3A_335 = tpu.memref_slice %arg9[%dma_wait3A_333, %dma_wait3A_334] : memref<120x128xi32, #tpu.memory_space<vmem>> -> memref<1x128xi32, #tpu.memory_space<vmem>>
        %dma_wait3A_336 = tpu.memref_squeeze %dma_wait3A_335 : memref<1x128xi32, #tpu.memory_space<vmem>> -> memref<128xi32, #tpu.memory_space<vmem>>
        %dma_wait3A_337 = arith.constant 0 : i32
        %dma_wait3A_338 = tpu.memref_slice %arg28[%dma_wait3A_337] : memref<10240xf32, #tpu.memory_space<vmem_shared>> -> memref<10240xf32, #tpu.memory_space<vmem_shared>>
        tpu.wait_indirect_dma semaphore(%arg23 : memref<!tpu.dma_semaphore, #tpu.memory_space<semaphore_mem>>) src(%arg26 : memref<128xf32, #tpu.memory_space<vmem>>) dst(%dma_wait3A_338 : memref<10240xf32, #tpu.memory_space<vmem_shared>>)
        %sub3A_339 = arith.constant 1 : i32
        %sub3A_340 = arith.subi %add3A_259, %sub3A_339 : i32
        %add3A_341 = arith.constant 4 : i32
        %add3A_342 = arith.addi %sub3A_340, %add3A_341 : i32
        %dma_start3A_343 = arith.constant 0 : i32
        %dma_start3A_344 = tpu.memref_slice %arg8[%add3A_342, %dma_start3A_343] : memref<120x128xi32, #tpu.memory_space<vmem>> -> memref<1x128xi32, #tpu.memory_space<vmem>>
        %dma_start3A_345 = tpu.memref_squeeze %dma_start3A_344 : memref<1x128xi32, #tpu.memory_space<vmem>> -> memref<128xi32, #tpu.memory_space<vmem>>
        %dma_start3A_346 = arith.constant 0 : i32
        %dma_start3A_347 = arith.constant 0 : i32
        %dma_start3A_348 = tpu.memref_slice %arg2[%dma_start3A_346, %dma_start3A_347] : memref<10000x64xf32, #tpu.memory_space<hbm>> -> memref<10000x64xf32, #tpu.memory_space<hbm>>
        tpu.enqueue_indirect_dma source(%dma_start3A_348 : memref<10000x64xf32, #tpu.memory_space<hbm>>) target(%arg15 : memref<128x64xf32, #tpu.memory_space<vmem>>) offsets(%dma_start3A_345 : memref<128xi32, #tpu.memory_space<vmem>>) semaphore(%arg19 : memref<!tpu.dma_semaphore, #tpu.memory_space<semaphore_mem>>)
      } else {
      }
      %dma_wait3A_271 = arith.constant 0 : i32
      %dma_wait3A_272 = arith.constant 0 : i32
      %dma_wait3A_273 = tpu.memref_slice %arg8[%dma_wait3A_271, %dma_wait3A_272] : memref<120x128xi32, #tpu.memory_space<vmem>> -> memref<1x128xi32, #tpu.memory_space<vmem>>
      %dma_wait3A_274 = tpu.memref_squeeze %dma_wait3A_273 : memref<1x128xi32, #tpu.memory_space<vmem>> -> memref<128xi32, #tpu.memory_space<vmem>>
      %dma_wait3A_275 = arith.constant 0 : i32
      %dma_wait3A_276 = arith.constant 0 : i32
      %dma_wait3A_277 = tpu.memref_slice %arg2[%dma_wait3A_275, %dma_wait3A_276] : memref<10000x64xf32, #tpu.memory_space<hbm>> -> memref<10000x64xf32, #tpu.memory_space<hbm>>
      tpu.wait_indirect_dma semaphore(%arg20 : memref<!tpu.dma_semaphore, #tpu.memory_space<semaphore_mem>>) src(%dma_wait3A_277 : memref<10000x64xf32, #tpu.memory_space<hbm>>) dst(%arg16 : memref<128x64xf32, #tpu.memory_space<vmem>>)
      %parallel_loop3A_278 = arith.constant 0 : i32
      %parallel_loop3A_279 = arith.constant 8 : i32
      %parallel_loop3A_280 = arith.constant 1 : i32
      scf.for %parallel_loop3A_326 = %parallel_loop3A_278 to %parallel_loop3A_279 step %parallel_loop3A_280  : i32 {
        %parallel_loop3A_327 = arith.constant 16 : i32
        %parallel_loop3A_328 = arith.muli %parallel_loop3A_326, %parallel_loop3A_327 : i32
        %parallel_loop3A_329 = arith.index_cast %add3A_259 : i32 to index
        %parallel_loop3A_330 = arith.index_cast %parallel_loop3A_328 : i32 to index
        %parallel_loop3A_331 = tpu.vector_load %arg10[%parallel_loop3A_329, %parallel_loop3A_330] {strides = array<i32>} : memref<120x128xf32, #tpu.memory_space<vmem>>, vector<1x16xf32>,
        %parallel_loop3A_332 = vector.shape_cast %parallel_loop3A_331 : vector<1x16xf32> to vector<16xf32>
        %parallel_loop3A_333 = arith.constant 0 : i32
        %parallel_loop3A_334 = arith.constant 0 : i32
        %parallel_loop3A_335 = arith.constant 16 : i32
        %parallel_loop3A_336 = arith.addi %parallel_loop3A_334, %parallel_loop3A_335 : i32
        %parallel_loop3A_337 = arith.constant 1 : i32
        scf.for %scan3A_339 = %parallel_loop3A_334 to %parallel_loop3A_336 step %parallel_loop3A_337  : i32 {
          %parallel_loop3A_340 = arith.constant 16 : i32
          %parallel_loop3A_341 = arith.muli %parallel_loop3A_326, %parallel_loop3A_340 : i32
          %parallel_loop3A_342 = arith.addi %parallel_loop3A_341, %scan3A_339 : i32
          %parallel_loop3A_343 = vector.broadcast %scan3A_339 : i32 to vector<16x1xi32>
          %parallel_loop3A_344 = vector.shape_cast %parallel_loop3A_343 : vector<16x1xi32> to vector<16xi32>
          %parallel_loop3A_345 = tpu.dynamic_gather %parallel_loop3A_332[%parallel_loop3A_344] in [0] : vector<16xf32>, vector<16xi32> -> vector<16xf32>
          %parallel_loop3A_346 = arith.index_cast %parallel_loop3A_342 : i32 to index
          %parallel_loop3A_347 = arith.constant 0 : index
          %parallel_loop3A_348 = tpu.vector_load %arg16[%parallel_loop3A_346, %parallel_loop3A_347] {strides = array<i32>} : memref<128x64xf32, #tpu.memory_space<vmem>>, vector<1x16xf32>,
          %parallel_loop3A_349 = vector.shape_cast %parallel_loop3A_348 : vector<1x16xf32> to vector<16xf32>
          %parallel_loop3A_350 = arith.mulf %parallel_loop3A_349, %parallel_loop3A_345 : vector<16xf32>
          %parallel_loop3A_351 = arith.index_cast %parallel_loop3A_342 : i32 to index
          %parallel_loop3A_352 = arith.constant 0 : index
          %parallel_loop3A_353 = tpu.vector_load %arg16[%parallel_loop3A_351, %parallel_loop3A_352] {strides = array<i32>} : memref<128x64xf32, #tpu.memory_space<vmem>>, vector<1x16xf32>,
          %parallel_loop3A_354 = vector.shape_cast %parallel_loop3A_353 : vector<1x16xf32> to vector<16xf32>
          %parallel_loop3A_355 = vector.shape_cast %parallel_loop3A_350 : vector<16xf32> to vector<1x16xf32>
          tpu.vector_store %arg16[%parallel_loop3A_351, %parallel_loop3A_352], %parallel_loop3A_355 {strides = array<i32>} : memref<128x64xf32, #tpu.memory_space<vmem>>, vector<1x16xf32>,
          %parallel_loop3A_356 = arith.index_cast %parallel_loop3A_342 : i32 to index
          %parallel_loop3A_357 = arith.constant 16 : index
          %parallel_loop3A_358 = tpu.vector_load %arg16[%parallel_loop3A_356, %parallel_loop3A_357] {strides = array<i32>} : memref<128x64xf32, #tpu.memory_space<vmem>>, vector<1x16xf32>,
          %parallel_loop3A_359 = vector.shape_cast %parallel_loop3A_358 : vector<1x16xf32> to vector<16xf32>
          %parallel_loop3A_360 = arith.mulf %parallel_loop3A_359, %parallel_loop3A_345 : vector<16xf32>
          %parallel_loop3A_361 = arith.index_cast %parallel_loop3A_342 : i32 to index
          %parallel_loop3A_362 = arith.constant 16 : index
          %parallel_loop3A_363 = tpu.vector_load %arg16[%parallel_loop3A_361, %parallel_loop3A_362] {strides = array<i32>} : memref<128x64xf32, #tpu.memory_space<vmem>>, vector<1x16xf32>,
          %parallel_loop3A_364 = vector.shape_cast %parallel_loop3A_363 : vector<1x16xf32> to vector<16xf32>
          %parallel_loop3A_365 = vector.shape_cast %parallel_loop3A_360 : vector<16xf32> to vector<1x16xf32>
          tpu.vector_store %arg16[%parallel_loop3A_361, %parallel_loop3A_362], %parallel_loop3A_365 {strides = array<i32>} : memref<128x64xf32, #tpu.memory_space<vmem>>, vector<1x16xf32>,
          %parallel_loop3A_366 = arith.index_cast %parallel_loop3A_342 : i32 to index
          %parallel_loop3A_367 = arith.constant 32 : index
          %parallel_loop3A_368 = tpu.vector_load %arg16[%parallel_loop3A_366, %parallel_loop3A_367] {strides = array<i32>} : memref<128x64xf32, #tpu.memory_space<vmem>>, vector<1x16xf32>,
          %parallel_loop3A_369 = vector.shape_cast %parallel_loop3A_368 : vector<1x16xf32> to vector<16xf32>
          %parallel_loop3A_370 = arith.mulf %parallel_loop3A_369, %parallel_loop3A_345 : vector<16xf32>
          %parallel_loop3A_371 = arith.index_cast %parallel_loop3A_342 : i32 to index
          %parallel_loop3A_372 = arith.constant 32 : index
          %parallel_loop3A_373 = tpu.vector_load %arg16[%parallel_loop3A_371, %parallel_loop3A_372] {strides = array<i32>} : memref<128x64xf32, #tpu.memory_space<vmem>>, vector<1x16xf32>,
          %parallel_loop3A_374 = vector.shape_cast %parallel_loop3A_373 : vector<1x16xf32> to vector<16xf32>
          %parallel_loop3A_375 = vector.shape_cast %parallel_loop3A_370 : vector<16xf32> to vector<1x16xf32>
          tpu.vector_store %arg16[%parallel_loop3A_371, %parallel_loop3A_372], %parallel_loop3A_375 {strides = array<i32>} : memref<128x64xf32, #tpu.memory_space<vmem>>, vector<1x16xf32>,
          %parallel_loop3A_376 = arith.index_cast %parallel_loop3A_342 : i32 to index
          %parallel_loop3A_377 = arith.constant 48 : index
          %parallel_loop3A_378 = tpu.vector_load %arg16[%parallel_loop3A_376, %parallel_loop3A_377] {strides = array<i32>} : memref<128x64xf32, #tpu.memory_space<vmem>>, vector<1x16xf32>,
          %parallel_loop3A_379 = vector.shape_cast %parallel_loop3A_378 : vector<1x16xf32> to vector<16xf32>
          %parallel_loop3A_380 = arith.mulf %parallel_loop3A_379, %parallel_loop3A_345 : vector<16xf32>
          %parallel_loop3A_381 = arith.index_cast %parallel_loop3A_342 : i32 to index
          %parallel_loop3A_382 = arith.constant 48 : index
          %parallel_loop3A_383 = tpu.vector_load %arg16[%parallel_loop3A_381, %parallel_loop3A_382] {strides = array<i32>} : memref<128x64xf32, #tpu.memory_space<vmem>>, vector<1x16xf32>,
          %parallel_loop3A_384 = vector.shape_cast %parallel_loop3A_383 : vector<1x16xf32> to vector<16xf32>
          %parallel_loop3A_385 = vector.shape_cast %parallel_loop3A_380 : vector<16xf32> to vector<1x16xf32>
          tpu.vector_store %arg16[%parallel_loop3A_381, %parallel_loop3A_382], %parallel_loop3A_385 {strides = array<i32>} : memref<128x64xf32, #tpu.memory_space<vmem>>, vector<1x16xf32>,
        }
        %parallel_loop3A_338 = arith.constant 16 : i32
      } {sc.loop_unroll_factor = 1 : i64, sc.parallel_access}
      %dma_start3A_281 = arith.constant 0 : i32
      %dma_start3A_282 = tpu.memref_slice %arg9[%add3A_259, %dma_start3A_281] : memref<120x128xi32, #tpu.memory_space<vmem>> -> memref<1x128xi32, #tpu.memory_space<vmem>>
      %dma_start3A_283 = tpu.memref_squeeze %dma_start3A_282 : memref<1x128xi32, #tpu.memory_space<vmem>> -> memref<128xi32, #tpu.memory_space<vmem>>
      %dma_start3A_284 = arith.constant 0 : i32
      %dma_start3A_285 = arith.constant 0 : i32
      %dma_start3A_286 = tpu.memref_slice %arg12[%dma_start3A_284, %dma_start3A_285] : memref<10240x64xf32, #tpu.memory_space<vmem_shared>> -> memref<10240x64xf32, #tpu.memory_space<vmem_shared>>
      tpu.enqueue_indirect_dma source(%arg16 : memref<128x64xf32, #tpu.memory_space<vmem>>) target(%dma_start3A_286 : memref<10240x64xf32, #tpu.memory_space<vmem_shared>>) offsets(%dma_start3A_283 : memref<128xi32, #tpu.memory_space<vmem>>) semaphore(%arg24 : memref<!tpu.dma_semaphore, #tpu.memory_space<semaphore_mem>>) {add = true}
      %dma_start3A_287 = arith.constant 0 : i32
      %dma_start3A_288 = tpu.memref_slice %arg9[%add3A_259, %dma_start3A_287] : memref<120x128xi32, #tpu.memory_space<vmem>> -> memref<1x128xi32, #tpu.memory_space<vmem>>
      %dma_start3A_289 = tpu.memref_squeeze %dma_start3A_288 : memref<1x128xi32, #tpu.memory_space<vmem>> -> memref<128xi32, #tpu.memory_space<vmem>>
      %dma_start3A_290 = arith.constant 0 : i32
      %dma_start3A_291 = tpu.memref_slice %arg28[%dma_start3A_290] : memref<10240xf32, #tpu.memory_space<vmem_shared>> -> memref<10240xf32, #tpu.memory_space<vmem_shared>>
      tpu.enqueue_indirect_dma source(%arg26 : memref<128xf32, #tpu.memory_space<vmem>>) target(%dma_start3A_291 : memref<10240xf32, #tpu.memory_space<vmem_shared>>) offsets(%dma_start3A_289 : memref<128xi32, #tpu.memory_space<vmem>>) semaphore(%arg24 : memref<!tpu.dma_semaphore, #tpu.memory_space<semaphore_mem>>) {add = true}
      %add3A_292 = arith.constant 3 : i32
      %add3A_293 = arith.addi %mul3A_194, %add3A_292 : i32
      %ge3A_294 = arith.constant 1 : i32
      %ge3A_295 = arith.cmpi sge, %add3A_293, %ge3A_294 : i32
      %sub3A_296 = arith.constant 1 : i32
      %sub3A_297 = arith.subi %add3A_293, %sub3A_296 : i32
      %add3A_298 = arith.constant 4 : i32
      %add3A_299 = arith.addi %sub3A_297, %add3A_298 : i32
      %lt3A_300 = arith.cmpi slt, %add3A_299, %select_n3A : i32
      %and3A_301 = arith.andi %ge3A_295, %lt3A_300 : i1
      %convert_element_type3A_302 = arith.extui %and3A_301 : i1 to i32
      %cond3A_303 = arith.constant 0 : i32
      %cond3A_304 = arith.cmpi ne, %convert_element_type3A_302, %cond3A_303 : i32
      scf.if %cond3A_304 {
        %dma_wait3A_326 = arith.constant 0 : i32
        %dma_wait3A_327 = arith.constant 0 : i32
        %dma_wait3A_328 = tpu.memref_slice %arg9[%dma_wait3A_326, %dma_wait3A_327] : memref<120x128xi32, #tpu.memory_space<vmem>> -> memref<1x128xi32, #tpu.memory_space<vmem>>
        %dma_wait3A_329 = tpu.memref_squeeze %dma_wait3A_328 : memref<1x128xi32, #tpu.memory_space<vmem>> -> memref<128xi32, #tpu.memory_space<vmem>>
        %dma_wait3A_330 = arith.constant 0 : i32
        %dma_wait3A_331 = arith.constant 0 : i32
        %dma_wait3A_332 = tpu.memref_slice %arg12[%dma_wait3A_330, %dma_wait3A_331] : memref<10240x64xf32, #tpu.memory_space<vmem_shared>> -> memref<10240x64xf32, #tpu.memory_space<vmem_shared>>
        tpu.wait_indirect_dma semaphore(%arg24 : memref<!tpu.dma_semaphore, #tpu.memory_space<semaphore_mem>>) src(%arg16 : memref<128x64xf32, #tpu.memory_space<vmem>>) dst(%dma_wait3A_332 : memref<10240x64xf32, #tpu.memory_space<vmem_shared>>)
        %dma_wait3A_333 = arith.constant 0 : i32
        %dma_wait3A_334 = arith.constant 0 : i32
        %dma_wait3A_335 = tpu.memref_slice %arg9[%dma_wait3A_333, %dma_wait3A_334] : memref<120x128xi32, #tpu.memory_space<vmem>> -> memref<1x128xi32, #tpu.memory_space<vmem>>
        %dma_wait3A_336 = tpu.memref_squeeze %dma_wait3A_335 : memref<1x128xi32, #tpu.memory_space<vmem>> -> memref<128xi32, #tpu.memory_space<vmem>>
        %dma_wait3A_337 = arith.constant 0 : i32
        %dma_wait3A_338 = tpu.memref_slice %arg28[%dma_wait3A_337] : memref<10240xf32, #tpu.memory_space<vmem_shared>> -> memref<10240xf32, #tpu.memory_space<vmem_shared>>
        tpu.wait_indirect_dma semaphore(%arg24 : memref<!tpu.dma_semaphore, #tpu.memory_space<semaphore_mem>>) src(%arg26 : memref<128xf32, #tpu.memory_space<vmem>>) dst(%dma_wait3A_338 : memref<10240xf32, #tpu.memory_space<vmem_shared>>)
        %sub3A_339 = arith.constant 1 : i32
        %sub3A_340 = arith.subi %add3A_293, %sub3A_339 : i32
        %add3A_341 = arith.constant 4 : i32
        %add3A_342 = arith.addi %sub3A_340, %add3A_341 : i32
        %dma_start3A_343 = arith.constant 0 : i32
        %dma_start3A_344 = tpu.memref_slice %arg8[%add3A_342, %dma_start3A_343] : memref<120x128xi32, #tpu.memory_space<vmem>> -> memref<1x128xi32, #tpu.memory_space<vmem>>
        %dma_start3A_345 = tpu.memref_squeeze %dma_start3A_344 : memref<1x128xi32, #tpu.memory_space<vmem>> -> memref<128xi32, #tpu.memory_space<vmem>>
        %dma_start3A_346 = arith.constant 0 : i32
        %dma_start3A_347 = arith.constant 0 : i32
        %dma_start3A_348 = tpu.memref_slice %arg2[%dma_start3A_346, %dma_start3A_347] : memref<10000x64xf32, #tpu.memory_space<hbm>> -> memref<10000x64xf32, #tpu.memory_space<hbm>>
        tpu.enqueue_indirect_dma source(%dma_start3A_348 : memref<10000x64xf32, #tpu.memory_space<hbm>>) target(%arg16 : memref<128x64xf32, #tpu.memory_space<vmem>>) offsets(%dma_start3A_345 : memref<128xi32, #tpu.memory_space<vmem>>) semaphore(%arg20 : memref<!tpu.dma_semaphore, #tpu.memory_space<semaphore_mem>>)
      } else {
      }
      %dma_wait3A_305 = arith.constant 0 : i32
      %dma_wait3A_306 = arith.constant 0 : i32
      %dma_wait3A_307 = tpu.memref_slice %arg8[%dma_wait3A_305, %dma_wait3A_306] : memref<120x128xi32, #tpu.memory_space<vmem>> -> memref<1x128xi32, #tpu.memory_space<vmem>>
      %dma_wait3A_308 = tpu.memref_squeeze %dma_wait3A_307 : memref<1x128xi32, #tpu.memory_space<vmem>> -> memref<128xi32, #tpu.memory_space<vmem>>
      %dma_wait3A_309 = arith.constant 0 : i32
      %dma_wait3A_310 = arith.constant 0 : i32
      %dma_wait3A_311 = tpu.memref_slice %arg2[%dma_wait3A_309, %dma_wait3A_310] : memref<10000x64xf32, #tpu.memory_space<hbm>> -> memref<10000x64xf32, #tpu.memory_space<hbm>>
      tpu.wait_indirect_dma semaphore(%arg21 : memref<!tpu.dma_semaphore, #tpu.memory_space<semaphore_mem>>) src(%dma_wait3A_311 : memref<10000x64xf32, #tpu.memory_space<hbm>>) dst(%arg17 : memref<128x64xf32, #tpu.memory_space<vmem>>)
      %parallel_loop3A_312 = arith.constant 0 : i32
      %parallel_loop3A_313 = arith.constant 8 : i32
      %parallel_loop3A_314 = arith.constant 1 : i32
      scf.for %parallel_loop3A_326 = %parallel_loop3A_312 to %parallel_loop3A_313 step %parallel_loop3A_314  : i32 {
        %parallel_loop3A_327 = arith.constant 16 : i32
        %parallel_loop3A_328 = arith.muli %parallel_loop3A_326, %parallel_loop3A_327 : i32
        %parallel_loop3A_329 = arith.index_cast %add3A_293 : i32 to index
        %parallel_loop3A_330 = arith.index_cast %parallel_loop3A_328 : i32 to index
        %parallel_loop3A_331 = tpu.vector_load %arg10[%parallel_loop3A_329, %parallel_loop3A_330] {strides = array<i32>} : memref<120x128xf32, #tpu.memory_space<vmem>>, vector<1x16xf32>,
        %parallel_loop3A_332 = vector.shape_cast %parallel_loop3A_331 : vector<1x16xf32> to vector<16xf32>
        %parallel_loop3A_333 = arith.constant 0 : i32
        %parallel_loop3A_334 = arith.constant 0 : i32
        %parallel_loop3A_335 = arith.constant 16 : i32
        %parallel_loop3A_336 = arith.addi %parallel_loop3A_334, %parallel_loop3A_335 : i32
        %parallel_loop3A_337 = arith.constant 1 : i32
        scf.for %scan3A_339 = %parallel_loop3A_334 to %parallel_loop3A_336 step %parallel_loop3A_337  : i32 {
          %parallel_loop3A_340 = arith.constant 16 : i32
          %parallel_loop3A_341 = arith.muli %parallel_loop3A_326, %parallel_loop3A_340 : i32
          %parallel_loop3A_342 = arith.addi %parallel_loop3A_341, %scan3A_339 : i32
          %parallel_loop3A_343 = vector.broadcast %scan3A_339 : i32 to vector<16x1xi32>
          %parallel_loop3A_344 = vector.shape_cast %parallel_loop3A_343 : vector<16x1xi32> to vector<16xi32>
          %parallel_loop3A_345 = tpu.dynamic_gather %parallel_loop3A_332[%parallel_loop3A_344] in [0] : vector<16xf32>, vector<16xi32> -> vector<16xf32>
          %parallel_loop3A_346 = arith.index_cast %parallel_loop3A_342 : i32 to index
          %parallel_loop3A_347 = arith.constant 0 : index
          %parallel_loop3A_348 = tpu.vector_load %arg17[%parallel_loop3A_346, %parallel_loop3A_347] {strides = array<i32>} : memref<128x64xf32, #tpu.memory_space<vmem>>, vector<1x16xf32>,
          %parallel_loop3A_349 = vector.shape_cast %parallel_loop3A_348 : vector<1x16xf32> to vector<16xf32>
          %parallel_loop3A_350 = arith.mulf %parallel_loop3A_349, %parallel_loop3A_345 : vector<16xf32>
          %parallel_loop3A_351 = arith.index_cast %parallel_loop3A_342 : i32 to index
          %parallel_loop3A_352 = arith.constant 0 : index
          %parallel_loop3A_353 = tpu.vector_load %arg17[%parallel_loop3A_351, %parallel_loop3A_352] {strides = array<i32>} : memref<128x64xf32, #tpu.memory_space<vmem>>, vector<1x16xf32>,
          %parallel_loop3A_354 = vector.shape_cast %parallel_loop3A_353 : vector<1x16xf32> to vector<16xf32>
          %parallel_loop3A_355 = vector.shape_cast %parallel_loop3A_350 : vector<16xf32> to vector<1x16xf32>
          tpu.vector_store %arg17[%parallel_loop3A_351, %parallel_loop3A_352], %parallel_loop3A_355 {strides = array<i32>} : memref<128x64xf32, #tpu.memory_space<vmem>>, vector<1x16xf32>,
          %parallel_loop3A_356 = arith.index_cast %parallel_loop3A_342 : i32 to index
          %parallel_loop3A_357 = arith.constant 16 : index
          %parallel_loop3A_358 = tpu.vector_load %arg17[%parallel_loop3A_356, %parallel_loop3A_357] {strides = array<i32>} : memref<128x64xf32, #tpu.memory_space<vmem>>, vector<1x16xf32>,
          %parallel_loop3A_359 = vector.shape_cast %parallel_loop3A_358 : vector<1x16xf32> to vector<16xf32>
          %parallel_loop3A_360 = arith.mulf %parallel_loop3A_359, %parallel_loop3A_345 : vector<16xf32>
          %parallel_loop3A_361 = arith.index_cast %parallel_loop3A_342 : i32 to index
          %parallel_loop3A_362 = arith.constant 16 : index
          %parallel_loop3A_363 = tpu.vector_load %arg17[%parallel_loop3A_361, %parallel_loop3A_362] {strides = array<i32>} : memref<128x64xf32, #tpu.memory_space<vmem>>, vector<1x16xf32>,
          %parallel_loop3A_364 = vector.shape_cast %parallel_loop3A_363 : vector<1x16xf32> to vector<16xf32>
          %parallel_loop3A_365 = vector.shape_cast %parallel_loop3A_360 : vector<16xf32> to vector<1x16xf32>
          tpu.vector_store %arg17[%parallel_loop3A_361, %parallel_loop3A_362], %parallel_loop3A_365 {strides = array<i32>} : memref<128x64xf32, #tpu.memory_space<vmem>>, vector<1x16xf32>,
          %parallel_loop3A_366 = arith.index_cast %parallel_loop3A_342 : i32 to index
          %parallel_loop3A_367 = arith.constant 32 : index
          %parallel_loop3A_368 = tpu.vector_load %arg17[%parallel_loop3A_366, %parallel_loop3A_367] {strides = array<i32>} : memref<128x64xf32, #tpu.memory_space<vmem>>, vector<1x16xf32>,
          %parallel_loop3A_369 = vector.shape_cast %parallel_loop3A_368 : vector<1x16xf32> to vector<16xf32>
          %parallel_loop3A_370 = arith.mulf %parallel_loop3A_369, %parallel_loop3A_345 : vector<16xf32>
          %parallel_loop3A_371 = arith.index_cast %parallel_loop3A_342 : i32 to index
          %parallel_loop3A_372 = arith.constant 32 : index
          %parallel_loop3A_373 = tpu.vector_load %arg17[%parallel_loop3A_371, %parallel_loop3A_372] {strides = array<i32>} : memref<128x64xf32, #tpu.memory_space<vmem>>, vector<1x16xf32>,
          %parallel_loop3A_374 = vector.shape_cast %parallel_loop3A_373 : vector<1x16xf32> to vector<16xf32>
          %parallel_loop3A_375 = vector.shape_cast %parallel_loop3A_370 : vector<16xf32> to vector<1x16xf32>
          tpu.vector_store %arg17[%parallel_loop3A_371, %parallel_loop3A_372], %parallel_loop3A_375 {strides = array<i32>} : memref<128x64xf32, #tpu.memory_space<vmem>>, vector<1x16xf32>,
          %parallel_loop3A_376 = arith.index_cast %parallel_loop3A_342 : i32 to index
          %parallel_loop3A_377 = arith.constant 48 : index
          %parallel_loop3A_378 = tpu.vector_load %arg17[%parallel_loop3A_376, %parallel_loop3A_377] {strides = array<i32>} : memref<128x64xf32, #tpu.memory_space<vmem>>, vector<1x16xf32>,
          %parallel_loop3A_379 = vector.shape_cast %parallel_loop3A_378 : vector<1x16xf32> to vector<16xf32>
          %parallel_loop3A_380 = arith.mulf %parallel_loop3A_379, %parallel_loop3A_345 : vector<16xf32>
          %parallel_loop3A_381 = arith.index_cast %parallel_loop3A_342 : i32 to index
          %parallel_loop3A_382 = arith.constant 48 : index
          %parallel_loop3A_383 = tpu.vector_load %arg17[%parallel_loop3A_381, %parallel_loop3A_382] {strides = array<i32>} : memref<128x64xf32, #tpu.memory_space<vmem>>, vector<1x16xf32>,
          %parallel_loop3A_384 = vector.shape_cast %parallel_loop3A_383 : vector<1x16xf32> to vector<16xf32>
          %parallel_loop3A_385 = vector.shape_cast %parallel_loop3A_380 : vector<16xf32> to vector<1x16xf32>
          tpu.vector_store %arg17[%parallel_loop3A_381, %parallel_loop3A_382], %parallel_loop3A_385 {strides = array<i32>} : memref<128x64xf32, #tpu.memory_space<vmem>>, vector<1x16xf32>,
        }
        %parallel_loop3A_338 = arith.constant 16 : i32
      } {sc.loop_unroll_factor = 1 : i64, sc.parallel_access}
      %dma_start3A_315 = arith.constant 0 : i32
      %dma_start3A_316 = tpu.memref_slice %arg9[%add3A_293, %dma_start3A_315] : memref<120x128xi32, #tpu.memory_space<vmem>> -> memref<1x128xi32, #tpu.memory_space<vmem>>
      %dma_start3A_317 = tpu.memref_squeeze %dma_start3A_316 : memref<1x128xi32, #tpu.memory_space<vmem>> -> memref<128xi32, #tpu.memory_space<vmem>>
      %dma_start3A_318 = arith.constant 0 : i32
      %dma_start3A_319 = arith.constant 0 : i32
      %dma_start3A_320 = tpu.memref_slice %arg12[%dma_start3A_318, %dma_start3A_319] : memref<10240x64xf32, #tpu.memory_space<vmem_shared>> -> memref<10240x64xf32, #tpu.memory_space<vmem_shared>>
      tpu.enqueue_indirect_dma source(%arg17 : memref<128x64xf32, #tpu.memory_space<vmem>>) target(%dma_start3A_320 : memref<10240x64xf32, #tpu.memory_space<vmem_shared>>) offsets(%dma_start3A_317 : memref<128xi32, #tpu.memory_space<vmem>>) semaphore(%arg25 : memref<!tpu.dma_semaphore, #tpu.memory_space<semaphore_mem>>) {add = true}
      %dma_start3A_321 = arith.constant 0 : i32
      %dma_start3A_322 = tpu.memref_slice %arg9[%add3A_293, %dma_start3A_321] : memref<120x128xi32, #tpu.memory_space<vmem>> -> memref<1x128xi32, #tpu.memory_space<vmem>>
      %dma_start3A_323 = tpu.memref_squeeze %dma_start3A_322 : memref<1x128xi32, #tpu.memory_space<vmem>> -> memref<128xi32, #tpu.memory_space<vmem>>
      %dma_start3A_324 = arith.constant 0 : i32
      %dma_start3A_325 = tpu.memref_slice %arg28[%dma_start3A_324] : memref<10240xf32, #tpu.memory_space<vmem_shared>> -> memref<10240xf32, #tpu.memory_space<vmem_shared>>
      tpu.enqueue_indirect_dma source(%arg26 : memref<128xf32, #tpu.memory_space<vmem>>) target(%dma_start3A_325 : memref<10240xf32, #tpu.memory_space<vmem_shared>>) offsets(%dma_start3A_323 : memref<128xi32, #tpu.memory_space<vmem>>) semaphore(%arg25 : memref<!tpu.dma_semaphore, #tpu.memory_space<semaphore_mem>>) {add = true}
    }
    %dma_wait3A_139 = arith.constant 0 : i32
    %dma_wait3A_140 = arith.constant 0 : i32
    %dma_wait3A_141 = tpu.memref_slice %arg9[%dma_wait3A_139, %dma_wait3A_140] : memref<120x128xi32, #tpu.memory_space<vmem>> -> memref<1x128xi32, #tpu.memory_space<vmem>>
    %dma_wait3A_142 = tpu.memref_squeeze %dma_wait3A_141 : memref<1x128xi32, #tpu.memory_space<vmem>> -> memref<128xi32, #tpu.memory_space<vmem>>
    %dma_wait3A_143 = arith.constant 0 : i32
    %dma_wait3A_144 = arith.constant 0 : i32
    %dma_wait3A_145 = tpu.memref_slice %arg12[%dma_wait3A_143, %dma_wait3A_144] : memref<10240x64xf32, #tpu.memory_space<vmem_shared>> -> memref<10240x64xf32, #tpu.memory_space<vmem_shared>>
    tpu.wait_indirect_dma semaphore(%arg22 : memref<!tpu.dma_semaphore, #tpu.memory_space<semaphore_mem>>) src(%arg14 : memref<128x64xf32, #tpu.memory_space<vmem>>) dst(%dma_wait3A_145 : memref<10240x64xf32, #tpu.memory_space<vmem_shared>>)
    %dma_wait3A_146 = arith.constant 0 : i32
    %dma_wait3A_147 = arith.constant 0 : i32
    %dma_wait3A_148 = tpu.memref_slice %arg9[%dma_wait3A_146, %dma_wait3A_147] : memref<120x128xi32, #tpu.memory_space<vmem>> -> memref<1x128xi32, #tpu.memory_space<vmem>>
    %dma_wait3A_149 = tpu.memref_squeeze %dma_wait3A_148 : memref<1x128xi32, #tpu.memory_space<vmem>> -> memref<128xi32, #tpu.memory_space<vmem>>
    %dma_wait3A_150 = arith.constant 0 : i32
    %dma_wait3A_151 = tpu.memref_slice %arg28[%dma_wait3A_150] : memref<10240xf32, #tpu.memory_space<vmem_shared>> -> memref<10240xf32, #tpu.memory_space<vmem_shared>>
    tpu.wait_indirect_dma semaphore(%arg22 : memref<!tpu.dma_semaphore, #tpu.memory_space<semaphore_mem>>) src(%arg26 : memref<128xf32, #tpu.memory_space<vmem>>) dst(%dma_wait3A_151 : memref<10240xf32, #tpu.memory_space<vmem_shared>>)
    %dma_wait3A_152 = arith.constant 0 : i32
    %dma_wait3A_153 = arith.constant 0 : i32
    %dma_wait3A_154 = tpu.memref_slice %arg9[%dma_wait3A_152, %dma_wait3A_153] : memref<120x128xi32, #tpu.memory_space<vmem>> -> memref<1x128xi32, #tpu.memory_space<vmem>>
    %dma_wait3A_155 = tpu.memref_squeeze %dma_wait3A_154 : memref<1x128xi32, #tpu.memory_space<vmem>> -> memref<128xi32, #tpu.memory_space<vmem>>
    %dma_wait3A_156 = arith.constant 0 : i32
    %dma_wait3A_157 = arith.constant 0 : i32
    %dma_wait3A_158 = tpu.memref_slice %arg12[%dma_wait3A_156, %dma_wait3A_157] : memref<10240x64xf32, #tpu.memory_space<vmem_shared>> -> memref<10240x64xf32, #tpu.memory_space<vmem_shared>>
    tpu.wait_indirect_dma semaphore(%arg23 : memref<!tpu.dma_semaphore, #tpu.memory_space<semaphore_mem>>) src(%arg15 : memref<128x64xf32, #tpu.memory_space<vmem>>) dst(%dma_wait3A_158 : memref<10240x64xf32, #tpu.memory_space<vmem_shared>>)
    %dma_wait3A_159 = arith.constant 0 : i32
    %dma_wait3A_160 = arith.constant 0 : i32
    %dma_wait3A_161 = tpu.memref_slice %arg9[%dma_wait3A_159, %dma_wait3A_160] : memref<120x128xi32, #tpu.memory_space<vmem>> -> memref<1x128xi32, #tpu.memory_space<vmem>>
    %dma_wait3A_162 = tpu.memref_squeeze %dma_wait3A_161 : memref<1x128xi32, #tpu.memory_space<vmem>> -> memref<128xi32, #tpu.memory_space<vmem>>
    %dma_wait3A_163 = arith.constant 0 : i32
    %dma_wait3A_164 = tpu.memref_slice %arg28[%dma_wait3A_163] : memref<10240xf32, #tpu.memory_space<vmem_shared>> -> memref<10240xf32, #tpu.memory_space<vmem_shared>>
    tpu.wait_indirect_dma semaphore(%arg23 : memref<!tpu.dma_semaphore, #tpu.memory_space<semaphore_mem>>) src(%arg26 : memref<128xf32, #tpu.memory_space<vmem>>) dst(%dma_wait3A_164 : memref<10240xf32, #tpu.memory_space<vmem_shared>>)
    %dma_wait3A_165 = arith.constant 0 : i32
    %dma_wait3A_166 = arith.constant 0 : i32
    %dma_wait3A_167 = tpu.memref_slice %arg9[%dma_wait3A_165, %dma_wait3A_166] : memref<120x128xi32, #tpu.memory_space<vmem>> -> memref<1x128xi32, #tpu.memory_space<vmem>>
    %dma_wait3A_168 = tpu.memref_squeeze %dma_wait3A_167 : memref<1x128xi32, #tpu.memory_space<vmem>> -> memref<128xi32, #tpu.memory_space<vmem>>
    %dma_wait3A_169 = arith.constant 0 : i32
    %dma_wait3A_170 = arith.constant 0 : i32
    %dma_wait3A_171 = tpu.memref_slice %arg12[%dma_wait3A_169, %dma_wait3A_170] : memref<10240x64xf32, #tpu.memory_space<vmem_shared>> -> memref<10240x64xf32, #tpu.memory_space<vmem_shared>>
    tpu.wait_indirect_dma semaphore(%arg24 : memref<!tpu.dma_semaphore, #tpu.memory_space<semaphore_mem>>) src(%arg16 : memref<128x64xf32, #tpu.memory_space<vmem>>) dst(%dma_wait3A_171 : memref<10240x64xf32, #tpu.memory_space<vmem_shared>>)
    %dma_wait3A_172 = arith.constant 0 : i32
    %dma_wait3A_173 = arith.constant 0 : i32
    %dma_wait3A_174 = tpu.memref_slice %arg9[%dma_wait3A_172, %dma_wait3A_173] : memref<120x128xi32, #tpu.memory_space<vmem>> -> memref<1x128xi32, #tpu.memory_space<vmem>>
    %dma_wait3A_175 = tpu.memref_squeeze %dma_wait3A_174 : memref<1x128xi32, #tpu.memory_space<vmem>> -> memref<128xi32, #tpu.memory_space<vmem>>
    %dma_wait3A_176 = arith.constant 0 : i32
    %dma_wait3A_177 = tpu.memref_slice %arg28[%dma_wait3A_176] : memref<10240xf32, #tpu.memory_space<vmem_shared>> -> memref<10240xf32, #tpu.memory_space<vmem_shared>>
    tpu.wait_indirect_dma semaphore(%arg24 : memref<!tpu.dma_semaphore, #tpu.memory_space<semaphore_mem>>) src(%arg26 : memref<128xf32, #tpu.memory_space<vmem>>) dst(%dma_wait3A_177 : memref<10240xf32, #tpu.memory_space<vmem_shared>>)
    %dma_wait3A_178 = arith.constant 0 : i32
    %dma_wait3A_179 = arith.constant 0 : i32
    %dma_wait3A_180 = tpu.memref_slice %arg9[%dma_wait3A_178, %dma_wait3A_179] : memref<120x128xi32, #tpu.memory_space<vmem>> -> memref<1x128xi32, #tpu.memory_space<vmem>>
    %dma_wait3A_181 = tpu.memref_squeeze %dma_wait3A_180 : memref<1x128xi32, #tpu.memory_space<vmem>> -> memref<128xi32, #tpu.memory_space<vmem>>
    %dma_wait3A_182 = arith.constant 0 : i32
    %dma_wait3A_183 = arith.constant 0 : i32
    %dma_wait3A_184 = tpu.memref_slice %arg12[%dma_wait3A_182, %dma_wait3A_183] : memref<10240x64xf32, #tpu.memory_space<vmem_shared>> -> memref<10240x64xf32, #tpu.memory_space<vmem_shared>>
    tpu.wait_indirect_dma semaphore(%arg25 : memref<!tpu.dma_semaphore, #tpu.memory_space<semaphore_mem>>) src(%arg17 : memref<128x64xf32, #tpu.memory_space<vmem>>) dst(%dma_wait3A_184 : memref<10240x64xf32, #tpu.memory_space<vmem_shared>>)
    %dma_wait3A_185 = arith.constant 0 : i32
    %dma_wait3A_186 = arith.constant 0 : i32
    %dma_wait3A_187 = tpu.memref_slice %arg9[%dma_wait3A_185, %dma_wait3A_186] : memref<120x128xi32, #tpu.memory_space<vmem>> -> memref<1x128xi32, #tpu.memory_space<vmem>>
    %dma_wait3A_188 = tpu.memref_squeeze %dma_wait3A_187 : memref<1x128xi32, #tpu.memory_space<vmem>> -> memref<128xi32, #tpu.memory_space<vmem>>
    %dma_wait3A_189 = arith.constant 0 : i32
    %dma_wait3A_190 = tpu.memref_slice %arg28[%dma_wait3A_189] : memref<10240xf32, #tpu.memory_space<vmem_shared>> -> memref<10240xf32, #tpu.memory_space<vmem_shared>>
    tpu.wait_indirect_dma semaphore(%arg25 : memref<!tpu.dma_semaphore, #tpu.memory_space<semaphore_mem>>) src(%arg26 : memref<128xf32, #tpu.memory_space<vmem>>) dst(%dma_wait3A_190 : memref<10240xf32, #tpu.memory_space<vmem_shared>>)
    %barrier3A_191 = arith.constant 0 : index
    tpu.barrier barrier_id(%barrier3A_191)
    "tpu.region"() ({
      %run_scoped3A = tpu.sem_alloc : memref<!tpu.dma_semaphore, #tpu.memory_space<semaphore_mem>>
      %dma_start3A_192 = arith.constant 0 : i32
      %dma_start3A_193 = tpu.memref_slice %arg6[%arg0, %mul3A_30, %dma_start3A_192] : memref<2x10240x64xf32, #tpu.memory_space<hbm>> -> memref<1x640x64xf32, #tpu.memory_space<hbm>>
      %dma_start3A_194 = tpu.memref_squeeze %dma_start3A_193 : memref<1x640x64xf32, #tpu.memory_space<hbm>> -> memref<640x64xf32, #tpu.memory_space<hbm>>
      %dma_start3A_195 = arith.constant 0 : i32
      %dma_start3A_196 = tpu.memref_slice %arg12[%mul3A_30, %dma_start3A_195] : memref<10240x64xf32, #tpu.memory_space<vmem_shared>> -> memref<640x64xf32, #tpu.memory_space<vmem_shared>>
      tpu.enqueue_dma source(%dma_start3A_196 : memref<640x64xf32, #tpu.memory_space<vmem_shared>>) target(%dma_start3A_194 : memref<640x64xf32, #tpu.memory_space<hbm>>) target_semaphore(%run_scoped3A : memref<!tpu.dma_semaphore, #tpu.memory_space<semaphore_mem>>)
      %dma_wait3A_197 = arith.constant 0 : i32
      %dma_wait3A_198 = tpu.memref_slice %arg6[%arg0, %mul3A_30, %dma_wait3A_197] : memref<2x10240x64xf32, #tpu.memory_space<hbm>> -> memref<1x640x64xf32, #tpu.memory_space<hbm>>
      %dma_wait3A_199 = tpu.memref_squeeze %dma_wait3A_198 : memref<1x640x64xf32, #tpu.memory_space<hbm>> -> memref<640x64xf32, #tpu.memory_space<hbm>>
      %dma_wait3A_200 = arith.constant 0 : i32
      %dma_wait3A_201 = tpu.memref_slice %arg12[%mul3A_30, %dma_wait3A_200] : memref<10240x64xf32, #tpu.memory_space<vmem_shared>> -> memref<640x64xf32, #tpu.memory_space<vmem_shared>>
      tpu.wait_dma2 semaphore(%run_scoped3A : memref<!tpu.dma_semaphore, #tpu.memory_space<semaphore_mem>>) src(%dma_wait3A_201 : memref<640x64xf32, #tpu.memory_space<vmem_shared>>) dst(%dma_wait3A_199 : memref<640x64xf32, #tpu.memory_space<hbm>>)
      tpu.yield
    }) : () -> ()
    "tpu.region"() ({
      %run_scoped3A = tpu.sem_alloc : memref<!tpu.dma_semaphore, #tpu.memory_space<semaphore_mem>>
      %dma_start3A_192 = tpu.memref_slice %arg7[%arg0, %mul3A_30] : memref<2x10240xf32, #tpu.memory_space<hbm>> -> memref<1x640xf32, #tpu.memory_space<hbm>>
      %dma_start3A_193 = tpu.memref_squeeze %dma_start3A_192 : memref<1x640xf32, #tpu.memory_space<hbm>> -> memref<640xf32, #tpu.memory_space<hbm>>
      %dma_start3A_194 = tpu.memref_slice %arg28[%mul3A_30] : memref<10240xf32, #tpu.memory_space<vmem_shared>> -> memref<640xf32, #tpu.memory_space<vmem_shared>>
      tpu.enqueue_dma source(%dma_start3A_194 : memref<640xf32, #tpu.memory_space<vmem_shared>>) target(%dma_start3A_193 : memref<640xf32, #tpu.memory_space<hbm>>) target_semaphore(%run_scoped3A : memref<!tpu.dma_semaphore, #tpu.memory_space<semaphore_mem>>)
      %dma_wait3A_195 = tpu.memref_slice %arg7[%arg0, %mul3A_30] : memref<2x10240xf32, #tpu.memory_space<hbm>> -> memref<1x640xf32, #tpu.memory_space<hbm>>
      %dma_wait3A_196 = tpu.memref_squeeze %dma_wait3A_195 : memref<1x640xf32, #tpu.memory_space<hbm>> -> memref<640xf32, #tpu.memory_space<hbm>>
      %dma_wait3A_197 = tpu.memref_slice %arg28[%mul3A_30] : memref<10240xf32, #tpu.memory_space<vmem_shared>> -> memref<640xf32, #tpu.memory_space<vmem_shared>>
      tpu.wait_dma2 semaphore(%run_scoped3A : memref<!tpu.dma_semaphore, #tpu.memory_space<semaphore_mem>>) src(%dma_wait3A_197 : memref<640xf32, #tpu.memory_space<vmem_shared>>) dst(%dma_wait3A_196 : memref<640xf32, #tpu.memory_space<hbm>>)
      tpu.yield
    }) : () -> ()
    return
  }
}

module attributes {stable_mosaic.version = 14 : i64} {
  func.func @_tc_proj_body(%arg0: memref<10000x128xf32, #tpu.memory_space<vmem>>, %arg1: memref<128x64xf32, #tpu.memory_space<vmem>>, %arg2: memref<128x64xf32, #tpu.memory_space<vmem>>, %arg3: memref<1x64xf32, #tpu.memory_space<vmem>>, %arg4: memref<10000x64xf32, #tpu.memory_space<vmem>>, %arg5: memref<10000x64xf32, #tpu.memory_space<vmem>>) attributes {dimension_semantics = [], scalar_prefetch = 0 : i64, scratch_operands = 0 : i64, tpu.core_type = #tpu.core_type<tc>} {
    %get3A = arith.constant 0 : index
    %get3A_0 = arith.constant 0 : index
    %get3A_1 = vector.load %arg0[%get3A, %get3A_0] : memref<10000x128xf32, #tpu.memory_space<vmem>>, vector<10000x128xf32>
    %get3A_2 = arith.constant 0 : index
    %get3A_3 = arith.constant 0 : index
    %get3A_4 = vector.load %arg1[%get3A_2, %get3A_3] : memref<128x64xf32, #tpu.memory_space<vmem>>, vector<128x64xf32>
    %dot_general3A = arith.constant dense<0.000000e+00> : vector<10000x64xf32>
    %dot_general3A_5 = tpu.matmul %get3A_1, %get3A_4, %dot_general3A {dimension_numbers = #tpu.dot_dimension_numbers<[1], [0], [0], [1], [0, 0, 1, 1], [], []>, transpose_lhs_hint = false} : vector<10000x128xf32>, vector<128x64xf32>, vector<10000x64xf32> -> vector<10000x64xf32>
    %swap3A = arith.constant 0 : index
    %swap3A_6 = arith.constant 0 : index
    %swap3A_7 = vector.load %arg4[%swap3A, %swap3A_6] : memref<10000x64xf32, #tpu.memory_space<vmem>>, vector<10000x64xf32>
    tpu.vector_store %arg4[%swap3A, %swap3A_6], %dot_general3A_5 {strides = array<i32>} : memref<10000x64xf32, #tpu.memory_space<vmem>>, vector<10000x64xf32>,
    %get3A_8 = arith.constant 0 : index
    %get3A_9 = arith.constant 0 : index
    %get3A_10 = vector.load %arg2[%get3A_8, %get3A_9] : memref<128x64xf32, #tpu.memory_space<vmem>>, vector<128x64xf32>
    %dot_general3A_11 = arith.constant dense<0.000000e+00> : vector<10000x64xf32>
    %dot_general3A_12 = tpu.matmul %get3A_1, %get3A_10, %dot_general3A_11 {dimension_numbers = #tpu.dot_dimension_numbers<[1], [0], [0], [1], [0, 0, 1, 1], [], []>, transpose_lhs_hint = false} : vector<10000x128xf32>, vector<128x64xf32>, vector<10000x64xf32> -> vector<10000x64xf32>
    %get3A_13 = arith.constant 0 : index
    %get3A_14 = arith.constant 0 : index
    %get3A_15 = vector.load %arg3[%get3A_13, %get3A_14] : memref<1x64xf32, #tpu.memory_space<vmem>>, vector<1x64xf32>
    %add3A = vector.broadcast %get3A_15 : vector<1x64xf32> to vector<10000x64xf32>
    %add3A_16 = arith.addf %dot_general3A_12, %add3A : vector<10000x64xf32>
    %swap3A_17 = arith.constant 0 : index
    %swap3A_18 = arith.constant 0 : index
    %swap3A_19 = vector.load %arg5[%swap3A_17, %swap3A_18] : memref<10000x64xf32, #tpu.memory_space<vmem>>, vector<10000x64xf32>
    tpu.vector_store %arg5[%swap3A_17, %swap3A_18], %add3A_16 {strides = array<i32>} : memref<10000x64xf32, #tpu.memory_space<vmem>>, vector<10000x64xf32>,
    return
  }
}

module attributes {stable_mosaic.version = 14 : i64} {
  func.func @_tc_mid_body(%arg0: memref<2x10240x64xf32, #tpu.memory_space<vmem>>, %arg1: memref<2x10240x1xf32, #tpu.memory_space<vmem>>, %arg2: memref<10000x64xf32, #tpu.memory_space<vmem>>, %arg3: memref<64x64xf32, #tpu.memory_space<vmem>>, %arg4: memref<64x64xf32, #tpu.memory_space<vmem>>, %arg5: memref<1x64xf32, #tpu.memory_space<vmem>>, %arg6: memref<10000x64xf32, #tpu.memory_space<vmem>>, %arg7: memref<10000x64xf32, #tpu.memory_space<vmem>>) attributes {dimension_semantics = [], scalar_prefetch = 0 : i64, scratch_operands = 0 : i64, tpu.core_type = #tpu.core_type<tc>} {
    %get3A = arith.constant 0 : index
    %get3A_0 = arith.constant 0 : index
    %get3A_1 = arith.constant 0 : index
    %get3A_2 = vector.load %arg0[%get3A, %get3A_0, %get3A_1] : memref<2x10240x64xf32, #tpu.memory_space<vmem>>, vector<1x10000x64xf32>
    %get3A_3 = vector.shape_cast %get3A_2 : vector<1x10000x64xf32> to vector<10000x64xf32>
    %get3A_4 = arith.constant 1 : index
    %get3A_5 = arith.constant 0 : index
    %get3A_6 = arith.constant 0 : index
    %get3A_7 = vector.load %arg0[%get3A_4, %get3A_5, %get3A_6] : memref<2x10240x64xf32, #tpu.memory_space<vmem>>, vector<1x10000x64xf32>
    %get3A_8 = vector.shape_cast %get3A_7 : vector<1x10000x64xf32> to vector<10000x64xf32>
    %add3A = arith.addf %get3A_3, %get3A_8 : vector<10000x64xf32>
    %get3A_9 = arith.constant 0 : index
    %get3A_10 = arith.constant 0 : index
    %get3A_11 = arith.constant 0 : index
    %get3A_12 = vector.load %arg1[%get3A_9, %get3A_10, %get3A_11] : memref<2x10240x1xf32, #tpu.memory_space<vmem>>, vector<1x10000x1xf32>
    %get3A_13 = vector.shape_cast %get3A_12 : vector<1x10000x1xf32> to vector<10000x1xf32>
    %get3A_14 = arith.constant 1 : index
    %get3A_15 = arith.constant 0 : index
    %get3A_16 = arith.constant 0 : index
    %get3A_17 = vector.load %arg1[%get3A_14, %get3A_15, %get3A_16] : memref<2x10240x1xf32, #tpu.memory_space<vmem>>, vector<1x10000x1xf32>
    %get3A_18 = vector.shape_cast %get3A_17 : vector<1x10000x1xf32> to vector<10000x1xf32>
    %add3A_19 = arith.addf %get3A_13, %get3A_18 : vector<10000x1xf32>
    %max3A = arith.constant 1.000000e+00 : f32
    %max3A_20 = vector.broadcast %max3A : f32 to vector<10000x1xf32>
    %max3A_21 = arith.maximumf %add3A_19, %max3A_20 : vector<10000x1xf32>
    %div3A = arith.constant 1.000000e+00 : f32
    %div3A_22 = vector.broadcast %div3A : f32 to vector<10000x1xf32>
    %div3A_23 = arith.divf %div3A_22, %max3A_21 : vector<10000x1xf32>
    %mul3A = vector.broadcast %div3A_23 : vector<10000x1xf32> to vector<10000x64xf32>
    %mul3A_24 = arith.mulf %add3A, %mul3A : vector<10000x64xf32>
    %get3A_25 = arith.constant 0 : index
    %get3A_26 = arith.constant 0 : index
    %get3A_27 = vector.load %arg2[%get3A_25, %get3A_26] : memref<10000x64xf32, #tpu.memory_space<vmem>>, vector<10000x64xf32>
    %add3A_28 = arith.addf %mul3A_24, %get3A_27 : vector<10000x64xf32>
    %max3A_29 = arith.constant 0.000000e+00 : f32
    %max3A_30 = vector.broadcast %max3A_29 : f32 to vector<10000x64xf32>
    %max3A_31 = arith.maximumf %add3A_28, %max3A_30 : vector<10000x64xf32>
    %get3A_32 = arith.constant 0 : index
    %get3A_33 = arith.constant 0 : index
    %get3A_34 = vector.load %arg3[%get3A_32, %get3A_33] : memref<64x64xf32, #tpu.memory_space<vmem>>, vector<64x64xf32>
    %dot_general3A = arith.constant dense<0.000000e+00> : vector<10000x64xf32>
    %dot_general3A_35 = tpu.matmul %max3A_31, %get3A_34, %dot_general3A {dimension_numbers = #tpu.dot_dimension_numbers<[1], [0], [0], [1], [0, 0, 1, 1], [], []>, transpose_lhs_hint = false} : vector<10000x64xf32>, vector<64x64xf32>, vector<10000x64xf32> -> vector<10000x64xf32>
    %swap3A = arith.constant 0 : index
    %swap3A_36 = arith.constant 0 : index
    %swap3A_37 = vector.load %arg6[%swap3A, %swap3A_36] : memref<10000x64xf32, #tpu.memory_space<vmem>>, vector<10000x64xf32>
    tpu.vector_store %arg6[%swap3A, %swap3A_36], %dot_general3A_35 {strides = array<i32>} : memref<10000x64xf32, #tpu.memory_space<vmem>>, vector<10000x64xf32>,
    %get3A_38 = arith.constant 0 : index
    %get3A_39 = arith.constant 0 : index
    %get3A_40 = vector.load %arg4[%get3A_38, %get3A_39] : memref<64x64xf32, #tpu.memory_space<vmem>>, vector<64x64xf32>
    %dot_general3A_41 = arith.constant dense<0.000000e+00> : vector<10000x64xf32>
    %dot_general3A_42 = tpu.matmul %max3A_31, %get3A_40, %dot_general3A_41 {dimension_numbers = #tpu.dot_dimension_numbers<[1], [0], [0], [1], [0, 0, 1, 1], [], []>, transpose_lhs_hint = false} : vector<10000x64xf32>, vector<64x64xf32>, vector<10000x64xf32> -> vector<10000x64xf32>
    %get3A_43 = arith.constant 0 : index
    %get3A_44 = arith.constant 0 : index
    %get3A_45 = vector.load %arg5[%get3A_43, %get3A_44] : memref<1x64xf32, #tpu.memory_space<vmem>>, vector<1x64xf32>
    %add3A_46 = vector.broadcast %get3A_45 : vector<1x64xf32> to vector<10000x64xf32>
    %add3A_47 = arith.addf %dot_general3A_42, %add3A_46 : vector<10000x64xf32>
    %swap3A_48 = arith.constant 0 : index
    %swap3A_49 = arith.constant 0 : index
    %swap3A_50 = vector.load %arg7[%swap3A_48, %swap3A_49] : memref<10000x64xf32, #tpu.memory_space<vmem>>, vector<10000x64xf32>
    tpu.vector_store %arg7[%swap3A_48, %swap3A_49], %add3A_47 {strides = array<i32>} : memref<10000x64xf32, #tpu.memory_space<vmem>>, vector<10000x64xf32>,
    return
  }
}

module attributes {stable_mosaic.version = 14 : i64} {
  func.func @_tc_out_body(%arg0: memref<2x10240x64xf32, #tpu.memory_space<vmem>>, %arg1: memref<2x10240x1xf32, #tpu.memory_space<vmem>>, %arg2: memref<10000x64xf32, #tpu.memory_space<vmem>>, %arg3: memref<64x64xf32, #tpu.memory_space<vmem>>, %arg4: memref<1x64xf32, #tpu.memory_space<vmem>>, %arg5: memref<10000x64xf32, #tpu.memory_space<vmem>>) attributes {dimension_semantics = [], scalar_prefetch = 0 : i64, scratch_operands = 0 : i64, tpu.core_type = #tpu.core_type<tc>} {
    %get3A = arith.constant 0 : index
    %get3A_0 = arith.constant 0 : index
    %get3A_1 = arith.constant 0 : index
    %get3A_2 = vector.load %arg0[%get3A, %get3A_0, %get3A_1] : memref<2x10240x64xf32, #tpu.memory_space<vmem>>, vector<1x10000x64xf32>
    %get3A_3 = vector.shape_cast %get3A_2 : vector<1x10000x64xf32> to vector<10000x64xf32>
    %get3A_4 = arith.constant 1 : index
    %get3A_5 = arith.constant 0 : index
    %get3A_6 = arith.constant 0 : index
    %get3A_7 = vector.load %arg0[%get3A_4, %get3A_5, %get3A_6] : memref<2x10240x64xf32, #tpu.memory_space<vmem>>, vector<1x10000x64xf32>
    %get3A_8 = vector.shape_cast %get3A_7 : vector<1x10000x64xf32> to vector<10000x64xf32>
    %add3A = arith.addf %get3A_3, %get3A_8 : vector<10000x64xf32>
    %get3A_9 = arith.constant 0 : index
    %get3A_10 = arith.constant 0 : index
    %get3A_11 = arith.constant 0 : index
    %get3A_12 = vector.load %arg1[%get3A_9, %get3A_10, %get3A_11] : memref<2x10240x1xf32, #tpu.memory_space<vmem>>, vector<1x10000x1xf32>
    %get3A_13 = vector.shape_cast %get3A_12 : vector<1x10000x1xf32> to vector<10000x1xf32>
    %get3A_14 = arith.constant 1 : index
    %get3A_15 = arith.constant 0 : index
    %get3A_16 = arith.constant 0 : index
    %get3A_17 = vector.load %arg1[%get3A_14, %get3A_15, %get3A_16] : memref<2x10240x1xf32, #tpu.memory_space<vmem>>, vector<1x10000x1xf32>
    %get3A_18 = vector.shape_cast %get3A_17 : vector<1x10000x1xf32> to vector<10000x1xf32>
    %add3A_19 = arith.addf %get3A_13, %get3A_18 : vector<10000x1xf32>
    %max3A = arith.constant 1.000000e+00 : f32
    %max3A_20 = vector.broadcast %max3A : f32 to vector<10000x1xf32>
    %max3A_21 = arith.maximumf %add3A_19, %max3A_20 : vector<10000x1xf32>
    %div3A = arith.constant 1.000000e+00 : f32
    %div3A_22 = vector.broadcast %div3A : f32 to vector<10000x1xf32>
    %div3A_23 = arith.divf %div3A_22, %max3A_21 : vector<10000x1xf32>
    %mul3A = vector.broadcast %div3A_23 : vector<10000x1xf32> to vector<10000x64xf32>
    %mul3A_24 = arith.mulf %add3A, %mul3A : vector<10000x64xf32>
    %get3A_25 = arith.constant 0 : index
    %get3A_26 = arith.constant 0 : index
    %get3A_27 = vector.load %arg2[%get3A_25, %get3A_26] : memref<10000x64xf32, #tpu.memory_space<vmem>>, vector<10000x64xf32>
    %add3A_28 = arith.addf %mul3A_24, %get3A_27 : vector<10000x64xf32>
    %tanh3A = math.tanh %add3A_28 : vector<10000x64xf32>
    %get3A_29 = arith.constant 0 : index
    %get3A_30 = arith.constant 0 : index
    %get3A_31 = vector.load %arg3[%get3A_29, %get3A_30] : memref<64x64xf32, #tpu.memory_space<vmem>>, vector<64x64xf32>
    %dot_general3A = arith.constant dense<0.000000e+00> : vector<10000x64xf32>
    %dot_general3A_32 = tpu.matmul %tanh3A, %get3A_31, %dot_general3A {dimension_numbers = #tpu.dot_dimension_numbers<[1], [0], [0], [1], [0, 0, 1, 1], [], []>, transpose_lhs_hint = false} : vector<10000x64xf32>, vector<64x64xf32>, vector<10000x64xf32> -> vector<10000x64xf32>
    %get3A_33 = arith.constant 0 : index
    %get3A_34 = arith.constant 0 : index
    %get3A_35 = vector.load %arg4[%get3A_33, %get3A_34] : memref<1x64xf32, #tpu.memory_space<vmem>>, vector<1x64xf32>
    %add3A_36 = vector.broadcast %get3A_35 : vector<1x64xf32> to vector<10000x64xf32>
    %add3A_37 = arith.addf %dot_general3A_32, %add3A_36 : vector<10000x64xf32>
    %reduce_max3A = arith.constant dense<0xFF800000> : vector<10000xf32>
    %reduce_max3A_38 = vector.multi_reduction <maximumf>, %add3A_37, %reduce_max3A [1] : vector<10000x64xf32> to vector<10000xf32>
    %broadcast_in_dim3A = vector.shape_cast %reduce_max3A_38 : vector<10000xf32> to vector<10000x1xf32>
    %sub3A = vector.broadcast %broadcast_in_dim3A : vector<10000x1xf32> to vector<10000x64xf32>
    %sub3A_39 = arith.subf %add3A_37, %sub3A : vector<10000x64xf32>
    %exp3A = math.exp %sub3A_39 : vector<10000x64xf32>
    %reduce_sum3A = arith.constant dense<0.000000e+00> : vector<10000xf32>
    %reduce_sum3A_40 = vector.multi_reduction <add>, %exp3A, %reduce_sum3A [1] : vector<10000x64xf32> to vector<10000xf32>
    %broadcast_in_dim3A_41 = vector.shape_cast %reduce_sum3A_40 : vector<10000xf32> to vector<10000x1xf32>
    %div3A_42 = vector.broadcast %broadcast_in_dim3A_41 : vector<10000x1xf32> to vector<10000x64xf32>
    %div3A_43 = arith.divf %exp3A, %div3A_42 : vector<10000x64xf32>
    %swap3A = arith.constant 0 : index
    %swap3A_44 = arith.constant 0 : index
    %swap3A_45 = vector.load %arg5[%swap3A, %swap3A_44] : memref<10000x64xf32, #tpu.memory_space<vmem>>, vector<10000x64xf32>
    tpu.vector_store %arg5[%swap3A, %swap3A_44], %div3A_43 {strides = array<i32>} : memref<10000x64xf32, #tpu.memory_space<vmem>>, vector<10000x64xf32>,
    return
  }
}

</mosaic_0001>

<sc_bundles>
// kernel: kernel.10.cloned.1.call-start
scs
__scs_entry_jumppad:
0x0: {  	(pc) =	sbr.rel $0x88, $3  }
0x1: {  	(tag) =	ssettag $0x0;
	lr =	simm.s32 $0x1  }
0x2: {  	[smem:$0x3F96] =	sst lr;
	_ =	strace $0xD0000000  }
0x3: {  	_ = 	snop  }
0x4: {  	_ = 	snop  }
0x5: {  	_ = 	snop  }
0x6: {  	_ = 	snop  }
0x7: {  	_ = 	snop  }
__scs_overlays_trampoline_lowered:
0x8: {  	[smem:$0x3FA5] =	sst s0  }
0x9: {  	[smem:$0x3FA6] =	sst s1  }
0xa: {  	[smem:$0x3FA7] =	sst s2  }
0xb: {  	[smem:$0x3FA8] =	sst s3  }
0xc: {  	[smem:$0x3FA9] =	sst s4  }
0xd: {  	[smem:$0x3FAA] =	sst s5  }
0xe: {  	[smem:$0x3FAB] =	sst s6  }
0xf: {  	[smem:$0x3FAC] =	sst s7  }
0x10: {  	[smem:$0x3FAD] =	sst s8  }
0x11: {  	[smem:$0x3FAE] =	sst s9;
	s0 =	simm.s32 @!p0 $0x0  }
0x12: {  	s1 =	sld [smem:$0x3F94];
	s0 =	simm.s32 @p0 $0x1  }
0x13: {  	[smem:$0x3FAF] =	sst s0;
	s0 =	simm.s32 @!p1 $0x0  }
0x14: {  	s2 =	sld [smem:$0x3F93];
	s0 =	simm.s32 @p1 $0x1  }
0x15: {  	[smem:$0x3FB0] =	sst s0;
	s0 =	simm.s32 @!p2 $0x0  }
0x16: {  	s3 =	sld [smem:$0x3FDB];
	s0 =	simm.s32 @p2 $0x1  }
0x17: {  	s4 =	simm.s32 $0x1BF5;
	[smem:$0x3FB2] =	sst s0  }
0x18: {  	s0 =	sld [smem:$0x3F95];
	_ =	swait.ge [sflag:s4], $0x0  }
0x19: {  	s7 =	sld [smem:$0x3F96]  }
0x1a: {  	s8 =	sadd.s32 $0xFFFFE003, lr  }
0x1b: {  	s9 =	sadd.s32 $0xFFFFFEF7, lr;
	s5 =	simm.s32 $0xFFFFFFFF;
	p2 =	slt.u32 s8, $0xFFFFF086  }
0x1c: {  	p1 =	slt.u32 s9, $0xF7A;
	s5 =	simm.s32 @!p2 $0x0  }
0x1d: {  	s5 =	simm.s32 @p1 $0x1;
	p0 =	seq.s32 s7, s2  }
0x1e: {  	s7 =	smul.u32 @!p0 $0xF7A, s2;
	p2 =	seq.s32 @!p0 s5, $0x0  }
0x1f: {  	s9 =	smul.u32 $0xF7A, s1;
	s8 =	simm.s32 @!p0 $0x1BF5;
	p2 =	por !p2, p0  }
0x20: {  	[sflag:s8] =	ssyncset.s32 @!p0 $0xFFFFF086;
	s6 =	sadd.s32 @!p0 s3, s7;
	s7 =	simm.s32 @!p0 $0x108  }
0x21: {  	s3 =	sadd.s32 s3, s9;
	s6 =	sadd.s32 @!p0 $0x88, s6;
	s7 =	simm.s32 @p2 $0x1082  }
0x22: {  	[simem:s7], [sflag:s8] =	dma.local @!p0 [hbm:s6], $0xF7A  }
0x23: {  	s9 =	sor.u32 $0xD0000000, s2;
	s6 =	simm.s32 $0x108;
	_ =	swait.ge @!p0 [sflag:s8], $0x0  }
0x24: {  	s3 =	sadd.s32 $0x88, s3;
	s6 =	simm.s32 @!p1 $0x1082;
	[sflag:s4] =	ssyncset.s32 $0xFFFFF086  }
0x25: {  	[simem:s6], [sflag:s4] =	dma.local [hbm:s3], $0xF7A  }
0x26: {  	[smem:$0x3F96] =	sst s1;
	(tag) =	ssettag s2;
	_ =	strace s9  }
0x27: {  	s1 =	sld [smem:$0x3FA6]  }
0x28: {  	s2 =	sld [smem:$0x3FA7]  }
0x29: {  	s4 =	sld [smem:$0x3FA9]  }
0x2a: {  	p0 =	seq.s32 s5, $0x0;
	s5 =	sld [smem:$0x3FAA]  }
0x2b: {  	s6 =	sld [smem:$0x3FAB]  }
0x2c: {  	s7 =	sld [smem:$0x3FAC]  }
0x2d: {  	s3 =	simm.s32 $0x108;
	s8 =	sld [smem:$0x3FAD]  }
0x2e: {  	s3 =	simm.s32 @!p0 $0x1082;
	s9 =	sld [smem:$0x3FAE]  }
0x2f: {  	lr =	sadd.s32 s0, s3;
	s0 =	sld [smem:$0x3FA5]  }
0x30: {  	s3 =	sld [smem:$0x3FA8]  }
0x31: {  	[smem:$0x3FB1] =	sst s10  }
0x32: {  	s10 =	sld [smem:$0x3FAF];
	_ =	sdelay $0x3  }
0x33: {  	p0 =	seq.s32 s10, $0x1;
	s10 =	sld [smem:$0x3FB1];
	_ =	sdelay $0x3  }
0x34: {  	[smem:$0x3FB1] =	sst s10  }
0x35: {  	s10 =	sld [smem:$0x3FB0];
	_ =	sdelay $0x3  }
0x36: {  	p1 =	seq.s32 s10, $0x1;
	s10 =	sld [smem:$0x3FB1];
	_ =	sdelay $0x3  }
0x37: {  	[smem:$0x3FB1] =	sst s10  }
0x38: {  	s10 =	sld [smem:$0x3FB2]  }
0x39: {  	_ = 	snop;
	(pc) =	sbr.ind lr, $3  }
0x3a: {  	_ = 	snop  }
0x3b: {  	_ = 	snop  }
0x3c: {  	p2 =	seq.s32 s10, $0x1;
	s10 =	sld [smem:$0x3FB1]  }
0x3d: {  	_ =	shalt  }
0x3e: {  	_ =	shalt  }
0x3f: {  	_ =	shalt  }
0x40: {  	_ =	shalt  }
0x41: {  	_ =	shalt  }
0x42: {  	_ =	shalt  }
0x43: {  	_ =	shalt  }
0x44: {  	_ =	shalt  }
0x45: {  	_ =	shalt  }
0x46: {  	_ =	shalt  }
0x47: {  	_ =	shalt  }
0x48: {  	_ =	shalt  }
0x49: {  	_ =	shalt  }
0x4a: {  	_ =	shalt  }
0x4b: {  	_ =	shalt  }
0x4c: {  	_ =	shalt  }
0x4d: {  	_ =	shalt  }
0x4e: {  	_ =	shalt  }
0x4f: {  	_ =	shalt  }
0x50: {  	_ =	shalt  }
0x51: {  	_ =	shalt  }
0x52: {  	_ =	shalt  }
0x53: {  	_ =	shalt  }
0x54: {  	_ =	shalt  }
0x55: {  	_ =	shalt  }
0x56: {  	_ =	shalt  }
0x57: {  	_ =	shalt  }
0x58: {  	_ =	shalt  }
0x59: {  	_ =	shalt  }
0x5a: {  	_ =	shalt  }
0x5b: {  	_ =	shalt  }
0x5c: {  	_ =	shalt  }
0x5d: {  	_ =	shalt  }
0x5e: {  	_ =	shalt  }
0x5f: {  	_ =	shalt  }
0x60: {  	_ =	shalt  }
0x61: {  	_ =	shalt  }
0x62: {  	_ =	shalt  }
0x63: {  	_ =	shalt  }
0x64: {  	_ =	shalt  }
0x65: {  	_ =	shalt  }
0x66: {  	_ =	shalt  }
0x67: {  	_ =	shalt  }
0x68: {  	_ =	shalt  }
0x69: {  	_ =	shalt  }
0x6a: {  	_ =	shalt  }
0x6b: {  	_ =	shalt  }
0x6c: {  	_ =	shalt  }
0x6d: {  	_ =	shalt  }
0x6e: {  	_ =	shalt  }
0x6f: {  	_ =	shalt  }
0x70: {  	_ =	shalt  }
0x71: {  	_ =	shalt  }
0x72: {  	_ =	shalt  }
0x73: {  	_ =	shalt  }
0x74: {  	_ =	shalt  }
0x75: {  	_ =	shalt  }
0x76: {  	_ =	shalt  }
0x77: {  	_ =	shalt  }
0x78: {  	_ =	shalt  }
0x79: {  	_ =	shalt  }
0x7a: {  	_ =	shalt  }
0x7b: {  	_ =	shalt  }
0x7c: {  	_ =	shalt  }
0x7d: {  	_ =	shalt  }
0x7e: {  	_ =	shalt  }
0x7f: {  	_ =	shalt  }
0x80: {  	_ =	shalt  }
0x81: {  	_ =	shalt  }
0x82: {  	_ =	shalt  }
0x83: {  	_ =	shalt  }
0x84: {  	_ =	shalt  }
0x85: {  	_ =	shalt  }
0x86: {  	_ =	shalt  }
0x87: {  	_ =	shalt  }
.Lfunc_end0:
.L_simem_size_0:
called_computation.1_lowered:
.L_overlay_start_0:
0x88: {  	s2 =	sld [smem:$0x3FD9]  }
0x89: {  	s3 =	sld [smem:$0x3FFE];
	_ =	sdelay $0x1  }
0x8a: {  	s1 =	srdreg.scid  }
0x8b: {  	s0 =	sand.u32 $0x1, s1  }
0x8c: {  	s17 =	sshll.u32 s0, $0xA;
	s2 =	sadd.s32 s3, s2  }
0x8d: {  	s2 =	sadd.s32 s2, s17  }
0x8e: {  	[smem:$0x3FBD] =	sst s2  }
0x8f: {  	_ = 	snop  }
0x90: {  	s2 =	sld [smem:$0x3FD0];
	(tm) =	ssettm $0x1  }
0x91: {  	s18 =	sld [smem:$0x3FFB];
	_ =	sdelay $0x3  }
0x92: {  	_ =	strace s18  }
0x93: {  	s3 =	sld [smem:$0x3FFC];
	_ =	sdelay $0x3  }
0x94: {  	_ =	strace s3  }
0x95: {  	s3 =	sld [smem:$0x3FFD];
	_ =	sdelay $0x3  }
0x96: {  	_ =	strace s3  }
0x97: {  	_ =	strace $0x8FFFFFFF  }
0x98: {  	s19 =	sld [smem:$0x3FDB];
	_ =	sdelay $0x1  }
0x99: {  	s4 =	simm.s32 $_scs_section_size  }
0x9a: {  	s5 =	simm.s32 $_size__tile_overlayer_lowered;
	s6 =	simm.s32 $_tile_overlayer_lowered  }
0x9b: {  	s22 =	simm.s32 $0x1BFF;
	s21 =	sshll.u32 s6, $0x1;
	s3 =	sadd.s32 s4, s19  }
0x9c: {  	s7 =	simm.s32 $0x0;
	s20 =	sshll.u32 s5, $0x1;
	s5 =	sadd.s32 s21, s3  }
0x9d: {  	[timem:s7], [sflag:s22] =	dma.local [hbm:s5], s20  }
0x9e: {  	_ =	swait.ge [sflag:s22], s20  }
0x9f: {  	s4 =	ssub.s32 $0x0, s20;
	[sflag:s22] =	ssyncset.done $0x0  }
0xa0: {  	[sflag:s22] =	ssyncadd.s32 s4;
	_ =	sdelay $0x1  }
0xa1: {  	s23 =	simm.s32 $0x1B8B  }
0xa2: {  	_ =	swait.ge [sflag:s23], $0x1  }
0xa3: {  	[sflag:s23] =	ssyncset.done $0x0  }
0xa4: {  	s25 =	simm.s32 $0x1B8E;
	s24 =	sld [smem:$0x3FFE];
	[sflag:s23] =	ssyncadd.s32 $0xFFFFFFFF  }
0xa5: {  	s26 =	simm.s32 $execute0_lowered;
	[smem:$0x3FD2] =	sst s25  }
0xa6: {  	s5 =	sshll.u32 s26, $0x1;
	_ =	strace $0x80000049;
	[dreg:$0x1] =	wrdreg $0xFFFFFFFF  }
0xa7: {  	s28 =	simm.s32 $_size_execute0_lowered;
	s3 =	sadd.s32 s3, s5;
	[dreg:$0x0] =	wrdreg $0x0  }
0xa8: {  	s5 =	sshll.u32 s28, $0x1;
	[dreg:$0x2] =	wrdreg s3  }
0xa9: {  	[dreg:$0x3] =	wrdreg s5  }
0xaa: {  	[dreg:$0x4] =	wrdreg $0xC0  }
0xab: {  	_ =	task [dreg:s7], $0x5FFFF  }
0xac: {  	[dreg:$0x1] =	wrdreg $0xFFFFFFFF  }
0xad: {  	[dreg:$0x0] =	wrdreg $0x60  }
0xae: {  	[dreg:$0x2] =	wrdreg s2  }
0xaf: {  	[dreg:$0x3] =	wrdreg s24  }
0xb0: {  	[dreg:$0x4] =	wrdreg $0xD4000  }
0xb1: {  	[dreg:$0x5] =	wrdreg $0x1F7000  }
0xb2: {  	[dreg:$0x6] =	wrdreg $0x9  }
0xb3: {  	_ =	task.clear_ibuf [dreg:s7], $0x7FFFF;
	_ =	strace $0x90000049  }
0xb4: {  	s29 =	simm.s32 $0x9;
	_ =	strace $0x8000004B  }
0xb5: {  	_ =	swait.ge [sflag:s29], $0x1  }
0xb6: {  	[sflag:s29] =	ssyncadd.s32 $0xFFFFFFFF  }
0xb7: {  	_ =	strace $0x9000004B  }
0xb8: {  	_ =	sfence  }
0xb9: {  	s30 =	sld [smem:$0x0];
	_ =	sdelay $0x2  }
0xba: {  	s31 =	sshll.u32 s1, $0xD;
	s1 =	sshrl.u32 s1, $0x2  }
0xbb: {  	s3 =	sand.u32 $0x4000, s31;
	s1 =	sadd.s32 s1, s30  }
0xbc: {  	s0 =	sor.u32 s3, s0;
	s1 =	sshll.u32 s1, $0x11  }
0xbd: {  	s0 =	sor.u32 s1, s0  }
0xbe: {  	s0 =	sadd.s32 $0x8F2B, s0  }
0xbf: {  	[sflag:s0] =	ssyncadd.remote.s32 $0x1  }
0xc0: {  	_ =	sfence.sel $0xFFFF  }
0xc1: {  	[dreg:$0x0] =	wrdreg $0xFFFFFFFF;
	(pc) =	sbr.abs _section_cstart, $3  }
0xc2: {  	[dreg:$0x1] =	wrdreg $0xFFFFFFFF  }
0xc3: {  	_ =	task.clear_ibuf [dreg:s7], $0x2FFFF;
	_ =	strace $0x9FFFFFFF  }
0xc4: {  	(tm) =	ssettm $0x7FFFFFFF  }
0xc5: {  	_ =	shalt  }
tec
execute0_lowered:
.L_overlay_start_1:
0x0: {  	(tag) =	ssettag $0x1  }
0x1: {  	s1 =	rddreg [dreg:$0x0]  }
0x2: {  	s5 =	rddreg [dreg:$0x1]  }
0x3: {  	s0 =	srdreg.scid;
	s3 =	rddreg [dreg:$0x2]  }
0x4: {  	s11 =	stileid.u32;
	s4 =	rddreg [dreg:$0x3];
	s9 =	simm.s32 $0x0  }
0x5: {  	s28 =	simm.s32 $0x17400;
	s29 =	simm.s32 $0x19400;
	s7 =	smul.u32 $0xA000, s11  }
0x6: {  	s31 =	simm.s32 $0x1B400;
	s0 =	sand.u32 $0x1, s0;
	s8 =	smul.u32 $0x280, s11  }
0x7: {  	s30 =	simm.s32 $0x3;
	s12 =	simm.s32 $0x0;
	s6 =	smul.u32 $0xA0000, s0  }
0x8: {  	[smem:$0x7FF] =	sst s9;
	s2 =	sshll.u32 s0, $0x4;
	s14 =	smul.u32 $0x2800, s0  }
0x9: {  	_ =	strace $0x8000004A;
	s16 =	ssub.s32 $0x2, s0;
	p0 =	seq.s32 s0, $0x0  }
0xa: {  	s2 =	sor.u32 s11, s2;
	s17 =	sshrl.u32 s16, $0x1;
	s11 =	smul.u32 $0x28000, s11  }
0xb: {  	s13 =	sadd.s32 s7, s3;
	s2 =	smul.u32 $0x780, s2;
	s6 =	sadd.s32 s7, s6  }
0xc: {  	s9 =	sadd.s32 s8, s14;
	s14 =	sadd.s32 s8, s4;
	[dreg:$0x8] =	wrdreg s13  }
0xd: {  	s6 =	sshrl.u32 s6, $0x3;
	s15 =	sshrl.u32 s9, $0x3;
	s9 =	ssub.s32 s16, s17  }
0xe: {  	[dreg:$0xd] =	wrdreg s14;
	s2 =	sadd.s32 s2, s5;
	s26 =	smax.u32 s9, $0x1  }
0xf: {  	s19 =	sshrl.u32 s11, $0x2;
	s18 =	sadd.s32 $0x21000, s2;
	[dreg:$0x10] =	wrdreg s26  }
0x10: {  	s11 =	simm.s32 $0x9;
	s20 =	sadd.s32 $0x12000, s2;
	[dreg:$0x5] =	wrdreg s18  }
0x11: {  	s0 =	sadd.s32 s19, s3;
	s2 =	sadd.s32 $0x3000, s2;
	[dreg:$0x6] =	wrdreg s20  }
0x12: {  	s10 =	sadd.s32 s6, s5;
	s21 =	sadd.s32 $0x2000, s0;
	[dreg:$0x7] =	wrdreg s2  }
0x13: {  	s5 =	sadd.s32 s15, s5;
	s22 =	sadd.s32 $0x4000, s0;
	[dreg:$0x9] =	wrdreg s21  }
0x14: {  	s6 =	simm.s32 $0x78;
	s23 =	sadd.s32 $0x6000, s0;
	[dreg:$0xa] =	wrdreg s22  }
0x15: {  	s9 =	simm.s32 $0x8;
	s0 =	sadd.s32 $0x8000, s0;
	[dreg:$0xb] =	wrdreg s23  }
0x16: {  	s6 =	simm.s32 @!p0 $0x28;
	s24 =	sadd.s32 $0x30A00, s10;
	[dreg:$0xc] =	wrdreg s0  }
0x17: {  	s25 =	sadd.s32 $0x30000, s5;
	s26 =	simm.s32 $0x80;
	[dreg:$0xe] =	wrdreg s24  }
0x18: {  	s16 =	sshrl.u32 s6, $0x2;
	[dreg:$0xf] =	wrdreg s25;
	s23 =	simm.s32 $0xA  }
0x19: {  	s25 =	simm.s32 $0x1;
	s20 =	simm.s32 $0x1D400;
	s21 =	simm.s32 $0x2  }
0x1a: {  	v0 =	vimm.f32 $0.0e+00;
	v1 =	vimm.f32 $1.000000000e+00;
	s24 =	simm.s32 $0x1F400;
	s2 =	simm.s32 $0x4;
	s0 =	simm.s32 $0x5  }
.LBB2_1:
0x1b: {  	s5 =	simm.s32 $0x0;
	s7 =	rddreg [dreg:$0x5]  }
0x1c: {  	[tilespmem:s5], [sflag:$0x1] =	stream.linear.gather [hbm4b:s7+s5], $0x3C00, $0x38;
	[tilespmem:$0x1F980] =	vst v63  }
0x1d: {  	s18 =	rddreg [dreg:$0x6];
	s8 =	simm.s32 $0x3C00  }
0x1e: {  	[tilespmem:s8], [sflag:$0x1] =	stream.linear.gather [hbm4b:s18+s5], $0x3C00, $0x38;
	[tilespmem:$0x1F980] =	vst v63  }
0x1f: {  	s19 =	rddreg [dreg:$0x7];
	s22 =	simm.s32 $0x7800  }
0x20: {  	[tilespmem:s22], [sflag:$0x1] =	stream.linear.gather [hbm4b:s19+s5], $0x3C00, $0x38;
	[tilespmem:$0x1F980] =	vst v63  }
0x21: {  	s7 =	simm.s32 $0x100;
	s5 =	simm.s32 $0x0  }
.LBB2_2:
0x22: {  	p0 =	sne.s32 s7, $0x7F00;
	[tilespmem:s5+$0xB430] =	vst v0;
	s8 =	smov.u32 s7;
	s7 =	sadd.s32 $0x100, s7  }
.Ltmp0:
0x23: {  	[tilespmem:s5+$0xB420] =	vst v0;
	(pc) =	sbr.rel @p0 .LBB2_2-.Ltmp0, $3  }
0x24: {  	[tilespmem:s5+$0xB400] =	vst v0  }
0x25: {  	[tilespmem:s5+$0xB410] =	vst v0;
	_ =	sdelay $0x1  }
0x26: {  	s5 =	sshra.s32 s8, $0x2  }
0x27: {  	[tilespmem:s5+$0xB430] =	vst v0  }
0x28: {  	[tilespmem:s5+$0xB420] =	vst v0  }
0x29: {  	[tilespmem:s5+$0xB400] =	vst v0  }
0x2a: {  	[tilespmem:s5+$0xB410] =	vst v0;
	s7 =	simm.s32 $0xB400  }
0x2b: {  	[spmem:s13] =	stream.linear.scatter [tilespmem:s7], [sflag:$0xA], $0x2000, $0x38;
	[tilespmem:$0x1F980] =	vst v63  }
0x2c: {  	_ =	swait.ge [sflag:s23], $0x2000  }
0x2d: {  	[sflag:s23] =	ssyncset.done $0x0  }
0x2e: {  	s10 =	rddreg [dreg:$0x9];
	[sflag:s23] =	ssyncadd.s32 $0xFFFFE000  }
0x2f: {  	[spmem:s10] =	stream.linear.scatter [tilespmem:s7], [sflag:$0xA], $0x2000, $0x38;
	[tilespmem:$0x1F980] =	vst v63  }
0x30: {  	_ =	swait.ge [sflag:s23], $0x2000  }
0x31: {  	[sflag:s23] =	ssyncset.done $0x0  }
0x32: {  	s13 =	rddreg [dreg:$0xa];
	[sflag:s23] =	ssyncadd.s32 $0xFFFFE000  }
0x33: {  	[spmem:s13] =	stream.linear.scatter [tilespmem:s7], [sflag:$0xA], $0x2000, $0x38;
	[tilespmem:$0x1F980] =	vst v63  }
0x34: {  	_ =	swait.ge [sflag:s23], $0x2000  }
0x35: {  	[sflag:s23] =	ssyncset.done $0x0  }
0x36: {  	s15 =	rddreg [dreg:$0xb];
	[sflag:s23] =	ssyncadd.s32 $0xFFFFE000  }
0x37: {  	[spmem:s15] =	stream.linear.scatter [tilespmem:s7], [sflag:$0xA], $0x2000, $0x38;
	[tilespmem:$0x1F980] =	vst v63  }
0x38: {  	_ =	swait.ge [sflag:s23], $0x2000  }
0x39: {  	[sflag:s23] =	ssyncset.done $0x0  }
0x3a: {  	s17 =	rddreg [dreg:$0xc];
	[sflag:s23] =	ssyncadd.s32 $0xFFFFE000  }
0x3b: {  	[spmem:s17] =	stream.linear.scatter [tilespmem:s7], [sflag:$0xA], $0x2000, $0x38;
	[tilespmem:$0x1F980] =	vst v63  }
0x3c: {  	_ =	swait.ge [sflag:s23], $0x2000  }
0x3d: {  	[sflag:s23] =	ssyncset.done $0x0  }
0x3e: {  	[sflag:s23] =	ssyncadd.s32 $0xFFFFE000  }
0x3f: {  	[tilespmem:$0x1F480] =	vst v0  }
0x40: {  	[tilespmem:$0x1F490] =	vst v0  }
0x41: {  	[tilespmem:$0x1F4A0] =	vst v0  }
0x42: {  	[tilespmem:$0x1F4B0] =	vst v0  }
0x43: {  	[tilespmem:$0x1F4C0] =	vst v0  }
0x44: {  	[tilespmem:$0x1F4D0] =	vst v0  }
0x45: {  	[tilespmem:$0x1F4E0] =	vst v0  }
0x46: {  	[tilespmem:$0x1F4F0] =	vst v0  }
0x47: {  	[tilespmem:$0x1F500] =	vst v0  }
0x48: {  	[tilespmem:$0x1F510] =	vst v0  }
0x49: {  	[tilespmem:$0x1F520] =	vst v0  }
0x4a: {  	[tilespmem:$0x1F530] =	vst v0  }
0x4b: {  	[tilespmem:$0x1F540] =	vst v0  }
0x4c: {  	[tilespmem:$0x1F550] =	vst v0  }
0x4d: {  	[tilespmem:$0x1F560] =	vst v0  }
0x4e: {  	[tilespmem:$0x1F570] =	vst v0  }
0x4f: {  	[tilespmem:$0x1F580] =	vst v0  }
0x50: {  	[tilespmem:$0x1F590] =	vst v0  }
0x51: {  	[tilespmem:$0x1F5A0] =	vst v0  }
0x52: {  	[tilespmem:$0x1F5B0] =	vst v0  }
0x53: {  	[tilespmem:$0x1F5C0] =	vst v0  }
0x54: {  	[tilespmem:$0x1F5D0] =	vst v0  }
0x55: {  	[tilespmem:$0x1F5E0] =	vst v0  }
0x56: {  	[tilespmem:$0x1F5F0] =	vst v0  }
0x57: {  	[tilespmem:$0x1F600] =	vst v0  }
0x58: {  	[tilespmem:$0x1F610] =	vst v0  }
0x59: {  	[tilespmem:$0x1F620] =	vst v0  }
0x5a: {  	[tilespmem:$0x1F630] =	vst v0  }
0x5b: {  	[tilespmem:$0x1F640] =	vst v0  }
0x5c: {  	[tilespmem:$0x1F650] =	vst v0  }
0x5d: {  	[tilespmem:$0x1F660] =	vst v0  }
0x5e: {  	[tilespmem:$0x1F670] =	vst v0  }
0x5f: {  	[tilespmem:$0x1F680] =	vst v0  }
0x60: {  	[tilespmem:$0x1F690] =	vst v0  }
0x61: {  	[tilespmem:$0x1F6A0] =	vst v0  }
0x62: {  	[tilespmem:$0x1F6B0] =	vst v0  }
0x63: {  	[tilespmem:$0x1F6C0] =	vst v0  }
0x64: {  	[tilespmem:$0x1F6D0] =	vst v0  }
0x65: {  	[tilespmem:$0x1F6E0] =	vst v0  }
0x66: {  	s18 =	simm.s32 $0x1F480;
	[tilespmem:$0x1F6F0] =	vst v0  }
0x67: {  	[spmem:s14] =	stream.linear.scatter [tilespmem:s18], [sflag:$0xA], $0x280, $0x38;
	[tilespmem:$0x1F980] =	vst v63  }
0x68: {  	_ =	swait.ge [sflag:s23], $0x280  }
0x69: {  	[sflag:s23] =	ssyncset.done $0x0  }
0x6a: {  	[sflag:s23] =	ssyncadd.s32 $0xFFFFFD80  }
0x6b: {  	[tilespmem:$0x1F400] =	vst v1  }
0x6c: {  	[tilespmem:$0x1F410] =	vst v1  }
0x6d: {  	[tilespmem:$0x1F420] =	vst v1  }
0x6e: {  	[tilespmem:$0x1F430] =	vst v1  }
0x6f: {  	[tilespmem:$0x1F440] =	vst v1  }
0x70: {  	[tilespmem:$0x1F450] =	vst v1  }
0x71: {  	[tilespmem:$0x1F460] =	vst v1  }
0x72: {  	[tilespmem:$0x1F470] =	vst v1  }
0x73: {  	_ =	swait.ge [sflag:s25], $0x3C00  }
0x74: {  	[sflag:s25] =	ssyncset.done $0x0  }
0x75: {  	[sflag:s25] =	ssyncadd.s32 $0xFFFFC400  }
0x76: {  	_ =	swait.ge [sflag:s25], $0x3C00  }
0x77: {  	[sflag:s25] =	ssyncset.done $0x0  }
0x78: {  	[sflag:s25] =	ssyncadd.s32 $0xFFFFC400  }
0x79: {  	_ =	swait.ge [sflag:s25], $0x3C00  }
0x7a: {  	[sflag:s25] =	ssyncset.done $0x0  }
0x7b: {  	[sflag:s25] =	ssyncadd.s32 $0xFFFFC400  }
0x7c: {  	s13 =	simm.s32 $0x0;
	[bflag:$0x0] =	sbarrier.arrive $0xFFFF  }
0x7d: {  	[tilespmem:s28], [sflag:$0x2] =	stream.indirect.gather [hbm4b:s1+s26], $0x40, s13, s26, $0xb8;
	[tilespmem:$0x1F980] =	vst v63  }
0x7e: {  	_ = 	snop  }
0x7f: {  	[tilespmem:s29], [sflag:$0x3] =	stream.indirect.gather [hbm4b:s1+s26], $0x40, s26, s26, $0xb8;
	[tilespmem:$0x1F980] =	vst v63  }
0x80: {  	s19 =	simm.s32 $0x100  }
0x81: {  	[tilespmem:s31], [sflag:$0x4] =	stream.indirect.gather [hbm4b:s1+s26], $0x40, s19, s26, $0xb8;
	[tilespmem:$0x1F980] =	vst v63  }
0x82: {  	s22 =	simm.s32 $0x180  }
0x83: {  	[tilespmem:s20], [sflag:$0x5] =	stream.indirect.gather [hbm4b:s1+s26], $0x40, s22, s26, $0xb8;
	[tilespmem:$0x1F980] =	vst v63  }
.LBB2_4:
0x84: {  	s17 =	sshll.u32 s13, $0x2  }
0x85: {  	s14 =	sshllo.u32 s13, $0x2;
	p0 =	seq.s32 s17, $0x0  }
0x86: {  	p1 =	sge.u32 @!p0 s14, s6  }
0x87: {  	p0 =	por p1, p0  }
0x88: {  	s5 =	simm.s32 @!p0 $0x9  }
0x89: {  	_ =	swait.ge @!p0 [sflag:s5], $0x2000  }
0x8a: {  	[sflag:s5] =	ssyncset.done @!p0 $0x0  }
0x8b: {  	[sflag:s5] =	ssyncadd.s32 @!p0 $0xFFFFE000  }
0x8c: {  	_ =	swait.ge @!p0 [sflag:s5], $0x80  }
0x8d: {  	[sflag:s5] =	ssyncset.done @!p0 $0x0  }
0x8e: {  	s18 =	sshll.u32 s13, $0xB;
	[sflag:s5] =	ssyncadd.s32 @!p0 $0xFFFFFF80;
	s5 =	sshll.u32 @!p0 s14, $0x7  }
0x8f: {  	s7 =	simm.s32 @!p0 $0x80;
	s8 =	simm.s32 @!p0 $0x1D400;
	s5 =	sand.u32 @!p0 $0x3FFFFF80, s5  }
0x90: {  	[tilespmem:s8], [sflag:$0x5] =	stream.indirect.gather @!p0 [hbm4b:s1+s7], $0x40, s5, s7, $0xb8;
	[tilespmem:$0x1F980] =	vst v63  }
0x91: {  	s19 =	sshra.s32 s18, $0x2;
	_ =	swait.ge [sflag:s21], $0x2000  }
0x92: {  	s22 =	sadd.s32 $0x7800, s19;
	[sflag:s21] =	ssyncset.done $0x0  }
0x93: {  	s10 =	simm.s32 $0x0;
	v2 =	vmov s22;
	s5 =	simm.s32 $0x17420;
	[sflag:s21] =	ssyncadd.s32 $0xFFFFE000  }
.LBB2_5:
0x94: {  	_ =	sdelay $0x2  }
0x95: {  	s7 =	sshll.u32 s10, $0x4  }
0x96: {  	v3 =	vld.idx.msk [tilespmem:v2+s7+$0x0 ss:$0x1], $0xffff;
	_ =	sdelay $0x1  }
0x97: {  	v4 =	vld [tilespmem:s5+$0xFFFFFFE0]  }
0x98: {  	s22 =	simm.s32 $0x0;
	v5 =	vld [tilespmem:s5+$0x0]  }
0x99: {  	v6 =	vld [tilespmem:s5+$0x10];
	s15 =	smov.u32 s5;
	v7 =	vmov s22;
	s7 =	simm.s32 $0x1;
	s22 =	smov.u32 s5  }
.LBB2_6:
0x9a: {  	p0 =	sne.s32 s7, $0xF;
	v7 =	vperm.xlane v3, v7;
	v8 =	vld [tilespmem:s22+$0xFFFFFFF0];
	_ =	sdelay $0x1  }
0x9b: {  	v4 =	vmul.f32 v4, v7  }
.Ltmp1:
0x9c: {  	v5 =	vmul.f32 v5, v7;
	(pc) =	sbr.rel @p0 .LBB2_6-.Ltmp1, $4  }
0x9d: {  	s22 =	sadd.s32 $0x40, s22;
	[tilespmem:s15+$0xFFFFFFE0] =	vst v4;
	v6 =	vmul.f32 v6, v7  }
0x9e: {  	v4 =	vld [tilespmem:s22+$0xFFFFFFE0];
	v8 =	vmul.f32 v8, v7;
	[tilespmem:s15+$0x0] =	vst v5  }
0x9f: {  	v5 =	vld [tilespmem:s22+$0x0];
	[tilespmem:s15+$0x10] =	vst v6  }
0xa0: {  	v7 =	vmov s7;
	s7 =	sadd.s32 $0x1, s7;
	v6 =	vld [tilespmem:s22+$0x10];
	[tilespmem:s15+$0xFFFFFFF0] =	vst v8;
	s15 =	smov.u32 s22  }
0xa1: {  	v3 =	vperm.xlane v3, v7;
	v62 =	vld [tilespmem:s22+$0xFFFFFFF0]  }
0xa2: {  	s10 =	sadd.s32 $0x1, s10  }
0xa3: {  	p0 =	sne.s32 s10, $0x8;
	v4 =	vmul.f32 v4, v3  }
.Ltmp2:
0xa4: {  	v5 =	vmul.f32 v5, v3;
	(pc) =	sbr.rel @p0 .LBB2_5-.Ltmp2, $4  }
0xa5: {  	[tilespmem:s15+$0xFFFFFFE0] =	vst v4;
	v63 =	vmul.f32 v6, v3  }
0xa6: {  	v3 =	vmul.f32 v62, v3;
	[tilespmem:s15+$0x0] =	vst v5  }
0xa7: {  	[tilespmem:s15+$0x10] =	vst v63  }
0xa8: {  	s5 =	sadd.s32 $0x400, s5;
	[tilespmem:s15+$0xFFFFFFF0] =	vst v3  }
0xa9: {  	s5 =	sadd.s32 $0x3C00, s19  }
0xaa: {  	[spmem:s3] =	stream.indirect.scatter.add.f32 [tilespmem:s28], [sflag:$0x6], $0x40, s5, s26, $0xb8;
	[tilespmem:$0x1F980] =	vst v63  }
0xab: {  	_ = 	snop  }
0xac: {  	[spmem:s4] =	stream.indirect.scatter.add.f32 [tilespmem:s24], [sflag:$0x6], $0x1, s5, s26, $0xb8;
	[tilespmem:$0x1F980] =	vst v63  }
0xad: {  	s5 =	sadd.s32 $0x4, s17  }
0xae: {  	p0 =	sge.u32 s5, s6  }
0xaf: {  	s7 =	simm.s32 @!p0 $0x6  }
0xb0: {  	_ =	swait.ge @!p0 [sflag:s7], $0x2000  }
0xb1: {  	[sflag:s7] =	ssyncset.done @!p0 $0x0  }
0xb2: {  	[sflag:s7] =	ssyncadd.s32 @!p0 $0xFFFFE000  }
0xb3: {  	s19 =	sor.u32 $0x200, s18;
	_ =	swait.ge @!p0 [sflag:s7], $0x80  }
0xb4: {  	s5 =	sshll.u32 @!p0 s5, $0x7;
	s8 =	simm.s32 @!p0 $0x17400;
	[sflag:s7] =	ssyncset.done @!p0 $0x0  }
0xb5: {  	s5 =	sand.u32 @!p0 $0x3FFFFF80, s5;
	[sflag:s7] =	ssyncadd.s32 @!p0 $0xFFFFFF80;
	s7 =	simm.s32 @!p0 $0x80  }
0xb6: {  	[tilespmem:s8], [sflag:$0x2] =	stream.indirect.gather @!p0 [hbm4b:s1+s7], $0x40, s5, s7, $0xb8;
	[tilespmem:$0x1F980] =	vst v63  }
0xb7: {  	s19 =	sshra.s32 s19, $0x2;
	_ =	swait.ge [sflag:s30], $0x2000  }
0xb8: {  	s15 =	simm.s32 $0x0;
	s22 =	sadd.s32 $0x7800, s19;
	[sflag:s30] =	ssyncset.done $0x0  }
0xb9: {  	v2 =	vmov s22;
	s5 =	simm.s32 $0x0;
	s7 =	simm.s32 $0x19420;
	[sflag:s30] =	ssyncadd.s32 $0xFFFFE000  }
.LBB2_9:
0xba: {  	_ =	sdelay $0x2  }
0xbb: {  	s8 =	sshll.u32 s15, $0x4  }
0xbc: {  	v3 =	vld.idx.msk [tilespmem:v2+s8+$0x0 ss:$0x1], $0xffff;
	_ =	sdelay $0x1  }
0xbd: {  	v4 =	vld [tilespmem:s7+$0xFFFFFFE0]  }
0xbe: {  	v5 =	vld [tilespmem:s7+$0x0]  }
0xbf: {  	v7 =	vmov s5;
	v6 =	vld [tilespmem:s7+$0x10];
	s22 =	smov.u32 s7;
	s10 =	smov.u32 s7;
	s8 =	simm.s32 $0x1  }
.LBB2_10:
0xc0: {  	p0 =	sne.s32 s8, $0xF;
	v7 =	vperm.xlane v3, v7;
	v8 =	vld [tilespmem:s22+$0xFFFFFFF0];
	_ =	sdelay $0x1  }
0xc1: {  	v4 =	vmul.f32 v4, v7  }
.Ltmp3:
0xc2: {  	v5 =	vmul.f32 v5, v7;
	(pc) =	sbr.rel @p0 .LBB2_10-.Ltmp3, $4  }
0xc3: {  	s22 =	sadd.s32 $0x40, s22;
	[tilespmem:s10+$0xFFFFFFE0] =	vst v4;
	v6 =	vmul.f32 v6, v7  }
0xc4: {  	v4 =	vld [tilespmem:s22+$0xFFFFFFE0];
	v8 =	vmul.f32 v8, v7;
	[tilespmem:s10+$0x0] =	vst v5  }
0xc5: {  	v5 =	vld [tilespmem:s22+$0x0];
	[tilespmem:s10+$0x10] =	vst v6  }
0xc6: {  	v7 =	vmov s8;
	s8 =	sadd.s32 $0x1, s8;
	v6 =	vld [tilespmem:s22+$0x10];
	[tilespmem:s10+$0xFFFFFFF0] =	vst v8;
	s10 =	smov.u32 s22  }
0xc7: {  	v3 =	vperm.xlane v3, v7;
	v62 =	vld [tilespmem:s22+$0xFFFFFFF0]  }
0xc8: {  	s15 =	sadd.s32 $0x1, s15  }
0xc9: {  	p0 =	sne.s32 s15, $0x8;
	v4 =	vmul.f32 v4, v3  }
.Ltmp4:
0xca: {  	v5 =	vmul.f32 v5, v3;
	(pc) =	sbr.rel @p0 .LBB2_9-.Ltmp4, $4  }
0xcb: {  	[tilespmem:s10+$0xFFFFFFE0] =	vst v4;
	v63 =	vmul.f32 v6, v3  }
0xcc: {  	v3 =	vmul.f32 v62, v3;
	[tilespmem:s10+$0x0] =	vst v5  }
0xcd: {  	[tilespmem:s10+$0x10] =	vst v63  }
0xce: {  	s7 =	sadd.s32 $0x400, s7;
	[tilespmem:s10+$0xFFFFFFF0] =	vst v3  }
0xcf: {  	s5 =	sadd.s32 $0x3C00, s19  }
0xd0: {  	[spmem:s3] =	stream.indirect.scatter.add.f32 [tilespmem:s29], [sflag:$0x7], $0x40, s5, s26, $0xb8;
	[tilespmem:$0x1F980] =	vst v63  }
0xd1: {  	_ = 	snop  }
0xd2: {  	[spmem:s4] =	stream.indirect.scatter.add.f32 [tilespmem:s24], [sflag:$0x7], $0x1, s5, s26, $0xb8;
	[tilespmem:$0x1F980] =	vst v63  }
0xd3: {  	s5 =	sadd.s32 $0x5, s17  }
0xd4: {  	p0 =	sge.u32 s5, s6  }
0xd5: {  	s7 =	simm.s32 @!p0 $0x7  }
0xd6: {  	_ =	swait.ge @!p0 [sflag:s7], $0x2000  }
0xd7: {  	[sflag:s7] =	ssyncset.done @!p0 $0x0  }
0xd8: {  	[sflag:s7] =	ssyncadd.s32 @!p0 $0xFFFFE000  }
0xd9: {  	s19 =	sor.u32 $0x400, s18;
	_ =	swait.ge @!p0 [sflag:s7], $0x80  }
0xda: {  	s5 =	sshll.u32 @!p0 s5, $0x7;
	s8 =	simm.s32 @!p0 $0x19400;
	[sflag:s7] =	ssyncset.done @!p0 $0x0  }
0xdb: {  	s5 =	sand.u32 @!p0 $0x3FFFFF80, s5;
	[sflag:s7] =	ssyncadd.s32 @!p0 $0xFFFFFF80;
	s7 =	simm.s32 @!p0 $0x80  }
0xdc: {  	[tilespmem:s8], [sflag:$0x3] =	stream.indirect.gather @!p0 [hbm4b:s1+s7], $0x40, s5, s7, $0xb8;
	[tilespmem:$0x1F980] =	vst v63  }
0xdd: {  	s18 =	sshra.s32 s19, $0x2;
	_ =	swait.ge [sflag:s2], $0x2000  }
0xde: {  	s10 =	simm.s32 $0x1B420;
	s22 =	sadd.s32 $0x7800, s18;
	[sflag:s2] =	ssyncset.done $0x0  }
0xdf: {  	s15 =	simm.s32 $0x0;
	v2 =	vmov s22;
	s5 =	simm.s32 $0x0;
	[sflag:s2] =	ssyncadd.s32 $0xFFFFE000  }
.LBB2_13:
0xe0: {  	_ =	sdelay $0x2  }
0xe1: {  	s7 =	sshll.u32 s15, $0x4  }
0xe2: {  	v3 =	vld.idx.msk [tilespmem:v2+s7+$0x0 ss:$0x1], $0xffff;
	_ =	sdelay $0x1  }
0xe3: {  	v4 =	vld [tilespmem:s10+$0xFFFFFFE0]  }
0xe4: {  	v5 =	vld [tilespmem:s10+$0x0]  }
0xe5: {  	v7 =	vmov s5;
	v6 =	vld [tilespmem:s10+$0x10];
	s8 =	simm.s32 $0x1;
	s19 =	smov.u32 s10;
	s7 =	smov.u32 s10  }
.LBB2_14:
0xe6: {  	p0 =	sne.s32 s8, $0xF;
	v7 =	vperm.xlane v3, v7;
	v8 =	vld [tilespmem:s7+$0xFFFFFFF0];
	_ =	sdelay $0x1  }
0xe7: {  	v4 =	vmul.f32 v4, v7  }
.Ltmp5:
0xe8: {  	v5 =	vmul.f32 v5, v7;
	(pc) =	sbr.rel @p0 .LBB2_14-.Ltmp5, $4  }
0xe9: {  	s7 =	sadd.s32 $0x40, s7;
	[tilespmem:s19+$0xFFFFFFE0] =	vst v4;
	v6 =	vmul.f32 v6, v7  }
0xea: {  	v4 =	vld [tilespmem:s7+$0xFFFFFFE0];
	v8 =	vmul.f32 v8, v7;
	[tilespmem:s19+$0x0] =	vst v5  }
0xeb: {  	v5 =	vld [tilespmem:s7+$0x0];
	[tilespmem:s19+$0x10] =	vst v6  }
0xec: {  	v7 =	vmov s8;
	s8 =	sadd.s32 $0x1, s8;
	v6 =	vld [tilespmem:s7+$0x10];
	[tilespmem:s19+$0xFFFFFFF0] =	vst v8;
	s19 =	smov.u32 s7  }
0xed: {  	v3 =	vperm.xlane v3, v7;
	v62 =	vld [tilespmem:s7+$0xFFFFFFF0]  }
0xee: {  	s15 =	sadd.s32 $0x1, s15  }
0xef: {  	p0 =	sne.s32 s15, $0x8;
	v4 =	vmul.f32 v4, v3  }
.Ltmp6:
0xf0: {  	v5 =	vmul.f32 v5, v3;
	(pc) =	sbr.rel @p0 .LBB2_13-.Ltmp6, $4  }
0xf1: {  	[tilespmem:s19+$0xFFFFFFE0] =	vst v4;
	v63 =	vmul.f32 v6, v3  }
0xf2: {  	v3 =	vmul.f32 v62, v3;
	[tilespmem:s19+$0x0] =	vst v5  }
0xf3: {  	[tilespmem:s19+$0x10] =	vst v63  }
0xf4: {  	s10 =	sadd.s32 $0x400, s10;
	[tilespmem:s19+$0xFFFFFFF0] =	vst v3  }
0xf5: {  	s5 =	sadd.s32 $0x3C00, s18  }
0xf6: {  	[spmem:s3] =	stream.indirect.scatter.add.f32 [tilespmem:s31], [sflag:$0x8], $0x40, s5, s26, $0xb8;
	[tilespmem:$0x1F980] =	vst v63  }
0xf7: {  	_ = 	snop  }
0xf8: {  	[spmem:s4] =	stream.indirect.scatter.add.f32 [tilespmem:s24], [sflag:$0x8], $0x1, s5, s26, $0xb8;
	[tilespmem:$0x1F980] =	vst v63  }
0xf9: {  	s5 =	sadd.s32 $0x6, s17  }
0xfa: {  	p0 =	sge.u32 s5, s6  }
0xfb: {  	s7 =	simm.s32 @!p0 $0x8  }
0xfc: {  	_ =	swait.ge @!p0 [sflag:s7], $0x2000  }
0xfd: {  	[sflag:s7] =	ssyncset.done @!p0 $0x0  }
0xfe: {  	[sflag:s7] =	ssyncadd.s32 @!p0 $0xFFFFE000  }
0xff: {  	s19 =	sshll.u32 s14, $0x9;
	_ =	swait.ge @!p0 [sflag:s7], $0x80  }
0x100: {  	s5 =	sshll.u32 @!p0 s5, $0x7;
	s8 =	simm.s32 @!p0 $0x1B400;
	[sflag:s7] =	ssyncset.done @!p0 $0x0  }
0x101: {  	s5 =	sand.u32 @!p0 $0x3FFFFF80, s5;
	[sflag:s7] =	ssyncadd.s32 @!p0 $0xFFFFFF80;
	s7 =	simm.s32 @!p0 $0x80  }
0x102: {  	[tilespmem:s8], [sflag:$0x4] =	stream.indirect.gather @!p0 [hbm4b:s1+s7], $0x40, s5, s7, $0xb8;
	[tilespmem:$0x1F980] =	vst v63  }
0x103: {  	s14 =	sshra.s32 s19, $0x2;
	_ =	swait.ge [sflag:s0], $0x2000  }
0x104: {  	s10 =	simm.s32 $0x1D420;
	s22 =	sadd.s32 $0x7800, s14;
	[sflag:s0] =	ssyncset.done $0x0  }
0x105: {  	s15 =	simm.s32 $0x0;
	v2 =	vmov s22;
	s5 =	simm.s32 $0x0;
	[sflag:s0] =	ssyncadd.s32 $0xFFFFE000  }
.LBB2_17:
0x106: {  	_ =	sdelay $0x2  }
0x107: {  	s7 =	sshll.u32 s15, $0x4  }
0x108: {  	v3 =	vld.idx.msk [tilespmem:v2+s7+$0x0 ss:$0x1], $0xffff;
	_ =	sdelay $0x1  }
0x109: {  	v4 =	vld [tilespmem:s10+$0xFFFFFFE0]  }
0x10a: {  	v5 =	vld [tilespmem:s10+$0x0]  }
0x10b: {  	v7 =	vmov s5;
	v6 =	vld [tilespmem:s10+$0x10];
	s8 =	simm.s32 $0x1;
	s17 =	smov.u32 s10;
	s7 =	smov.u32 s10  }
.LBB2_18:
0x10c: {  	p0 =	sne.s32 s8, $0xF;
	v7 =	vperm.xlane v3, v7;
	v8 =	vld [tilespmem:s7+$0xFFFFFFF0];
	_ =	sdelay $0x1  }
0x10d: {  	v4 =	vmul.f32 v4, v7  }
.Ltmp7:
0x10e: {  	v5 =	vmul.f32 v5, v7;
	(pc) =	sbr.rel @p0 .LBB2_18-.Ltmp7, $4  }
0x10f: {  	s7 =	sadd.s32 $0x40, s7;
	[tilespmem:s17+$0xFFFFFFE0] =	vst v4;
	v6 =	vmul.f32 v6, v7  }
0x110: {  	v4 =	vld [tilespmem:s7+$0xFFFFFFE0];
	v8 =	vmul.f32 v8, v7;
	[tilespmem:s17+$0x0] =	vst v5  }
0x111: {  	v5 =	vld [tilespmem:s7+$0x0];
	[tilespmem:s17+$0x10] =	vst v6  }
0x112: {  	v7 =	vmov s8;
	s8 =	sadd.s32 $0x1, s8;
	v6 =	vld [tilespmem:s7+$0x10];
	[tilespmem:s17+$0xFFFFFFF0] =	vst v8;
	s17 =	smov.u32 s7  }
0x113: {  	v3 =	vperm.xlane v3, v7;
	v62 =	vld [tilespmem:s7+$0xFFFFFFF0]  }
0x114: {  	s15 =	sadd.s32 $0x1, s15  }
0x115: {  	p0 =	sne.s32 s15, $0x8;
	v4 =	vmul.f32 v4, v3  }
.Ltmp8:
0x116: {  	v5 =	vmul.f32 v5, v3;
	(pc) =	sbr.rel @p0 .LBB2_17-.Ltmp8, $4  }
0x117: {  	[tilespmem:s17+$0xFFFFFFE0] =	vst v4;
	v63 =	vmul.f32 v6, v3  }
0x118: {  	v3 =	vmul.f32 v62, v3;
	[tilespmem:s17+$0x0] =	vst v5  }
0x119: {  	[tilespmem:s17+$0x10] =	vst v63  }
0x11a: {  	s10 =	sadd.s32 $0x400, s10;
	[tilespmem:s17+$0xFFFFFFF0] =	vst v3  }
0x11b: {  	s13 =	sadd.s32 $0x1, s13  }
0x11c: {  	p0 =	sne.s32 s13, s16  }
.Ltmp9:
0x11d: {  	_ = 	snop;
	(pc) =	sbr.rel @p0 .LBB2_4-.Ltmp9, $4  }
0x11e: {  	s5 =	sadd.s32 $0x3C00, s14  }
0x11f: {  	[spmem:s3] =	stream.indirect.scatter.add.f32 [tilespmem:s20], [sflag:$0x9], $0x40, s5, s26, $0xb8;
	[tilespmem:$0x1F980] =	vst v63  }
0x120: {  	_ = 	snop  }
0x121: {  	[spmem:s4] =	stream.indirect.scatter.add.f32 [tilespmem:s24], [sflag:$0x9], $0x1, s5, s26, $0xb8;
	[tilespmem:$0x1F980] =	vst v63  }
0x122: {  	s5 =	simm.s32 $0x6  }
0x123: {  	_ =	swait.ge [sflag:s5], $0x2000  }
0x124: {  	[sflag:s5] =	ssyncset.done $0x0  }
0x125: {  	[sflag:s5] =	ssyncadd.s32 $0xFFFFE000  }
0x126: {  	_ =	swait.ge [sflag:s5], $0x80  }
0x127: {  	[sflag:s5] =	ssyncset.done $0x0  }
0x128: {  	s15 =	simm.s32 $0x7;
	[sflag:s5] =	ssyncadd.s32 $0xFFFFFF80  }
0x129: {  	_ =	swait.ge [sflag:s15], $0x2000  }
0x12a: {  	[sflag:s15] =	ssyncset.done $0x0  }
0x12b: {  	[sflag:s15] =	ssyncadd.s32 $0xFFFFE000  }
0x12c: {  	_ =	swait.ge [sflag:s15], $0x80  }
0x12d: {  	[sflag:s15] =	ssyncset.done $0x0  }
0x12e: {  	[sflag:s15] =	ssyncadd.s32 $0xFFFFFF80  }
0x12f: {  	_ =	swait.ge [sflag:s9], $0x2000  }
0x130: {  	[sflag:s9] =	ssyncset.done $0x0  }
0x131: {  	[sflag:s9] =	ssyncadd.s32 $0xFFFFE000  }
0x132: {  	_ =	swait.ge [sflag:s9], $0x80  }
0x133: {  	[sflag:s9] =	ssyncset.done $0x0  }
0x134: {  	[sflag:s9] =	ssyncadd.s32 $0xFFFFFF80  }
0x135: {  	_ =	swait.ge [sflag:s11], $0x2000  }
0x136: {  	[sflag:s11] =	ssyncset.done $0x0  }
0x137: {  	[sflag:s11] =	ssyncadd.s32 $0xFFFFE000  }
0x138: {  	_ =	swait.ge [sflag:s11], $0x80  }
0x139: {  	[sflag:s11] =	ssyncset.done $0x0  }
0x13a: {  	[sflag:s11] =	ssyncadd.s32 $0xFFFFFF80  }
0x13b: {  	s17 =	stileid.u32;
	[bflag:$0x0] =	sbarrier.arrive $0xFFFF  }
0x13c: {  	s5 =	sshll.u32 s17, $0x6;
	s13 =	rddreg [dreg:$0x8]  }
0x13d: {  	s5 =	sor.u32 $0x1C0A, s5;
	s8 =	rddreg [dreg:$0xe];
	s7 =	sshrl.u32 s13, $0x3  }
0x13e: {  	[hbm:s8], [sflag:s5] =	dma.local [spmem:s7], $0x1400  }
0x13f: {  	_ =	swait.ge [sflag:s23], $0x1400  }
0x140: {  	[sflag:s23] =	ssyncset.done $0x0;
	s14 =	rddreg [dreg:$0xd]  }
0x141: {  	s19 =	rddreg [dreg:$0xf];
	[sflag:s23] =	ssyncadd.s32 $0xFFFFEC00;
	s18 =	sshrl.u32 s14, $0x3  }
0x142: {  	[hbm:s19], [sflag:s5] =	dma.local [spmem:s18], $0x50  }
0x143: {  	_ =	swait.ge [sflag:s23], $0x50  }
0x144: {  	s12 =	sadd.s32 $0x1, s12;
	s22 =	rddreg [dreg:$0x10]  }
0x145: {  	p0 =	sne.s32 s12, s22  }
.Ltmp10:
0x146: {  	_ = 	snop;
	(pc) =	sbr.rel @p0 .LBB2_1-.Ltmp10, $3  }
0x147: {  	_ =	sdelay $0x1  }
0x148: {  	[sflag:s23] =	ssyncset.done $0x0  }
0x149: {  	[sflag:s23] =	ssyncadd.s32 $0xFFFFFFB0  }
0x14a: {  	_ =	sfence.sel $0x180000  }
0x14b: {  	[bflag:$0x0] =	sbarrier.arrive $0xFFFF  }
0x14c: {  	_ =	strace $0x9000004A  }
0x14d: {  	s0 =	stileid.u32;
	[bflag:$0x2] =	sbarrier.arrive $0xFFFF  }
0x14e: {  	p0 =	sne.s32 s0, $0x0;
	s0 =	rddreg [dreg:$0x4]  }
0x14f: {  	s0 =	sadd.s32 @!p0 $0x100000, s0  }
0x150: {  	[sflag:s0] =	ssyncadd.tile.s32 @!p0 $0x1;
	_ =	shalt  }
.Lfunc_end2:
_tile_overlayer_lowered:
.L_overlay_start_2:
0x151: {  	(tag) =	ssettag $0x2  }
0x152: {  	s0 =	rddreg [dreg:$0x0];
	s2 =	stileid.u32  }
0x153: {  	s1 =	rddreg [dreg:$0x1];
	p0 =	sne.s32 s2, $0x0  }
0x154: {  	s3 =	rddreg [dreg:$0x2];
	[bflag:$0x3] =	sbarrier.arrive $0xFFFF;
	s2 =	simm.s32 @!p0 $0x1C0A  }
0x155: {  	[timem:s3], [sflag:s2] =	dma.local @!p0 [hbm:s0], s1  }
0x156: {  	s0 =	simm.s32 @!p0 $0xA  }
0x157: {  	_ =	swait.ge @!p0 [sflag:s0], s1  }
0x158: {  	s1 =	ssub.s32 @!p0 $0x0, s1;
	[sflag:s0] =	ssyncset.done @!p0 $0x0  }
0x159: {  	[sflag:s0] =	ssyncadd.s32 @!p0 s1  }
0x15a: {  	[bflag:$0x3] =	sbarrier.arrive $0xFFFF  }
0x15b: {  	_ =	shalt  }

// kernel: kernel.7.cloned.1.call-start
scs
__scs_entry_jumppad:
0x0: {  	(pc) =	sbr.rel $0x88, $3  }
0x1: {  	(tag) =	ssettag $0x0;
	lr =	simm.s32 $0x1  }
0x2: {  	[smem:$0x3F96] =	sst lr;
	_ =	strace $0xD0000000  }
0x3: {  	_ = 	snop  }
0x4: {  	_ = 	snop  }
0x5: {  	_ = 	snop  }
0x6: {  	_ = 	snop  }
0x7: {  	_ = 	snop  }
__scs_overlays_trampoline_lowered:
0x8: {  	[smem:$0x3FA5] =	sst s0  }
0x9: {  	[smem:$0x3FA6] =	sst s1  }
0xa: {  	[smem:$0x3FA7] =	sst s2  }
0xb: {  	[smem:$0x3FA8] =	sst s3  }
0xc: {  	[smem:$0x3FA9] =	sst s4  }
0xd: {  	[smem:$0x3FAA] =	sst s5  }
0xe: {  	[smem:$0x3FAB] =	sst s6  }
0xf: {  	[smem:$0x3FAC] =	sst s7  }
0x10: {  	[smem:$0x3FAD] =	sst s8  }
0x11: {  	[smem:$0x3FAE] =	sst s9;
	s0 =	simm.s32 @!p0 $0x0  }
0x12: {  	s1 =	sld [smem:$0x3F94];
	s0 =	simm.s32 @p0 $0x1  }
0x13: {  	[smem:$0x3FAF] =	sst s0;
	s0 =	simm.s32 @!p1 $0x0  }
0x14: {  	s2 =	sld [smem:$0x3F93];
	s0 =	simm.s32 @p1 $0x1  }
0x15: {  	[smem:$0x3FB0] =	sst s0;
	s0 =	simm.s32 @!p2 $0x0  }
0x16: {  	s3 =	sld [smem:$0x3FDB];
	s0 =	simm.s32 @p2 $0x1  }
0x17: {  	s4 =	simm.s32 $0x1BF5;
	[smem:$0x3FB2] =	sst s0  }
0x18: {  	s0 =	sld [smem:$0x3F95];
	_ =	swait.ge [sflag:s4], $0x0  }
0x19: {  	s7 =	sld [smem:$0x3F96]  }
0x1a: {  	s8 =	sadd.s32 $0xFFFFE003, lr  }
0x1b: {  	s9 =	sadd.s32 $0xFFFFFEF7, lr;
	s5 =	simm.s32 $0xFFFFFFFF;
	p2 =	slt.u32 s8, $0xFFFFF086  }
0x1c: {  	p1 =	slt.u32 s9, $0xF7A;
	s5 =	simm.s32 @!p2 $0x0  }
0x1d: {  	s5 =	simm.s32 @p1 $0x1;
	p0 =	seq.s32 s7, s2  }
0x1e: {  	s7 =	smul.u32 @!p0 $0xF7A, s2;
	p2 =	seq.s32 @!p0 s5, $0x0  }
0x1f: {  	s9 =	smul.u32 $0xF7A, s1;
	s8 =	simm.s32 @!p0 $0x1BF5;
	p2 =	por !p2, p0  }
0x20: {  	[sflag:s8] =	ssyncset.s32 @!p0 $0xFFFFF086;
	s6 =	sadd.s32 @!p0 s3, s7;
	s7 =	simm.s32 @!p0 $0x108  }
0x21: {  	s3 =	sadd.s32 s3, s9;
	s6 =	sadd.s32 @!p0 $0x88, s6;
	s7 =	simm.s32 @p2 $0x1082  }
0x22: {  	[simem:s7], [sflag:s8] =	dma.local @!p0 [hbm:s6], $0xF7A  }
0x23: {  	s9 =	sor.u32 $0xD0000000, s2;
	s6 =	simm.s32 $0x108;
	_ =	swait.ge @!p0 [sflag:s8], $0x0  }
0x24: {  	s3 =	sadd.s32 $0x88, s3;
	s6 =	simm.s32 @!p1 $0x1082;
	[sflag:s4] =	ssyncset.s32 $0xFFFFF086  }
0x25: {  	[simem:s6], [sflag:s4] =	dma.local [hbm:s3], $0xF7A  }
0x26: {  	[smem:$0x3F96] =	sst s1;
	(tag) =	ssettag s2;
	_ =	strace s9  }
0x27: {  	s1 =	sld [smem:$0x3FA6]  }
0x28: {  	s2 =	sld [smem:$0x3FA7]  }
0x29: {  	s4 =	sld [smem:$0x3FA9]  }
0x2a: {  	p0 =	seq.s32 s5, $0x0;
	s5 =	sld [smem:$0x3FAA]  }
0x2b: {  	s6 =	sld [smem:$0x3FAB]  }
0x2c: {  	s7 =	sld [smem:$0x3FAC]  }
0x2d: {  	s3 =	simm.s32 $0x108;
	s8 =	sld [smem:$0x3FAD]  }
0x2e: {  	s3 =	simm.s32 @!p0 $0x1082;
	s9 =	sld [smem:$0x3FAE]  }
0x2f: {  	lr =	sadd.s32 s0, s3;
	s0 =	sld [smem:$0x3FA5]  }
0x30: {  	s3 =	sld [smem:$0x3FA8]  }
0x31: {  	[smem:$0x3FB1] =	sst s10  }
0x32: {  	s10 =	sld [smem:$0x3FAF];
	_ =	sdelay $0x3  }
0x33: {  	p0 =	seq.s32 s10, $0x1;
	s10 =	sld [smem:$0x3FB1];
	_ =	sdelay $0x3  }
0x34: {  	[smem:$0x3FB1] =	sst s10  }
0x35: {  	s10 =	sld [smem:$0x3FB0];
	_ =	sdelay $0x3  }
0x36: {  	p1 =	seq.s32 s10, $0x1;
	s10 =	sld [smem:$0x3FB1];
	_ =	sdelay $0x3  }
0x37: {  	[smem:$0x3FB1] =	sst s10  }
0x38: {  	s10 =	sld [smem:$0x3FB2]  }
0x39: {  	_ = 	snop;
	(pc) =	sbr.ind lr, $3  }
0x3a: {  	_ = 	snop  }
0x3b: {  	_ = 	snop  }
0x3c: {  	p2 =	seq.s32 s10, $0x1;
	s10 =	sld [smem:$0x3FB1]  }
0x3d: {  	_ =	shalt  }
0x3e: {  	_ =	shalt  }
0x3f: {  	_ =	shalt  }
0x40: {  	_ =	shalt  }
0x41: {  	_ =	shalt  }
0x42: {  	_ =	shalt  }
0x43: {  	_ =	shalt  }
0x44: {  	_ =	shalt  }
0x45: {  	_ =	shalt  }
0x46: {  	_ =	shalt  }
0x47: {  	_ =	shalt  }
0x48: {  	_ =	shalt  }
0x49: {  	_ =	shalt  }
0x4a: {  	_ =	shalt  }
0x4b: {  	_ =	shalt  }
0x4c: {  	_ =	shalt  }
0x4d: {  	_ =	shalt  }
0x4e: {  	_ =	shalt  }
0x4f: {  	_ =	shalt  }
0x50: {  	_ =	shalt  }
0x51: {  	_ =	shalt  }
0x52: {  	_ =	shalt  }
0x53: {  	_ =	shalt  }
0x54: {  	_ =	shalt  }
0x55: {  	_ =	shalt  }
0x56: {  	_ =	shalt  }
0x57: {  	_ =	shalt  }
0x58: {  	_ =	shalt  }
0x59: {  	_ =	shalt  }
0x5a: {  	_ =	shalt  }
0x5b: {  	_ =	shalt  }
0x5c: {  	_ =	shalt  }
0x5d: {  	_ =	shalt  }
0x5e: {  	_ =	shalt  }
0x5f: {  	_ =	shalt  }
0x60: {  	_ =	shalt  }
0x61: {  	_ =	shalt  }
0x62: {  	_ =	shalt  }
0x63: {  	_ =	shalt  }
0x64: {  	_ =	shalt  }
0x65: {  	_ =	shalt  }
0x66: {  	_ =	shalt  }
0x67: {  	_ =	shalt  }
0x68: {  	_ =	shalt  }
0x69: {  	_ =	shalt  }
0x6a: {  	_ =	shalt  }
0x6b: {  	_ =	shalt  }
0x6c: {  	_ =	shalt  }
0x6d: {  	_ =	shalt  }
0x6e: {  	_ =	shalt  }
0x6f: {  	_ =	shalt  }
0x70: {  	_ =	shalt  }
0x71: {  	_ =	shalt  }
0x72: {  	_ =	shalt  }
0x73: {  	_ =	shalt  }
0x74: {  	_ =	shalt  }
0x75: {  	_ =	shalt  }
0x76: {  	_ =	shalt  }
0x77: {  	_ =	shalt  }
0x78: {  	_ =	shalt  }
0x79: {  	_ =	shalt  }
0x7a: {  	_ =	shalt  }
0x7b: {  	_ =	shalt  }
0x7c: {  	_ =	shalt  }
0x7d: {  	_ =	shalt  }
0x7e: {  	_ =	shalt  }
0x7f: {  	_ =	shalt  }
0x80: {  	_ =	shalt  }
0x81: {  	_ =	shalt  }
0x82: {  	_ =	shalt  }
0x83: {  	_ =	shalt  }
0x84: {  	_ =	shalt  }
0x85: {  	_ =	shalt  }
0x86: {  	_ =	shalt  }
0x87: {  	_ =	shalt  }
.Lfunc_end0:
.L_simem_size_0:
called_computation_lowered:
.L_overlay_start_0:
0x88: {  	s2 =	sld [smem:$0x3FD9]  }
0x89: {  	s3 =	sld [smem:$0x3FFE];
	_ =	sdelay $0x1  }
0x8a: {  	s1 =	srdreg.scid  }
0x8b: {  	s0 =	sand.u32 $0x1, s1  }
0x8c: {  	s17 =	sshll.u32 s0, $0xA;
	s2 =	sadd.s32 s3, s2  }
0x8d: {  	s2 =	sadd.s32 s2, s17  }
0x8e: {  	[smem:$0x3FBD] =	sst s2  }
0x8f: {  	_ = 	snop  }
0x90: {  	s2 =	sld [smem:$0x3FD0];
	(tm) =	ssettm $0x1  }
0x91: {  	s18 =	sld [smem:$0x3FFB];
	_ =	sdelay $0x3  }
0x92: {  	_ =	strace s18  }
0x93: {  	s3 =	sld [smem:$0x3FFC];
	_ =	sdelay $0x3  }
0x94: {  	_ =	strace s3  }
0x95: {  	s3 =	sld [smem:$0x3FFD];
	_ =	sdelay $0x3  }
0x96: {  	_ =	strace s3  }
0x97: {  	_ =	strace $0x8FFFFFFF  }
0x98: {  	s19 =	sld [smem:$0x3FDB];
	_ =	sdelay $0x1  }
0x99: {  	s4 =	simm.s32 $_scs_section_size  }
0x9a: {  	s5 =	simm.s32 $_size__tile_overlayer_lowered;
	s6 =	simm.s32 $_tile_overlayer_lowered  }
0x9b: {  	s22 =	simm.s32 $0x1BFF;
	s21 =	sshll.u32 s6, $0x1;
	s3 =	sadd.s32 s4, s19  }
0x9c: {  	s7 =	simm.s32 $0x0;
	s20 =	sshll.u32 s5, $0x1;
	s5 =	sadd.s32 s21, s3  }
0x9d: {  	[timem:s7], [sflag:s22] =	dma.local [hbm:s5], s20  }
0x9e: {  	_ =	swait.ge [sflag:s22], s20  }
0x9f: {  	s4 =	ssub.s32 $0x0, s20;
	[sflag:s22] =	ssyncset.done $0x0  }
0xa0: {  	[sflag:s22] =	ssyncadd.s32 s4;
	_ =	sdelay $0x1  }
0xa1: {  	s23 =	simm.s32 $0x1B8B  }
0xa2: {  	_ =	swait.ge [sflag:s23], $0x1  }
0xa3: {  	[sflag:s23] =	ssyncset.done $0x0  }
0xa4: {  	s25 =	simm.s32 $0x1B8E;
	s24 =	sld [smem:$0x3FFE];
	[sflag:s23] =	ssyncadd.s32 $0xFFFFFFFF  }
0xa5: {  	s26 =	simm.s32 $execute0_lowered;
	[smem:$0x3FD2] =	sst s25  }
0xa6: {  	s5 =	sshll.u32 s26, $0x1;
	_ =	strace $0x80000046;
	[dreg:$0x1] =	wrdreg $0xFFFFFFFF  }
0xa7: {  	s28 =	simm.s32 $_size_execute0_lowered;
	s3 =	sadd.s32 s3, s5;
	[dreg:$0x0] =	wrdreg $0x0  }
0xa8: {  	s5 =	sshll.u32 s28, $0x1;
	[dreg:$0x2] =	wrdreg s3  }
0xa9: {  	[dreg:$0x3] =	wrdreg s5  }
0xaa: {  	[dreg:$0x4] =	wrdreg $0xC0  }
0xab: {  	_ =	task [dreg:s7], $0x5FFFF  }
0xac: {  	[dreg:$0x1] =	wrdreg $0xFFFFFFFF  }
0xad: {  	[dreg:$0x0] =	wrdreg $0x60  }
0xae: {  	[dreg:$0x2] =	wrdreg s2  }
0xaf: {  	[dreg:$0x3] =	wrdreg s24  }
0xb0: {  	[dreg:$0x4] =	wrdreg $0xD4000  }
0xb1: {  	[dreg:$0x5] =	wrdreg $0x1F7000  }
0xb2: {  	[dreg:$0x6] =	wrdreg $0x9  }
0xb3: {  	_ =	task.clear_ibuf [dreg:s7], $0x7FFFF;
	_ =	strace $0x90000046  }
0xb4: {  	s29 =	simm.s32 $0x9;
	_ =	strace $0x80000048  }
0xb5: {  	_ =	swait.ge [sflag:s29], $0x1  }
0xb6: {  	[sflag:s29] =	ssyncadd.s32 $0xFFFFFFFF  }
0xb7: {  	_ =	strace $0x90000048  }
0xb8: {  	_ =	sfence  }
0xb9: {  	s30 =	sld [smem:$0x0];
	_ =	sdelay $0x2  }
0xba: {  	s31 =	sshll.u32 s1, $0xD;
	s1 =	sshrl.u32 s1, $0x2  }
0xbb: {  	s3 =	sand.u32 $0x4000, s31;
	s1 =	sadd.s32 s1, s30  }
0xbc: {  	s0 =	sor.u32 s3, s0;
	s1 =	sshll.u32 s1, $0x11  }
0xbd: {  	s0 =	sor.u32 s1, s0  }
0xbe: {  	s0 =	sadd.s32 $0x8F2B, s0  }
0xbf: {  	[sflag:s0] =	ssyncadd.remote.s32 $0x1  }
0xc0: {  	_ =	sfence.sel $0xFFFF  }
0xc1: {  	[dreg:$0x0] =	wrdreg $0xFFFFFFFF;
	(pc) =	sbr.abs _section_cstart, $3  }
0xc2: {  	[dreg:$0x1] =	wrdreg $0xFFFFFFFF  }
0xc3: {  	_ =	task.clear_ibuf [dreg:s7], $0x2FFFF;
	_ =	strace $0x9FFFFFFF  }
0xc4: {  	(tm) =	ssettm $0x7FFFFFFF  }
0xc5: {  	_ =	shalt  }
tec
execute0_lowered:
.L_overlay_start_1:
0x0: {  	(tag) =	ssettag $0x1  }
0x1: {  	s1 =	rddreg [dreg:$0x0]  }
0x2: {  	s5 =	rddreg [dreg:$0x1]  }
0x3: {  	s0 =	srdreg.scid;
	s3 =	rddreg [dreg:$0x2]  }
0x4: {  	s11 =	stileid.u32;
	s4 =	rddreg [dreg:$0x3];
	s9 =	simm.s32 $0x0  }
0x5: {  	s28 =	simm.s32 $0x17400;
	s29 =	simm.s32 $0x19400;
	s7 =	smul.u32 $0xA000, s11  }
0x6: {  	s31 =	simm.s32 $0x1B400;
	s0 =	sand.u32 $0x1, s0;
	s8 =	smul.u32 $0x280, s11  }
0x7: {  	s30 =	simm.s32 $0x3;
	s12 =	simm.s32 $0x0;
	s6 =	smul.u32 $0xA0000, s0  }
0x8: {  	[smem:$0x7FF] =	sst s9;
	s2 =	sshll.u32 s0, $0x4;
	s14 =	smul.u32 $0x2800, s0  }
0x9: {  	_ =	strace $0x80000047;
	s16 =	ssub.s32 $0x2, s0;
	p0 =	seq.s32 s0, $0x0  }
0xa: {  	s2 =	sor.u32 s11, s2;
	s17 =	sshrl.u32 s16, $0x1;
	s11 =	smul.u32 $0x28000, s11  }
0xb: {  	s13 =	sadd.s32 s7, s3;
	s2 =	smul.u32 $0x780, s2;
	s6 =	sadd.s32 s7, s6  }
0xc: {  	s9 =	sadd.s32 s8, s14;
	s14 =	sadd.s32 s8, s4;
	[dreg:$0x8] =	wrdreg s13  }
0xd: {  	s6 =	sshrl.u32 s6, $0x3;
	s15 =	sshrl.u32 s9, $0x3;
	s9 =	ssub.s32 s16, s17  }
0xe: {  	[dreg:$0xd] =	wrdreg s14;
	s2 =	sadd.s32 s2, s5;
	s26 =	smax.u32 s9, $0x1  }
0xf: {  	s19 =	sshrl.u32 s11, $0x2;
	s18 =	sadd.s32 $0x21000, s2;
	[dreg:$0x10] =	wrdreg s26  }
0x10: {  	s11 =	simm.s32 $0x9;
	s20 =	sadd.s32 $0x12000, s2;
	[dreg:$0x5] =	wrdreg s18  }
0x11: {  	s0 =	sadd.s32 s19, s3;
	s2 =	sadd.s32 $0x3000, s2;
	[dreg:$0x6] =	wrdreg s20  }
0x12: {  	s10 =	sadd.s32 s6, s5;
	s21 =	sadd.s32 $0x2000, s0;
	[dreg:$0x7] =	wrdreg s2  }
0x13: {  	s5 =	sadd.s32 s15, s5;
	s22 =	sadd.s32 $0x4000, s0;
	[dreg:$0x9] =	wrdreg s21  }
0x14: {  	s6 =	simm.s32 $0x78;
	s23 =	sadd.s32 $0x6000, s0;
	[dreg:$0xa] =	wrdreg s22  }
0x15: {  	s9 =	simm.s32 $0x8;
	s0 =	sadd.s32 $0x8000, s0;
	[dreg:$0xb] =	wrdreg s23  }
0x16: {  	s6 =	simm.s32 @!p0 $0x28;
	s24 =	sadd.s32 $0x30000, s10;
	[dreg:$0xc] =	wrdreg s0  }
0x17: {  	s25 =	sadd.s32 $0x58000, s5;
	s26 =	simm.s32 $0x80;
	[dreg:$0xe] =	wrdreg s24  }
0x18: {  	s16 =	sshrl.u32 s6, $0x2;
	[dreg:$0xf] =	wrdreg s25;
	s23 =	simm.s32 $0xA  }
0x19: {  	s25 =	simm.s32 $0x1;
	s20 =	simm.s32 $0x1D400;
	s21 =	simm.s32 $0x2  }
0x1a: {  	v0 =	vimm.f32 $0.0e+00;
	v1 =	vimm.f32 $1.000000000e+00;
	s24 =	simm.s32 $0x1F400;
	s2 =	simm.s32 $0x4;
	s0 =	simm.s32 $0x5  }
.LBB2_1:
0x1b: {  	s5 =	simm.s32 $0x0;
	s7 =	rddreg [dreg:$0x5]  }
0x1c: {  	[tilespmem:s5], [sflag:$0x1] =	stream.linear.gather [hbm4b:s7+s5], $0x3C00, $0x38;
	[tilespmem:$0x1F980] =	vst v63  }
0x1d: {  	s18 =	rddreg [dreg:$0x6];
	s8 =	simm.s32 $0x3C00  }
0x1e: {  	[tilespmem:s8], [sflag:$0x1] =	stream.linear.gather [hbm4b:s18+s5], $0x3C00, $0x38;
	[tilespmem:$0x1F980] =	vst v63  }
0x1f: {  	s19 =	rddreg [dreg:$0x7];
	s22 =	simm.s32 $0x7800  }
0x20: {  	[tilespmem:s22], [sflag:$0x1] =	stream.linear.gather [hbm4b:s19+s5], $0x3C00, $0x38;
	[tilespmem:$0x1F980] =	vst v63  }
0x21: {  	s7 =	simm.s32 $0x100;
	s5 =	simm.s32 $0x0  }
.LBB2_2:
0x22: {  	p0 =	sne.s32 s7, $0x7F00;
	[tilespmem:s5+$0xB430] =	vst v0;
	s8 =	smov.u32 s7;
	s7 =	sadd.s32 $0x100, s7  }
.Ltmp0:
0x23: {  	[tilespmem:s5+$0xB420] =	vst v0;
	(pc) =	sbr.rel @p0 .LBB2_2-.Ltmp0, $3  }
0x24: {  	[tilespmem:s5+$0xB400] =	vst v0  }
0x25: {  	[tilespmem:s5+$0xB410] =	vst v0;
	_ =	sdelay $0x1  }
0x26: {  	s5 =	sshra.s32 s8, $0x2  }
0x27: {  	[tilespmem:s5+$0xB430] =	vst v0  }
0x28: {  	[tilespmem:s5+$0xB420] =	vst v0  }
0x29: {  	[tilespmem:s5+$0xB400] =	vst v0  }
0x2a: {  	[tilespmem:s5+$0xB410] =	vst v0;
	s7 =	simm.s32 $0xB400  }
0x2b: {  	[spmem:s13] =	stream.linear.scatter [tilespmem:s7], [sflag:$0xA], $0x2000, $0x38;
	[tilespmem:$0x1F980] =	vst v63  }
0x2c: {  	_ =	swait.ge [sflag:s23], $0x2000  }
0x2d: {  	[sflag:s23] =	ssyncset.done $0x0  }
0x2e: {  	s10 =	rddreg [dreg:$0x9];
	[sflag:s23] =	ssyncadd.s32 $0xFFFFE000  }
0x2f: {  	[spmem:s10] =	stream.linear.scatter [tilespmem:s7], [sflag:$0xA], $0x2000, $0x38;
	[tilespmem:$0x1F980] =	vst v63  }
0x30: {  	_ =	swait.ge [sflag:s23], $0x2000  }
0x31: {  	[sflag:s23] =	ssyncset.done $0x0  }
0x32: {  	s13 =	rddreg [dreg:$0xa];
	[sflag:s23] =	ssyncadd.s32 $0xFFFFE000  }
0x33: {  	[spmem:s13] =	stream.linear.scatter [tilespmem:s7], [sflag:$0xA], $0x2000, $0x38;
	[tilespmem:$0x1F980] =	vst v63  }
0x34: {  	_ =	swait.ge [sflag:s23], $0x2000  }
0x35: {  	[sflag:s23] =	ssyncset.done $0x0  }
0x36: {  	s15 =	rddreg [dreg:$0xb];
	[sflag:s23] =	ssyncadd.s32 $0xFFFFE000  }
0x37: {  	[spmem:s15] =	stream.linear.scatter [tilespmem:s7], [sflag:$0xA], $0x2000, $0x38;
	[tilespmem:$0x1F980] =	vst v63  }
0x38: {  	_ =	swait.ge [sflag:s23], $0x2000  }
0x39: {  	[sflag:s23] =	ssyncset.done $0x0  }
0x3a: {  	s17 =	rddreg [dreg:$0xc];
	[sflag:s23] =	ssyncadd.s32 $0xFFFFE000  }
0x3b: {  	[spmem:s17] =	stream.linear.scatter [tilespmem:s7], [sflag:$0xA], $0x2000, $0x38;
	[tilespmem:$0x1F980] =	vst v63  }
0x3c: {  	_ =	swait.ge [sflag:s23], $0x2000  }
0x3d: {  	[sflag:s23] =	ssyncset.done $0x0  }
0x3e: {  	[sflag:s23] =	ssyncadd.s32 $0xFFFFE000  }
0x3f: {  	[tilespmem:$0x1F480] =	vst v0  }
0x40: {  	[tilespmem:$0x1F490] =	vst v0  }
0x41: {  	[tilespmem:$0x1F4A0] =	vst v0  }
0x42: {  	[tilespmem:$0x1F4B0] =	vst v0  }
0x43: {  	[tilespmem:$0x1F4C0] =	vst v0  }
0x44: {  	[tilespmem:$0x1F4D0] =	vst v0  }
0x45: {  	[tilespmem:$0x1F4E0] =	vst v0  }
0x46: {  	[tilespmem:$0x1F4F0] =	vst v0  }
0x47: {  	[tilespmem:$0x1F500] =	vst v0  }
0x48: {  	[tilespmem:$0x1F510] =	vst v0  }
0x49: {  	[tilespmem:$0x1F520] =	vst v0  }
0x4a: {  	[tilespmem:$0x1F530] =	vst v0  }
0x4b: {  	[tilespmem:$0x1F540] =	vst v0  }
0x4c: {  	[tilespmem:$0x1F550] =	vst v0  }
0x4d: {  	[tilespmem:$0x1F560] =	vst v0  }
0x4e: {  	[tilespmem:$0x1F570] =	vst v0  }
0x4f: {  	[tilespmem:$0x1F580] =	vst v0  }
0x50: {  	[tilespmem:$0x1F590] =	vst v0  }
0x51: {  	[tilespmem:$0x1F5A0] =	vst v0  }
0x52: {  	[tilespmem:$0x1F5B0] =	vst v0  }
0x53: {  	[tilespmem:$0x1F5C0] =	vst v0  }
0x54: {  	[tilespmem:$0x1F5D0] =	vst v0  }
0x55: {  	[tilespmem:$0x1F5E0] =	vst v0  }
0x56: {  	[tilespmem:$0x1F5F0] =	vst v0  }
0x57: {  	[tilespmem:$0x1F600] =	vst v0  }
0x58: {  	[tilespmem:$0x1F610] =	vst v0  }
0x59: {  	[tilespmem:$0x1F620] =	vst v0  }
0x5a: {  	[tilespmem:$0x1F630] =	vst v0  }
0x5b: {  	[tilespmem:$0x1F640] =	vst v0  }
0x5c: {  	[tilespmem:$0x1F650] =	vst v0  }
0x5d: {  	[tilespmem:$0x1F660] =	vst v0  }
0x5e: {  	[tilespmem:$0x1F670] =	vst v0  }
0x5f: {  	[tilespmem:$0x1F680] =	vst v0  }
0x60: {  	[tilespmem:$0x1F690] =	vst v0  }
0x61: {  	[tilespmem:$0x1F6A0] =	vst v0  }
0x62: {  	[tilespmem:$0x1F6B0] =	vst v0  }
0x63: {  	[tilespmem:$0x1F6C0] =	vst v0  }
0x64: {  	[tilespmem:$0x1F6D0] =	vst v0  }
0x65: {  	[tilespmem:$0x1F6E0] =	vst v0  }
0x66: {  	s18 =	simm.s32 $0x1F480;
	[tilespmem:$0x1F6F0] =	vst v0  }
0x67: {  	[spmem:s14] =	stream.linear.scatter [tilespmem:s18], [sflag:$0xA], $0x280, $0x38;
	[tilespmem:$0x1F980] =	vst v63  }
0x68: {  	_ =	swait.ge [sflag:s23], $0x280  }
0x69: {  	[sflag:s23] =	ssyncset.done $0x0  }
0x6a: {  	[sflag:s23] =	ssyncadd.s32 $0xFFFFFD80  }
0x6b: {  	[tilespmem:$0x1F400] =	vst v1  }
0x6c: {  	[tilespmem:$0x1F410] =	vst v1  }
0x6d: {  	[tilespmem:$0x1F420] =	vst v1  }
0x6e: {  	[tilespmem:$0x1F430] =	vst v1  }
0x6f: {  	[tilespmem:$0x1F440] =	vst v1  }
0x70: {  	[tilespmem:$0x1F450] =	vst v1  }
0x71: {  	[tilespmem:$0x1F460] =	vst v1  }
0x72: {  	[tilespmem:$0x1F470] =	vst v1  }
0x73: {  	_ =	swait.ge [sflag:s25], $0x3C00  }
0x74: {  	[sflag:s25] =	ssyncset.done $0x0  }
0x75: {  	[sflag:s25] =	ssyncadd.s32 $0xFFFFC400  }
0x76: {  	_ =	swait.ge [sflag:s25], $0x3C00  }
0x77: {  	[sflag:s25] =	ssyncset.done $0x0  }
0x78: {  	[sflag:s25] =	ssyncadd.s32 $0xFFFFC400  }
0x79: {  	_ =	swait.ge [sflag:s25], $0x3C00  }
0x7a: {  	[sflag:s25] =	ssyncset.done $0x0  }
0x7b: {  	[sflag:s25] =	ssyncadd.s32 $0xFFFFC400  }
0x7c: {  	s13 =	simm.s32 $0x0;
	[bflag:$0x0] =	sbarrier.arrive $0xFFFF  }
0x7d: {  	[tilespmem:s28], [sflag:$0x2] =	stream.indirect.gather [hbm4b:s1+s26], $0x40, s13, s26, $0xb8;
	[tilespmem:$0x1F980] =	vst v63  }
0x7e: {  	_ = 	snop  }
0x7f: {  	[tilespmem:s29], [sflag:$0x3] =	stream.indirect.gather [hbm4b:s1+s26], $0x40, s26, s26, $0xb8;
	[tilespmem:$0x1F980] =	vst v63  }
0x80: {  	s19 =	simm.s32 $0x100  }
0x81: {  	[tilespmem:s31], [sflag:$0x4] =	stream.indirect.gather [hbm4b:s1+s26], $0x40, s19, s26, $0xb8;
	[tilespmem:$0x1F980] =	vst v63  }
0x82: {  	s22 =	simm.s32 $0x180  }
0x83: {  	[tilespmem:s20], [sflag:$0x5] =	stream.indirect.gather [hbm4b:s1+s26], $0x40, s22, s26, $0xb8;
	[tilespmem:$0x1F980] =	vst v63  }
.LBB2_4:
0x84: {  	s17 =	sshll.u32 s13, $0x2  }
0x85: {  	s14 =	sshllo.u32 s13, $0x2;
	p0 =	seq.s32 s17, $0x0  }
0x86: {  	p1 =	sge.u32 @!p0 s14, s6  }
0x87: {  	p0 =	por p1, p0  }
0x88: {  	s5 =	simm.s32 @!p0 $0x9  }
0x89: {  	_ =	swait.ge @!p0 [sflag:s5], $0x2000  }
0x8a: {  	[sflag:s5] =	ssyncset.done @!p0 $0x0  }
0x8b: {  	[sflag:s5] =	ssyncadd.s32 @!p0 $0xFFFFE000  }
0x8c: {  	_ =	swait.ge @!p0 [sflag:s5], $0x80  }
0x8d: {  	[sflag:s5] =	ssyncset.done @!p0 $0x0  }
0x8e: {  	s18 =	sshll.u32 s13, $0xB;
	[sflag:s5] =	ssyncadd.s32 @!p0 $0xFFFFFF80;
	s5 =	sshll.u32 @!p0 s14, $0x7  }
0x8f: {  	s7 =	simm.s32 @!p0 $0x80;
	s8 =	simm.s32 @!p0 $0x1D400;
	s5 =	sand.u32 @!p0 $0x3FFFFF80, s5  }
0x90: {  	[tilespmem:s8], [sflag:$0x5] =	stream.indirect.gather @!p0 [hbm4b:s1+s7], $0x40, s5, s7, $0xb8;
	[tilespmem:$0x1F980] =	vst v63  }
0x91: {  	s19 =	sshra.s32 s18, $0x2;
	_ =	swait.ge [sflag:s21], $0x2000  }
0x92: {  	s22 =	sadd.s32 $0x7800, s19;
	[sflag:s21] =	ssyncset.done $0x0  }
0x93: {  	s10 =	simm.s32 $0x0;
	v2 =	vmov s22;
	s5 =	simm.s32 $0x17420;
	[sflag:s21] =	ssyncadd.s32 $0xFFFFE000  }
.LBB2_5:
0x94: {  	_ =	sdelay $0x2  }
0x95: {  	s7 =	sshll.u32 s10, $0x4  }
0x96: {  	v3 =	vld.idx.msk [tilespmem:v2+s7+$0x0 ss:$0x1], $0xffff;
	_ =	sdelay $0x1  }
0x97: {  	v4 =	vld [tilespmem:s5+$0xFFFFFFE0]  }
0x98: {  	s22 =	simm.s32 $0x0;
	v5 =	vld [tilespmem:s5+$0x0]  }
0x99: {  	v6 =	vld [tilespmem:s5+$0x10];
	s15 =	smov.u32 s5;
	v7 =	vmov s22;
	s7 =	simm.s32 $0x1;
	s22 =	smov.u32 s5  }
.LBB2_6:
0x9a: {  	p0 =	sne.s32 s7, $0xF;
	v7 =	vperm.xlane v3, v7;
	v8 =	vld [tilespmem:s22+$0xFFFFFFF0];
	_ =	sdelay $0x1  }
0x9b: {  	v4 =	vmul.f32 v4, v7  }
.Ltmp1:
0x9c: {  	v5 =	vmul.f32 v5, v7;
	(pc) =	sbr.rel @p0 .LBB2_6-.Ltmp1, $4  }
0x9d: {  	s22 =	sadd.s32 $0x40, s22;
	[tilespmem:s15+$0xFFFFFFE0] =	vst v4;
	v6 =	vmul.f32 v6, v7  }
0x9e: {  	v4 =	vld [tilespmem:s22+$0xFFFFFFE0];
	v8 =	vmul.f32 v8, v7;
	[tilespmem:s15+$0x0] =	vst v5  }
0x9f: {  	v5 =	vld [tilespmem:s22+$0x0];
	[tilespmem:s15+$0x10] =	vst v6  }
0xa0: {  	v7 =	vmov s7;
	s7 =	sadd.s32 $0x1, s7;
	v6 =	vld [tilespmem:s22+$0x10];
	[tilespmem:s15+$0xFFFFFFF0] =	vst v8;
	s15 =	smov.u32 s22  }
0xa1: {  	v3 =	vperm.xlane v3, v7;
	v62 =	vld [tilespmem:s22+$0xFFFFFFF0]  }
0xa2: {  	s10 =	sadd.s32 $0x1, s10  }
0xa3: {  	p0 =	sne.s32 s10, $0x8;
	v4 =	vmul.f32 v4, v3  }
.Ltmp2:
0xa4: {  	v5 =	vmul.f32 v5, v3;
	(pc) =	sbr.rel @p0 .LBB2_5-.Ltmp2, $4  }
0xa5: {  	[tilespmem:s15+$0xFFFFFFE0] =	vst v4;
	v63 =	vmul.f32 v6, v3  }
0xa6: {  	v3 =	vmul.f32 v62, v3;
	[tilespmem:s15+$0x0] =	vst v5  }
0xa7: {  	[tilespmem:s15+$0x10] =	vst v63  }
0xa8: {  	s5 =	sadd.s32 $0x400, s5;
	[tilespmem:s15+$0xFFFFFFF0] =	vst v3  }
0xa9: {  	s5 =	sadd.s32 $0x3C00, s19  }
0xaa: {  	[spmem:s3] =	stream.indirect.scatter.add.f32 [tilespmem:s28], [sflag:$0x6], $0x40, s5, s26, $0xb8;
	[tilespmem:$0x1F980] =	vst v63  }
0xab: {  	_ = 	snop  }
0xac: {  	[spmem:s4] =	stream.indirect.scatter.add.f32 [tilespmem:s24], [sflag:$0x6], $0x1, s5, s26, $0xb8;
	[tilespmem:$0x1F980] =	vst v63  }
0xad: {  	s5 =	sadd.s32 $0x4, s17  }
0xae: {  	p0 =	sge.u32 s5, s6  }
0xaf: {  	s7 =	simm.s32 @!p0 $0x6  }
0xb0: {  	_ =	swait.ge @!p0 [sflag:s7], $0x2000  }
0xb1: {  	[sflag:s7] =	ssyncset.done @!p0 $0x0  }
0xb2: {  	[sflag:s7] =	ssyncadd.s32 @!p0 $0xFFFFE000  }
0xb3: {  	s19 =	sor.u32 $0x200, s18;
	_ =	swait.ge @!p0 [sflag:s7], $0x80  }
0xb4: {  	s5 =	sshll.u32 @!p0 s5, $0x7;
	s8 =	simm.s32 @!p0 $0x17400;
	[sflag:s7] =	ssyncset.done @!p0 $0x0  }
0xb5: {  	s5 =	sand.u32 @!p0 $0x3FFFFF80, s5;
	[sflag:s7] =	ssyncadd.s32 @!p0 $0xFFFFFF80;
	s7 =	simm.s32 @!p0 $0x80  }
0xb6: {  	[tilespmem:s8], [sflag:$0x2] =	stream.indirect.gather @!p0 [hbm4b:s1+s7], $0x40, s5, s7, $0xb8;
	[tilespmem:$0x1F980] =	vst v63  }
0xb7: {  	s19 =	sshra.s32 s19, $0x2;
	_ =	swait.ge [sflag:s30], $0x2000  }
0xb8: {  	s15 =	simm.s32 $0x0;
	s22 =	sadd.s32 $0x7800, s19;
	[sflag:s30] =	ssyncset.done $0x0  }
0xb9: {  	v2 =	vmov s22;
	s5 =	simm.s32 $0x0;
	s7 =	simm.s32 $0x19420;
	[sflag:s30] =	ssyncadd.s32 $0xFFFFE000  }
.LBB2_9:
0xba: {  	_ =	sdelay $0x2  }
0xbb: {  	s8 =	sshll.u32 s15, $0x4  }
0xbc: {  	v3 =	vld.idx.msk [tilespmem:v2+s8+$0x0 ss:$0x1], $0xffff;
	_ =	sdelay $0x1  }
0xbd: {  	v4 =	vld [tilespmem:s7+$0xFFFFFFE0]  }
0xbe: {  	v5 =	vld [tilespmem:s7+$0x0]  }
0xbf: {  	v7 =	vmov s5;
	v6 =	vld [tilespmem:s7+$0x10];
	s22 =	smov.u32 s7;
	s10 =	smov.u32 s7;
	s8 =	simm.s32 $0x1  }
.LBB2_10:
0xc0: {  	p0 =	sne.s32 s8, $0xF;
	v7 =	vperm.xlane v3, v7;
	v8 =	vld [tilespmem:s22+$0xFFFFFFF0];
	_ =	sdelay $0x1  }
0xc1: {  	v4 =	vmul.f32 v4, v7  }
.Ltmp3:
0xc2: {  	v5 =	vmul.f32 v5, v7;
	(pc) =	sbr.rel @p0 .LBB2_10-.Ltmp3, $4  }
0xc3: {  	s22 =	sadd.s32 $0x40, s22;
	[tilespmem:s10+$0xFFFFFFE0] =	vst v4;
	v6 =	vmul.f32 v6, v7  }
0xc4: {  	v4 =	vld [tilespmem:s22+$0xFFFFFFE0];
	v8 =	vmul.f32 v8, v7;
	[tilespmem:s10+$0x0] =	vst v5  }
0xc5: {  	v5 =	vld [tilespmem:s22+$0x0];
	[tilespmem:s10+$0x10] =	vst v6  }
0xc6: {  	v7 =	vmov s8;
	s8 =	sadd.s32 $0x1, s8;
	v6 =	vld [tilespmem:s22+$0x10];
	[tilespmem:s10+$0xFFFFFFF0] =	vst v8;
	s10 =	smov.u32 s22  }
0xc7: {  	v3 =	vperm.xlane v3, v7;
	v62 =	vld [tilespmem:s22+$0xFFFFFFF0]  }
0xc8: {  	s15 =	sadd.s32 $0x1, s15  }
0xc9: {  	p0 =	sne.s32 s15, $0x8;
	v4 =	vmul.f32 v4, v3  }
.Ltmp4:
0xca: {  	v5 =	vmul.f32 v5, v3;
	(pc) =	sbr.rel @p0 .LBB2_9-.Ltmp4, $4  }
0xcb: {  	[tilespmem:s10+$0xFFFFFFE0] =	vst v4;
	v63 =	vmul.f32 v6, v3  }
0xcc: {  	v3 =	vmul.f32 v62, v3;
	[tilespmem:s10+$0x0] =	vst v5  }
0xcd: {  	[tilespmem:s10+$0x10] =	vst v63  }
0xce: {  	s7 =	sadd.s32 $0x400, s7;
	[tilespmem:s10+$0xFFFFFFF0] =	vst v3  }
0xcf: {  	s5 =	sadd.s32 $0x3C00, s19  }
0xd0: {  	[spmem:s3] =	stream.indirect.scatter.add.f32 [tilespmem:s29], [sflag:$0x7], $0x40, s5, s26, $0xb8;
	[tilespmem:$0x1F980] =	vst v63  }
0xd1: {  	_ = 	snop  }
0xd2: {  	[spmem:s4] =	stream.indirect.scatter.add.f32 [tilespmem:s24], [sflag:$0x7], $0x1, s5, s26, $0xb8;
	[tilespmem:$0x1F980] =	vst v63  }
0xd3: {  	s5 =	sadd.s32 $0x5, s17  }
0xd4: {  	p0 =	sge.u32 s5, s6  }
0xd5: {  	s7 =	simm.s32 @!p0 $0x7  }
0xd6: {  	_ =	swait.ge @!p0 [sflag:s7], $0x2000  }
0xd7: {  	[sflag:s7] =	ssyncset.done @!p0 $0x0  }
0xd8: {  	[sflag:s7] =	ssyncadd.s32 @!p0 $0xFFFFE000  }
0xd9: {  	s19 =	sor.u32 $0x400, s18;
	_ =	swait.ge @!p0 [sflag:s7], $0x80  }
0xda: {  	s5 =	sshll.u32 @!p0 s5, $0x7;
	s8 =	simm.s32 @!p0 $0x19400;
	[sflag:s7] =	ssyncset.done @!p0 $0x0  }
0xdb: {  	s5 =	sand.u32 @!p0 $0x3FFFFF80, s5;
	[sflag:s7] =	ssyncadd.s32 @!p0 $0xFFFFFF80;
	s7 =	simm.s32 @!p0 $0x80  }
0xdc: {  	[tilespmem:s8], [sflag:$0x3] =	stream.indirect.gather @!p0 [hbm4b:s1+s7], $0x40, s5, s7, $0xb8;
	[tilespmem:$0x1F980] =	vst v63  }
0xdd: {  	s18 =	sshra.s32 s19, $0x2;
	_ =	swait.ge [sflag:s2], $0x2000  }
0xde: {  	s10 =	simm.s32 $0x1B420;
	s22 =	sadd.s32 $0x7800, s18;
	[sflag:s2] =	ssyncset.done $0x0  }
0xdf: {  	s15 =	simm.s32 $0x0;
	v2 =	vmov s22;
	s5 =	simm.s32 $0x0;
	[sflag:s2] =	ssyncadd.s32 $0xFFFFE000  }
.LBB2_13:
0xe0: {  	_ =	sdelay $0x2  }
0xe1: {  	s7 =	sshll.u32 s15, $0x4  }
0xe2: {  	v3 =	vld.idx.msk [tilespmem:v2+s7+$0x0 ss:$0x1], $0xffff;
	_ =	sdelay $0x1  }
0xe3: {  	v4 =	vld [tilespmem:s10+$0xFFFFFFE0]  }
0xe4: {  	v5 =	vld [tilespmem:s10+$0x0]  }
0xe5: {  	v7 =	vmov s5;
	v6 =	vld [tilespmem:s10+$0x10];
	s8 =	simm.s32 $0x1;
	s19 =	smov.u32 s10;
	s7 =	smov.u32 s10  }
.LBB2_14:
0xe6: {  	p0 =	sne.s32 s8, $0xF;
	v7 =	vperm.xlane v3, v7;
	v8 =	vld [tilespmem:s7+$0xFFFFFFF0];
	_ =	sdelay $0x1  }
0xe7: {  	v4 =	vmul.f32 v4, v7  }
.Ltmp5:
0xe8: {  	v5 =	vmul.f32 v5, v7;
	(pc) =	sbr.rel @p0 .LBB2_14-.Ltmp5, $4  }
0xe9: {  	s7 =	sadd.s32 $0x40, s7;
	[tilespmem:s19+$0xFFFFFFE0] =	vst v4;
	v6 =	vmul.f32 v6, v7  }
0xea: {  	v4 =	vld [tilespmem:s7+$0xFFFFFFE0];
	v8 =	vmul.f32 v8, v7;
	[tilespmem:s19+$0x0] =	vst v5  }
0xeb: {  	v5 =	vld [tilespmem:s7+$0x0];
	[tilespmem:s19+$0x10] =	vst v6  }
0xec: {  	v7 =	vmov s8;
	s8 =	sadd.s32 $0x1, s8;
	v6 =	vld [tilespmem:s7+$0x10];
	[tilespmem:s19+$0xFFFFFFF0] =	vst v8;
	s19 =	smov.u32 s7  }
0xed: {  	v3 =	vperm.xlane v3, v7;
	v62 =	vld [tilespmem:s7+$0xFFFFFFF0]  }
0xee: {  	s15 =	sadd.s32 $0x1, s15  }
0xef: {  	p0 =	sne.s32 s15, $0x8;
	v4 =	vmul.f32 v4, v3  }
.Ltmp6:
0xf0: {  	v5 =	vmul.f32 v5, v3;
	(pc) =	sbr.rel @p0 .LBB2_13-.Ltmp6, $4  }
0xf1: {  	[tilespmem:s19+$0xFFFFFFE0] =	vst v4;
	v63 =	vmul.f32 v6, v3  }
0xf2: {  	v3 =	vmul.f32 v62, v3;
	[tilespmem:s19+$0x0] =	vst v5  }
0xf3: {  	[tilespmem:s19+$0x10] =	vst v63  }
0xf4: {  	s10 =	sadd.s32 $0x400, s10;
	[tilespmem:s19+$0xFFFFFFF0] =	vst v3  }
0xf5: {  	s5 =	sadd.s32 $0x3C00, s18  }
0xf6: {  	[spmem:s3] =	stream.indirect.scatter.add.f32 [tilespmem:s31], [sflag:$0x8], $0x40, s5, s26, $0xb8;
	[tilespmem:$0x1F980] =	vst v63  }
0xf7: {  	_ = 	snop  }
0xf8: {  	[spmem:s4] =	stream.indirect.scatter.add.f32 [tilespmem:s24], [sflag:$0x8], $0x1, s5, s26, $0xb8;
	[tilespmem:$0x1F980] =	vst v63  }
0xf9: {  	s5 =	sadd.s32 $0x6, s17  }
0xfa: {  	p0 =	sge.u32 s5, s6  }
0xfb: {  	s7 =	simm.s32 @!p0 $0x8  }
0xfc: {  	_ =	swait.ge @!p0 [sflag:s7], $0x2000  }
0xfd: {  	[sflag:s7] =	ssyncset.done @!p0 $0x0  }
0xfe: {  	[sflag:s7] =	ssyncadd.s32 @!p0 $0xFFFFE000  }
0xff: {  	s19 =	sshll.u32 s14, $0x9;
	_ =	swait.ge @!p0 [sflag:s7], $0x80  }
0x100: {  	s5 =	sshll.u32 @!p0 s5, $0x7;
	s8 =	simm.s32 @!p0 $0x1B400;
	[sflag:s7] =	ssyncset.done @!p0 $0x0  }
0x101: {  	s5 =	sand.u32 @!p0 $0x3FFFFF80, s5;
	[sflag:s7] =	ssyncadd.s32 @!p0 $0xFFFFFF80;
	s7 =	simm.s32 @!p0 $0x80  }
0x102: {  	[tilespmem:s8], [sflag:$0x4] =	stream.indirect.gather @!p0 [hbm4b:s1+s7], $0x40, s5, s7, $0xb8;
	[tilespmem:$0x1F980] =	vst v63  }
0x103: {  	s14 =	sshra.s32 s19, $0x2;
	_ =	swait.ge [sflag:s0], $0x2000  }
0x104: {  	s10 =	simm.s32 $0x1D420;
	s22 =	sadd.s32 $0x7800, s14;
	[sflag:s0] =	ssyncset.done $0x0  }
0x105: {  	s15 =	simm.s32 $0x0;
	v2 =	vmov s22;
	s5 =	simm.s32 $0x0;
	[sflag:s0] =	ssyncadd.s32 $0xFFFFE000  }
.LBB2_17:
0x106: {  	_ =	sdelay $0x2  }
0x107: {  	s7 =	sshll.u32 s15, $0x4  }
0x108: {  	v3 =	vld.idx.msk [tilespmem:v2+s7+$0x0 ss:$0x1], $0xffff;
	_ =	sdelay $0x1  }
0x109: {  	v4 =	vld [tilespmem:s10+$0xFFFFFFE0]  }
0x10a: {  	v5 =	vld [tilespmem:s10+$0x0]  }
0x10b: {  	v7 =	vmov s5;
	v6 =	vld [tilespmem:s10+$0x10];
	s8 =	simm.s32 $0x1;
	s17 =	smov.u32 s10;
	s7 =	smov.u32 s10  }
.LBB2_18:
0x10c: {  	p0 =	sne.s32 s8, $0xF;
	v7 =	vperm.xlane v3, v7;
	v8 =	vld [tilespmem:s7+$0xFFFFFFF0];
	_ =	sdelay $0x1  }
0x10d: {  	v4 =	vmul.f32 v4, v7  }
.Ltmp7:
0x10e: {  	v5 =	vmul.f32 v5, v7;
	(pc) =	sbr.rel @p0 .LBB2_18-.Ltmp7, $4  }
0x10f: {  	s7 =	sadd.s32 $0x40, s7;
	[tilespmem:s17+$0xFFFFFFE0] =	vst v4;
	v6 =	vmul.f32 v6, v7  }
0x110: {  	v4 =	vld [tilespmem:s7+$0xFFFFFFE0];
	v8 =	vmul.f32 v8, v7;
	[tilespmem:s17+$0x0] =	vst v5  }
0x111: {  	v5 =	vld [tilespmem:s7+$0x0];
	[tilespmem:s17+$0x10] =	vst v6  }
0x112: {  	v7 =	vmov s8;
	s8 =	sadd.s32 $0x1, s8;
	v6 =	vld [tilespmem:s7+$0x10];
	[tilespmem:s17+$0xFFFFFFF0] =	vst v8;
	s17 =	smov.u32 s7  }
0x113: {  	v3 =	vperm.xlane v3, v7;
	v62 =	vld [tilespmem:s7+$0xFFFFFFF0]  }
0x114: {  	s15 =	sadd.s32 $0x1, s15  }
0x115: {  	p0 =	sne.s32 s15, $0x8;
	v4 =	vmul.f32 v4, v3  }
.Ltmp8:
0x116: {  	v5 =	vmul.f32 v5, v3;
	(pc) =	sbr.rel @p0 .LBB2_17-.Ltmp8, $4  }
0x117: {  	[tilespmem:s17+$0xFFFFFFE0] =	vst v4;
	v63 =	vmul.f32 v6, v3  }
0x118: {  	v3 =	vmul.f32 v62, v3;
	[tilespmem:s17+$0x0] =	vst v5  }
0x119: {  	[tilespmem:s17+$0x10] =	vst v63  }
0x11a: {  	s10 =	sadd.s32 $0x400, s10;
	[tilespmem:s17+$0xFFFFFFF0] =	vst v3  }
0x11b: {  	s13 =	sadd.s32 $0x1, s13  }
0x11c: {  	p0 =	sne.s32 s13, s16  }
.Ltmp9:
0x11d: {  	_ = 	snop;
	(pc) =	sbr.rel @p0 .LBB2_4-.Ltmp9, $4  }
0x11e: {  	s5 =	sadd.s32 $0x3C00, s14  }
0x11f: {  	[spmem:s3] =	stream.indirect.scatter.add.f32 [tilespmem:s20], [sflag:$0x9], $0x40, s5, s26, $0xb8;
	[tilespmem:$0x1F980] =	vst v63  }
0x120: {  	_ = 	snop  }
0x121: {  	[spmem:s4] =	stream.indirect.scatter.add.f32 [tilespmem:s24], [sflag:$0x9], $0x1, s5, s26, $0xb8;
	[tilespmem:$0x1F980] =	vst v63  }
0x122: {  	s5 =	simm.s32 $0x6  }
0x123: {  	_ =	swait.ge [sflag:s5], $0x2000  }
0x124: {  	[sflag:s5] =	ssyncset.done $0x0  }
0x125: {  	[sflag:s5] =	ssyncadd.s32 $0xFFFFE000  }
0x126: {  	_ =	swait.ge [sflag:s5], $0x80  }
0x127: {  	[sflag:s5] =	ssyncset.done $0x0  }
0x128: {  	s15 =	simm.s32 $0x7;
	[sflag:s5] =	ssyncadd.s32 $0xFFFFFF80  }
0x129: {  	_ =	swait.ge [sflag:s15], $0x2000  }
0x12a: {  	[sflag:s15] =	ssyncset.done $0x0  }
0x12b: {  	[sflag:s15] =	ssyncadd.s32 $0xFFFFE000  }
0x12c: {  	_ =	swait.ge [sflag:s15], $0x80  }
0x12d: {  	[sflag:s15] =	ssyncset.done $0x0  }
0x12e: {  	[sflag:s15] =	ssyncadd.s32 $0xFFFFFF80  }
0x12f: {  	_ =	swait.ge [sflag:s9], $0x2000  }
0x130: {  	[sflag:s9] =	ssyncset.done $0x0  }
0x131: {  	[sflag:s9] =	ssyncadd.s32 $0xFFFFE000  }
0x132: {  	_ =	swait.ge [sflag:s9], $0x80  }
0x133: {  	[sflag:s9] =	ssyncset.done $0x0  }
0x134: {  	[sflag:s9] =	ssyncadd.s32 $0xFFFFFF80  }
0x135: {  	_ =	swait.ge [sflag:s11], $0x2000  }
0x136: {  	[sflag:s11] =	ssyncset.done $0x0  }
0x137: {  	[sflag:s11] =	ssyncadd.s32 $0xFFFFE000  }
0x138: {  	_ =	swait.ge [sflag:s11], $0x80  }
0x139: {  	[sflag:s11] =	ssyncset.done $0x0  }
0x13a: {  	[sflag:s11] =	ssyncadd.s32 $0xFFFFFF80  }
0x13b: {  	s17 =	stileid.u32;
	[bflag:$0x0] =	sbarrier.arrive $0xFFFF  }
0x13c: {  	s5 =	sshll.u32 s17, $0x6;
	s13 =	rddreg [dreg:$0x8]  }
0x13d: {  	s5 =	sor.u32 $0x1C0A, s5;
	s8 =	rddreg [dreg:$0xe];
	s7 =	sshrl.u32 s13, $0x3  }
0x13e: {  	[hbm:s8], [sflag:s5] =	dma.local [spmem:s7], $0x1400  }
0x13f: {  	_ =	swait.ge [sflag:s23], $0x1400  }
0x140: {  	[sflag:s23] =	ssyncset.done $0x0;
	s14 =	rddreg [dreg:$0xd]  }
0x141: {  	s19 =	rddreg [dreg:$0xf];
	[sflag:s23] =	ssyncadd.s32 $0xFFFFEC00;
	s18 =	sshrl.u32 s14, $0x3  }
0x142: {  	[hbm:s19], [sflag:s5] =	dma.local [spmem:s18], $0x50  }
0x143: {  	_ =	swait.ge [sflag:s23], $0x50  }
0x144: {  	s12 =	sadd.s32 $0x1, s12;
	s22 =	rddreg [dreg:$0x10]  }
0x145: {  	p0 =	sne.s32 s12, s22  }
.Ltmp10:
0x146: {  	_ = 	snop;
	(pc) =	sbr.rel @p0 .LBB2_1-.Ltmp10, $3  }
0x147: {  	_ =	sdelay $0x1  }
0x148: {  	[sflag:s23] =	ssyncset.done $0x0  }
0x149: {  	[sflag:s23] =	ssyncadd.s32 $0xFFFFFFB0  }
0x14a: {  	_ =	sfence.sel $0x180000  }
0x14b: {  	[bflag:$0x0] =	sbarrier.arrive $0xFFFF  }
0x14c: {  	_ =	strace $0x90000047  }
0x14d: {  	s0 =	stileid.u32;
	[bflag:$0x2] =	sbarrier.arrive $0xFFFF  }
0x14e: {  	p0 =	sne.s32 s0, $0x0;
	s0 =	rddreg [dreg:$0x4]  }
0x14f: {  	s0 =	sadd.s32 @!p0 $0x100000, s0  }
0x150: {  	[sflag:s0] =	ssyncadd.tile.s32 @!p0 $0x1;
	_ =	shalt  }
.Lfunc_end2:
_tile_overlayer_lowered:
.L_overlay_start_2:
0x151: {  	(tag) =	ssettag $0x2  }
0x152: {  	s0 =	rddreg [dreg:$0x0];
	s2 =	stileid.u32  }
0x153: {  	s1 =	rddreg [dreg:$0x1];
	p0 =	sne.s32 s2, $0x0  }
0x154: {  	s3 =	rddreg [dreg:$0x2];
	[bflag:$0x3] =	sbarrier.arrive $0xFFFF;
	s2 =	simm.s32 @!p0 $0x1C0A  }
0x155: {  	[timem:s3], [sflag:s2] =	dma.local @!p0 [hbm:s0], s1  }
0x156: {  	s0 =	simm.s32 @!p0 $0xA  }
0x157: {  	_ =	swait.ge @!p0 [sflag:s0], s1  }
0x158: {  	s1 =	ssub.s32 @!p0 $0x0, s1;
	[sflag:s0] =	ssyncset.done @!p0 $0x0  }
0x159: {  	[sflag:s0] =	ssyncadd.s32 @!p0 s1  }
0x15a: {  	[bflag:$0x3] =	sbarrier.arrive $0xFFFF  }
0x15b: {  	_ =	shalt  }

</sc_bundles>
